<compile_context>
chip_gen: v7x
topology: tpu7x:2x2x1
jax: 0.10.2.dev20260603
libtpu: 0.0.44.dev20260713+nightly
codegen_flags: <defaults>
</compile_context>

<pallas_src>
import functools

import jax
import jax.numpy as jnp
from jax import lax
from jax.experimental import pallas as pl
from jax.experimental.pallas import tpu as pltpu
from jax.experimental.pallas import tpu_sc as plsc

N, E, DIN, H, DOUT = 50000, 1600000, 128, 32, 64
NC, NS, L = 2, 16, 16
NW = NC * NS
NPAD = 50176
RPT = NPAD // NS
G = 128
IB = 16
OCH = 25
EW = OCH * IB * G
EPAD = NW * EW
DCH = 25
DCS = EW // DCH
ORB = 196
NSLOT = 4

_mesh = plsc.VectorSubcoreMesh(core_axis_name="c", subcore_axis_name="s",
                               num_cores=NC, num_subcores=NS)
_sc_params = pltpu.CompilerParams(needs_layout_passes=False,
                                  use_tc_tiling_on_sc=False)


def _deg_body(edge_ref, out_ref, sbuf, dbuf, cnt_s, cnt_d):
    c = lax.axis_index("c")
    s = lax.axis_index("s")
    w = c * NS + s
    z16 = jnp.zeros((L,), jnp.float32)
    ones16 = jnp.ones((L,), jnp.float32)

    def zero(i, _):
        cnt_s[pl.ds(i * L, L)] = z16
        cnt_d[pl.ds(i * L, L)] = z16
        return 0

    lax.fori_loop(0, NPAD // L, zero, 0)

    def outer(k, _):
        pltpu.sync_copy(edge_ref.at[0, w * DCH + k], sbuf)
        pltpu.sync_copy(edge_ref.at[1, w * DCH + k], dbuf)

        def inner(j, _):
            sv = sbuf[pl.ds(j * L, L)]
            dv = dbuf[pl.ds(j * L, L)]
            plsc.addupdate_scatter(cnt_s, [sv], ones16)
            plsc.addupdate_scatter(cnt_d, [dv], ones16)
            return 0

        lax.fori_loop(0, DCS // L, inner, 0)
        return 0

    lax.fori_loop(0, DCH, outer, 0)
    pltpu.sync_copy(cnt_s, out_ref.at[c, s, 0])
    pltpu.sync_copy(cnt_d, out_ref.at[c, s, 1])


_deg_call = pl.kernel(
    _deg_body,
    out_type=jax.ShapeDtypeStruct((NC, NS, 2, NPAD), jnp.float32),
    mesh=_mesh,
    scratch_types=[
        pltpu.VMEM((DCS,), jnp.int32),
        pltpu.VMEM((DCS,), jnp.int32),
        pltpu.VMEM((NPAD,), jnp.float32),
        pltpu.VMEM((NPAD,), jnp.float32),
    ],
    compiler_params=_sc_params,
)


def _agg_body(edge_ref, hn_ref, out_ref, sidx, didx, rows, obuf, agg_sh, sem):
    c = lax.axis_index("c")
    s = lax.axis_index("s")
    w = c * NS + s
    z16 = jnp.zeros((L,), jnp.float32)

    def zero(i, _):
        obuf[i, pl.ds(0, L)] = z16
        obuf[i, pl.ds(L, L)] = z16
        return 0

    lax.fori_loop(0, ORB, zero, 0)
    for t in range(RPT // ORB):
        pltpu.sync_copy(obuf, agg_sh.at[pl.ds(s * RPT + t * ORB, ORB)])
    plsc.subcore_barrier()

    def gfire(j, slot):
        return pltpu.async_copy(hn_ref.at[sidx.at[j]],
                                rows.at[pl.ds(slot * G, G)], sem)

    def gwait(j, slot):
        pltpu.make_async_copy(hn_ref.at[sidx.at[j]],
                              rows.at[pl.ds(slot * G, G)], sem).wait()

    def scat(j, slot):
        pltpu.sync_copy(rows.at[pl.ds(slot * G, G)], agg_sh.at[didx.at[j]],
                        add=True)

    def chunk(k, _):
        base = w * OCH + k
        pltpu.sync_copy(edge_ref.at[0, base], sidx)
        pltpu.sync_copy(edge_ref.at[1, base], didx)
        for q in range(NSLOT):
            gfire(q, q)

        def inner(j2, _):
            j = NSLOT * j2
            for q in range(NSLOT):
                gwait(j + q, q)
                scat(j + q, q)

                @pl.when(j2 < IB // NSLOT - 1)
                def _():
                    gfire(j + NSLOT + q, q)

            return 0

        lax.fori_loop(0, IB // NSLOT, inner, 0)
        return 0

    lax.fori_loop(0, OCH, chunk, 0)
    plsc.subcore_barrier()
    for t in range(RPT // ORB):
        pltpu.sync_copy(agg_sh.at[pl.ds(s * RPT + t * ORB, ORB)], obuf)
        pltpu.sync_copy(obuf, out_ref.at[c, pl.ds(s * RPT + t * ORB, ORB)])


_agg_call = pl.kernel(
    _agg_body,
    out_type=jax.ShapeDtypeStruct((NC, NPAD, H), jnp.float32),
    mesh=_mesh,
    scratch_types=[
        pltpu.VMEM((IB, G), jnp.int32),
        pltpu.VMEM((IB, G), jnp.int32),
        pltpu.VMEM((NSLOT * G, H), jnp.float32),
        pltpu.VMEM((ORB, H), jnp.float32),
        pltpu.VMEM_SHARED((NPAD, H), jnp.float32),
        pltpu.SemaphoreType.DMA,
    ],
    compiler_params=_sc_params,
)

BLK = 512
GRID = NPAD // BLK


def _elu(v):
    return jnp.where(v > 0, v, jnp.exp(v) - 1.0)


def _lnorm(h, g, b):
    mu = jnp.mean(h, axis=-1, keepdims=True)
    var = jnp.mean((h - mu) ** 2, axis=-1, keepdims=True)
    return g * (h - mu) * lax.rsqrt(var + 1e-5) + b


def _inv_sqrt_deg(deg_ref):
    d = jnp.sum(deg_ref[...], axis=1, keepdims=True)
    return jnp.where(d > 0, lax.rsqrt(d), 0.0)


def _prep_body(x_ref, ds_ref, win_ref, bin_ref, gin_ref, bein_ref, out_ref):
    h = jnp.dot(x_ref[...], win_ref[...],
                preferred_element_type=jnp.float32) + bin_ref[...]
    h = _elu(_lnorm(h, gin_ref[...], bein_ref[...]))
    out_ref[...] = h * _inv_sqrt_deg(ds_ref)


def _mid_body(agg_ref, ds_ref, dd_ref, wg_ref, bg_ref, wm_ref, bm_ref, g_ref,
              be_ref, out_ref):
    a = (agg_ref[0] + agg_ref[1]) * _inv_sqrt_deg(dd_ref)
    h = _elu(jnp.dot(a, wg_ref[...],
                     preferred_element_type=jnp.float32) + bg_ref[...])
    h = jnp.dot(h, wm_ref[...], preferred_element_type=jnp.float32) + bm_ref[...]
    h = _elu(_lnorm(h, g_ref[...], be_ref[...]))
    out_ref[...] = h * _inv_sqrt_deg(ds_ref)


def _fin_body(agg_ref, dd_ref, wg_ref, bg_ref, wm_ref, bm_ref, g_ref, be_ref,
              wo_ref, bo_ref, out_ref):
    pid = pl.program_id(0)
    a = (agg_ref[0] + agg_ref[1]) * _inv_sqrt_deg(dd_ref)
    h = _elu(jnp.dot(a, wg_ref[...],
                     preferred_element_type=jnp.float32) + bg_ref[...])
    h = jnp.dot(h, wm_ref[...], preferred_element_type=jnp.float32) + bm_ref[...]
    h = _elu(_lnorm(h, g_ref[...], be_ref[...]))
    y = _elu(jnp.dot(h, wo_ref[...],
                     preferred_element_type=jnp.float32) + bo_ref[...])
    rid = pid * BLK + lax.broadcasted_iota(jnp.int32, (BLK, 1), 0)
    y = jnp.where(rid < N, y, 0.0)

    @pl.when(pid == 0)
    def _():
        out_ref[...] = jnp.zeros_like(out_ref)

    out_ref[...] += jnp.sum(y, axis=0, keepdims=True)


def _full(shape):
    return pl.BlockSpec(shape, lambda i: (0,) * len(shape))


def _rows(width):
    return pl.BlockSpec((BLK, width), lambda i: (i, 0))


_prep_call = pl.pallas_call(
    _prep_body,
    grid=(GRID,),
    in_specs=[_rows(DIN), _rows(NW), _full((DIN, H)), _full((1, H)),
              _full((1, H)), _full((1, H))],
    out_specs=_rows(H),
    out_shape=jax.ShapeDtypeStruct((NPAD, H), jnp.float32),
)

_mid_call = pl.pallas_call(
    _mid_body,
    grid=(GRID,),
    in_specs=[pl.BlockSpec((NC, BLK, H), lambda i: (0, i, 0)), _rows(NW),
              _rows(NW), _full((H, H)), _full((1, H)), _full((H, H)),
              _full((1, H)), _full((1, H)), _full((1, H))],
    out_specs=_rows(H),
    out_shape=jax.ShapeDtypeStruct((NPAD, H), jnp.float32),
)

_fin_call = pl.pallas_call(
    _fin_body,
    grid=(GRID,),
    in_specs=[pl.BlockSpec((NC, BLK, H), lambda i: (0, i, 0)), _rows(NW),
              _full((H, H)), _full((1, H)), _full((H, H)), _full((1, H)),
              _full((1, H)), _full((1, H)), _full((H, DOUT)),
              _full((1, DOUT))],
    out_specs=_full((1, DOUT)),
    out_shape=jax.ShapeDtypeStruct((1, DOUT), jnp.float32),
)


def kernel(x, edge_index, W_in, b_in, g_in, be_in, Wg1, bg1, Wm1, bm1, g1,
           be1, Wg2, bg2, Wm2, bm2, g2, be2, W_out, b_out):
    r1 = lambda v: v.reshape(1, -1)
    xp = jnp.pad(x, ((0, NPAD - N), (0, 0)))
    pad_ids = N + jnp.arange(EPAD - E, dtype=jnp.int32) % (NPAD - N)
    ep = jnp.concatenate(
        [edge_index, jnp.stack([pad_ids, pad_ids])], axis=1)
    e_deg = ep.reshape(2, NW * DCH, DCS)
    e_agg = ep.reshape(2, NW * OCH, IB, G)

    deg = _deg_call(e_deg)
    ds_t = deg[:, :, 0, :].reshape(NW, NPAD).T
    dd_t = deg[:, :, 1, :].reshape(NW, NPAD).T

    hn = _prep_call(xp, ds_t, W_in, r1(b_in), r1(g_in), r1(be_in))
    agg1 = _agg_call(e_agg, hn)
    hn2 = _mid_call(agg1, ds_t, dd_t, Wg1, r1(bg1), Wm1, r1(bm1), r1(g1),
                    r1(be1))
    agg2 = _agg_call(e_agg, hn2)
    return _fin_call(agg2, dd_t, Wg2, r1(bg2), Wm2, r1(bm2), r1(g2), r1(be2),
                     W_out, r1(b_out))

# --- scband reference (transcript-rebuilt; emitter-appended) ---
"""Pipeline reference for scband-all-atom-gcn-85624468013347 (READ-ONLY COPY).

The authoritative reference and input builder live on the scoring server;
editing this copy changes nothing except your own understanding.
"""

import jax, jax.numpy as jnp
import numpy as np

N, E, DIN, H, DOUT = 50000, 1600000, 128, 32, 64


def _ln(h, g, b):
    mu = jnp.mean(h, axis=-1, keepdims=True)
    var = jnp.var(h, axis=-1, keepdims=True)
    return g * (h - mu) / jnp.sqrt(var + 1e-5) + b


def _graphconv(h, src, dst, W, b):
    # DGL GraphConv with norm='both': D^{-1/2} A D^{-1/2} X W + b, then ELU
    out_deg = jnp.bincount(src, length=N).astype(h.dtype)
    in_deg = jnp.bincount(dst, length=N).astype(h.dtype)
    ns = jnp.where(out_deg > 0, out_deg ** -0.5, 0.0)
    nd = jnp.where(in_deg > 0, in_deg ** -0.5, 0.0)
    m = (h * ns[:, None])[src]                 # gather over src nodes
    agg = jnp.zeros_like(h).at[dst].add(m)     # scatter-add to dst nodes
    agg = agg * nd[:, None]
    return jax.nn.elu(agg @ W + b)


def setup_inputs(seed: int = 0) -> dict:
    key = jax.random.key(seed)
    ks = jax.random.split(key, 24)
    x = jax.random.normal(ks[0], (N, DIN), dtype=jnp.float32)
    edge_index = jax.random.randint(ks[1], (2, E), 0, N, dtype=jnp.int32)

    def lin(k, fi, fo):
        return jax.random.normal(k, (fi, fo), dtype=jnp.float32) * (1.0 / np.sqrt(fi))

    inp = {
        'x': x, 'edge_index': edge_index,
        'W_in': lin(ks[2], DIN, H), 'b_in': jnp.zeros((H,), jnp.float32),
        'g_in': jnp.ones((H,), jnp.float32), 'be_in': jnp.zeros((H,), jnp.float32),
        'Wg1': lin(ks[3], H, H), 'bg1': jnp.zeros((H,), jnp.float32),
        'Wm1': lin(ks[4], H, H), 'bm1': jnp.zeros((H,), jnp.float32),
        'g1': jnp.ones((H,), jnp.float32), 'be1': jnp.zeros((H,), jnp.float32),
        'Wg2': lin(ks[5], H, H), 'bg2': jnp.zeros((H,), jnp.float32),
        'Wm2': lin(ks[6], H, H), 'bm2': jnp.zeros((H,), jnp.float32),
        'g2': jnp.ones((H,), jnp.float32), 'be2': jnp.zeros((H,), jnp.float32),
        'W_out': lin(ks[7], H, DOUT), 'b_out': jnp.zeros((DOUT,), jnp.float32),
    }
    return inp


def reference(x, edge_index, W_in, b_in, g_in, be_in,
              Wg1, bg1, Wm1, bm1, g1, be1,
              Wg2, bg2, Wm2, bm2, g2, be2,
              W_out, b_out):
    src, dst = edge_index[0], edge_index[1]
    # input node MLP: Linear -> LayerNorm -> Dropout(0) -> ELU
    h = jax.nn.elu(_ln(x @ W_in + b_in, g_in, be_in))
    # layer block 1: GraphConv(ELU) then node MLP
    h = _graphconv(h, src, dst, Wg1, bg1)
    h = jax.nn.elu(_ln(h @ Wm1 + bm1, g1, be1))
    # layer block 2
    h = _graphconv(h, src, dst, Wg2, bg2)
    h = jax.nn.elu(_ln(h @ Wm2 + bm2, g2, be2))
    # output node layer: Linear -> ELU
    h = jax.nn.elu(h @ W_out + b_out)
    # dgl.sum_nodes over 'aa' nodes (single graph in batch) -> [1, out_feats]
    out = jnp.sum(h, axis=0, keepdims=True)
    return out

if __name__ == "__main__":
    import jax
    _d = setup_inputs()
    print(jax.jit(kernel)(*tuple(_d.values())))

</pallas_src>

<mosaic_0001>
#map = affine_map<(d0, d1) -> (0, 0, 0, 0)>
#map1 = affine_map<(d0, d1) -> (0, 0)>
#map2 = affine_map<(d0, d1) -> (0, 0, 0)>
module attributes {stable_mosaic.version = 14 : i64} {
  func.func @_agg_body(%arg0: i32, %arg1: i32, %arg2: memref<2x800x16x128xi32, #tpu.memory_space<hbm>>, %arg3: memref<50176x32xf32, #tpu.memory_space<hbm>>, %arg4: memref<2x50176x32xf32, #tpu.memory_space<hbm>>, %arg5: memref<16x128xi32, #tpu.memory_space<vmem>>, %arg6: memref<16x128xi32, #tpu.memory_space<vmem>>, %arg7: memref<512x32xf32, #tpu.memory_space<vmem>>, %arg8: memref<196x32xf32, #tpu.memory_space<vmem>>, %arg9: memref<50176x32xf32, #tpu.memory_space<vmem_shared>>, %arg10: memref<!tpu.dma_semaphore, #tpu.memory_space<semaphore_mem>>) attributes {dimension_semantics = [#tpu.dimension_semantics<core_parallel>, #tpu.dimension_semantics<subcore_parallel>], iteration_bounds = array<i64: 2, 16>, scalar_prefetch = 0 : i64, scratch_operands = 6 : i64, tpu.core_type = #tpu.core_type<sc_vector_subcore>, window_params = [{transform_indices = #map}, {transform_indices = #map1}, {transform_indices = #map2}]} {
    %mul3A = arith.constant 16 : i32
    %mul3A_0 = arith.muli %arg0, %mul3A : i32
    %add3A = arith.addi %mul3A_0, %arg1 : i32
    %broadcast_in_dim3A = arith.constant 0.000000e+00 : f32
    %broadcast_in_dim3A_1 = vector.broadcast %broadcast_in_dim3A : f32 to vector<16xf32>
    %scan3A = arith.constant 0 : i32
    %scan3A_2 = arith.constant 0 : i32
    %scan3A_3 = arith.constant 196 : i32
    %scan3A_4 = arith.addi %scan3A_2, %scan3A_3 : i32
    %scan3A_5 = arith.constant 1 : i32
    %scan3A_6 = scf.for %scan3A_208 = %scan3A_2 to %scan3A_4 step %scan3A_5 iter_args(%scan3A_209 = %scan3A) -> (i32)  : i32 {
      %swap3A = arith.index_cast %scan3A_208 : i32 to index
      %swap3A_210 = arith.constant 0 : index
      %swap3A_211 = tpu.vector_load %arg8[%swap3A, %swap3A_210] {strides = array<i32>} : memref<196x32xf32, #tpu.memory_space<vmem>>, vector<16xf32>,
      tpu.vector_store %arg8[%swap3A, %swap3A_210], %broadcast_in_dim3A_1 {strides = array<i32>} : memref<196x32xf32, #tpu.memory_space<vmem>>, vector<16xf32>,
      %swap3A_212 = arith.index_cast %scan3A_208 : i32 to index
      %swap3A_213 = arith.constant 16 : index
      %swap3A_214 = tpu.vector_load %arg8[%swap3A_212, %swap3A_213] {strides = array<i32>} : memref<196x32xf32, #tpu.memory_space<vmem>>, vector<16xf32>,
      tpu.vector_store %arg8[%swap3A_212, %swap3A_213], %broadcast_in_dim3A_1 {strides = array<i32>} : memref<196x32xf32, #tpu.memory_space<vmem>>, vector<16xf32>,
      %scan3A_215 = arith.constant 0 : i32
      scf.yield %scan3A_215 : i32
    }
    %scan3A_7 = arith.constant 196 : i32
    %mul3A_8 = arith.constant 3136 : i32
    %mul3A_9 = arith.muli %arg1, %mul3A_8 : i32
    %add3A_10 = arith.constant 0 : i32
    %add3A_11 = arith.addi %mul3A_9, %add3A_10 : i32
    "tpu.region"() ({
      %run_scoped3A = tpu.sem_alloc : memref<!tpu.dma_semaphore, #tpu.memory_space<semaphore_mem>>
      %dma_start3A = arith.constant 0 : i32
      %dma_start3A_208 = tpu.memref_slice %arg9[%add3A_11, %dma_start3A] : memref<50176x32xf32, #tpu.memory_space<vmem_shared>> -> memref<196x32xf32, #tpu.memory_space<vmem_shared>>
      %dma_start3A_209 = arith.constant 0 : i32
      %dma_start3A_210 = tpu.memref_slice %arg9[%add3A_11, %dma_start3A_209] : memref<50176x32xf32, #tpu.memory_space<vmem_shared>> -> memref<196x32xf32, #tpu.memory_space<vmem_shared>>
      tpu.enqueue_dma source(%arg8 : memref<196x32xf32, #tpu.memory_space<vmem>>) target(%dma_start3A_210 : memref<196x32xf32, #tpu.memory_space<vmem_shared>>) target_semaphore(%run_scoped3A : memref<!tpu.dma_semaphore, #tpu.memory_space<semaphore_mem>>)
      %dma_wait3A = arith.constant 0 : i32
      %dma_wait3A_211 = tpu.memref_slice %arg9[%add3A_11, %dma_wait3A] : memref<50176x32xf32, #tpu.memory_space<vmem_shared>> -> memref<196x32xf32, #tpu.memory_space<vmem_shared>>
      %dma_wait3A_212 = arith.constant 0 : i32
      %dma_wait3A_213 = tpu.memref_slice %arg9[%add3A_11, %dma_wait3A_212] : memref<50176x32xf32, #tpu.memory_space<vmem_shared>> -> memref<196x32xf32, #tpu.memory_space<vmem_shared>>
      tpu.wait_dma2 semaphore(%run_scoped3A : memref<!tpu.dma_semaphore, #tpu.memory_space<semaphore_mem>>) src(%arg8 : memref<196x32xf32, #tpu.memory_space<vmem>>) dst(%dma_wait3A_213 : memref<196x32xf32, #tpu.memory_space<vmem_shared>>)
      tpu.yield
    }) : () -> ()
    %mul3A_12 = arith.constant 3136 : i32
    %mul3A_13 = arith.muli %arg1, %mul3A_12 : i32
    %add3A_14 = arith.constant 196 : i32
    %add3A_15 = arith.addi %mul3A_13, %add3A_14 : i32
    "tpu.region"() ({
      %run_scoped3A = tpu.sem_alloc : memref<!tpu.dma_semaphore, #tpu.memory_space<semaphore_mem>>
      %dma_start3A = arith.constant 0 : i32
      %dma_start3A_208 = tpu.memref_slice %arg9[%add3A_15, %dma_start3A] : memref<50176x32xf32, #tpu.memory_space<vmem_shared>> -> memref<196x32xf32, #tpu.memory_space<vmem_shared>>
      %dma_start3A_209 = arith.constant 0 : i32
      %dma_start3A_210 = tpu.memref_slice %arg9[%add3A_15, %dma_start3A_209] : memref<50176x32xf32, #tpu.memory_space<vmem_shared>> -> memref<196x32xf32, #tpu.memory_space<vmem_shared>>
      tpu.enqueue_dma source(%arg8 : memref<196x32xf32, #tpu.memory_space<vmem>>) target(%dma_start3A_210 : memref<196x32xf32, #tpu.memory_space<vmem_shared>>) target_semaphore(%run_scoped3A : memref<!tpu.dma_semaphore, #tpu.memory_space<semaphore_mem>>)
      %dma_wait3A = arith.constant 0 : i32
      %dma_wait3A_211 = tpu.memref_slice %arg9[%add3A_15, %dma_wait3A] : memref<50176x32xf32, #tpu.memory_space<vmem_shared>> -> memref<196x32xf32, #tpu.memory_space<vmem_shared>>
      %dma_wait3A_212 = arith.constant 0 : i32
      %dma_wait3A_213 = tpu.memref_slice %arg9[%add3A_15, %dma_wait3A_212] : memref<50176x32xf32, #tpu.memory_space<vmem_shared>> -> memref<196x32xf32, #tpu.memory_space<vmem_shared>>
      tpu.wait_dma2 semaphore(%run_scoped3A : memref<!tpu.dma_semaphore, #tpu.memory_space<semaphore_mem>>) src(%arg8 : memref<196x32xf32, #tpu.memory_space<vmem>>) dst(%dma_wait3A_213 : memref<196x32xf32, #tpu.memory_space<vmem_shared>>)
      tpu.yield
    }) : () -> ()
    %mul3A_16 = arith.constant 3136 : i32
    %mul3A_17 = arith.muli %arg1, %mul3A_16 : i32
    %add3A_18 = arith.constant 392 : i32
    %add3A_19 = arith.addi %mul3A_17, %add3A_18 : i32
    "tpu.region"() ({
      %run_scoped3A = tpu.sem_alloc : memref<!tpu.dma_semaphore, #tpu.memory_space<semaphore_mem>>
      %dma_start3A = arith.constant 0 : i32
      %dma_start3A_208 = tpu.memref_slice %arg9[%add3A_19, %dma_start3A] : memref<50176x32xf32, #tpu.memory_space<vmem_shared>> -> memref<196x32xf32, #tpu.memory_space<vmem_shared>>
      %dma_start3A_209 = arith.constant 0 : i32
      %dma_start3A_210 = tpu.memref_slice %arg9[%add3A_19, %dma_start3A_209] : memref<50176x32xf32, #tpu.memory_space<vmem_shared>> -> memref<196x32xf32, #tpu.memory_space<vmem_shared>>
      tpu.enqueue_dma source(%arg8 : memref<196x32xf32, #tpu.memory_space<vmem>>) target(%dma_start3A_210 : memref<196x32xf32, #tpu.memory_space<vmem_shared>>) target_semaphore(%run_scoped3A : memref<!tpu.dma_semaphore, #tpu.memory_space<semaphore_mem>>)
      %dma_wait3A = arith.constant 0 : i32
      %dma_wait3A_211 = tpu.memref_slice %arg9[%add3A_19, %dma_wait3A] : memref<50176x32xf32, #tpu.memory_space<vmem_shared>> -> memref<196x32xf32, #tpu.memory_space<vmem_shared>>
      %dma_wait3A_212 = arith.constant 0 : i32
      %dma_wait3A_213 = tpu.memref_slice %arg9[%add3A_19, %dma_wait3A_212] : memref<50176x32xf32, #tpu.memory_space<vmem_shared>> -> memref<196x32xf32, #tpu.memory_space<vmem_shared>>
      tpu.wait_dma2 semaphore(%run_scoped3A : memref<!tpu.dma_semaphore, #tpu.memory_space<semaphore_mem>>) src(%arg8 : memref<196x32xf32, #tpu.memory_space<vmem>>) dst(%dma_wait3A_213 : memref<196x32xf32, #tpu.memory_space<vmem_shared>>)
      tpu.yield
    }) : () -> ()
    %mul3A_20 = arith.constant 3136 : i32
    %mul3A_21 = arith.muli %arg1, %mul3A_20 : i32
    %add3A_22 = arith.constant 588 : i32
    %add3A_23 = arith.addi %mul3A_21, %add3A_22 : i32
    "tpu.region"() ({
      %run_scoped3A = tpu.sem_alloc : memref<!tpu.dma_semaphore, #tpu.memory_space<semaphore_mem>>
      %dma_start3A = arith.constant 0 : i32
      %dma_start3A_208 = tpu.memref_slice %arg9[%add3A_23, %dma_start3A] : memref<50176x32xf32, #tpu.memory_space<vmem_shared>> -> memref<196x32xf32, #tpu.memory_space<vmem_shared>>
      %dma_start3A_209 = arith.constant 0 : i32
      %dma_start3A_210 = tpu.memref_slice %arg9[%add3A_23, %dma_start3A_209] : memref<50176x32xf32, #tpu.memory_space<vmem_shared>> -> memref<196x32xf32, #tpu.memory_space<vmem_shared>>
      tpu.enqueue_dma source(%arg8 : memref<196x32xf32, #tpu.memory_space<vmem>>) target(%dma_start3A_210 : memref<196x32xf32, #tpu.memory_space<vmem_shared>>) target_semaphore(%run_scoped3A : memref<!tpu.dma_semaphore, #tpu.memory_space<semaphore_mem>>)
      %dma_wait3A = arith.constant 0 : i32
      %dma_wait3A_211 = tpu.memref_slice %arg9[%add3A_23, %dma_wait3A] : memref<50176x32xf32, #tpu.memory_space<vmem_shared>> -> memref<196x32xf32, #tpu.memory_space<vmem_shared>>
      %dma_wait3A_212 = arith.constant 0 : i32
      %dma_wait3A_213 = tpu.memref_slice %arg9[%add3A_23, %dma_wait3A_212] : memref<50176x32xf32, #tpu.memory_space<vmem_shared>> -> memref<196x32xf32, #tpu.memory_space<vmem_shared>>
      tpu.wait_dma2 semaphore(%run_scoped3A : memref<!tpu.dma_semaphore, #tpu.memory_space<semaphore_mem>>) src(%arg8 : memref<196x32xf32, #tpu.memory_space<vmem>>) dst(%dma_wait3A_213 : memref<196x32xf32, #tpu.memory_space<vmem_shared>>)
      tpu.yield
    }) : () -> ()
    %mul3A_24 = arith.constant 3136 : i32
    %mul3A_25 = arith.muli %arg1, %mul3A_24 : i32
    %add3A_26 = arith.constant 784 : i32
    %add3A_27 = arith.addi %mul3A_25, %add3A_26 : i32
    "tpu.region"() ({
      %run_scoped3A = tpu.sem_alloc : memref<!tpu.dma_semaphore, #tpu.memory_space<semaphore_mem>>
      %dma_start3A = arith.constant 0 : i32
      %dma_start3A_208 = tpu.memref_slice %arg9[%add3A_27, %dma_start3A] : memref<50176x32xf32, #tpu.memory_space<vmem_shared>> -> memref<196x32xf32, #tpu.memory_space<vmem_shared>>
      %dma_start3A_209 = arith.constant 0 : i32
      %dma_start3A_210 = tpu.memref_slice %arg9[%add3A_27, %dma_start3A_209] : memref<50176x32xf32, #tpu.memory_space<vmem_shared>> -> memref<196x32xf32, #tpu.memory_space<vmem_shared>>
      tpu.enqueue_dma source(%arg8 : memref<196x32xf32, #tpu.memory_space<vmem>>) target(%dma_start3A_210 : memref<196x32xf32, #tpu.memory_space<vmem_shared>>) target_semaphore(%run_scoped3A : memref<!tpu.dma_semaphore, #tpu.memory_space<semaphore_mem>>)
      %dma_wait3A = arith.constant 0 : i32
      %dma_wait3A_211 = tpu.memref_slice %arg9[%add3A_27, %dma_wait3A] : memref<50176x32xf32, #tpu.memory_space<vmem_shared>> -> memref<196x32xf32, #tpu.memory_space<vmem_shared>>
      %dma_wait3A_212 = arith.constant 0 : i32
      %dma_wait3A_213 = tpu.memref_slice %arg9[%add3A_27, %dma_wait3A_212] : memref<50176x32xf32, #tpu.memory_space<vmem_shared>> -> memref<196x32xf32, #tpu.memory_space<vmem_shared>>
      tpu.wait_dma2 semaphore(%run_scoped3A : memref<!tpu.dma_semaphore, #tpu.memory_space<semaphore_mem>>) src(%arg8 : memref<196x32xf32, #tpu.memory_space<vmem>>) dst(%dma_wait3A_213 : memref<196x32xf32, #tpu.memory_space<vmem_shared>>)
      tpu.yield
    }) : () -> ()
    %mul3A_28 = arith.constant 3136 : i32
    %mul3A_29 = arith.muli %arg1, %mul3A_28 : i32
    %add3A_30 = arith.constant 980 : i32
    %add3A_31 = arith.addi %mul3A_29, %add3A_30 : i32
    "tpu.region"() ({
      %run_scoped3A = tpu.sem_alloc : memref<!tpu.dma_semaphore, #tpu.memory_space<semaphore_mem>>
      %dma_start3A = arith.constant 0 : i32
      %dma_start3A_208 = tpu.memref_slice %arg9[%add3A_31, %dma_start3A] : memref<50176x32xf32, #tpu.memory_space<vmem_shared>> -> memref<196x32xf32, #tpu.memory_space<vmem_shared>>
      %dma_start3A_209 = arith.constant 0 : i32
      %dma_start3A_210 = tpu.memref_slice %arg9[%add3A_31, %dma_start3A_209] : memref<50176x32xf32, #tpu.memory_space<vmem_shared>> -> memref<196x32xf32, #tpu.memory_space<vmem_shared>>
      tpu.enqueue_dma source(%arg8 : memref<196x32xf32, #tpu.memory_space<vmem>>) target(%dma_start3A_210 : memref<196x32xf32, #tpu.memory_space<vmem_shared>>) target_semaphore(%run_scoped3A : memref<!tpu.dma_semaphore, #tpu.memory_space<semaphore_mem>>)
      %dma_wait3A = arith.constant 0 : i32
      %dma_wait3A_211 = tpu.memref_slice %arg9[%add3A_31, %dma_wait3A] : memref<50176x32xf32, #tpu.memory_space<vmem_shared>> -> memref<196x32xf32, #tpu.memory_space<vmem_shared>>
      %dma_wait3A_212 = arith.constant 0 : i32
      %dma_wait3A_213 = tpu.memref_slice %arg9[%add3A_31, %dma_wait3A_212] : memref<50176x32xf32, #tpu.memory_space<vmem_shared>> -> memref<196x32xf32, #tpu.memory_space<vmem_shared>>
      tpu.wait_dma2 semaphore(%run_scoped3A : memref<!tpu.dma_semaphore, #tpu.memory_space<semaphore_mem>>) src(%arg8 : memref<196x32xf32, #tpu.memory_space<vmem>>) dst(%dma_wait3A_213 : memref<196x32xf32, #tpu.memory_space<vmem_shared>>)
      tpu.yield
    }) : () -> ()
    %mul3A_32 = arith.constant 3136 : i32
    %mul3A_33 = arith.muli %arg1, %mul3A_32 : i32
    %add3A_34 = arith.constant 1176 : i32
    %add3A_35 = arith.addi %mul3A_33, %add3A_34 : i32
    "tpu.region"() ({
      %run_scoped3A = tpu.sem_alloc : memref<!tpu.dma_semaphore, #tpu.memory_space<semaphore_mem>>
      %dma_start3A = arith.constant 0 : i32
      %dma_start3A_208 = tpu.memref_slice %arg9[%add3A_35, %dma_start3A] : memref<50176x32xf32, #tpu.memory_space<vmem_shared>> -> memref<196x32xf32, #tpu.memory_space<vmem_shared>>
      %dma_start3A_209 = arith.constant 0 : i32
      %dma_start3A_210 = tpu.memref_slice %arg9[%add3A_35, %dma_start3A_209] : memref<50176x32xf32, #tpu.memory_space<vmem_shared>> -> memref<196x32xf32, #tpu.memory_space<vmem_shared>>
      tpu.enqueue_dma source(%arg8 : memref<196x32xf32, #tpu.memory_space<vmem>>) target(%dma_start3A_210 : memref<196x32xf32, #tpu.memory_space<vmem_shared>>) target_semaphore(%run_scoped3A : memref<!tpu.dma_semaphore, #tpu.memory_space<semaphore_mem>>)
      %dma_wait3A = arith.constant 0 : i32
      %dma_wait3A_211 = tpu.memref_slice %arg9[%add3A_35, %dma_wait3A] : memref<50176x32xf32, #tpu.memory_space<vmem_shared>> -> memref<196x32xf32, #tpu.memory_space<vmem_shared>>
      %dma_wait3A_212 = arith.constant 0 : i32
      %dma_wait3A_213 = tpu.memref_slice %arg9[%add3A_35, %dma_wait3A_212] : memref<50176x32xf32, #tpu.memory_space<vmem_shared>> -> memref<196x32xf32, #tpu.memory_space<vmem_shared>>
      tpu.wait_dma2 semaphore(%run_scoped3A : memref<!tpu.dma_semaphore, #tpu.memory_space<semaphore_mem>>) src(%arg8 : memref<196x32xf32, #tpu.memory_space<vmem>>) dst(%dma_wait3A_213 : memref<196x32xf32, #tpu.memory_space<vmem_shared>>)
      tpu.yield
    }) : () -> ()
    %mul3A_36 = arith.constant 3136 : i32
    %mul3A_37 = arith.muli %arg1, %mul3A_36 : i32
    %add3A_38 = arith.constant 1372 : i32
    %add3A_39 = arith.addi %mul3A_37, %add3A_38 : i32
    "tpu.region"() ({
      %run_scoped3A = tpu.sem_alloc : memref<!tpu.dma_semaphore, #tpu.memory_space<semaphore_mem>>
      %dma_start3A = arith.constant 0 : i32
      %dma_start3A_208 = tpu.memref_slice %arg9[%add3A_39, %dma_start3A] : memref<50176x32xf32, #tpu.memory_space<vmem_shared>> -> memref<196x32xf32, #tpu.memory_space<vmem_shared>>
      %dma_start3A_209 = arith.constant 0 : i32
      %dma_start3A_210 = tpu.memref_slice %arg9[%add3A_39, %dma_start3A_209] : memref<50176x32xf32, #tpu.memory_space<vmem_shared>> -> memref<196x32xf32, #tpu.memory_space<vmem_shared>>
      tpu.enqueue_dma source(%arg8 : memref<196x32xf32, #tpu.memory_space<vmem>>) target(%dma_start3A_210 : memref<196x32xf32, #tpu.memory_space<vmem_shared>>) target_semaphore(%run_scoped3A : memref<!tpu.dma_semaphore, #tpu.memory_space<semaphore_mem>>)
      %dma_wait3A = arith.constant 0 : i32
      %dma_wait3A_211 = tpu.memref_slice %arg9[%add3A_39, %dma_wait3A] : memref<50176x32xf32, #tpu.memory_space<vmem_shared>> -> memref<196x32xf32, #tpu.memory_space<vmem_shared>>
      %dma_wait3A_212 = arith.constant 0 : i32
      %dma_wait3A_213 = tpu.memref_slice %arg9[%add3A_39, %dma_wait3A_212] : memref<50176x32xf32, #tpu.memory_space<vmem_shared>> -> memref<196x32xf32, #tpu.memory_space<vmem_shared>>
      tpu.wait_dma2 semaphore(%run_scoped3A : memref<!tpu.dma_semaphore, #tpu.memory_space<semaphore_mem>>) src(%arg8 : memref<196x32xf32, #tpu.memory_space<vmem>>) dst(%dma_wait3A_213 : memref<196x32xf32, #tpu.memory_space<vmem_shared>>)
      tpu.yield
    }) : () -> ()
    %mul3A_40 = arith.constant 3136 : i32
    %mul3A_41 = arith.muli %arg1, %mul3A_40 : i32
    %add3A_42 = arith.constant 1568 : i32
    %add3A_43 = arith.addi %mul3A_41, %add3A_42 : i32
    "tpu.region"() ({
      %run_scoped3A = tpu.sem_alloc : memref<!tpu.dma_semaphore, #tpu.memory_space<semaphore_mem>>
      %dma_start3A = arith.constant 0 : i32
      %dma_start3A_208 = tpu.memref_slice %arg9[%add3A_43, %dma_start3A] : memref<50176x32xf32, #tpu.memory_space<vmem_shared>> -> memref<196x32xf32, #tpu.memory_space<vmem_shared>>
      %dma_start3A_209 = arith.constant 0 : i32
      %dma_start3A_210 = tpu.memref_slice %arg9[%add3A_43, %dma_start3A_209] : memref<50176x32xf32, #tpu.memory_space<vmem_shared>> -> memref<196x32xf32, #tpu.memory_space<vmem_shared>>
      tpu.enqueue_dma source(%arg8 : memref<196x32xf32, #tpu.memory_space<vmem>>) target(%dma_start3A_210 : memref<196x32xf32, #tpu.memory_space<vmem_shared>>) target_semaphore(%run_scoped3A : memref<!tpu.dma_semaphore, #tpu.memory_space<semaphore_mem>>)
      %dma_wait3A = arith.constant 0 : i32
      %dma_wait3A_211 = tpu.memref_slice %arg9[%add3A_43, %dma_wait3A] : memref<50176x32xf32, #tpu.memory_space<vmem_shared>> -> memref<196x32xf32, #tpu.memory_space<vmem_shared>>
      %dma_wait3A_212 = arith.constant 0 : i32
      %dma_wait3A_213 = tpu.memref_slice %arg9[%add3A_43, %dma_wait3A_212] : memref<50176x32xf32, #tpu.memory_space<vmem_shared>> -> memref<196x32xf32, #tpu.memory_space<vmem_shared>>
      tpu.wait_dma2 semaphore(%run_scoped3A : memref<!tpu.dma_semaphore, #tpu.memory_space<semaphore_mem>>) src(%arg8 : memref<196x32xf32, #tpu.memory_space<vmem>>) dst(%dma_wait3A_213 : memref<196x32xf32, #tpu.memory_space<vmem_shared>>)
      tpu.yield
    }) : () -> ()
    %mul3A_44 = arith.constant 3136 : i32
    %mul3A_45 = arith.muli %arg1, %mul3A_44 : i32
    %add3A_46 = arith.constant 1764 : i32
    %add3A_47 = arith.addi %mul3A_45, %add3A_46 : i32
    "tpu.region"() ({
      %run_scoped3A = tpu.sem_alloc : memref<!tpu.dma_semaphore, #tpu.memory_space<semaphore_mem>>
      %dma_start3A = arith.constant 0 : i32
      %dma_start3A_208 = tpu.memref_slice %arg9[%add3A_47, %dma_start3A] : memref<50176x32xf32, #tpu.memory_space<vmem_shared>> -> memref<196x32xf32, #tpu.memory_space<vmem_shared>>
      %dma_start3A_209 = arith.constant 0 : i32
      %dma_start3A_210 = tpu.memref_slice %arg9[%add3A_47, %dma_start3A_209] : memref<50176x32xf32, #tpu.memory_space<vmem_shared>> -> memref<196x32xf32, #tpu.memory_space<vmem_shared>>
      tpu.enqueue_dma source(%arg8 : memref<196x32xf32, #tpu.memory_space<vmem>>) target(%dma_start3A_210 : memref<196x32xf32, #tpu.memory_space<vmem_shared>>) target_semaphore(%run_scoped3A : memref<!tpu.dma_semaphore, #tpu.memory_space<semaphore_mem>>)
      %dma_wait3A = arith.constant 0 : i32
      %dma_wait3A_211 = tpu.memref_slice %arg9[%add3A_47, %dma_wait3A] : memref<50176x32xf32, #tpu.memory_space<vmem_shared>> -> memref<196x32xf32, #tpu.memory_space<vmem_shared>>
      %dma_wait3A_212 = arith.constant 0 : i32
      %dma_wait3A_213 = tpu.memref_slice %arg9[%add3A_47, %dma_wait3A_212] : memref<50176x32xf32, #tpu.memory_space<vmem_shared>> -> memref<196x32xf32, #tpu.memory_space<vmem_shared>>
      tpu.wait_dma2 semaphore(%run_scoped3A : memref<!tpu.dma_semaphore, #tpu.memory_space<semaphore_mem>>) src(%arg8 : memref<196x32xf32, #tpu.memory_space<vmem>>) dst(%dma_wait3A_213 : memref<196x32xf32, #tpu.memory_space<vmem_shared>>)
      tpu.yield
    }) : () -> ()
    %mul3A_48 = arith.constant 3136 : i32
    %mul3A_49 = arith.muli %arg1, %mul3A_48 : i32
    %add3A_50 = arith.constant 1960 : i32
    %add3A_51 = arith.addi %mul3A_49, %add3A_50 : i32
    "tpu.region"() ({
      %run_scoped3A = tpu.sem_alloc : memref<!tpu.dma_semaphore, #tpu.memory_space<semaphore_mem>>
      %dma_start3A = arith.constant 0 : i32
      %dma_start3A_208 = tpu.memref_slice %arg9[%add3A_51, %dma_start3A] : memref<50176x32xf32, #tpu.memory_space<vmem_shared>> -> memref<196x32xf32, #tpu.memory_space<vmem_shared>>
      %dma_start3A_209 = arith.constant 0 : i32
      %dma_start3A_210 = tpu.memref_slice %arg9[%add3A_51, %dma_start3A_209] : memref<50176x32xf32, #tpu.memory_space<vmem_shared>> -> memref<196x32xf32, #tpu.memory_space<vmem_shared>>
      tpu.enqueue_dma source(%arg8 : memref<196x32xf32, #tpu.memory_space<vmem>>) target(%dma_start3A_210 : memref<196x32xf32, #tpu.memory_space<vmem_shared>>) target_semaphore(%run_scoped3A : memref<!tpu.dma_semaphore, #tpu.memory_space<semaphore_mem>>)
      %dma_wait3A = arith.constant 0 : i32
      %dma_wait3A_211 = tpu.memref_slice %arg9[%add3A_51, %dma_wait3A] : memref<50176x32xf32, #tpu.memory_space<vmem_shared>> -> memref<196x32xf32, #tpu.memory_space<vmem_shared>>
      %dma_wait3A_212 = arith.constant 0 : i32
      %dma_wait3A_213 = tpu.memref_slice %arg9[%add3A_51, %dma_wait3A_212] : memref<50176x32xf32, #tpu.memory_space<vmem_shared>> -> memref<196x32xf32, #tpu.memory_space<vmem_shared>>
      tpu.wait_dma2 semaphore(%run_scoped3A : memref<!tpu.dma_semaphore, #tpu.memory_space<semaphore_mem>>) src(%arg8 : memref<196x32xf32, #tpu.memory_space<vmem>>) dst(%dma_wait3A_213 : memref<196x32xf32, #tpu.memory_space<vmem_shared>>)
      tpu.yield
    }) : () -> ()
    %mul3A_52 = arith.constant 3136 : i32
    %mul3A_53 = arith.muli %arg1, %mul3A_52 : i32
    %add3A_54 = arith.constant 2156 : i32
    %add3A_55 = arith.addi %mul3A_53, %add3A_54 : i32
    "tpu.region"() ({
      %run_scoped3A = tpu.sem_alloc : memref<!tpu.dma_semaphore, #tpu.memory_space<semaphore_mem>>
      %dma_start3A = arith.constant 0 : i32
      %dma_start3A_208 = tpu.memref_slice %arg9[%add3A_55, %dma_start3A] : memref<50176x32xf32, #tpu.memory_space<vmem_shared>> -> memref<196x32xf32, #tpu.memory_space<vmem_shared>>
      %dma_start3A_209 = arith.constant 0 : i32
      %dma_start3A_210 = tpu.memref_slice %arg9[%add3A_55, %dma_start3A_209] : memref<50176x32xf32, #tpu.memory_space<vmem_shared>> -> memref<196x32xf32, #tpu.memory_space<vmem_shared>>
      tpu.enqueue_dma source(%arg8 : memref<196x32xf32, #tpu.memory_space<vmem>>) target(%dma_start3A_210 : memref<196x32xf32, #tpu.memory_space<vmem_shared>>) target_semaphore(%run_scoped3A : memref<!tpu.dma_semaphore, #tpu.memory_space<semaphore_mem>>)
      %dma_wait3A = arith.constant 0 : i32
      %dma_wait3A_211 = tpu.memref_slice %arg9[%add3A_55, %dma_wait3A] : memref<50176x32xf32, #tpu.memory_space<vmem_shared>> -> memref<196x32xf32, #tpu.memory_space<vmem_shared>>
      %dma_wait3A_212 = arith.constant 0 : i32
      %dma_wait3A_213 = tpu.memref_slice %arg9[%add3A_55, %dma_wait3A_212] : memref<50176x32xf32, #tpu.memory_space<vmem_shared>> -> memref<196x32xf32, #tpu.memory_space<vmem_shared>>
      tpu.wait_dma2 semaphore(%run_scoped3A : memref<!tpu.dma_semaphore, #tpu.memory_space<semaphore_mem>>) src(%arg8 : memref<196x32xf32, #tpu.memory_space<vmem>>) dst(%dma_wait3A_213 : memref<196x32xf32, #tpu.memory_space<vmem_shared>>)
      tpu.yield
    }) : () -> ()
    %mul3A_56 = arith.constant 3136 : i32
    %mul3A_57 = arith.muli %arg1, %mul3A_56 : i32
    %add3A_58 = arith.constant 2352 : i32
    %add3A_59 = arith.addi %mul3A_57, %add3A_58 : i32
    "tpu.region"() ({
      %run_scoped3A = tpu.sem_alloc : memref<!tpu.dma_semaphore, #tpu.memory_space<semaphore_mem>>
      %dma_start3A = arith.constant 0 : i32
      %dma_start3A_208 = tpu.memref_slice %arg9[%add3A_59, %dma_start3A] : memref<50176x32xf32, #tpu.memory_space<vmem_shared>> -> memref<196x32xf32, #tpu.memory_space<vmem_shared>>
      %dma_start3A_209 = arith.constant 0 : i32
      %dma_start3A_210 = tpu.memref_slice %arg9[%add3A_59, %dma_start3A_209] : memref<50176x32xf32, #tpu.memory_space<vmem_shared>> -> memref<196x32xf32, #tpu.memory_space<vmem_shared>>
      tpu.enqueue_dma source(%arg8 : memref<196x32xf32, #tpu.memory_space<vmem>>) target(%dma_start3A_210 : memref<196x32xf32, #tpu.memory_space<vmem_shared>>) target_semaphore(%run_scoped3A : memref<!tpu.dma_semaphore, #tpu.memory_space<semaphore_mem>>)
      %dma_wait3A = arith.constant 0 : i32
      %dma_wait3A_211 = tpu.memref_slice %arg9[%add3A_59, %dma_wait3A] : memref<50176x32xf32, #tpu.memory_space<vmem_shared>> -> memref<196x32xf32, #tpu.memory_space<vmem_shared>>
      %dma_wait3A_212 = arith.constant 0 : i32
      %dma_wait3A_213 = tpu.memref_slice %arg9[%add3A_59, %dma_wait3A_212] : memref<50176x32xf32, #tpu.memory_space<vmem_shared>> -> memref<196x32xf32, #tpu.memory_space<vmem_shared>>
      tpu.wait_dma2 semaphore(%run_scoped3A : memref<!tpu.dma_semaphore, #tpu.memory_space<semaphore_mem>>) src(%arg8 : memref<196x32xf32, #tpu.memory_space<vmem>>) dst(%dma_wait3A_213 : memref<196x32xf32, #tpu.memory_space<vmem_shared>>)
      tpu.yield
    }) : () -> ()
    %mul3A_60 = arith.constant 3136 : i32
    %mul3A_61 = arith.muli %arg1, %mul3A_60 : i32
    %add3A_62 = arith.constant 2548 : i32
    %add3A_63 = arith.addi %mul3A_61, %add3A_62 : i32
    "tpu.region"() ({
      %run_scoped3A = tpu.sem_alloc : memref<!tpu.dma_semaphore, #tpu.memory_space<semaphore_mem>>
      %dma_start3A = arith.constant 0 : i32
      %dma_start3A_208 = tpu.memref_slice %arg9[%add3A_63, %dma_start3A] : memref<50176x32xf32, #tpu.memory_space<vmem_shared>> -> memref<196x32xf32, #tpu.memory_space<vmem_shared>>
      %dma_start3A_209 = arith.constant 0 : i32
      %dma_start3A_210 = tpu.memref_slice %arg9[%add3A_63, %dma_start3A_209] : memref<50176x32xf32, #tpu.memory_space<vmem_shared>> -> memref<196x32xf32, #tpu.memory_space<vmem_shared>>
      tpu.enqueue_dma source(%arg8 : memref<196x32xf32, #tpu.memory_space<vmem>>) target(%dma_start3A_210 : memref<196x32xf32, #tpu.memory_space<vmem_shared>>) target_semaphore(%run_scoped3A : memref<!tpu.dma_semaphore, #tpu.memory_space<semaphore_mem>>)
      %dma_wait3A = arith.constant 0 : i32
      %dma_wait3A_211 = tpu.memref_slice %arg9[%add3A_63, %dma_wait3A] : memref<50176x32xf32, #tpu.memory_space<vmem_shared>> -> memref<196x32xf32, #tpu.memory_space<vmem_shared>>
      %dma_wait3A_212 = arith.constant 0 : i32
      %dma_wait3A_213 = tpu.memref_slice %arg9[%add3A_63, %dma_wait3A_212] : memref<50176x32xf32, #tpu.memory_space<vmem_shared>> -> memref<196x32xf32, #tpu.memory_space<vmem_shared>>
      tpu.wait_dma2 semaphore(%run_scoped3A : memref<!tpu.dma_semaphore, #tpu.memory_space<semaphore_mem>>) src(%arg8 : memref<196x32xf32, #tpu.memory_space<vmem>>) dst(%dma_wait3A_213 : memref<196x32xf32, #tpu.memory_space<vmem_shared>>)
      tpu.yield
    }) : () -> ()
    %mul3A_64 = arith.constant 3136 : i32
    %mul3A_65 = arith.muli %arg1, %mul3A_64 : i32
    %add3A_66 = arith.constant 2744 : i32
    %add3A_67 = arith.addi %mul3A_65, %add3A_66 : i32
    "tpu.region"() ({
      %run_scoped3A = tpu.sem_alloc : memref<!tpu.dma_semaphore, #tpu.memory_space<semaphore_mem>>
      %dma_start3A = arith.constant 0 : i32
      %dma_start3A_208 = tpu.memref_slice %arg9[%add3A_67, %dma_start3A] : memref<50176x32xf32, #tpu.memory_space<vmem_shared>> -> memref<196x32xf32, #tpu.memory_space<vmem_shared>>
      %dma_start3A_209 = arith.constant 0 : i32
      %dma_start3A_210 = tpu.memref_slice %arg9[%add3A_67, %dma_start3A_209] : memref<50176x32xf32, #tpu.memory_space<vmem_shared>> -> memref<196x32xf32, #tpu.memory_space<vmem_shared>>
      tpu.enqueue_dma source(%arg8 : memref<196x32xf32, #tpu.memory_space<vmem>>) target(%dma_start3A_210 : memref<196x32xf32, #tpu.memory_space<vmem_shared>>) target_semaphore(%run_scoped3A : memref<!tpu.dma_semaphore, #tpu.memory_space<semaphore_mem>>)
      %dma_wait3A = arith.constant 0 : i32
      %dma_wait3A_211 = tpu.memref_slice %arg9[%add3A_67, %dma_wait3A] : memref<50176x32xf32, #tpu.memory_space<vmem_shared>> -> memref<196x32xf32, #tpu.memory_space<vmem_shared>>
      %dma_wait3A_212 = arith.constant 0 : i32
      %dma_wait3A_213 = tpu.memref_slice %arg9[%add3A_67, %dma_wait3A_212] : memref<50176x32xf32, #tpu.memory_space<vmem_shared>> -> memref<196x32xf32, #tpu.memory_space<vmem_shared>>
      tpu.wait_dma2 semaphore(%run_scoped3A : memref<!tpu.dma_semaphore, #tpu.memory_space<semaphore_mem>>) src(%arg8 : memref<196x32xf32, #tpu.memory_space<vmem>>) dst(%dma_wait3A_213 : memref<196x32xf32, #tpu.memory_space<vmem_shared>>)
      tpu.yield
    }) : () -> ()
    %mul3A_68 = arith.constant 3136 : i32
    %mul3A_69 = arith.muli %arg1, %mul3A_68 : i32
    %add3A_70 = arith.constant 2940 : i32
    %add3A_71 = arith.addi %mul3A_69, %add3A_70 : i32
    "tpu.region"() ({
      %run_scoped3A = tpu.sem_alloc : memref<!tpu.dma_semaphore, #tpu.memory_space<semaphore_mem>>
      %dma_start3A = arith.constant 0 : i32
      %dma_start3A_208 = tpu.memref_slice %arg9[%add3A_71, %dma_start3A] : memref<50176x32xf32, #tpu.memory_space<vmem_shared>> -> memref<196x32xf32, #tpu.memory_space<vmem_shared>>
      %dma_start3A_209 = arith.constant 0 : i32
      %dma_start3A_210 = tpu.memref_slice %arg9[%add3A_71, %dma_start3A_209] : memref<50176x32xf32, #tpu.memory_space<vmem_shared>> -> memref<196x32xf32, #tpu.memory_space<vmem_shared>>
      tpu.enqueue_dma source(%arg8 : memref<196x32xf32, #tpu.memory_space<vmem>>) target(%dma_start3A_210 : memref<196x32xf32, #tpu.memory_space<vmem_shared>>) target_semaphore(%run_scoped3A : memref<!tpu.dma_semaphore, #tpu.memory_space<semaphore_mem>>)
      %dma_wait3A = arith.constant 0 : i32
      %dma_wait3A_211 = tpu.memref_slice %arg9[%add3A_71, %dma_wait3A] : memref<50176x32xf32, #tpu.memory_space<vmem_shared>> -> memref<196x32xf32, #tpu.memory_space<vmem_shared>>
      %dma_wait3A_212 = arith.constant 0 : i32
      %dma_wait3A_213 = tpu.memref_slice %arg9[%add3A_71, %dma_wait3A_212] : memref<50176x32xf32, #tpu.memory_space<vmem_shared>> -> memref<196x32xf32, #tpu.memory_space<vmem_shared>>
      tpu.wait_dma2 semaphore(%run_scoped3A : memref<!tpu.dma_semaphore, #tpu.memory_space<semaphore_mem>>) src(%arg8 : memref<196x32xf32, #tpu.memory_space<vmem>>) dst(%dma_wait3A_213 : memref<196x32xf32, #tpu.memory_space<vmem_shared>>)
      tpu.yield
    }) : () -> ()
    %barrier3A = arith.constant 0 : index
    tpu.barrier barrier_id(%barrier3A)
    %scan3A_72 = arith.constant 0 : i32
    %scan3A_73 = arith.constant 0 : i32
    %scan3A_74 = arith.constant 25 : i32
    %scan3A_75 = arith.addi %scan3A_73, %scan3A_74 : i32
    %scan3A_76 = arith.constant 1 : i32
    %scan3A_77 = scf.for %scan3A_208 = %scan3A_73 to %scan3A_75 step %scan3A_76 iter_args(%scan3A_209 = %scan3A_72) -> (i32)  : i32 {
      %mul3A_210 = arith.constant 25 : i32
      %mul3A_211 = arith.muli %add3A, %mul3A_210 : i32
      %add3A_212 = arith.addi %mul3A_211, %scan3A_208 : i32
      %run_scoped3A = arith.constant 0 : i32
      "tpu.region"() ({
        %run_scoped3A_261 = tpu.sem_alloc : memref<!tpu.dma_semaphore, #tpu.memory_space<semaphore_mem>>
        %dma_start3A_262 = arith.constant 0 : i32
        %dma_start3A_263 = arith.constant 0 : i32
        %dma_start3A_264 = tpu.memref_slice %arg2[%run_scoped3A, %add3A_212, %dma_start3A_262, %dma_start3A_263] : memref<2x800x16x128xi32, #tpu.memory_space<hbm>> -> memref<1x1x16x128xi32, #tpu.memory_space<hbm>>
        %dma_start3A_265 = tpu.memref_squeeze %dma_start3A_264 : memref<1x1x16x128xi32, #tpu.memory_space<hbm>> -> memref<16x128xi32, #tpu.memory_space<hbm>>
        %dma_start3A_266 = arith.constant 0 : i32
        %dma_start3A_267 = arith.constant 0 : i32
        %dma_start3A_268 = tpu.memref_slice %arg2[%run_scoped3A, %add3A_212, %dma_start3A_266, %dma_start3A_267] : memref<2x800x16x128xi32, #tpu.memory_space<hbm>> -> memref<1x1x16x128xi32, #tpu.memory_space<hbm>>
        %dma_start3A_269 = tpu.memref_squeeze %dma_start3A_268 : memref<1x1x16x128xi32, #tpu.memory_space<hbm>> -> memref<16x128xi32, #tpu.memory_space<hbm>>
        tpu.enqueue_dma source(%dma_start3A_269 : memref<16x128xi32, #tpu.memory_space<hbm>>) target(%arg5 : memref<16x128xi32, #tpu.memory_space<vmem>>) target_semaphore(%run_scoped3A_261 : memref<!tpu.dma_semaphore, #tpu.memory_space<semaphore_mem>>)
        %dma_wait3A = arith.constant 0 : i32
        %dma_wait3A_270 = arith.constant 0 : i32
        %dma_wait3A_271 = tpu.memref_slice %arg2[%run_scoped3A, %add3A_212, %dma_wait3A, %dma_wait3A_270] : memref<2x800x16x128xi32, #tpu.memory_space<hbm>> -> memref<1x1x16x128xi32, #tpu.memory_space<hbm>>
        %dma_wait3A_272 = tpu.memref_squeeze %dma_wait3A_271 : memref<1x1x16x128xi32, #tpu.memory_space<hbm>> -> memref<16x128xi32, #tpu.memory_space<hbm>>
        %dma_wait3A_273 = arith.constant 0 : i32
        %dma_wait3A_274 = arith.constant 0 : i32
        %dma_wait3A_275 = tpu.memref_slice %arg2[%run_scoped3A, %add3A_212, %dma_wait3A_273, %dma_wait3A_274] : memref<2x800x16x128xi32, #tpu.memory_space<hbm>> -> memref<1x1x16x128xi32, #tpu.memory_space<hbm>>
        %dma_wait3A_276 = tpu.memref_squeeze %dma_wait3A_275 : memref<1x1x16x128xi32, #tpu.memory_space<hbm>> -> memref<16x128xi32, #tpu.memory_space<hbm>>
        tpu.wait_dma2 semaphore(%run_scoped3A_261 : memref<!tpu.dma_semaphore, #tpu.memory_space<semaphore_mem>>) src(%dma_wait3A_276 : memref<16x128xi32, #tpu.memory_space<hbm>>) dst(%arg5 : memref<16x128xi32, #tpu.memory_space<vmem>>)
        tpu.yield
      }) : () -> ()
      %run_scoped3A_213 = arith.constant 1 : i32
      "tpu.region"() ({
        %run_scoped3A_261 = tpu.sem_alloc : memref<!tpu.dma_semaphore, #tpu.memory_space<semaphore_mem>>
        %dma_start3A_262 = arith.constant 0 : i32
        %dma_start3A_263 = arith.constant 0 : i32
        %dma_start3A_264 = tpu.memref_slice %arg2[%run_scoped3A_213, %add3A_212, %dma_start3A_262, %dma_start3A_263] : memref<2x800x16x128xi32, #tpu.memory_space<hbm>> -> memref<1x1x16x128xi32, #tpu.memory_space<hbm>>
        %dma_start3A_265 = tpu.memref_squeeze %dma_start3A_264 : memref<1x1x16x128xi32, #tpu.memory_space<hbm>> -> memref<16x128xi32, #tpu.memory_space<hbm>>
        %dma_start3A_266 = arith.constant 0 : i32
        %dma_start3A_267 = arith.constant 0 : i32
        %dma_start3A_268 = tpu.memref_slice %arg2[%run_scoped3A_213, %add3A_212, %dma_start3A_266, %dma_start3A_267] : memref<2x800x16x128xi32, #tpu.memory_space<hbm>> -> memref<1x1x16x128xi32, #tpu.memory_space<hbm>>
        %dma_start3A_269 = tpu.memref_squeeze %dma_start3A_268 : memref<1x1x16x128xi32, #tpu.memory_space<hbm>> -> memref<16x128xi32, #tpu.memory_space<hbm>>
        tpu.enqueue_dma source(%dma_start3A_269 : memref<16x128xi32, #tpu.memory_space<hbm>>) target(%arg6 : memref<16x128xi32, #tpu.memory_space<vmem>>) target_semaphore(%run_scoped3A_261 : memref<!tpu.dma_semaphore, #tpu.memory_space<semaphore_mem>>)
        %dma_wait3A = arith.constant 0 : i32
        %dma_wait3A_270 = arith.constant 0 : i32
        %dma_wait3A_271 = tpu.memref_slice %arg2[%run_scoped3A_213, %add3A_212, %dma_wait3A, %dma_wait3A_270] : memref<2x800x16x128xi32, #tpu.memory_space<hbm>> -> memref<1x1x16x128xi32, #tpu.memory_space<hbm>>
        %dma_wait3A_272 = tpu.memref_squeeze %dma_wait3A_271 : memref<1x1x16x128xi32, #tpu.memory_space<hbm>> -> memref<16x128xi32, #tpu.memory_space<hbm>>
        %dma_wait3A_273 = arith.constant 0 : i32
        %dma_wait3A_274 = arith.constant 0 : i32
        %dma_wait3A_275 = tpu.memref_slice %arg2[%run_scoped3A_213, %add3A_212, %dma_wait3A_273, %dma_wait3A_274] : memref<2x800x16x128xi32, #tpu.memory_space<hbm>> -> memref<1x1x16x128xi32, #tpu.memory_space<hbm>>
        %dma_wait3A_276 = tpu.memref_squeeze %dma_wait3A_275 : memref<1x1x16x128xi32, #tpu.memory_space<hbm>> -> memref<16x128xi32, #tpu.memory_space<hbm>>
        tpu.wait_dma2 semaphore(%run_scoped3A_261 : memref<!tpu.dma_semaphore, #tpu.memory_space<semaphore_mem>>) src(%dma_wait3A_276 : memref<16x128xi32, #tpu.memory_space<hbm>>) dst(%arg6 : memref<16x128xi32, #tpu.memory_space<vmem>>)
        tpu.yield
      }) : () -> ()
      %dma_start3A = arith.constant 0 : i32
      %dma_start3A_214 = arith.constant 0 : i32
      %dma_start3A_215 = arith.constant 0 : i32
      %dma_start3A_216 = tpu.memref_slice %arg7[%dma_start3A_214, %dma_start3A_215] : memref<512x32xf32, #tpu.memory_space<vmem>> -> memref<128x32xf32, #tpu.memory_space<vmem>>
      %dma_start3A_217 = arith.constant 0 : i32
      %dma_start3A_218 = tpu.memref_slice %arg5[%dma_start3A, %dma_start3A_217] : memref<16x128xi32, #tpu.memory_space<vmem>> -> memref<1x128xi32, #tpu.memory_space<vmem>>
      %dma_start3A_219 = tpu.memref_squeeze %dma_start3A_218 : memref<1x128xi32, #tpu.memory_space<vmem>> -> memref<128xi32, #tpu.memory_space<vmem>>
      %dma_start3A_220 = arith.constant 0 : i32
      %dma_start3A_221 = arith.constant 0 : i32
      %dma_start3A_222 = tpu.memref_slice %arg3[%dma_start3A_220, %dma_start3A_221] : memref<50176x32xf32, #tpu.memory_space<hbm>> -> memref<50176x32xf32, #tpu.memory_space<hbm>>
      tpu.enqueue_indirect_dma source(%dma_start3A_222 : memref<50176x32xf32, #tpu.memory_space<hbm>>) target(%dma_start3A_216 : memref<128x32xf32, #tpu.memory_space<vmem>>) offsets(%dma_start3A_219 : memref<128xi32, #tpu.memory_space<vmem>>) semaphore(%arg10 : memref<!tpu.dma_semaphore, #tpu.memory_space<semaphore_mem>>)
      %dma_start3A_223 = arith.constant 1 : i32
      %dma_start3A_224 = arith.constant 128 : i32
      %dma_start3A_225 = arith.constant 0 : i32
      %dma_start3A_226 = tpu.memref_slice %arg7[%dma_start3A_224, %dma_start3A_225] : memref<512x32xf32, #tpu.memory_space<vmem>> -> memref<128x32xf32, #tpu.memory_space<vmem>>
      %dma_start3A_227 = arith.constant 0 : i32
      %dma_start3A_228 = tpu.memref_slice %arg5[%dma_start3A_223, %dma_start3A_227] : memref<16x128xi32, #tpu.memory_space<vmem>> -> memref<1x128xi32, #tpu.memory_space<vmem>>
      %dma_start3A_229 = tpu.memref_squeeze %dma_start3A_228 : memref<1x128xi32, #tpu.memory_space<vmem>> -> memref<128xi32, #tpu.memory_space<vmem>>
      %dma_start3A_230 = arith.constant 0 : i32
      %dma_start3A_231 = arith.constant 0 : i32
      %dma_start3A_232 = tpu.memref_slice %arg3[%dma_start3A_230, %dma_start3A_231] : memref<50176x32xf32, #tpu.memory_space<hbm>> -> memref<50176x32xf32, #tpu.memory_space<hbm>>
      tpu.enqueue_indirect_dma source(%dma_start3A_232 : memref<50176x32xf32, #tpu.memory_space<hbm>>) target(%dma_start3A_226 : memref<128x32xf32, #tpu.memory_space<vmem>>) offsets(%dma_start3A_229 : memref<128xi32, #tpu.memory_space<vmem>>) semaphore(%arg10 : memref<!tpu.dma_semaphore, #tpu.memory_space<semaphore_mem>>)
      %dma_start3A_233 = arith.constant 2 : i32
      %dma_start3A_234 = arith.constant 256 : i32
      %dma_start3A_235 = arith.constant 0 : i32
      %dma_start3A_236 = tpu.memref_slice %arg7[%dma_start3A_234, %dma_start3A_235] : memref<512x32xf32, #tpu.memory_space<vmem>> -> memref<128x32xf32, #tpu.memory_space<vmem>>
      %dma_start3A_237 = arith.constant 0 : i32
      %dma_start3A_238 = tpu.memref_slice %arg5[%dma_start3A_233, %dma_start3A_237] : memref<16x128xi32, #tpu.memory_space<vmem>> -> memref<1x128xi32, #tpu.memory_space<vmem>>
      %dma_start3A_239 = tpu.memref_squeeze %dma_start3A_238 : memref<1x128xi32, #tpu.memory_space<vmem>> -> memref<128xi32, #tpu.memory_space<vmem>>
      %dma_start3A_240 = arith.constant 0 : i32
      %dma_start3A_241 = arith.constant 0 : i32
      %dma_start3A_242 = tpu.memref_slice %arg3[%dma_start3A_240, %dma_start3A_241] : memref<50176x32xf32, #tpu.memory_space<hbm>> -> memref<50176x32xf32, #tpu.memory_space<hbm>>
      tpu.enqueue_indirect_dma source(%dma_start3A_242 : memref<50176x32xf32, #tpu.memory_space<hbm>>) target(%dma_start3A_236 : memref<128x32xf32, #tpu.memory_space<vmem>>) offsets(%dma_start3A_239 : memref<128xi32, #tpu.memory_space<vmem>>) semaphore(%arg10 : memref<!tpu.dma_semaphore, #tpu.memory_space<semaphore_mem>>)
      %dma_start3A_243 = arith.constant 3 : i32
      %dma_start3A_244 = arith.constant 384 : i32
      %dma_start3A_245 = arith.constant 0 : i32
      %dma_start3A_246 = tpu.memref_slice %arg7[%dma_start3A_244, %dma_start3A_245] : memref<512x32xf32, #tpu.memory_space<vmem>> -> memref<128x32xf32, #tpu.memory_space<vmem>>
      %dma_start3A_247 = arith.constant 0 : i32
      %dma_start3A_248 = tpu.memref_slice %arg5[%dma_start3A_243, %dma_start3A_247] : memref<16x128xi32, #tpu.memory_space<vmem>> -> memref<1x128xi32, #tpu.memory_space<vmem>>
      %dma_start3A_249 = tpu.memref_squeeze %dma_start3A_248 : memref<1x128xi32, #tpu.memory_space<vmem>> -> memref<128xi32, #tpu.memory_space<vmem>>
      %dma_start3A_250 = arith.constant 0 : i32
      %dma_start3A_251 = arith.constant 0 : i32
      %dma_start3A_252 = tpu.memref_slice %arg3[%dma_start3A_250, %dma_start3A_251] : memref<50176x32xf32, #tpu.memory_space<hbm>> -> memref<50176x32xf32, #tpu.memory_space<hbm>>
      tpu.enqueue_indirect_dma source(%dma_start3A_252 : memref<50176x32xf32, #tpu.memory_space<hbm>>) target(%dma_start3A_246 : memref<128x32xf32, #tpu.memory_space<vmem>>) offsets(%dma_start3A_249 : memref<128xi32, #tpu.memory_space<vmem>>) semaphore(%arg10 : memref<!tpu.dma_semaphore, #tpu.memory_space<semaphore_mem>>)
      %scan3A_253 = arith.constant 0 : i32
      %scan3A_254 = arith.constant 0 : i32
      %scan3A_255 = arith.constant 4 : i32
      %scan3A_256 = arith.addi %scan3A_254, %scan3A_255 : i32
      %scan3A_257 = arith.constant 1 : i32
      %scan3A_258 = scf.for %scan3A_261 = %scan3A_254 to %scan3A_256 step %scan3A_257 iter_args(%scan3A_262 = %scan3A_253) -> (i32)  : i32 {
        %mul3A_263 = arith.constant 4 : i32
        %mul3A_264 = arith.muli %mul3A_263, %scan3A_261 : i32
        %add3A_265 = arith.constant 0 : i32
        %add3A_266 = arith.addi %mul3A_264, %add3A_265 : i32
        %dma_wait3A = arith.constant 0 : i32
        %dma_wait3A_267 = arith.constant 0 : i32
        %dma_wait3A_268 = tpu.memref_slice %arg7[%dma_wait3A, %dma_wait3A_267] : memref<512x32xf32, #tpu.memory_space<vmem>> -> memref<128x32xf32, #tpu.memory_space<vmem>>
        %dma_wait3A_269 = arith.constant 0 : i32
        %dma_wait3A_270 = tpu.memref_slice %arg5[%add3A_266, %dma_wait3A_269] : memref<16x128xi32, #tpu.memory_space<vmem>> -> memref<1x128xi32, #tpu.memory_space<vmem>>
        %dma_wait3A_271 = tpu.memref_squeeze %dma_wait3A_270 : memref<1x128xi32, #tpu.memory_space<vmem>> -> memref<128xi32, #tpu.memory_space<vmem>>
        %dma_wait3A_272 = arith.constant 0 : i32
        %dma_wait3A_273 = arith.constant 0 : i32
        %dma_wait3A_274 = tpu.memref_slice %arg3[%dma_wait3A_272, %dma_wait3A_273] : memref<50176x32xf32, #tpu.memory_space<hbm>> -> memref<50176x32xf32, #tpu.memory_space<hbm>>
        tpu.wait_indirect_dma semaphore(%arg10 : memref<!tpu.dma_semaphore, #tpu.memory_space<semaphore_mem>>) src(%dma_wait3A_274 : memref<50176x32xf32, #tpu.memory_space<hbm>>) dst(%dma_wait3A_268 : memref<128x32xf32, #tpu.memory_space<vmem>>)
        %add3A_275 = arith.constant 0 : i32
        %add3A_276 = arith.addi %mul3A_264, %add3A_275 : i32
        "tpu.region"() ({
          %run_scoped3A_334 = tpu.sem_alloc : memref<!tpu.dma_semaphore, #tpu.memory_space<semaphore_mem>>
          %dma_start3A_335 = arith.constant 0 : i32
          %dma_start3A_336 = arith.constant 0 : i32
          %dma_start3A_337 = tpu.memref_slice %arg7[%dma_start3A_335, %dma_start3A_336] : memref<512x32xf32, #tpu.memory_space<vmem>> -> memref<128x32xf32, #tpu.memory_space<vmem>>
          %dma_start3A_338 = arith.constant 0 : i32
          %dma_start3A_339 = tpu.memref_slice %arg6[%add3A_276, %dma_start3A_338] : memref<16x128xi32, #tpu.memory_space<vmem>> -> memref<1x128xi32, #tpu.memory_space<vmem>>
          %dma_start3A_340 = tpu.memref_squeeze %dma_start3A_339 : memref<1x128xi32, #tpu.memory_space<vmem>> -> memref<128xi32, #tpu.memory_space<vmem>>
          %dma_start3A_341 = arith.constant 0 : i32
          %dma_start3A_342 = arith.constant 0 : i32
          %dma_start3A_343 = tpu.memref_slice %arg9[%dma_start3A_341, %dma_start3A_342] : memref<50176x32xf32, #tpu.memory_space<vmem_shared>> -> memref<50176x32xf32, #tpu.memory_space<vmem_shared>>
          tpu.enqueue_indirect_dma source(%dma_start3A_337 : memref<128x32xf32, #tpu.memory_space<vmem>>) target(%dma_start3A_343 : memref<50176x32xf32, #tpu.memory_space<vmem_shared>>) offsets(%dma_start3A_340 : memref<128xi32, #tpu.memory_space<vmem>>) semaphore(%run_scoped3A_334 : memref<!tpu.dma_semaphore, #tpu.memory_space<semaphore_mem>>) {add = true}
          %dma_wait3A_344 = arith.constant 0 : i32
          %dma_wait3A_345 = arith.constant 0 : i32
          %dma_wait3A_346 = tpu.memref_slice %arg7[%dma_wait3A_344, %dma_wait3A_345] : memref<512x32xf32, #tpu.memory_space<vmem>> -> memref<128x32xf32, #tpu.memory_space<vmem>>
          %dma_wait3A_347 = arith.constant 0 : i32
          %dma_wait3A_348 = tpu.memref_slice %arg6[%add3A_276, %dma_wait3A_347] : memref<16x128xi32, #tpu.memory_space<vmem>> -> memref<1x128xi32, #tpu.memory_space<vmem>>
          %dma_wait3A_349 = tpu.memref_squeeze %dma_wait3A_348 : memref<1x128xi32, #tpu.memory_space<vmem>> -> memref<128xi32, #tpu.memory_space<vmem>>
          %dma_wait3A_350 = arith.constant 0 : i32
          %dma_wait3A_351 = arith.constant 0 : i32
          %dma_wait3A_352 = tpu.memref_slice %arg9[%dma_wait3A_350, %dma_wait3A_351] : memref<50176x32xf32, #tpu.memory_space<vmem_shared>> -> memref<50176x32xf32, #tpu.memory_space<vmem_shared>>
          tpu.wait_indirect_dma semaphore(%run_scoped3A_334 : memref<!tpu.dma_semaphore, #tpu.memory_space<semaphore_mem>>) src(%dma_wait3A_346 : memref<128x32xf32, #tpu.memory_space<vmem>>) dst(%dma_wait3A_352 : memref<50176x32xf32, #tpu.memory_space<vmem_shared>>)
          tpu.yield
        }) : () -> ()
        %lt3A = arith.constant 3 : i32
        %lt3A_277 = arith.cmpi slt, %scan3A_261, %lt3A : i32
        %convert_element_type3A = arith.extui %lt3A_277 : i1 to i32
        %cond3A = arith.constant 0 : i32
        %cond3A_278 = arith.cmpi ne, %convert_element_type3A, %cond3A : i32
        scf.if %cond3A_278 {
          %add3A_334 = arith.constant 4 : i32
          %add3A_335 = arith.addi %mul3A_264, %add3A_334 : i32
          %add3A_336 = arith.constant 0 : i32
          %add3A_337 = arith.addi %add3A_335, %add3A_336 : i32
          %dma_start3A_338 = arith.constant 0 : i32
          %dma_start3A_339 = arith.constant 0 : i32
          %dma_start3A_340 = tpu.memref_slice %arg7[%dma_start3A_338, %dma_start3A_339] : memref<512x32xf32, #tpu.memory_space<vmem>> -> memref<128x32xf32, #tpu.memory_space<vmem>>
          %dma_start3A_341 = arith.constant 0 : i32
          %dma_start3A_342 = tpu.memref_slice %arg5[%add3A_337, %dma_start3A_341] : memref<16x128xi32, #tpu.memory_space<vmem>> -> memref<1x128xi32, #tpu.memory_space<vmem>>
          %dma_start3A_343 = tpu.memref_squeeze %dma_start3A_342 : memref<1x128xi32, #tpu.memory_space<vmem>> -> memref<128xi32, #tpu.memory_space<vmem>>
          %dma_start3A_344 = arith.constant 0 : i32
          %dma_start3A_345 = arith.constant 0 : i32
          %dma_start3A_346 = tpu.memref_slice %arg3[%dma_start3A_344, %dma_start3A_345] : memref<50176x32xf32, #tpu.memory_space<hbm>> -> memref<50176x32xf32, #tpu.memory_space<hbm>>
          tpu.enqueue_indirect_dma source(%dma_start3A_346 : memref<50176x32xf32, #tpu.memory_space<hbm>>) target(%dma_start3A_340 : memref<128x32xf32, #tpu.memory_space<vmem>>) offsets(%dma_start3A_343 : memref<128xi32, #tpu.memory_space<vmem>>) semaphore(%arg10 : memref<!tpu.dma_semaphore, #tpu.memory_space<semaphore_mem>>)
        } else {
        }
        %add3A_279 = arith.constant 1 : i32
        %add3A_280 = arith.addi %mul3A_264, %add3A_279 : i32
        %dma_wait3A_281 = arith.constant 128 : i32
        %dma_wait3A_282 = arith.constant 0 : i32
        %dma_wait3A_283 = tpu.memref_slice %arg7[%dma_wait3A_281, %dma_wait3A_282] : memref<512x32xf32, #tpu.memory_space<vmem>> -> memref<128x32xf32, #tpu.memory_space<vmem>>
        %dma_wait3A_284 = arith.constant 0 : i32
        %dma_wait3A_285 = tpu.memref_slice %arg5[%add3A_280, %dma_wait3A_284] : memref<16x128xi32, #tpu.memory_space<vmem>> -> memref<1x128xi32, #tpu.memory_space<vmem>>
        %dma_wait3A_286 = tpu.memref_squeeze %dma_wait3A_285 : memref<1x128xi32, #tpu.memory_space<vmem>> -> memref<128xi32, #tpu.memory_space<vmem>>
        %dma_wait3A_287 = arith.constant 0 : i32
        %dma_wait3A_288 = arith.constant 0 : i32
        %dma_wait3A_289 = tpu.memref_slice %arg3[%dma_wait3A_287, %dma_wait3A_288] : memref<50176x32xf32, #tpu.memory_space<hbm>> -> memref<50176x32xf32, #tpu.memory_space<hbm>>
        tpu.wait_indirect_dma semaphore(%arg10 : memref<!tpu.dma_semaphore, #tpu.memory_space<semaphore_mem>>) src(%dma_wait3A_289 : memref<50176x32xf32, #tpu.memory_space<hbm>>) dst(%dma_wait3A_283 : memref<128x32xf32, #tpu.memory_space<vmem>>)
        %add3A_290 = arith.constant 1 : i32
        %add3A_291 = arith.addi %mul3A_264, %add3A_290 : i32
        "tpu.region"() ({
          %run_scoped3A_334 = tpu.sem_alloc : memref<!tpu.dma_semaphore, #tpu.memory_space<semaphore_mem>>
          %dma_start3A_335 = arith.constant 128 : i32
          %dma_start3A_336 = arith.constant 0 : i32
          %dma_start3A_337 = tpu.memref_slice %arg7[%dma_start3A_335, %dma_start3A_336] : memref<512x32xf32, #tpu.memory_space<vmem>> -> memref<128x32xf32, #tpu.memory_space<vmem>>
          %dma_start3A_338 = arith.constant 0 : i32
          %dma_start3A_339 = tpu.memref_slice %arg6[%add3A_291, %dma_start3A_338] : memref<16x128xi32, #tpu.memory_space<vmem>> -> memref<1x128xi32, #tpu.memory_space<vmem>>
          %dma_start3A_340 = tpu.memref_squeeze %dma_start3A_339 : memref<1x128xi32, #tpu.memory_space<vmem>> -> memref<128xi32, #tpu.memory_space<vmem>>
          %dma_start3A_341 = arith.constant 0 : i32
          %dma_start3A_342 = arith.constant 0 : i32
          %dma_start3A_343 = tpu.memref_slice %arg9[%dma_start3A_341, %dma_start3A_342] : memref<50176x32xf32, #tpu.memory_space<vmem_shared>> -> memref<50176x32xf32, #tpu.memory_space<vmem_shared>>
          tpu.enqueue_indirect_dma source(%dma_start3A_337 : memref<128x32xf32, #tpu.memory_space<vmem>>) target(%dma_start3A_343 : memref<50176x32xf32, #tpu.memory_space<vmem_shared>>) offsets(%dma_start3A_340 : memref<128xi32, #tpu.memory_space<vmem>>) semaphore(%run_scoped3A_334 : memref<!tpu.dma_semaphore, #tpu.memory_space<semaphore_mem>>) {add = true}
          %dma_wait3A_344 = arith.constant 128 : i32
          %dma_wait3A_345 = arith.constant 0 : i32
          %dma_wait3A_346 = tpu.memref_slice %arg7[%dma_wait3A_344, %dma_wait3A_345] : memref<512x32xf32, #tpu.memory_space<vmem>> -> memref<128x32xf32, #tpu.memory_space<vmem>>
          %dma_wait3A_347 = arith.constant 0 : i32
          %dma_wait3A_348 = tpu.memref_slice %arg6[%add3A_291, %dma_wait3A_347] : memref<16x128xi32, #tpu.memory_space<vmem>> -> memref<1x128xi32, #tpu.memory_space<vmem>>
          %dma_wait3A_349 = tpu.memref_squeeze %dma_wait3A_348 : memref<1x128xi32, #tpu.memory_space<vmem>> -> memref<128xi32, #tpu.memory_space<vmem>>
          %dma_wait3A_350 = arith.constant 0 : i32
          %dma_wait3A_351 = arith.constant 0 : i32
          %dma_wait3A_352 = tpu.memref_slice %arg9[%dma_wait3A_350, %dma_wait3A_351] : memref<50176x32xf32, #tpu.memory_space<vmem_shared>> -> memref<50176x32xf32, #tpu.memory_space<vmem_shared>>
          tpu.wait_indirect_dma semaphore(%run_scoped3A_334 : memref<!tpu.dma_semaphore, #tpu.memory_space<semaphore_mem>>) src(%dma_wait3A_346 : memref<128x32xf32, #tpu.memory_space<vmem>>) dst(%dma_wait3A_352 : memref<50176x32xf32, #tpu.memory_space<vmem_shared>>)
          tpu.yield
        }) : () -> ()
        %lt3A_292 = arith.constant 3 : i32
        %lt3A_293 = arith.cmpi slt, %scan3A_261, %lt3A_292 : i32
        %convert_element_type3A_294 = arith.extui %lt3A_293 : i1 to i32
        %cond3A_295 = arith.constant 0 : i32
        %cond3A_296 = arith.cmpi ne, %convert_element_type3A_294, %cond3A_295 : i32
        scf.if %cond3A_296 {
          %add3A_334 = arith.constant 4 : i32
          %add3A_335 = arith.addi %mul3A_264, %add3A_334 : i32
          %add3A_336 = arith.constant 1 : i32
          %add3A_337 = arith.addi %add3A_335, %add3A_336 : i32
          %dma_start3A_338 = arith.constant 128 : i32
          %dma_start3A_339 = arith.constant 0 : i32
          %dma_start3A_340 = tpu.memref_slice %arg7[%dma_start3A_338, %dma_start3A_339] : memref<512x32xf32, #tpu.memory_space<vmem>> -> memref<128x32xf32, #tpu.memory_space<vmem>>
          %dma_start3A_341 = arith.constant 0 : i32
          %dma_start3A_342 = tpu.memref_slice %arg5[%add3A_337, %dma_start3A_341] : memref<16x128xi32, #tpu.memory_space<vmem>> -> memref<1x128xi32, #tpu.memory_space<vmem>>
          %dma_start3A_343 = tpu.memref_squeeze %dma_start3A_342 : memref<1x128xi32, #tpu.memory_space<vmem>> -> memref<128xi32, #tpu.memory_space<vmem>>
          %dma_start3A_344 = arith.constant 0 : i32
          %dma_start3A_345 = arith.constant 0 : i32
          %dma_start3A_346 = tpu.memref_slice %arg3[%dma_start3A_344, %dma_start3A_345] : memref<50176x32xf32, #tpu.memory_space<hbm>> -> memref<50176x32xf32, #tpu.memory_space<hbm>>
          tpu.enqueue_indirect_dma source(%dma_start3A_346 : memref<50176x32xf32, #tpu.memory_space<hbm>>) target(%dma_start3A_340 : memref<128x32xf32, #tpu.memory_space<vmem>>) offsets(%dma_start3A_343 : memref<128xi32, #tpu.memory_space<vmem>>) semaphore(%arg10 : memref<!tpu.dma_semaphore, #tpu.memory_space<semaphore_mem>>)
        } else {
        }
        %add3A_297 = arith.constant 2 : i32
        %add3A_298 = arith.addi %mul3A_264, %add3A_297 : i32
        %dma_wait3A_299 = arith.constant 256 : i32
        %dma_wait3A_300 = arith.constant 0 : i32
        %dma_wait3A_301 = tpu.memref_slice %arg7[%dma_wait3A_299, %dma_wait3A_300] : memref<512x32xf32, #tpu.memory_space<vmem>> -> memref<128x32xf32, #tpu.memory_space<vmem>>
        %dma_wait3A_302 = arith.constant 0 : i32
        %dma_wait3A_303 = tpu.memref_slice %arg5[%add3A_298, %dma_wait3A_302] : memref<16x128xi32, #tpu.memory_space<vmem>> -> memref<1x128xi32, #tpu.memory_space<vmem>>
        %dma_wait3A_304 = tpu.memref_squeeze %dma_wait3A_303 : memref<1x128xi32, #tpu.memory_space<vmem>> -> memref<128xi32, #tpu.memory_space<vmem>>
        %dma_wait3A_305 = arith.constant 0 : i32
        %dma_wait3A_306 = arith.constant 0 : i32
        %dma_wait3A_307 = tpu.memref_slice %arg3[%dma_wait3A_305, %dma_wait3A_306] : memref<50176x32xf32, #tpu.memory_space<hbm>> -> memref<50176x32xf32, #tpu.memory_space<hbm>>
        tpu.wait_indirect_dma semaphore(%arg10 : memref<!tpu.dma_semaphore, #tpu.memory_space<semaphore_mem>>) src(%dma_wait3A_307 : memref<50176x32xf32, #tpu.memory_space<hbm>>) dst(%dma_wait3A_301 : memref<128x32xf32, #tpu.memory_space<vmem>>)
        %add3A_308 = arith.constant 2 : i32
        %add3A_309 = arith.addi %mul3A_264, %add3A_308 : i32
        "tpu.region"() ({
          %run_scoped3A_334 = tpu.sem_alloc : memref<!tpu.dma_semaphore, #tpu.memory_space<semaphore_mem>>
          %dma_start3A_335 = arith.constant 256 : i32
          %dma_start3A_336 = arith.constant 0 : i32
          %dma_start3A_337 = tpu.memref_slice %arg7[%dma_start3A_335, %dma_start3A_336] : memref<512x32xf32, #tpu.memory_space<vmem>> -> memref<128x32xf32, #tpu.memory_space<vmem>>
          %dma_start3A_338 = arith.constant 0 : i32
          %dma_start3A_339 = tpu.memref_slice %arg6[%add3A_309, %dma_start3A_338] : memref<16x128xi32, #tpu.memory_space<vmem>> -> memref<1x128xi32, #tpu.memory_space<vmem>>
          %dma_start3A_340 = tpu.memref_squeeze %dma_start3A_339 : memref<1x128xi32, #tpu.memory_space<vmem>> -> memref<128xi32, #tpu.memory_space<vmem>>
          %dma_start3A_341 = arith.constant 0 : i32
          %dma_start3A_342 = arith.constant 0 : i32
          %dma_start3A_343 = tpu.memref_slice %arg9[%dma_start3A_341, %dma_start3A_342] : memref<50176x32xf32, #tpu.memory_space<vmem_shared>> -> memref<50176x32xf32, #tpu.memory_space<vmem_shared>>
          tpu.enqueue_indirect_dma source(%dma_start3A_337 : memref<128x32xf32, #tpu.memory_space<vmem>>) target(%dma_start3A_343 : memref<50176x32xf32, #tpu.memory_space<vmem_shared>>) offsets(%dma_start3A_340 : memref<128xi32, #tpu.memory_space<vmem>>) semaphore(%run_scoped3A_334 : memref<!tpu.dma_semaphore, #tpu.memory_space<semaphore_mem>>) {add = true}
          %dma_wait3A_344 = arith.constant 256 : i32
          %dma_wait3A_345 = arith.constant 0 : i32
          %dma_wait3A_346 = tpu.memref_slice %arg7[%dma_wait3A_344, %dma_wait3A_345] : memref<512x32xf32, #tpu.memory_space<vmem>> -> memref<128x32xf32, #tpu.memory_space<vmem>>
          %dma_wait3A_347 = arith.constant 0 : i32
          %dma_wait3A_348 = tpu.memref_slice %arg6[%add3A_309, %dma_wait3A_347] : memref<16x128xi32, #tpu.memory_space<vmem>> -> memref<1x128xi32, #tpu.memory_space<vmem>>
          %dma_wait3A_349 = tpu.memref_squeeze %dma_wait3A_348 : memref<1x128xi32, #tpu.memory_space<vmem>> -> memref<128xi32, #tpu.memory_space<vmem>>
          %dma_wait3A_350 = arith.constant 0 : i32
          %dma_wait3A_351 = arith.constant 0 : i32
          %dma_wait3A_352 = tpu.memref_slice %arg9[%dma_wait3A_350, %dma_wait3A_351] : memref<50176x32xf32, #tpu.memory_space<vmem_shared>> -> memref<50176x32xf32, #tpu.memory_space<vmem_shared>>
          tpu.wait_indirect_dma semaphore(%run_scoped3A_334 : memref<!tpu.dma_semaphore, #tpu.memory_space<semaphore_mem>>) src(%dma_wait3A_346 : memref<128x32xf32, #tpu.memory_space<vmem>>) dst(%dma_wait3A_352 : memref<50176x32xf32, #tpu.memory_space<vmem_shared>>)
          tpu.yield
        }) : () -> ()
        %lt3A_310 = arith.constant 3 : i32
        %lt3A_311 = arith.cmpi slt, %scan3A_261, %lt3A_310 : i32
        %convert_element_type3A_312 = arith.extui %lt3A_311 : i1 to i32
        %cond3A_313 = arith.constant 0 : i32
        %cond3A_314 = arith.cmpi ne, %convert_element_type3A_312, %cond3A_313 : i32
        scf.if %cond3A_314 {
          %add3A_334 = arith.constant 4 : i32
          %add3A_335 = arith.addi %mul3A_264, %add3A_334 : i32
          %add3A_336 = arith.constant 2 : i32
          %add3A_337 = arith.addi %add3A_335, %add3A_336 : i32
          %dma_start3A_338 = arith.constant 256 : i32
          %dma_start3A_339 = arith.constant 0 : i32
          %dma_start3A_340 = tpu.memref_slice %arg7[%dma_start3A_338, %dma_start3A_339] : memref<512x32xf32, #tpu.memory_space<vmem>> -> memref<128x32xf32, #tpu.memory_space<vmem>>
          %dma_start3A_341 = arith.constant 0 : i32
          %dma_start3A_342 = tpu.memref_slice %arg5[%add3A_337, %dma_start3A_341] : memref<16x128xi32, #tpu.memory_space<vmem>> -> memref<1x128xi32, #tpu.memory_space<vmem>>
          %dma_start3A_343 = tpu.memref_squeeze %dma_start3A_342 : memref<1x128xi32, #tpu.memory_space<vmem>> -> memref<128xi32, #tpu.memory_space<vmem>>
          %dma_start3A_344 = arith.constant 0 : i32
          %dma_start3A_345 = arith.constant 0 : i32
          %dma_start3A_346 = tpu.memref_slice %arg3[%dma_start3A_344, %dma_start3A_345] : memref<50176x32xf32, #tpu.memory_space<hbm>> -> memref<50176x32xf32, #tpu.memory_space<hbm>>
          tpu.enqueue_indirect_dma source(%dma_start3A_346 : memref<50176x32xf32, #tpu.memory_space<hbm>>) target(%dma_start3A_340 : memref<128x32xf32, #tpu.memory_space<vmem>>) offsets(%dma_start3A_343 : memref<128xi32, #tpu.memory_space<vmem>>) semaphore(%arg10 : memref<!tpu.dma_semaphore, #tpu.memory_space<semaphore_mem>>)
        } else {
        }
        %add3A_315 = arith.constant 3 : i32
        %add3A_316 = arith.addi %mul3A_264, %add3A_315 : i32
        %dma_wait3A_317 = arith.constant 384 : i32
        %dma_wait3A_318 = arith.constant 0 : i32
        %dma_wait3A_319 = tpu.memref_slice %arg7[%dma_wait3A_317, %dma_wait3A_318] : memref<512x32xf32, #tpu.memory_space<vmem>> -> memref<128x32xf32, #tpu.memory_space<vmem>>
        %dma_wait3A_320 = arith.constant 0 : i32
        %dma_wait3A_321 = tpu.memref_slice %arg5[%add3A_316, %dma_wait3A_320] : memref<16x128xi32, #tpu.memory_space<vmem>> -> memref<1x128xi32, #tpu.memory_space<vmem>>
        %dma_wait3A_322 = tpu.memref_squeeze %dma_wait3A_321 : memref<1x128xi32, #tpu.memory_space<vmem>> -> memref<128xi32, #tpu.memory_space<vmem>>
        %dma_wait3A_323 = arith.constant 0 : i32
        %dma_wait3A_324 = arith.constant 0 : i32
        %dma_wait3A_325 = tpu.memref_slice %arg3[%dma_wait3A_323, %dma_wait3A_324] : memref<50176x32xf32, #tpu.memory_space<hbm>> -> memref<50176x32xf32, #tpu.memory_space<hbm>>
        tpu.wait_indirect_dma semaphore(%arg10 : memref<!tpu.dma_semaphore, #tpu.memory_space<semaphore_mem>>) src(%dma_wait3A_325 : memref<50176x32xf32, #tpu.memory_space<hbm>>) dst(%dma_wait3A_319 : memref<128x32xf32, #tpu.memory_space<vmem>>)
        %add3A_326 = arith.constant 3 : i32
        %add3A_327 = arith.addi %mul3A_264, %add3A_326 : i32
        "tpu.region"() ({
          %run_scoped3A_334 = tpu.sem_alloc : memref<!tpu.dma_semaphore, #tpu.memory_space<semaphore_mem>>
          %dma_start3A_335 = arith.constant 384 : i32
          %dma_start3A_336 = arith.constant 0 : i32
          %dma_start3A_337 = tpu.memref_slice %arg7[%dma_start3A_335, %dma_start3A_336] : memref<512x32xf32, #tpu.memory_space<vmem>> -> memref<128x32xf32, #tpu.memory_space<vmem>>
          %dma_start3A_338 = arith.constant 0 : i32
          %dma_start3A_339 = tpu.memref_slice %arg6[%add3A_327, %dma_start3A_338] : memref<16x128xi32, #tpu.memory_space<vmem>> -> memref<1x128xi32, #tpu.memory_space<vmem>>
          %dma_start3A_340 = tpu.memref_squeeze %dma_start3A_339 : memref<1x128xi32, #tpu.memory_space<vmem>> -> memref<128xi32, #tpu.memory_space<vmem>>
          %dma_start3A_341 = arith.constant 0 : i32
          %dma_start3A_342 = arith.constant 0 : i32
          %dma_start3A_343 = tpu.memref_slice %arg9[%dma_start3A_341, %dma_start3A_342] : memref<50176x32xf32, #tpu.memory_space<vmem_shared>> -> memref<50176x32xf32, #tpu.memory_space<vmem_shared>>
          tpu.enqueue_indirect_dma source(%dma_start3A_337 : memref<128x32xf32, #tpu.memory_space<vmem>>) target(%dma_start3A_343 : memref<50176x32xf32, #tpu.memory_space<vmem_shared>>) offsets(%dma_start3A_340 : memref<128xi32, #tpu.memory_space<vmem>>) semaphore(%run_scoped3A_334 : memref<!tpu.dma_semaphore, #tpu.memory_space<semaphore_mem>>) {add = true}
          %dma_wait3A_344 = arith.constant 384 : i32
          %dma_wait3A_345 = arith.constant 0 : i32
          %dma_wait3A_346 = tpu.memref_slice %arg7[%dma_wait3A_344, %dma_wait3A_345] : memref<512x32xf32, #tpu.memory_space<vmem>> -> memref<128x32xf32, #tpu.memory_space<vmem>>
          %dma_wait3A_347 = arith.constant 0 : i32
          %dma_wait3A_348 = tpu.memref_slice %arg6[%add3A_327, %dma_wait3A_347] : memref<16x128xi32, #tpu.memory_space<vmem>> -> memref<1x128xi32, #tpu.memory_space<vmem>>
          %dma_wait3A_349 = tpu.memref_squeeze %dma_wait3A_348 : memref<1x128xi32, #tpu.memory_space<vmem>> -> memref<128xi32, #tpu.memory_space<vmem>>
          %dma_wait3A_350 = arith.constant 0 : i32
          %dma_wait3A_351 = arith.constant 0 : i32
          %dma_wait3A_352 = tpu.memref_slice %arg9[%dma_wait3A_350, %dma_wait3A_351] : memref<50176x32xf32, #tpu.memory_space<vmem_shared>> -> memref<50176x32xf32, #tpu.memory_space<vmem_shared>>
          tpu.wait_indirect_dma semaphore(%run_scoped3A_334 : memref<!tpu.dma_semaphore, #tpu.memory_space<semaphore_mem>>) src(%dma_wait3A_346 : memref<128x32xf32, #tpu.memory_space<vmem>>) dst(%dma_wait3A_352 : memref<50176x32xf32, #tpu.memory_space<vmem_shared>>)
          tpu.yield
        }) : () -> ()
        %lt3A_328 = arith.constant 3 : i32
        %lt3A_329 = arith.cmpi slt, %scan3A_261, %lt3A_328 : i32
        %convert_element_type3A_330 = arith.extui %lt3A_329 : i1 to i32
        %cond3A_331 = arith.constant 0 : i32
        %cond3A_332 = arith.cmpi ne, %convert_element_type3A_330, %cond3A_331 : i32
        scf.if %cond3A_332 {
          %add3A_334 = arith.constant 4 : i32
          %add3A_335 = arith.addi %mul3A_264, %add3A_334 : i32
          %add3A_336 = arith.constant 3 : i32
          %add3A_337 = arith.addi %add3A_335, %add3A_336 : i32
          %dma_start3A_338 = arith.constant 384 : i32
          %dma_start3A_339 = arith.constant 0 : i32
          %dma_start3A_340 = tpu.memref_slice %arg7[%dma_start3A_338, %dma_start3A_339] : memref<512x32xf32, #tpu.memory_space<vmem>> -> memref<128x32xf32, #tpu.memory_space<vmem>>
          %dma_start3A_341 = arith.constant 0 : i32
          %dma_start3A_342 = tpu.memref_slice %arg5[%add3A_337, %dma_start3A_341] : memref<16x128xi32, #tpu.memory_space<vmem>> -> memref<1x128xi32, #tpu.memory_space<vmem>>
          %dma_start3A_343 = tpu.memref_squeeze %dma_start3A_342 : memref<1x128xi32, #tpu.memory_space<vmem>> -> memref<128xi32, #tpu.memory_space<vmem>>
          %dma_start3A_344 = arith.constant 0 : i32
          %dma_start3A_345 = arith.constant 0 : i32
          %dma_start3A_346 = tpu.memref_slice %arg3[%dma_start3A_344, %dma_start3A_345] : memref<50176x32xf32, #tpu.memory_space<hbm>> -> memref<50176x32xf32, #tpu.memory_space<hbm>>
          tpu.enqueue_indirect_dma source(%dma_start3A_346 : memref<50176x32xf32, #tpu.memory_space<hbm>>) target(%dma_start3A_340 : memref<128x32xf32, #tpu.memory_space<vmem>>) offsets(%dma_start3A_343 : memref<128xi32, #tpu.memory_space<vmem>>) semaphore(%arg10 : memref<!tpu.dma_semaphore, #tpu.memory_space<semaphore_mem>>)
        } else {
        }
        %scan3A_333 = arith.constant 0 : i32
        scf.yield %scan3A_333 : i32
      }
      %scan3A_259 = arith.constant 4 : i32
      %scan3A_260 = arith.constant 0 : i32
      scf.yield %scan3A_260 : i32
    }
    %scan3A_78 = arith.constant 25 : i32
    %barrier3A_79 = arith.constant 0 : index
    tpu.barrier barrier_id(%barrier3A_79)
    %mul3A_80 = arith.constant 3136 : i32
    %mul3A_81 = arith.muli %arg1, %mul3A_80 : i32
    %add3A_82 = arith.constant 0 : i32
    %add3A_83 = arith.addi %mul3A_81, %add3A_82 : i32
    "tpu.region"() ({
      %run_scoped3A = tpu.sem_alloc : memref<!tpu.dma_semaphore, #tpu.memory_space<semaphore_mem>>
      %dma_start3A = arith.constant 0 : i32
      %dma_start3A_208 = tpu.memref_slice %arg9[%add3A_83, %dma_start3A] : memref<50176x32xf32, #tpu.memory_space<vmem_shared>> -> memref<196x32xf32, #tpu.memory_space<vmem_shared>>
      %dma_start3A_209 = arith.constant 0 : i32
      %dma_start3A_210 = tpu.memref_slice %arg9[%add3A_83, %dma_start3A_209] : memref<50176x32xf32, #tpu.memory_space<vmem_shared>> -> memref<196x32xf32, #tpu.memory_space<vmem_shared>>
      tpu.enqueue_dma source(%dma_start3A_210 : memref<196x32xf32, #tpu.memory_space<vmem_shared>>) target(%arg8 : memref<196x32xf32, #tpu.memory_space<vmem>>) target_semaphore(%run_scoped3A : memref<!tpu.dma_semaphore, #tpu.memory_space<semaphore_mem>>)
      %dma_wait3A = arith.constant 0 : i32
      %dma_wait3A_211 = tpu.memref_slice %arg9[%add3A_83, %dma_wait3A] : memref<50176x32xf32, #tpu.memory_space<vmem_shared>> -> memref<196x32xf32, #tpu.memory_space<vmem_shared>>
      %dma_wait3A_212 = arith.constant 0 : i32
      %dma_wait3A_213 = tpu.memref_slice %arg9[%add3A_83, %dma_wait3A_212] : memref<50176x32xf32, #tpu.memory_space<vmem_shared>> -> memref<196x32xf32, #tpu.memory_space<vmem_shared>>
      tpu.wait_dma2 semaphore(%run_scoped3A : memref<!tpu.dma_semaphore, #tpu.memory_space<semaphore_mem>>) src(%dma_wait3A_213 : memref<196x32xf32, #tpu.memory_space<vmem_shared>>) dst(%arg8 : memref<196x32xf32, #tpu.memory_space<vmem>>)
      tpu.yield
    }) : () -> ()
    %mul3A_84 = arith.constant 3136 : i32
    %mul3A_85 = arith.muli %arg1, %mul3A_84 : i32
    %add3A_86 = arith.constant 0 : i32
    %add3A_87 = arith.addi %mul3A_85, %add3A_86 : i32
    "tpu.region"() ({
      %run_scoped3A = tpu.sem_alloc : memref<!tpu.dma_semaphore, #tpu.memory_space<semaphore_mem>>
      %dma_start3A = arith.constant 0 : i32
      %dma_start3A_208 = tpu.memref_slice %arg4[%arg0, %add3A_87, %dma_start3A] : memref<2x50176x32xf32, #tpu.memory_space<hbm>> -> memref<1x196x32xf32, #tpu.memory_space<hbm>>
      %dma_start3A_209 = tpu.memref_squeeze %dma_start3A_208 : memref<1x196x32xf32, #tpu.memory_space<hbm>> -> memref<196x32xf32, #tpu.memory_space<hbm>>
      %dma_start3A_210 = arith.constant 0 : i32
      %dma_start3A_211 = tpu.memref_slice %arg4[%arg0, %add3A_87, %dma_start3A_210] : memref<2x50176x32xf32, #tpu.memory_space<hbm>> -> memref<1x196x32xf32, #tpu.memory_space<hbm>>
      %dma_start3A_212 = tpu.memref_squeeze %dma_start3A_211 : memref<1x196x32xf32, #tpu.memory_space<hbm>> -> memref<196x32xf32, #tpu.memory_space<hbm>>
      tpu.enqueue_dma source(%arg8 : memref<196x32xf32, #tpu.memory_space<vmem>>) target(%dma_start3A_212 : memref<196x32xf32, #tpu.memory_space<hbm>>) target_semaphore(%run_scoped3A : memref<!tpu.dma_semaphore, #tpu.memory_space<semaphore_mem>>)
      %dma_wait3A = arith.constant 0 : i32
      %dma_wait3A_213 = tpu.memref_slice %arg4[%arg0, %add3A_87, %dma_wait3A] : memref<2x50176x32xf32, #tpu.memory_space<hbm>> -> memref<1x196x32xf32, #tpu.memory_space<hbm>>
      %dma_wait3A_214 = tpu.memref_squeeze %dma_wait3A_213 : memref<1x196x32xf32, #tpu.memory_space<hbm>> -> memref<196x32xf32, #tpu.memory_space<hbm>>
      %dma_wait3A_215 = arith.constant 0 : i32
      %dma_wait3A_216 = tpu.memref_slice %arg4[%arg0, %add3A_87, %dma_wait3A_215] : memref<2x50176x32xf32, #tpu.memory_space<hbm>> -> memref<1x196x32xf32, #tpu.memory_space<hbm>>
      %dma_wait3A_217 = tpu.memref_squeeze %dma_wait3A_216 : memref<1x196x32xf32, #tpu.memory_space<hbm>> -> memref<196x32xf32, #tpu.memory_space<hbm>>
      tpu.wait_dma2 semaphore(%run_scoped3A : memref<!tpu.dma_semaphore, #tpu.memory_space<semaphore_mem>>) src(%arg8 : memref<196x32xf32, #tpu.memory_space<vmem>>) dst(%dma_wait3A_217 : memref<196x32xf32, #tpu.memory_space<hbm>>)
      tpu.yield
    }) : () -> ()
    %mul3A_88 = arith.constant 3136 : i32
    %mul3A_89 = arith.muli %arg1, %mul3A_88 : i32
    %add3A_90 = arith.constant 196 : i32
    %add3A_91 = arith.addi %mul3A_89, %add3A_90 : i32
    "tpu.region"() ({
      %run_scoped3A = tpu.sem_alloc : memref<!tpu.dma_semaphore, #tpu.memory_space<semaphore_mem>>
      %dma_start3A = arith.constant 0 : i32
      %dma_start3A_208 = tpu.memref_slice %arg9[%add3A_91, %dma_start3A] : memref<50176x32xf32, #tpu.memory_space<vmem_shared>> -> memref<196x32xf32, #tpu.memory_space<vmem_shared>>
      %dma_start3A_209 = arith.constant 0 : i32
      %dma_start3A_210 = tpu.memref_slice %arg9[%add3A_91, %dma_start3A_209] : memref<50176x32xf32, #tpu.memory_space<vmem_shared>> -> memref<196x32xf32, #tpu.memory_space<vmem_shared>>
      tpu.enqueue_dma source(%dma_start3A_210 : memref<196x32xf32, #tpu.memory_space<vmem_shared>>) target(%arg8 : memref<196x32xf32, #tpu.memory_space<vmem>>) target_semaphore(%run_scoped3A : memref<!tpu.dma_semaphore, #tpu.memory_space<semaphore_mem>>)
      %dma_wait3A = arith.constant 0 : i32
      %dma_wait3A_211 = tpu.memref_slice %arg9[%add3A_91, %dma_wait3A] : memref<50176x32xf32, #tpu.memory_space<vmem_shared>> -> memref<196x32xf32, #tpu.memory_space<vmem_shared>>
      %dma_wait3A_212 = arith.constant 0 : i32
      %dma_wait3A_213 = tpu.memref_slice %arg9[%add3A_91, %dma_wait3A_212] : memref<50176x32xf32, #tpu.memory_space<vmem_shared>> -> memref<196x32xf32, #tpu.memory_space<vmem_shared>>
      tpu.wait_dma2 semaphore(%run_scoped3A : memref<!tpu.dma_semaphore, #tpu.memory_space<semaphore_mem>>) src(%dma_wait3A_213 : memref<196x32xf32, #tpu.memory_space<vmem_shared>>) dst(%arg8 : memref<196x32xf32, #tpu.memory_space<vmem>>)
      tpu.yield
    }) : () -> ()
    %mul3A_92 = arith.constant 3136 : i32
    %mul3A_93 = arith.muli %arg1, %mul3A_92 : i32
    %add3A_94 = arith.constant 196 : i32
    %add3A_95 = arith.addi %mul3A_93, %add3A_94 : i32
    "tpu.region"() ({
      %run_scoped3A = tpu.sem_alloc : memref<!tpu.dma_semaphore, #tpu.memory_space<semaphore_mem>>
      %dma_start3A = arith.constant 0 : i32
      %dma_start3A_208 = tpu.memref_slice %arg4[%arg0, %add3A_95, %dma_start3A] : memref<2x50176x32xf32, #tpu.memory_space<hbm>> -> memref<1x196x32xf32, #tpu.memory_space<hbm>>
      %dma_start3A_209 = tpu.memref_squeeze %dma_start3A_208 : memref<1x196x32xf32, #tpu.memory_space<hbm>> -> memref<196x32xf32, #tpu.memory_space<hbm>>
      %dma_start3A_210 = arith.constant 0 : i32
      %dma_start3A_211 = tpu.memref_slice %arg4[%arg0, %add3A_95, %dma_start3A_210] : memref<2x50176x32xf32, #tpu.memory_space<hbm>> -> memref<1x196x32xf32, #tpu.memory_space<hbm>>
      %dma_start3A_212 = tpu.memref_squeeze %dma_start3A_211 : memref<1x196x32xf32, #tpu.memory_space<hbm>> -> memref<196x32xf32, #tpu.memory_space<hbm>>
      tpu.enqueue_dma source(%arg8 : memref<196x32xf32, #tpu.memory_space<vmem>>) target(%dma_start3A_212 : memref<196x32xf32, #tpu.memory_space<hbm>>) target_semaphore(%run_scoped3A : memref<!tpu.dma_semaphore, #tpu.memory_space<semaphore_mem>>)
      %dma_wait3A = arith.constant 0 : i32
      %dma_wait3A_213 = tpu.memref_slice %arg4[%arg0, %add3A_95, %dma_wait3A] : memref<2x50176x32xf32, #tpu.memory_space<hbm>> -> memref<1x196x32xf32, #tpu.memory_space<hbm>>
      %dma_wait3A_214 = tpu.memref_squeeze %dma_wait3A_213 : memref<1x196x32xf32, #tpu.memory_space<hbm>> -> memref<196x32xf32, #tpu.memory_space<hbm>>
      %dma_wait3A_215 = arith.constant 0 : i32
      %dma_wait3A_216 = tpu.memref_slice %arg4[%arg0, %add3A_95, %dma_wait3A_215] : memref<2x50176x32xf32, #tpu.memory_space<hbm>> -> memref<1x196x32xf32, #tpu.memory_space<hbm>>
      %dma_wait3A_217 = tpu.memref_squeeze %dma_wait3A_216 : memref<1x196x32xf32, #tpu.memory_space<hbm>> -> memref<196x32xf32, #tpu.memory_space<hbm>>
      tpu.wait_dma2 semaphore(%run_scoped3A : memref<!tpu.dma_semaphore, #tpu.memory_space<semaphore_mem>>) src(%arg8 : memref<196x32xf32, #tpu.memory_space<vmem>>) dst(%dma_wait3A_217 : memref<196x32xf32, #tpu.memory_space<hbm>>)
      tpu.yield
    }) : () -> ()
    %mul3A_96 = arith.constant 3136 : i32
    %mul3A_97 = arith.muli %arg1, %mul3A_96 : i32
    %add3A_98 = arith.constant 392 : i32
    %add3A_99 = arith.addi %mul3A_97, %add3A_98 : i32
    "tpu.region"() ({
      %run_scoped3A = tpu.sem_alloc : memref<!tpu.dma_semaphore, #tpu.memory_space<semaphore_mem>>
      %dma_start3A = arith.constant 0 : i32
      %dma_start3A_208 = tpu.memref_slice %arg9[%add3A_99, %dma_start3A] : memref<50176x32xf32, #tpu.memory_space<vmem_shared>> -> memref<196x32xf32, #tpu.memory_space<vmem_shared>>
      %dma_start3A_209 = arith.constant 0 : i32
      %dma_start3A_210 = tpu.memref_slice %arg9[%add3A_99, %dma_start3A_209] : memref<50176x32xf32, #tpu.memory_space<vmem_shared>> -> memref<196x32xf32, #tpu.memory_space<vmem_shared>>
      tpu.enqueue_dma source(%dma_start3A_210 : memref<196x32xf32, #tpu.memory_space<vmem_shared>>) target(%arg8 : memref<196x32xf32, #tpu.memory_space<vmem>>) target_semaphore(%run_scoped3A : memref<!tpu.dma_semaphore, #tpu.memory_space<semaphore_mem>>)
      %dma_wait3A = arith.constant 0 : i32
      %dma_wait3A_211 = tpu.memref_slice %arg9[%add3A_99, %dma_wait3A] : memref<50176x32xf32, #tpu.memory_space<vmem_shared>> -> memref<196x32xf32, #tpu.memory_space<vmem_shared>>
      %dma_wait3A_212 = arith.constant 0 : i32
      %dma_wait3A_213 = tpu.memref_slice %arg9[%add3A_99, %dma_wait3A_212] : memref<50176x32xf32, #tpu.memory_space<vmem_shared>> -> memref<196x32xf32, #tpu.memory_space<vmem_shared>>
      tpu.wait_dma2 semaphore(%run_scoped3A : memref<!tpu.dma_semaphore, #tpu.memory_space<semaphore_mem>>) src(%dma_wait3A_213 : memref<196x32xf32, #tpu.memory_space<vmem_shared>>) dst(%arg8 : memref<196x32xf32, #tpu.memory_space<vmem>>)
      tpu.yield
    }) : () -> ()
    %mul3A_100 = arith.constant 3136 : i32
    %mul3A_101 = arith.muli %arg1, %mul3A_100 : i32
    %add3A_102 = arith.constant 392 : i32
    %add3A_103 = arith.addi %mul3A_101, %add3A_102 : i32
    "tpu.region"() ({
      %run_scoped3A = tpu.sem_alloc : memref<!tpu.dma_semaphore, #tpu.memory_space<semaphore_mem>>
      %dma_start3A = arith.constant 0 : i32
      %dma_start3A_208 = tpu.memref_slice %arg4[%arg0, %add3A_103, %dma_start3A] : memref<2x50176x32xf32, #tpu.memory_space<hbm>> -> memref<1x196x32xf32, #tpu.memory_space<hbm>>
      %dma_start3A_209 = tpu.memref_squeeze %dma_start3A_208 : memref<1x196x32xf32, #tpu.memory_space<hbm>> -> memref<196x32xf32, #tpu.memory_space<hbm>>
      %dma_start3A_210 = arith.constant 0 : i32
      %dma_start3A_211 = tpu.memref_slice %arg4[%arg0, %add3A_103, %dma_start3A_210] : memref<2x50176x32xf32, #tpu.memory_space<hbm>> -> memref<1x196x32xf32, #tpu.memory_space<hbm>>
      %dma_start3A_212 = tpu.memref_squeeze %dma_start3A_211 : memref<1x196x32xf32, #tpu.memory_space<hbm>> -> memref<196x32xf32, #tpu.memory_space<hbm>>
      tpu.enqueue_dma source(%arg8 : memref<196x32xf32, #tpu.memory_space<vmem>>) target(%dma_start3A_212 : memref<196x32xf32, #tpu.memory_space<hbm>>) target_semaphore(%run_scoped3A : memref<!tpu.dma_semaphore, #tpu.memory_space<semaphore_mem>>)
      %dma_wait3A = arith.constant 0 : i32
      %dma_wait3A_213 = tpu.memref_slice %arg4[%arg0, %add3A_103, %dma_wait3A] : memref<2x50176x32xf32, #tpu.memory_space<hbm>> -> memref<1x196x32xf32, #tpu.memory_space<hbm>>
      %dma_wait3A_214 = tpu.memref_squeeze %dma_wait3A_213 : memref<1x196x32xf32, #tpu.memory_space<hbm>> -> memref<196x32xf32, #tpu.memory_space<hbm>>
      %dma_wait3A_215 = arith.constant 0 : i32
      %dma_wait3A_216 = tpu.memref_slice %arg4[%arg0, %add3A_103, %dma_wait3A_215] : memref<2x50176x32xf32, #tpu.memory_space<hbm>> -> memref<1x196x32xf32, #tpu.memory_space<hbm>>
      %dma_wait3A_217 = tpu.memref_squeeze %dma_wait3A_216 : memref<1x196x32xf32, #tpu.memory_space<hbm>> -> memref<196x32xf32, #tpu.memory_space<hbm>>
      tpu.wait_dma2 semaphore(%run_scoped3A : memref<!tpu.dma_semaphore, #tpu.memory_space<semaphore_mem>>) src(%arg8 : memref<196x32xf32, #tpu.memory_space<vmem>>) dst(%dma_wait3A_217 : memref<196x32xf32, #tpu.memory_space<hbm>>)
      tpu.yield
    }) : () -> ()
    %mul3A_104 = arith.constant 3136 : i32
    %mul3A_105 = arith.muli %arg1, %mul3A_104 : i32
    %add3A_106 = arith.constant 588 : i32
    %add3A_107 = arith.addi %mul3A_105, %add3A_106 : i32
    "tpu.region"() ({
      %run_scoped3A = tpu.sem_alloc : memref<!tpu.dma_semaphore, #tpu.memory_space<semaphore_mem>>
      %dma_start3A = arith.constant 0 : i32
      %dma_start3A_208 = tpu.memref_slice %arg9[%add3A_107, %dma_start3A] : memref<50176x32xf32, #tpu.memory_space<vmem_shared>> -> memref<196x32xf32, #tpu.memory_space<vmem_shared>>
      %dma_start3A_209 = arith.constant 0 : i32
      %dma_start3A_210 = tpu.memref_slice %arg9[%add3A_107, %dma_start3A_209] : memref<50176x32xf32, #tpu.memory_space<vmem_shared>> -> memref<196x32xf32, #tpu.memory_space<vmem_shared>>
      tpu.enqueue_dma source(%dma_start3A_210 : memref<196x32xf32, #tpu.memory_space<vmem_shared>>) target(%arg8 : memref<196x32xf32, #tpu.memory_space<vmem>>) target_semaphore(%run_scoped3A : memref<!tpu.dma_semaphore, #tpu.memory_space<semaphore_mem>>)
      %dma_wait3A = arith.constant 0 : i32
      %dma_wait3A_211 = tpu.memref_slice %arg9[%add3A_107, %dma_wait3A] : memref<50176x32xf32, #tpu.memory_space<vmem_shared>> -> memref<196x32xf32, #tpu.memory_space<vmem_shared>>
      %dma_wait3A_212 = arith.constant 0 : i32
      %dma_wait3A_213 = tpu.memref_slice %arg9[%add3A_107, %dma_wait3A_212] : memref<50176x32xf32, #tpu.memory_space<vmem_shared>> -> memref<196x32xf32, #tpu.memory_space<vmem_shared>>
      tpu.wait_dma2 semaphore(%run_scoped3A : memref<!tpu.dma_semaphore, #tpu.memory_space<semaphore_mem>>) src(%dma_wait3A_213 : memref<196x32xf32, #tpu.memory_space<vmem_shared>>) dst(%arg8 : memref<196x32xf32, #tpu.memory_space<vmem>>)
      tpu.yield
    }) : () -> ()
    %mul3A_108 = arith.constant 3136 : i32
    %mul3A_109 = arith.muli %arg1, %mul3A_108 : i32
    %add3A_110 = arith.constant 588 : i32
    %add3A_111 = arith.addi %mul3A_109, %add3A_110 : i32
    "tpu.region"() ({
      %run_scoped3A = tpu.sem_alloc : memref<!tpu.dma_semaphore, #tpu.memory_space<semaphore_mem>>
      %dma_start3A = arith.constant 0 : i32
      %dma_start3A_208 = tpu.memref_slice %arg4[%arg0, %add3A_111, %dma_start3A] : memref<2x50176x32xf32, #tpu.memory_space<hbm>> -> memref<1x196x32xf32, #tpu.memory_space<hbm>>
      %dma_start3A_209 = tpu.memref_squeeze %dma_start3A_208 : memref<1x196x32xf32, #tpu.memory_space<hbm>> -> memref<196x32xf32, #tpu.memory_space<hbm>>
      %dma_start3A_210 = arith.constant 0 : i32
      %dma_start3A_211 = tpu.memref_slice %arg4[%arg0, %add3A_111, %dma_start3A_210] : memref<2x50176x32xf32, #tpu.memory_space<hbm>> -> memref<1x196x32xf32, #tpu.memory_space<hbm>>
      %dma_start3A_212 = tpu.memref_squeeze %dma_start3A_211 : memref<1x196x32xf32, #tpu.memory_space<hbm>> -> memref<196x32xf32, #tpu.memory_space<hbm>>
      tpu.enqueue_dma source(%arg8 : memref<196x32xf32, #tpu.memory_space<vmem>>) target(%dma_start3A_212 : memref<196x32xf32, #tpu.memory_space<hbm>>) target_semaphore(%run_scoped3A : memref<!tpu.dma_semaphore, #tpu.memory_space<semaphore_mem>>)
      %dma_wait3A = arith.constant 0 : i32
      %dma_wait3A_213 = tpu.memref_slice %arg4[%arg0, %add3A_111, %dma_wait3A] : memref<2x50176x32xf32, #tpu.memory_space<hbm>> -> memref<1x196x32xf32, #tpu.memory_space<hbm>>
      %dma_wait3A_214 = tpu.memref_squeeze %dma_wait3A_213 : memref<1x196x32xf32, #tpu.memory_space<hbm>> -> memref<196x32xf32, #tpu.memory_space<hbm>>
      %dma_wait3A_215 = arith.constant 0 : i32
      %dma_wait3A_216 = tpu.memref_slice %arg4[%arg0, %add3A_111, %dma_wait3A_215] : memref<2x50176x32xf32, #tpu.memory_space<hbm>> -> memref<1x196x32xf32, #tpu.memory_space<hbm>>
      %dma_wait3A_217 = tpu.memref_squeeze %dma_wait3A_216 : memref<1x196x32xf32, #tpu.memory_space<hbm>> -> memref<196x32xf32, #tpu.memory_space<hbm>>
      tpu.wait_dma2 semaphore(%run_scoped3A : memref<!tpu.dma_semaphore, #tpu.memory_space<semaphore_mem>>) src(%arg8 : memref<196x32xf32, #tpu.memory_space<vmem>>) dst(%dma_wait3A_217 : memref<196x32xf32, #tpu.memory_space<hbm>>)
      tpu.yield
    }) : () -> ()
    %mul3A_112 = arith.constant 3136 : i32
    %mul3A_113 = arith.muli %arg1, %mul3A_112 : i32
    %add3A_114 = arith.constant 784 : i32
    %add3A_115 = arith.addi %mul3A_113, %add3A_114 : i32
    "tpu.region"() ({
      %run_scoped3A = tpu.sem_alloc : memref<!tpu.dma_semaphore, #tpu.memory_space<semaphore_mem>>
      %dma_start3A = arith.constant 0 : i32
      %dma_start3A_208 = tpu.memref_slice %arg9[%add3A_115, %dma_start3A] : memref<50176x32xf32, #tpu.memory_space<vmem_shared>> -> memref<196x32xf32, #tpu.memory_space<vmem_shared>>
      %dma_start3A_209 = arith.constant 0 : i32
      %dma_start3A_210 = tpu.memref_slice %arg9[%add3A_115, %dma_start3A_209] : memref<50176x32xf32, #tpu.memory_space<vmem_shared>> -> memref<196x32xf32, #tpu.memory_space<vmem_shared>>
      tpu.enqueue_dma source(%dma_start3A_210 : memref<196x32xf32, #tpu.memory_space<vmem_shared>>) target(%arg8 : memref<196x32xf32, #tpu.memory_space<vmem>>) target_semaphore(%run_scoped3A : memref<!tpu.dma_semaphore, #tpu.memory_space<semaphore_mem>>)
      %dma_wait3A = arith.constant 0 : i32
      %dma_wait3A_211 = tpu.memref_slice %arg9[%add3A_115, %dma_wait3A] : memref<50176x32xf32, #tpu.memory_space<vmem_shared>> -> memref<196x32xf32, #tpu.memory_space<vmem_shared>>
      %dma_wait3A_212 = arith.constant 0 : i32
      %dma_wait3A_213 = tpu.memref_slice %arg9[%add3A_115, %dma_wait3A_212] : memref<50176x32xf32, #tpu.memory_space<vmem_shared>> -> memref<196x32xf32, #tpu.memory_space<vmem_shared>>
      tpu.wait_dma2 semaphore(%run_scoped3A : memref<!tpu.dma_semaphore, #tpu.memory_space<semaphore_mem>>) src(%dma_wait3A_213 : memref<196x32xf32, #tpu.memory_space<vmem_shared>>) dst(%arg8 : memref<196x32xf32, #tpu.memory_space<vmem>>)
      tpu.yield
    }) : () -> ()
    %mul3A_116 = arith.constant 3136 : i32
    %mul3A_117 = arith.muli %arg1, %mul3A_116 : i32
    %add3A_118 = arith.constant 784 : i32
    %add3A_119 = arith.addi %mul3A_117, %add3A_118 : i32
    "tpu.region"() ({
      %run_scoped3A = tpu.sem_alloc : memref<!tpu.dma_semaphore, #tpu.memory_space<semaphore_mem>>
      %dma_start3A = arith.constant 0 : i32
      %dma_start3A_208 = tpu.memref_slice %arg4[%arg0, %add3A_119, %dma_start3A] : memref<2x50176x32xf32, #tpu.memory_space<hbm>> -> memref<1x196x32xf32, #tpu.memory_space<hbm>>
      %dma_start3A_209 = tpu.memref_squeeze %dma_start3A_208 : memref<1x196x32xf32, #tpu.memory_space<hbm>> -> memref<196x32xf32, #tpu.memory_space<hbm>>
      %dma_start3A_210 = arith.constant 0 : i32
      %dma_start3A_211 = tpu.memref_slice %arg4[%arg0, %add3A_119, %dma_start3A_210] : memref<2x50176x32xf32, #tpu.memory_space<hbm>> -> memref<1x196x32xf32, #tpu.memory_space<hbm>>
      %dma_start3A_212 = tpu.memref_squeeze %dma_start3A_211 : memref<1x196x32xf32, #tpu.memory_space<hbm>> -> memref<196x32xf32, #tpu.memory_space<hbm>>
      tpu.enqueue_dma source(%arg8 : memref<196x32xf32, #tpu.memory_space<vmem>>) target(%dma_start3A_212 : memref<196x32xf32, #tpu.memory_space<hbm>>) target_semaphore(%run_scoped3A : memref<!tpu.dma_semaphore, #tpu.memory_space<semaphore_mem>>)
      %dma_wait3A = arith.constant 0 : i32
      %dma_wait3A_213 = tpu.memref_slice %arg4[%arg0, %add3A_119, %dma_wait3A] : memref<2x50176x32xf32, #tpu.memory_space<hbm>> -> memref<1x196x32xf32, #tpu.memory_space<hbm>>
      %dma_wait3A_214 = tpu.memref_squeeze %dma_wait3A_213 : memref<1x196x32xf32, #tpu.memory_space<hbm>> -> memref<196x32xf32, #tpu.memory_space<hbm>>
      %dma_wait3A_215 = arith.constant 0 : i32
      %dma_wait3A_216 = tpu.memref_slice %arg4[%arg0, %add3A_119, %dma_wait3A_215] : memref<2x50176x32xf32, #tpu.memory_space<hbm>> -> memref<1x196x32xf32, #tpu.memory_space<hbm>>
      %dma_wait3A_217 = tpu.memref_squeeze %dma_wait3A_216 : memref<1x196x32xf32, #tpu.memory_space<hbm>> -> memref<196x32xf32, #tpu.memory_space<hbm>>
      tpu.wait_dma2 semaphore(%run_scoped3A : memref<!tpu.dma_semaphore, #tpu.memory_space<semaphore_mem>>) src(%arg8 : memref<196x32xf32, #tpu.memory_space<vmem>>) dst(%dma_wait3A_217 : memref<196x32xf32, #tpu.memory_space<hbm>>)
      tpu.yield
    }) : () -> ()
    %mul3A_120 = arith.constant 3136 : i32
    %mul3A_121 = arith.muli %arg1, %mul3A_120 : i32
    %add3A_122 = arith.constant 980 : i32
    %add3A_123 = arith.addi %mul3A_121, %add3A_122 : i32
    "tpu.region"() ({
      %run_scoped3A = tpu.sem_alloc : memref<!tpu.dma_semaphore, #tpu.memory_space<semaphore_mem>>
      %dma_start3A = arith.constant 0 : i32
      %dma_start3A_208 = tpu.memref_slice %arg9[%add3A_123, %dma_start3A] : memref<50176x32xf32, #tpu.memory_space<vmem_shared>> -> memref<196x32xf32, #tpu.memory_space<vmem_shared>>
      %dma_start3A_209 = arith.constant 0 : i32
      %dma_start3A_210 = tpu.memref_slice %arg9[%add3A_123, %dma_start3A_209] : memref<50176x32xf32, #tpu.memory_space<vmem_shared>> -> memref<196x32xf32, #tpu.memory_space<vmem_shared>>
      tpu.enqueue_dma source(%dma_start3A_210 : memref<196x32xf32, #tpu.memory_space<vmem_shared>>) target(%arg8 : memref<196x32xf32, #tpu.memory_space<vmem>>) target_semaphore(%run_scoped3A : memref<!tpu.dma_semaphore, #tpu.memory_space<semaphore_mem>>)
      %dma_wait3A = arith.constant 0 : i32
      %dma_wait3A_211 = tpu.memref_slice %arg9[%add3A_123, %dma_wait3A] : memref<50176x32xf32, #tpu.memory_space<vmem_shared>> -> memref<196x32xf32, #tpu.memory_space<vmem_shared>>
      %dma_wait3A_212 = arith.constant 0 : i32
      %dma_wait3A_213 = tpu.memref_slice %arg9[%add3A_123, %dma_wait3A_212] : memref<50176x32xf32, #tpu.memory_space<vmem_shared>> -> memref<196x32xf32, #tpu.memory_space<vmem_shared>>
      tpu.wait_dma2 semaphore(%run_scoped3A : memref<!tpu.dma_semaphore, #tpu.memory_space<semaphore_mem>>) src(%dma_wait3A_213 : memref<196x32xf32, #tpu.memory_space<vmem_shared>>) dst(%arg8 : memref<196x32xf32, #tpu.memory_space<vmem>>)
      tpu.yield
    }) : () -> ()
    %mul3A_124 = arith.constant 3136 : i32
    %mul3A_125 = arith.muli %arg1, %mul3A_124 : i32
    %add3A_126 = arith.constant 980 : i32
    %add3A_127 = arith.addi %mul3A_125, %add3A_126 : i32
    "tpu.region"() ({
      %run_scoped3A = tpu.sem_alloc : memref<!tpu.dma_semaphore, #tpu.memory_space<semaphore_mem>>
      %dma_start3A = arith.constant 0 : i32
      %dma_start3A_208 = tpu.memref_slice %arg4[%arg0, %add3A_127, %dma_start3A] : memref<2x50176x32xf32, #tpu.memory_space<hbm>> -> memref<1x196x32xf32, #tpu.memory_space<hbm>>
      %dma_start3A_209 = tpu.memref_squeeze %dma_start3A_208 : memref<1x196x32xf32, #tpu.memory_space<hbm>> -> memref<196x32xf32, #tpu.memory_space<hbm>>
      %dma_start3A_210 = arith.constant 0 : i32
      %dma_start3A_211 = tpu.memref_slice %arg4[%arg0, %add3A_127, %dma_start3A_210] : memref<2x50176x32xf32, #tpu.memory_space<hbm>> -> memref<1x196x32xf32, #tpu.memory_space<hbm>>
      %dma_start3A_212 = tpu.memref_squeeze %dma_start3A_211 : memref<1x196x32xf32, #tpu.memory_space<hbm>> -> memref<196x32xf32, #tpu.memory_space<hbm>>
      tpu.enqueue_dma source(%arg8 : memref<196x32xf32, #tpu.memory_space<vmem>>) target(%dma_start3A_212 : memref<196x32xf32, #tpu.memory_space<hbm>>) target_semaphore(%run_scoped3A : memref<!tpu.dma_semaphore, #tpu.memory_space<semaphore_mem>>)
      %dma_wait3A = arith.constant 0 : i32
      %dma_wait3A_213 = tpu.memref_slice %arg4[%arg0, %add3A_127, %dma_wait3A] : memref<2x50176x32xf32, #tpu.memory_space<hbm>> -> memref<1x196x32xf32, #tpu.memory_space<hbm>>
      %dma_wait3A_214 = tpu.memref_squeeze %dma_wait3A_213 : memref<1x196x32xf32, #tpu.memory_space<hbm>> -> memref<196x32xf32, #tpu.memory_space<hbm>>
      %dma_wait3A_215 = arith.constant 0 : i32
      %dma_wait3A_216 = tpu.memref_slice %arg4[%arg0, %add3A_127, %dma_wait3A_215] : memref<2x50176x32xf32, #tpu.memory_space<hbm>> -> memref<1x196x32xf32, #tpu.memory_space<hbm>>
      %dma_wait3A_217 = tpu.memref_squeeze %dma_wait3A_216 : memref<1x196x32xf32, #tpu.memory_space<hbm>> -> memref<196x32xf32, #tpu.memory_space<hbm>>
      tpu.wait_dma2 semaphore(%run_scoped3A : memref<!tpu.dma_semaphore, #tpu.memory_space<semaphore_mem>>) src(%arg8 : memref<196x32xf32, #tpu.memory_space<vmem>>) dst(%dma_wait3A_217 : memref<196x32xf32, #tpu.memory_space<hbm>>)
      tpu.yield
    }) : () -> ()
    %mul3A_128 = arith.constant 3136 : i32
    %mul3A_129 = arith.muli %arg1, %mul3A_128 : i32
    %add3A_130 = arith.constant 1176 : i32
    %add3A_131 = arith.addi %mul3A_129, %add3A_130 : i32
    "tpu.region"() ({
      %run_scoped3A = tpu.sem_alloc : memref<!tpu.dma_semaphore, #tpu.memory_space<semaphore_mem>>
      %dma_start3A = arith.constant 0 : i32
      %dma_start3A_208 = tpu.memref_slice %arg9[%add3A_131, %dma_start3A] : memref<50176x32xf32, #tpu.memory_space<vmem_shared>> -> memref<196x32xf32, #tpu.memory_space<vmem_shared>>
      %dma_start3A_209 = arith.constant 0 : i32
      %dma_start3A_210 = tpu.memref_slice %arg9[%add3A_131, %dma_start3A_209] : memref<50176x32xf32, #tpu.memory_space<vmem_shared>> -> memref<196x32xf32, #tpu.memory_space<vmem_shared>>
      tpu.enqueue_dma source(%dma_start3A_210 : memref<196x32xf32, #tpu.memory_space<vmem_shared>>) target(%arg8 : memref<196x32xf32, #tpu.memory_space<vmem>>) target_semaphore(%run_scoped3A : memref<!tpu.dma_semaphore, #tpu.memory_space<semaphore_mem>>)
      %dma_wait3A = arith.constant 0 : i32
      %dma_wait3A_211 = tpu.memref_slice %arg9[%add3A_131, %dma_wait3A] : memref<50176x32xf32, #tpu.memory_space<vmem_shared>> -> memref<196x32xf32, #tpu.memory_space<vmem_shared>>
      %dma_wait3A_212 = arith.constant 0 : i32
      %dma_wait3A_213 = tpu.memref_slice %arg9[%add3A_131, %dma_wait3A_212] : memref<50176x32xf32, #tpu.memory_space<vmem_shared>> -> memref<196x32xf32, #tpu.memory_space<vmem_shared>>
      tpu.wait_dma2 semaphore(%run_scoped3A : memref<!tpu.dma_semaphore, #tpu.memory_space<semaphore_mem>>) src(%dma_wait3A_213 : memref<196x32xf32, #tpu.memory_space<vmem_shared>>) dst(%arg8 : memref<196x32xf32, #tpu.memory_space<vmem>>)
      tpu.yield
    }) : () -> ()
    %mul3A_132 = arith.constant 3136 : i32
    %mul3A_133 = arith.muli %arg1, %mul3A_132 : i32
    %add3A_134 = arith.constant 1176 : i32
    %add3A_135 = arith.addi %mul3A_133, %add3A_134 : i32
    "tpu.region"() ({
      %run_scoped3A = tpu.sem_alloc : memref<!tpu.dma_semaphore, #tpu.memory_space<semaphore_mem>>
      %dma_start3A = arith.constant 0 : i32
      %dma_start3A_208 = tpu.memref_slice %arg4[%arg0, %add3A_135, %dma_start3A] : memref<2x50176x32xf32, #tpu.memory_space<hbm>> -> memref<1x196x32xf32, #tpu.memory_space<hbm>>
      %dma_start3A_209 = tpu.memref_squeeze %dma_start3A_208 : memref<1x196x32xf32, #tpu.memory_space<hbm>> -> memref<196x32xf32, #tpu.memory_space<hbm>>
      %dma_start3A_210 = arith.constant 0 : i32
      %dma_start3A_211 = tpu.memref_slice %arg4[%arg0, %add3A_135, %dma_start3A_210] : memref<2x50176x32xf32, #tpu.memory_space<hbm>> -> memref<1x196x32xf32, #tpu.memory_space<hbm>>
      %dma_start3A_212 = tpu.memref_squeeze %dma_start3A_211 : memref<1x196x32xf32, #tpu.memory_space<hbm>> -> memref<196x32xf32, #tpu.memory_space<hbm>>
      tpu.enqueue_dma source(%arg8 : memref<196x32xf32, #tpu.memory_space<vmem>>) target(%dma_start3A_212 : memref<196x32xf32, #tpu.memory_space<hbm>>) target_semaphore(%run_scoped3A : memref<!tpu.dma_semaphore, #tpu.memory_space<semaphore_mem>>)
      %dma_wait3A = arith.constant 0 : i32
      %dma_wait3A_213 = tpu.memref_slice %arg4[%arg0, %add3A_135, %dma_wait3A] : memref<2x50176x32xf32, #tpu.memory_space<hbm>> -> memref<1x196x32xf32, #tpu.memory_space<hbm>>
      %dma_wait3A_214 = tpu.memref_squeeze %dma_wait3A_213 : memref<1x196x32xf32, #tpu.memory_space<hbm>> -> memref<196x32xf32, #tpu.memory_space<hbm>>
      %dma_wait3A_215 = arith.constant 0 : i32
      %dma_wait3A_216 = tpu.memref_slice %arg4[%arg0, %add3A_135, %dma_wait3A_215] : memref<2x50176x32xf32, #tpu.memory_space<hbm>> -> memref<1x196x32xf32, #tpu.memory_space<hbm>>
      %dma_wait3A_217 = tpu.memref_squeeze %dma_wait3A_216 : memref<1x196x32xf32, #tpu.memory_space<hbm>> -> memref<196x32xf32, #tpu.memory_space<hbm>>
      tpu.wait_dma2 semaphore(%run_scoped3A : memref<!tpu.dma_semaphore, #tpu.memory_space<semaphore_mem>>) src(%arg8 : memref<196x32xf32, #tpu.memory_space<vmem>>) dst(%dma_wait3A_217 : memref<196x32xf32, #tpu.memory_space<hbm>>)
      tpu.yield
    }) : () -> ()
    %mul3A_136 = arith.constant 3136 : i32
    %mul3A_137 = arith.muli %arg1, %mul3A_136 : i32
    %add3A_138 = arith.constant 1372 : i32
    %add3A_139 = arith.addi %mul3A_137, %add3A_138 : i32
    "tpu.region"() ({
      %run_scoped3A = tpu.sem_alloc : memref<!tpu.dma_semaphore, #tpu.memory_space<semaphore_mem>>
      %dma_start3A = arith.constant 0 : i32
      %dma_start3A_208 = tpu.memref_slice %arg9[%add3A_139, %dma_start3A] : memref<50176x32xf32, #tpu.memory_space<vmem_shared>> -> memref<196x32xf32, #tpu.memory_space<vmem_shared>>
      %dma_start3A_209 = arith.constant 0 : i32
      %dma_start3A_210 = tpu.memref_slice %arg9[%add3A_139, %dma_start3A_209] : memref<50176x32xf32, #tpu.memory_space<vmem_shared>> -> memref<196x32xf32, #tpu.memory_space<vmem_shared>>
      tpu.enqueue_dma source(%dma_start3A_210 : memref<196x32xf32, #tpu.memory_space<vmem_shared>>) target(%arg8 : memref<196x32xf32, #tpu.memory_space<vmem>>) target_semaphore(%run_scoped3A : memref<!tpu.dma_semaphore, #tpu.memory_space<semaphore_mem>>)
      %dma_wait3A = arith.constant 0 : i32
      %dma_wait3A_211 = tpu.memref_slice %arg9[%add3A_139, %dma_wait3A] : memref<50176x32xf32, #tpu.memory_space<vmem_shared>> -> memref<196x32xf32, #tpu.memory_space<vmem_shared>>
      %dma_wait3A_212 = arith.constant 0 : i32
      %dma_wait3A_213 = tpu.memref_slice %arg9[%add3A_139, %dma_wait3A_212] : memref<50176x32xf32, #tpu.memory_space<vmem_shared>> -> memref<196x32xf32, #tpu.memory_space<vmem_shared>>
      tpu.wait_dma2 semaphore(%run_scoped3A : memref<!tpu.dma_semaphore, #tpu.memory_space<semaphore_mem>>) src(%dma_wait3A_213 : memref<196x32xf32, #tpu.memory_space<vmem_shared>>) dst(%arg8 : memref<196x32xf32, #tpu.memory_space<vmem>>)
      tpu.yield
    }) : () -> ()
    %mul3A_140 = arith.constant 3136 : i32
    %mul3A_141 = arith.muli %arg1, %mul3A_140 : i32
    %add3A_142 = arith.constant 1372 : i32
    %add3A_143 = arith.addi %mul3A_141, %add3A_142 : i32
    "tpu.region"() ({
      %run_scoped3A = tpu.sem_alloc : memref<!tpu.dma_semaphore, #tpu.memory_space<semaphore_mem>>
      %dma_start3A = arith.constant 0 : i32
      %dma_start3A_208 = tpu.memref_slice %arg4[%arg0, %add3A_143, %dma_start3A] : memref<2x50176x32xf32, #tpu.memory_space<hbm>> -> memref<1x196x32xf32, #tpu.memory_space<hbm>>
      %dma_start3A_209 = tpu.memref_squeeze %dma_start3A_208 : memref<1x196x32xf32, #tpu.memory_space<hbm>> -> memref<196x32xf32, #tpu.memory_space<hbm>>
      %dma_start3A_210 = arith.constant 0 : i32
      %dma_start3A_211 = tpu.memref_slice %arg4[%arg0, %add3A_143, %dma_start3A_210] : memref<2x50176x32xf32, #tpu.memory_space<hbm>> -> memref<1x196x32xf32, #tpu.memory_space<hbm>>
      %dma_start3A_212 = tpu.memref_squeeze %dma_start3A_211 : memref<1x196x32xf32, #tpu.memory_space<hbm>> -> memref<196x32xf32, #tpu.memory_space<hbm>>
      tpu.enqueue_dma source(%arg8 : memref<196x32xf32, #tpu.memory_space<vmem>>) target(%dma_start3A_212 : memref<196x32xf32, #tpu.memory_space<hbm>>) target_semaphore(%run_scoped3A : memref<!tpu.dma_semaphore, #tpu.memory_space<semaphore_mem>>)
      %dma_wait3A = arith.constant 0 : i32
      %dma_wait3A_213 = tpu.memref_slice %arg4[%arg0, %add3A_143, %dma_wait3A] : memref<2x50176x32xf32, #tpu.memory_space<hbm>> -> memref<1x196x32xf32, #tpu.memory_space<hbm>>
      %dma_wait3A_214 = tpu.memref_squeeze %dma_wait3A_213 : memref<1x196x32xf32, #tpu.memory_space<hbm>> -> memref<196x32xf32, #tpu.memory_space<hbm>>
      %dma_wait3A_215 = arith.constant 0 : i32
      %dma_wait3A_216 = tpu.memref_slice %arg4[%arg0, %add3A_143, %dma_wait3A_215] : memref<2x50176x32xf32, #tpu.memory_space<hbm>> -> memref<1x196x32xf32, #tpu.memory_space<hbm>>
      %dma_wait3A_217 = tpu.memref_squeeze %dma_wait3A_216 : memref<1x196x32xf32, #tpu.memory_space<hbm>> -> memref<196x32xf32, #tpu.memory_space<hbm>>
      tpu.wait_dma2 semaphore(%run_scoped3A : memref<!tpu.dma_semaphore, #tpu.memory_space<semaphore_mem>>) src(%arg8 : memref<196x32xf32, #tpu.memory_space<vmem>>) dst(%dma_wait3A_217 : memref<196x32xf32, #tpu.memory_space<hbm>>)
      tpu.yield
    }) : () -> ()
    %mul3A_144 = arith.constant 3136 : i32
    %mul3A_145 = arith.muli %arg1, %mul3A_144 : i32
    %add3A_146 = arith.constant 1568 : i32
    %add3A_147 = arith.addi %mul3A_145, %add3A_146 : i32
    "tpu.region"() ({
      %run_scoped3A = tpu.sem_alloc : memref<!tpu.dma_semaphore, #tpu.memory_space<semaphore_mem>>
      %dma_start3A = arith.constant 0 : i32
      %dma_start3A_208 = tpu.memref_slice %arg9[%add3A_147, %dma_start3A] : memref<50176x32xf32, #tpu.memory_space<vmem_shared>> -> memref<196x32xf32, #tpu.memory_space<vmem_shared>>
      %dma_start3A_209 = arith.constant 0 : i32
      %dma_start3A_210 = tpu.memref_slice %arg9[%add3A_147, %dma_start3A_209] : memref<50176x32xf32, #tpu.memory_space<vmem_shared>> -> memref<196x32xf32, #tpu.memory_space<vmem_shared>>
      tpu.enqueue_dma source(%dma_start3A_210 : memref<196x32xf32, #tpu.memory_space<vmem_shared>>) target(%arg8 : memref<196x32xf32, #tpu.memory_space<vmem>>) target_semaphore(%run_scoped3A : memref<!tpu.dma_semaphore, #tpu.memory_space<semaphore_mem>>)
      %dma_wait3A = arith.constant 0 : i32
      %dma_wait3A_211 = tpu.memref_slice %arg9[%add3A_147, %dma_wait3A] : memref<50176x32xf32, #tpu.memory_space<vmem_shared>> -> memref<196x32xf32, #tpu.memory_space<vmem_shared>>
      %dma_wait3A_212 = arith.constant 0 : i32
      %dma_wait3A_213 = tpu.memref_slice %arg9[%add3A_147, %dma_wait3A_212] : memref<50176x32xf32, #tpu.memory_space<vmem_shared>> -> memref<196x32xf32, #tpu.memory_space<vmem_shared>>
      tpu.wait_dma2 semaphore(%run_scoped3A : memref<!tpu.dma_semaphore, #tpu.memory_space<semaphore_mem>>) src(%dma_wait3A_213 : memref<196x32xf32, #tpu.memory_space<vmem_shared>>) dst(%arg8 : memref<196x32xf32, #tpu.memory_space<vmem>>)
      tpu.yield
    }) : () -> ()
    %mul3A_148 = arith.constant 3136 : i32
    %mul3A_149 = arith.muli %arg1, %mul3A_148 : i32
    %add3A_150 = arith.constant 1568 : i32
    %add3A_151 = arith.addi %mul3A_149, %add3A_150 : i32
    "tpu.region"() ({
      %run_scoped3A = tpu.sem_alloc : memref<!tpu.dma_semaphore, #tpu.memory_space<semaphore_mem>>
      %dma_start3A = arith.constant 0 : i32
      %dma_start3A_208 = tpu.memref_slice %arg4[%arg0, %add3A_151, %dma_start3A] : memref<2x50176x32xf32, #tpu.memory_space<hbm>> -> memref<1x196x32xf32, #tpu.memory_space<hbm>>
      %dma_start3A_209 = tpu.memref_squeeze %dma_start3A_208 : memref<1x196x32xf32, #tpu.memory_space<hbm>> -> memref<196x32xf32, #tpu.memory_space<hbm>>
      %dma_start3A_210 = arith.constant 0 : i32
      %dma_start3A_211 = tpu.memref_slice %arg4[%arg0, %add3A_151, %dma_start3A_210] : memref<2x50176x32xf32, #tpu.memory_space<hbm>> -> memref<1x196x32xf32, #tpu.memory_space<hbm>>
      %dma_start3A_212 = tpu.memref_squeeze %dma_start3A_211 : memref<1x196x32xf32, #tpu.memory_space<hbm>> -> memref<196x32xf32, #tpu.memory_space<hbm>>
      tpu.enqueue_dma source(%arg8 : memref<196x32xf32, #tpu.memory_space<vmem>>) target(%dma_start3A_212 : memref<196x32xf32, #tpu.memory_space<hbm>>) target_semaphore(%run_scoped3A : memref<!tpu.dma_semaphore, #tpu.memory_space<semaphore_mem>>)
      %dma_wait3A = arith.constant 0 : i32
      %dma_wait3A_213 = tpu.memref_slice %arg4[%arg0, %add3A_151, %dma_wait3A] : memref<2x50176x32xf32, #tpu.memory_space<hbm>> -> memref<1x196x32xf32, #tpu.memory_space<hbm>>
      %dma_wait3A_214 = tpu.memref_squeeze %dma_wait3A_213 : memref<1x196x32xf32, #tpu.memory_space<hbm>> -> memref<196x32xf32, #tpu.memory_space<hbm>>
      %dma_wait3A_215 = arith.constant 0 : i32
      %dma_wait3A_216 = tpu.memref_slice %arg4[%arg0, %add3A_151, %dma_wait3A_215] : memref<2x50176x32xf32, #tpu.memory_space<hbm>> -> memref<1x196x32xf32, #tpu.memory_space<hbm>>
      %dma_wait3A_217 = tpu.memref_squeeze %dma_wait3A_216 : memref<1x196x32xf32, #tpu.memory_space<hbm>> -> memref<196x32xf32, #tpu.memory_space<hbm>>
      tpu.wait_dma2 semaphore(%run_scoped3A : memref<!tpu.dma_semaphore, #tpu.memory_space<semaphore_mem>>) src(%arg8 : memref<196x32xf32, #tpu.memory_space<vmem>>) dst(%dma_wait3A_217 : memref<196x32xf32, #tpu.memory_space<hbm>>)
      tpu.yield
    }) : () -> ()
    %mul3A_152 = arith.constant 3136 : i32
    %mul3A_153 = arith.muli %arg1, %mul3A_152 : i32
    %add3A_154 = arith.constant 1764 : i32
    %add3A_155 = arith.addi %mul3A_153, %add3A_154 : i32
    "tpu.region"() ({
      %run_scoped3A = tpu.sem_alloc : memref<!tpu.dma_semaphore, #tpu.memory_space<semaphore_mem>>
      %dma_start3A = arith.constant 0 : i32
      %dma_start3A_208 = tpu.memref_slice %arg9[%add3A_155, %dma_start3A] : memref<50176x32xf32, #tpu.memory_space<vmem_shared>> -> memref<196x32xf32, #tpu.memory_space<vmem_shared>>
      %dma_start3A_209 = arith.constant 0 : i32
      %dma_start3A_210 = tpu.memref_slice %arg9[%add3A_155, %dma_start3A_209] : memref<50176x32xf32, #tpu.memory_space<vmem_shared>> -> memref<196x32xf32, #tpu.memory_space<vmem_shared>>
      tpu.enqueue_dma source(%dma_start3A_210 : memref<196x32xf32, #tpu.memory_space<vmem_shared>>) target(%arg8 : memref<196x32xf32, #tpu.memory_space<vmem>>) target_semaphore(%run_scoped3A : memref<!tpu.dma_semaphore, #tpu.memory_space<semaphore_mem>>)
      %dma_wait3A = arith.constant 0 : i32
      %dma_wait3A_211 = tpu.memref_slice %arg9[%add3A_155, %dma_wait3A] : memref<50176x32xf32, #tpu.memory_space<vmem_shared>> -> memref<196x32xf32, #tpu.memory_space<vmem_shared>>
      %dma_wait3A_212 = arith.constant 0 : i32
      %dma_wait3A_213 = tpu.memref_slice %arg9[%add3A_155, %dma_wait3A_212] : memref<50176x32xf32, #tpu.memory_space<vmem_shared>> -> memref<196x32xf32, #tpu.memory_space<vmem_shared>>
      tpu.wait_dma2 semaphore(%run_scoped3A : memref<!tpu.dma_semaphore, #tpu.memory_space<semaphore_mem>>) src(%dma_wait3A_213 : memref<196x32xf32, #tpu.memory_space<vmem_shared>>) dst(%arg8 : memref<196x32xf32, #tpu.memory_space<vmem>>)
      tpu.yield
    }) : () -> ()
    %mul3A_156 = arith.constant 3136 : i32
    %mul3A_157 = arith.muli %arg1, %mul3A_156 : i32
    %add3A_158 = arith.constant 1764 : i32
    %add3A_159 = arith.addi %mul3A_157, %add3A_158 : i32
    "tpu.region"() ({
      %run_scoped3A = tpu.sem_alloc : memref<!tpu.dma_semaphore, #tpu.memory_space<semaphore_mem>>
      %dma_start3A = arith.constant 0 : i32
      %dma_start3A_208 = tpu.memref_slice %arg4[%arg0, %add3A_159, %dma_start3A] : memref<2x50176x32xf32, #tpu.memory_space<hbm>> -> memref<1x196x32xf32, #tpu.memory_space<hbm>>
      %dma_start3A_209 = tpu.memref_squeeze %dma_start3A_208 : memref<1x196x32xf32, #tpu.memory_space<hbm>> -> memref<196x32xf32, #tpu.memory_space<hbm>>
      %dma_start3A_210 = arith.constant 0 : i32
      %dma_start3A_211 = tpu.memref_slice %arg4[%arg0, %add3A_159, %dma_start3A_210] : memref<2x50176x32xf32, #tpu.memory_space<hbm>> -> memref<1x196x32xf32, #tpu.memory_space<hbm>>
      %dma_start3A_212 = tpu.memref_squeeze %dma_start3A_211 : memref<1x196x32xf32, #tpu.memory_space<hbm>> -> memref<196x32xf32, #tpu.memory_space<hbm>>
      tpu.enqueue_dma source(%arg8 : memref<196x32xf32, #tpu.memory_space<vmem>>) target(%dma_start3A_212 : memref<196x32xf32, #tpu.memory_space<hbm>>) target_semaphore(%run_scoped3A : memref<!tpu.dma_semaphore, #tpu.memory_space<semaphore_mem>>)
      %dma_wait3A = arith.constant 0 : i32
      %dma_wait3A_213 = tpu.memref_slice %arg4[%arg0, %add3A_159, %dma_wait3A] : memref<2x50176x32xf32, #tpu.memory_space<hbm>> -> memref<1x196x32xf32, #tpu.memory_space<hbm>>
      %dma_wait3A_214 = tpu.memref_squeeze %dma_wait3A_213 : memref<1x196x32xf32, #tpu.memory_space<hbm>> -> memref<196x32xf32, #tpu.memory_space<hbm>>
      %dma_wait3A_215 = arith.constant 0 : i32
      %dma_wait3A_216 = tpu.memref_slice %arg4[%arg0, %add3A_159, %dma_wait3A_215] : memref<2x50176x32xf32, #tpu.memory_space<hbm>> -> memref<1x196x32xf32, #tpu.memory_space<hbm>>
      %dma_wait3A_217 = tpu.memref_squeeze %dma_wait3A_216 : memref<1x196x32xf32, #tpu.memory_space<hbm>> -> memref<196x32xf32, #tpu.memory_space<hbm>>
      tpu.wait_dma2 semaphore(%run_scoped3A : memref<!tpu.dma_semaphore, #tpu.memory_space<semaphore_mem>>) src(%arg8 : memref<196x32xf32, #tpu.memory_space<vmem>>) dst(%dma_wait3A_217 : memref<196x32xf32, #tpu.memory_space<hbm>>)
      tpu.yield
    }) : () -> ()
    %mul3A_160 = arith.constant 3136 : i32
    %mul3A_161 = arith.muli %arg1, %mul3A_160 : i32
    %add3A_162 = arith.constant 1960 : i32
    %add3A_163 = arith.addi %mul3A_161, %add3A_162 : i32
    "tpu.region"() ({
      %run_scoped3A = tpu.sem_alloc : memref<!tpu.dma_semaphore, #tpu.memory_space<semaphore_mem>>
      %dma_start3A = arith.constant 0 : i32
      %dma_start3A_208 = tpu.memref_slice %arg9[%add3A_163, %dma_start3A] : memref<50176x32xf32, #tpu.memory_space<vmem_shared>> -> memref<196x32xf32, #tpu.memory_space<vmem_shared>>
      %dma_start3A_209 = arith.constant 0 : i32
      %dma_start3A_210 = tpu.memref_slice %arg9[%add3A_163, %dma_start3A_209] : memref<50176x32xf32, #tpu.memory_space<vmem_shared>> -> memref<196x32xf32, #tpu.memory_space<vmem_shared>>
      tpu.enqueue_dma source(%dma_start3A_210 : memref<196x32xf32, #tpu.memory_space<vmem_shared>>) target(%arg8 : memref<196x32xf32, #tpu.memory_space<vmem>>) target_semaphore(%run_scoped3A : memref<!tpu.dma_semaphore, #tpu.memory_space<semaphore_mem>>)
      %dma_wait3A = arith.constant 0 : i32
      %dma_wait3A_211 = tpu.memref_slice %arg9[%add3A_163, %dma_wait3A] : memref<50176x32xf32, #tpu.memory_space<vmem_shared>> -> memref<196x32xf32, #tpu.memory_space<vmem_shared>>
      %dma_wait3A_212 = arith.constant 0 : i32
      %dma_wait3A_213 = tpu.memref_slice %arg9[%add3A_163, %dma_wait3A_212] : memref<50176x32xf32, #tpu.memory_space<vmem_shared>> -> memref<196x32xf32, #tpu.memory_space<vmem_shared>>
      tpu.wait_dma2 semaphore(%run_scoped3A : memref<!tpu.dma_semaphore, #tpu.memory_space<semaphore_mem>>) src(%dma_wait3A_213 : memref<196x32xf32, #tpu.memory_space<vmem_shared>>) dst(%arg8 : memref<196x32xf32, #tpu.memory_space<vmem>>)
      tpu.yield
    }) : () -> ()
    %mul3A_164 = arith.constant 3136 : i32
    %mul3A_165 = arith.muli %arg1, %mul3A_164 : i32
    %add3A_166 = arith.constant 1960 : i32
    %add3A_167 = arith.addi %mul3A_165, %add3A_166 : i32
    "tpu.region"() ({
      %run_scoped3A = tpu.sem_alloc : memref<!tpu.dma_semaphore, #tpu.memory_space<semaphore_mem>>
      %dma_start3A = arith.constant 0 : i32
      %dma_start3A_208 = tpu.memref_slice %arg4[%arg0, %add3A_167, %dma_start3A] : memref<2x50176x32xf32, #tpu.memory_space<hbm>> -> memref<1x196x32xf32, #tpu.memory_space<hbm>>
      %dma_start3A_209 = tpu.memref_squeeze %dma_start3A_208 : memref<1x196x32xf32, #tpu.memory_space<hbm>> -> memref<196x32xf32, #tpu.memory_space<hbm>>
      %dma_start3A_210 = arith.constant 0 : i32
      %dma_start3A_211 = tpu.memref_slice %arg4[%arg0, %add3A_167, %dma_start3A_210] : memref<2x50176x32xf32, #tpu.memory_space<hbm>> -> memref<1x196x32xf32, #tpu.memory_space<hbm>>
      %dma_start3A_212 = tpu.memref_squeeze %dma_start3A_211 : memref<1x196x32xf32, #tpu.memory_space<hbm>> -> memref<196x32xf32, #tpu.memory_space<hbm>>
      tpu.enqueue_dma source(%arg8 : memref<196x32xf32, #tpu.memory_space<vmem>>) target(%dma_start3A_212 : memref<196x32xf32, #tpu.memory_space<hbm>>) target_semaphore(%run_scoped3A : memref<!tpu.dma_semaphore, #tpu.memory_space<semaphore_mem>>)
      %dma_wait3A = arith.constant 0 : i32
      %dma_wait3A_213 = tpu.memref_slice %arg4[%arg0, %add3A_167, %dma_wait3A] : memref<2x50176x32xf32, #tpu.memory_space<hbm>> -> memref<1x196x32xf32, #tpu.memory_space<hbm>>
      %dma_wait3A_214 = tpu.memref_squeeze %dma_wait3A_213 : memref<1x196x32xf32, #tpu.memory_space<hbm>> -> memref<196x32xf32, #tpu.memory_space<hbm>>
      %dma_wait3A_215 = arith.constant 0 : i32
      %dma_wait3A_216 = tpu.memref_slice %arg4[%arg0, %add3A_167, %dma_wait3A_215] : memref<2x50176x32xf32, #tpu.memory_space<hbm>> -> memref<1x196x32xf32, #tpu.memory_space<hbm>>
      %dma_wait3A_217 = tpu.memref_squeeze %dma_wait3A_216 : memref<1x196x32xf32, #tpu.memory_space<hbm>> -> memref<196x32xf32, #tpu.memory_space<hbm>>
      tpu.wait_dma2 semaphore(%run_scoped3A : memref<!tpu.dma_semaphore, #tpu.memory_space<semaphore_mem>>) src(%arg8 : memref<196x32xf32, #tpu.memory_space<vmem>>) dst(%dma_wait3A_217 : memref<196x32xf32, #tpu.memory_space<hbm>>)
      tpu.yield
    }) : () -> ()
    %mul3A_168 = arith.constant 3136 : i32
    %mul3A_169 = arith.muli %arg1, %mul3A_168 : i32
    %add3A_170 = arith.constant 2156 : i32
    %add3A_171 = arith.addi %mul3A_169, %add3A_170 : i32
    "tpu.region"() ({
      %run_scoped3A = tpu.sem_alloc : memref<!tpu.dma_semaphore, #tpu.memory_space<semaphore_mem>>
      %dma_start3A = arith.constant 0 : i32
      %dma_start3A_208 = tpu.memref_slice %arg9[%add3A_171, %dma_start3A] : memref<50176x32xf32, #tpu.memory_space<vmem_shared>> -> memref<196x32xf32, #tpu.memory_space<vmem_shared>>
      %dma_start3A_209 = arith.constant 0 : i32
      %dma_start3A_210 = tpu.memref_slice %arg9[%add3A_171, %dma_start3A_209] : memref<50176x32xf32, #tpu.memory_space<vmem_shared>> -> memref<196x32xf32, #tpu.memory_space<vmem_shared>>
      tpu.enqueue_dma source(%dma_start3A_210 : memref<196x32xf32, #tpu.memory_space<vmem_shared>>) target(%arg8 : memref<196x32xf32, #tpu.memory_space<vmem>>) target_semaphore(%run_scoped3A : memref<!tpu.dma_semaphore, #tpu.memory_space<semaphore_mem>>)
      %dma_wait3A = arith.constant 0 : i32
      %dma_wait3A_211 = tpu.memref_slice %arg9[%add3A_171, %dma_wait3A] : memref<50176x32xf32, #tpu.memory_space<vmem_shared>> -> memref<196x32xf32, #tpu.memory_space<vmem_shared>>
      %dma_wait3A_212 = arith.constant 0 : i32
      %dma_wait3A_213 = tpu.memref_slice %arg9[%add3A_171, %dma_wait3A_212] : memref<50176x32xf32, #tpu.memory_space<vmem_shared>> -> memref<196x32xf32, #tpu.memory_space<vmem_shared>>
      tpu.wait_dma2 semaphore(%run_scoped3A : memref<!tpu.dma_semaphore, #tpu.memory_space<semaphore_mem>>) src(%dma_wait3A_213 : memref<196x32xf32, #tpu.memory_space<vmem_shared>>) dst(%arg8 : memref<196x32xf32, #tpu.memory_space<vmem>>)
      tpu.yield
    }) : () -> ()
    %mul3A_172 = arith.constant 3136 : i32
    %mul3A_173 = arith.muli %arg1, %mul3A_172 : i32
    %add3A_174 = arith.constant 2156 : i32
    %add3A_175 = arith.addi %mul3A_173, %add3A_174 : i32
    "tpu.region"() ({
      %run_scoped3A = tpu.sem_alloc : memref<!tpu.dma_semaphore, #tpu.memory_space<semaphore_mem>>
      %dma_start3A = arith.constant 0 : i32
      %dma_start3A_208 = tpu.memref_slice %arg4[%arg0, %add3A_175, %dma_start3A] : memref<2x50176x32xf32, #tpu.memory_space<hbm>> -> memref<1x196x32xf32, #tpu.memory_space<hbm>>
      %dma_start3A_209 = tpu.memref_squeeze %dma_start3A_208 : memref<1x196x32xf32, #tpu.memory_space<hbm>> -> memref<196x32xf32, #tpu.memory_space<hbm>>
      %dma_start3A_210 = arith.constant 0 : i32
      %dma_start3A_211 = tpu.memref_slice %arg4[%arg0, %add3A_175, %dma_start3A_210] : memref<2x50176x32xf32, #tpu.memory_space<hbm>> -> memref<1x196x32xf32, #tpu.memory_space<hbm>>
      %dma_start3A_212 = tpu.memref_squeeze %dma_start3A_211 : memref<1x196x32xf32, #tpu.memory_space<hbm>> -> memref<196x32xf32, #tpu.memory_space<hbm>>
      tpu.enqueue_dma source(%arg8 : memref<196x32xf32, #tpu.memory_space<vmem>>) target(%dma_start3A_212 : memref<196x32xf32, #tpu.memory_space<hbm>>) target_semaphore(%run_scoped3A : memref<!tpu.dma_semaphore, #tpu.memory_space<semaphore_mem>>)
      %dma_wait3A = arith.constant 0 : i32
      %dma_wait3A_213 = tpu.memref_slice %arg4[%arg0, %add3A_175, %dma_wait3A] : memref<2x50176x32xf32, #tpu.memory_space<hbm>> -> memref<1x196x32xf32, #tpu.memory_space<hbm>>
      %dma_wait3A_214 = tpu.memref_squeeze %dma_wait3A_213 : memref<1x196x32xf32, #tpu.memory_space<hbm>> -> memref<196x32xf32, #tpu.memory_space<hbm>>
      %dma_wait3A_215 = arith.constant 0 : i32
      %dma_wait3A_216 = tpu.memref_slice %arg4[%arg0, %add3A_175, %dma_wait3A_215] : memref<2x50176x32xf32, #tpu.memory_space<hbm>> -> memref<1x196x32xf32, #tpu.memory_space<hbm>>
      %dma_wait3A_217 = tpu.memref_squeeze %dma_wait3A_216 : memref<1x196x32xf32, #tpu.memory_space<hbm>> -> memref<196x32xf32, #tpu.memory_space<hbm>>
      tpu.wait_dma2 semaphore(%run_scoped3A : memref<!tpu.dma_semaphore, #tpu.memory_space<semaphore_mem>>) src(%arg8 : memref<196x32xf32, #tpu.memory_space<vmem>>) dst(%dma_wait3A_217 : memref<196x32xf32, #tpu.memory_space<hbm>>)
      tpu.yield
    }) : () -> ()
    %mul3A_176 = arith.constant 3136 : i32
    %mul3A_177 = arith.muli %arg1, %mul3A_176 : i32
    %add3A_178 = arith.constant 2352 : i32
    %add3A_179 = arith.addi %mul3A_177, %add3A_178 : i32
    "tpu.region"() ({
      %run_scoped3A = tpu.sem_alloc : memref<!tpu.dma_semaphore, #tpu.memory_space<semaphore_mem>>
      %dma_start3A = arith.constant 0 : i32
      %dma_start3A_208 = tpu.memref_slice %arg9[%add3A_179, %dma_start3A] : memref<50176x32xf32, #tpu.memory_space<vmem_shared>> -> memref<196x32xf32, #tpu.memory_space<vmem_shared>>
      %dma_start3A_209 = arith.constant 0 : i32
      %dma_start3A_210 = tpu.memref_slice %arg9[%add3A_179, %dma_start3A_209] : memref<50176x32xf32, #tpu.memory_space<vmem_shared>> -> memref<196x32xf32, #tpu.memory_space<vmem_shared>>
      tpu.enqueue_dma source(%dma_start3A_210 : memref<196x32xf32, #tpu.memory_space<vmem_shared>>) target(%arg8 : memref<196x32xf32, #tpu.memory_space<vmem>>) target_semaphore(%run_scoped3A : memref<!tpu.dma_semaphore, #tpu.memory_space<semaphore_mem>>)
      %dma_wait3A = arith.constant 0 : i32
      %dma_wait3A_211 = tpu.memref_slice %arg9[%add3A_179, %dma_wait3A] : memref<50176x32xf32, #tpu.memory_space<vmem_shared>> -> memref<196x32xf32, #tpu.memory_space<vmem_shared>>
      %dma_wait3A_212 = arith.constant 0 : i32
      %dma_wait3A_213 = tpu.memref_slice %arg9[%add3A_179, %dma_wait3A_212] : memref<50176x32xf32, #tpu.memory_space<vmem_shared>> -> memref<196x32xf32, #tpu.memory_space<vmem_shared>>
      tpu.wait_dma2 semaphore(%run_scoped3A : memref<!tpu.dma_semaphore, #tpu.memory_space<semaphore_mem>>) src(%dma_wait3A_213 : memref<196x32xf32, #tpu.memory_space<vmem_shared>>) dst(%arg8 : memref<196x32xf32, #tpu.memory_space<vmem>>)
      tpu.yield
    }) : () -> ()
    %mul3A_180 = arith.constant 3136 : i32
    %mul3A_181 = arith.muli %arg1, %mul3A_180 : i32
    %add3A_182 = arith.constant 2352 : i32
    %add3A_183 = arith.addi %mul3A_181, %add3A_182 : i32
    "tpu.region"() ({
      %run_scoped3A = tpu.sem_alloc : memref<!tpu.dma_semaphore, #tpu.memory_space<semaphore_mem>>
      %dma_start3A = arith.constant 0 : i32
      %dma_start3A_208 = tpu.memref_slice %arg4[%arg0, %add3A_183, %dma_start3A] : memref<2x50176x32xf32, #tpu.memory_space<hbm>> -> memref<1x196x32xf32, #tpu.memory_space<hbm>>
      %dma_start3A_209 = tpu.memref_squeeze %dma_start3A_208 : memref<1x196x32xf32, #tpu.memory_space<hbm>> -> memref<196x32xf32, #tpu.memory_space<hbm>>
      %dma_start3A_210 = arith.constant 0 : i32
      %dma_start3A_211 = tpu.memref_slice %arg4[%arg0, %add3A_183, %dma_start3A_210] : memref<2x50176x32xf32, #tpu.memory_space<hbm>> -> memref<1x196x32xf32, #tpu.memory_space<hbm>>
      %dma_start3A_212 = tpu.memref_squeeze %dma_start3A_211 : memref<1x196x32xf32, #tpu.memory_space<hbm>> -> memref<196x32xf32, #tpu.memory_space<hbm>>
      tpu.enqueue_dma source(%arg8 : memref<196x32xf32, #tpu.memory_space<vmem>>) target(%dma_start3A_212 : memref<196x32xf32, #tpu.memory_space<hbm>>) target_semaphore(%run_scoped3A : memref<!tpu.dma_semaphore, #tpu.memory_space<semaphore_mem>>)
      %dma_wait3A = arith.constant 0 : i32
      %dma_wait3A_213 = tpu.memref_slice %arg4[%arg0, %add3A_183, %dma_wait3A] : memref<2x50176x32xf32, #tpu.memory_space<hbm>> -> memref<1x196x32xf32, #tpu.memory_space<hbm>>
      %dma_wait3A_214 = tpu.memref_squeeze %dma_wait3A_213 : memref<1x196x32xf32, #tpu.memory_space<hbm>> -> memref<196x32xf32, #tpu.memory_space<hbm>>
      %dma_wait3A_215 = arith.constant 0 : i32
      %dma_wait3A_216 = tpu.memref_slice %arg4[%arg0, %add3A_183, %dma_wait3A_215] : memref<2x50176x32xf32, #tpu.memory_space<hbm>> -> memref<1x196x32xf32, #tpu.memory_space<hbm>>
      %dma_wait3A_217 = tpu.memref_squeeze %dma_wait3A_216 : memref<1x196x32xf32, #tpu.memory_space<hbm>> -> memref<196x32xf32, #tpu.memory_space<hbm>>
      tpu.wait_dma2 semaphore(%run_scoped3A : memref<!tpu.dma_semaphore, #tpu.memory_space<semaphore_mem>>) src(%arg8 : memref<196x32xf32, #tpu.memory_space<vmem>>) dst(%dma_wait3A_217 : memref<196x32xf32, #tpu.memory_space<hbm>>)
      tpu.yield
    }) : () -> ()
    %mul3A_184 = arith.constant 3136 : i32
    %mul3A_185 = arith.muli %arg1, %mul3A_184 : i32
    %add3A_186 = arith.constant 2548 : i32
    %add3A_187 = arith.addi %mul3A_185, %add3A_186 : i32
    "tpu.region"() ({
      %run_scoped3A = tpu.sem_alloc : memref<!tpu.dma_semaphore, #tpu.memory_space<semaphore_mem>>
      %dma_start3A = arith.constant 0 : i32
      %dma_start3A_208 = tpu.memref_slice %arg9[%add3A_187, %dma_start3A] : memref<50176x32xf32, #tpu.memory_space<vmem_shared>> -> memref<196x32xf32, #tpu.memory_space<vmem_shared>>
      %dma_start3A_209 = arith.constant 0 : i32
      %dma_start3A_210 = tpu.memref_slice %arg9[%add3A_187, %dma_start3A_209] : memref<50176x32xf32, #tpu.memory_space<vmem_shared>> -> memref<196x32xf32, #tpu.memory_space<vmem_shared>>
      tpu.enqueue_dma source(%dma_start3A_210 : memref<196x32xf32, #tpu.memory_space<vmem_shared>>) target(%arg8 : memref<196x32xf32, #tpu.memory_space<vmem>>) target_semaphore(%run_scoped3A : memref<!tpu.dma_semaphore, #tpu.memory_space<semaphore_mem>>)
      %dma_wait3A = arith.constant 0 : i32
      %dma_wait3A_211 = tpu.memref_slice %arg9[%add3A_187, %dma_wait3A] : memref<50176x32xf32, #tpu.memory_space<vmem_shared>> -> memref<196x32xf32, #tpu.memory_space<vmem_shared>>
      %dma_wait3A_212 = arith.constant 0 : i32
      %dma_wait3A_213 = tpu.memref_slice %arg9[%add3A_187, %dma_wait3A_212] : memref<50176x32xf32, #tpu.memory_space<vmem_shared>> -> memref<196x32xf32, #tpu.memory_space<vmem_shared>>
      tpu.wait_dma2 semaphore(%run_scoped3A : memref<!tpu.dma_semaphore, #tpu.memory_space<semaphore_mem>>) src(%dma_wait3A_213 : memref<196x32xf32, #tpu.memory_space<vmem_shared>>) dst(%arg8 : memref<196x32xf32, #tpu.memory_space<vmem>>)
      tpu.yield
    }) : () -> ()
    %mul3A_188 = arith.constant 3136 : i32
    %mul3A_189 = arith.muli %arg1, %mul3A_188 : i32
    %add3A_190 = arith.constant 2548 : i32
    %add3A_191 = arith.addi %mul3A_189, %add3A_190 : i32
    "tpu.region"() ({
      %run_scoped3A = tpu.sem_alloc : memref<!tpu.dma_semaphore, #tpu.memory_space<semaphore_mem>>
      %dma_start3A = arith.constant 0 : i32
      %dma_start3A_208 = tpu.memref_slice %arg4[%arg0, %add3A_191, %dma_start3A] : memref<2x50176x32xf32, #tpu.memory_space<hbm>> -> memref<1x196x32xf32, #tpu.memory_space<hbm>>
      %dma_start3A_209 = tpu.memref_squeeze %dma_start3A_208 : memref<1x196x32xf32, #tpu.memory_space<hbm>> -> memref<196x32xf32, #tpu.memory_space<hbm>>
      %dma_start3A_210 = arith.constant 0 : i32
      %dma_start3A_211 = tpu.memref_slice %arg4[%arg0, %add3A_191, %dma_start3A_210] : memref<2x50176x32xf32, #tpu.memory_space<hbm>> -> memref<1x196x32xf32, #tpu.memory_space<hbm>>
      %dma_start3A_212 = tpu.memref_squeeze %dma_start3A_211 : memref<1x196x32xf32, #tpu.memory_space<hbm>> -> memref<196x32xf32, #tpu.memory_space<hbm>>
      tpu.enqueue_dma source(%arg8 : memref<196x32xf32, #tpu.memory_space<vmem>>) target(%dma_start3A_212 : memref<196x32xf32, #tpu.memory_space<hbm>>) target_semaphore(%run_scoped3A : memref<!tpu.dma_semaphore, #tpu.memory_space<semaphore_mem>>)
      %dma_wait3A = arith.constant 0 : i32
      %dma_wait3A_213 = tpu.memref_slice %arg4[%arg0, %add3A_191, %dma_wait3A] : memref<2x50176x32xf32, #tpu.memory_space<hbm>> -> memref<1x196x32xf32, #tpu.memory_space<hbm>>
      %dma_wait3A_214 = tpu.memref_squeeze %dma_wait3A_213 : memref<1x196x32xf32, #tpu.memory_space<hbm>> -> memref<196x32xf32, #tpu.memory_space<hbm>>
      %dma_wait3A_215 = arith.constant 0 : i32
      %dma_wait3A_216 = tpu.memref_slice %arg4[%arg0, %add3A_191, %dma_wait3A_215] : memref<2x50176x32xf32, #tpu.memory_space<hbm>> -> memref<1x196x32xf32, #tpu.memory_space<hbm>>
      %dma_wait3A_217 = tpu.memref_squeeze %dma_wait3A_216 : memref<1x196x32xf32, #tpu.memory_space<hbm>> -> memref<196x32xf32, #tpu.memory_space<hbm>>
      tpu.wait_dma2 semaphore(%run_scoped3A : memref<!tpu.dma_semaphore, #tpu.memory_space<semaphore_mem>>) src(%arg8 : memref<196x32xf32, #tpu.memory_space<vmem>>) dst(%dma_wait3A_217 : memref<196x32xf32, #tpu.memory_space<hbm>>)
      tpu.yield
    }) : () -> ()
    %mul3A_192 = arith.constant 3136 : i32
    %mul3A_193 = arith.muli %arg1, %mul3A_192 : i32
    %add3A_194 = arith.constant 2744 : i32
    %add3A_195 = arith.addi %mul3A_193, %add3A_194 : i32
    "tpu.region"() ({
      %run_scoped3A = tpu.sem_alloc : memref<!tpu.dma_semaphore, #tpu.memory_space<semaphore_mem>>
      %dma_start3A = arith.constant 0 : i32
      %dma_start3A_208 = tpu.memref_slice %arg9[%add3A_195, %dma_start3A] : memref<50176x32xf32, #tpu.memory_space<vmem_shared>> -> memref<196x32xf32, #tpu.memory_space<vmem_shared>>
      %dma_start3A_209 = arith.constant 0 : i32
      %dma_start3A_210 = tpu.memref_slice %arg9[%add3A_195, %dma_start3A_209] : memref<50176x32xf32, #tpu.memory_space<vmem_shared>> -> memref<196x32xf32, #tpu.memory_space<vmem_shared>>
      tpu.enqueue_dma source(%dma_start3A_210 : memref<196x32xf32, #tpu.memory_space<vmem_shared>>) target(%arg8 : memref<196x32xf32, #tpu.memory_space<vmem>>) target_semaphore(%run_scoped3A : memref<!tpu.dma_semaphore, #tpu.memory_space<semaphore_mem>>)
      %dma_wait3A = arith.constant 0 : i32
      %dma_wait3A_211 = tpu.memref_slice %arg9[%add3A_195, %dma_wait3A] : memref<50176x32xf32, #tpu.memory_space<vmem_shared>> -> memref<196x32xf32, #tpu.memory_space<vmem_shared>>
      %dma_wait3A_212 = arith.constant 0 : i32
      %dma_wait3A_213 = tpu.memref_slice %arg9[%add3A_195, %dma_wait3A_212] : memref<50176x32xf32, #tpu.memory_space<vmem_shared>> -> memref<196x32xf32, #tpu.memory_space<vmem_shared>>
      tpu.wait_dma2 semaphore(%run_scoped3A : memref<!tpu.dma_semaphore, #tpu.memory_space<semaphore_mem>>) src(%dma_wait3A_213 : memref<196x32xf32, #tpu.memory_space<vmem_shared>>) dst(%arg8 : memref<196x32xf32, #tpu.memory_space<vmem>>)
      tpu.yield
    }) : () -> ()
    %mul3A_196 = arith.constant 3136 : i32
    %mul3A_197 = arith.muli %arg1, %mul3A_196 : i32
    %add3A_198 = arith.constant 2744 : i32
    %add3A_199 = arith.addi %mul3A_197, %add3A_198 : i32
    "tpu.region"() ({
      %run_scoped3A = tpu.sem_alloc : memref<!tpu.dma_semaphore, #tpu.memory_space<semaphore_mem>>
      %dma_start3A = arith.constant 0 : i32
      %dma_start3A_208 = tpu.memref_slice %arg4[%arg0, %add3A_199, %dma_start3A] : memref<2x50176x32xf32, #tpu.memory_space<hbm>> -> memref<1x196x32xf32, #tpu.memory_space<hbm>>
      %dma_start3A_209 = tpu.memref_squeeze %dma_start3A_208 : memref<1x196x32xf32, #tpu.memory_space<hbm>> -> memref<196x32xf32, #tpu.memory_space<hbm>>
      %dma_start3A_210 = arith.constant 0 : i32
      %dma_start3A_211 = tpu.memref_slice %arg4[%arg0, %add3A_199, %dma_start3A_210] : memref<2x50176x32xf32, #tpu.memory_space<hbm>> -> memref<1x196x32xf32, #tpu.memory_space<hbm>>
      %dma_start3A_212 = tpu.memref_squeeze %dma_start3A_211 : memref<1x196x32xf32, #tpu.memory_space<hbm>> -> memref<196x32xf32, #tpu.memory_space<hbm>>
      tpu.enqueue_dma source(%arg8 : memref<196x32xf32, #tpu.memory_space<vmem>>) target(%dma_start3A_212 : memref<196x32xf32, #tpu.memory_space<hbm>>) target_semaphore(%run_scoped3A : memref<!tpu.dma_semaphore, #tpu.memory_space<semaphore_mem>>)
      %dma_wait3A = arith.constant 0 : i32
      %dma_wait3A_213 = tpu.memref_slice %arg4[%arg0, %add3A_199, %dma_wait3A] : memref<2x50176x32xf32, #tpu.memory_space<hbm>> -> memref<1x196x32xf32, #tpu.memory_space<hbm>>
      %dma_wait3A_214 = tpu.memref_squeeze %dma_wait3A_213 : memref<1x196x32xf32, #tpu.memory_space<hbm>> -> memref<196x32xf32, #tpu.memory_space<hbm>>
      %dma_wait3A_215 = arith.constant 0 : i32
      %dma_wait3A_216 = tpu.memref_slice %arg4[%arg0, %add3A_199, %dma_wait3A_215] : memref<2x50176x32xf32, #tpu.memory_space<hbm>> -> memref<1x196x32xf32, #tpu.memory_space<hbm>>
      %dma_wait3A_217 = tpu.memref_squeeze %dma_wait3A_216 : memref<1x196x32xf32, #tpu.memory_space<hbm>> -> memref<196x32xf32, #tpu.memory_space<hbm>>
      tpu.wait_dma2 semaphore(%run_scoped3A : memref<!tpu.dma_semaphore, #tpu.memory_space<semaphore_mem>>) src(%arg8 : memref<196x32xf32, #tpu.memory_space<vmem>>) dst(%dma_wait3A_217 : memref<196x32xf32, #tpu.memory_space<hbm>>)
      tpu.yield
    }) : () -> ()
    %mul3A_200 = arith.constant 3136 : i32
    %mul3A_201 = arith.muli %arg1, %mul3A_200 : i32
    %add3A_202 = arith.constant 2940 : i32
    %add3A_203 = arith.addi %mul3A_201, %add3A_202 : i32
    "tpu.region"() ({
      %run_scoped3A = tpu.sem_alloc : memref<!tpu.dma_semaphore, #tpu.memory_space<semaphore_mem>>
      %dma_start3A = arith.constant 0 : i32
      %dma_start3A_208 = tpu.memref_slice %arg9[%add3A_203, %dma_start3A] : memref<50176x32xf32, #tpu.memory_space<vmem_shared>> -> memref<196x32xf32, #tpu.memory_space<vmem_shared>>
      %dma_start3A_209 = arith.constant 0 : i32
      %dma_start3A_210 = tpu.memref_slice %arg9[%add3A_203, %dma_start3A_209] : memref<50176x32xf32, #tpu.memory_space<vmem_shared>> -> memref<196x32xf32, #tpu.memory_space<vmem_shared>>
      tpu.enqueue_dma source(%dma_start3A_210 : memref<196x32xf32, #tpu.memory_space<vmem_shared>>) target(%arg8 : memref<196x32xf32, #tpu.memory_space<vmem>>) target_semaphore(%run_scoped3A : memref<!tpu.dma_semaphore, #tpu.memory_space<semaphore_mem>>)
      %dma_wait3A = arith.constant 0 : i32
      %dma_wait3A_211 = tpu.memref_slice %arg9[%add3A_203, %dma_wait3A] : memref<50176x32xf32, #tpu.memory_space<vmem_shared>> -> memref<196x32xf32, #tpu.memory_space<vmem_shared>>
      %dma_wait3A_212 = arith.constant 0 : i32
      %dma_wait3A_213 = tpu.memref_slice %arg9[%add3A_203, %dma_wait3A_212] : memref<50176x32xf32, #tpu.memory_space<vmem_shared>> -> memref<196x32xf32, #tpu.memory_space<vmem_shared>>
      tpu.wait_dma2 semaphore(%run_scoped3A : memref<!tpu.dma_semaphore, #tpu.memory_space<semaphore_mem>>) src(%dma_wait3A_213 : memref<196x32xf32, #tpu.memory_space<vmem_shared>>) dst(%arg8 : memref<196x32xf32, #tpu.memory_space<vmem>>)
      tpu.yield
    }) : () -> ()
    %mul3A_204 = arith.constant 3136 : i32
    %mul3A_205 = arith.muli %arg1, %mul3A_204 : i32
    %add3A_206 = arith.constant 2940 : i32
    %add3A_207 = arith.addi %mul3A_205, %add3A_206 : i32
    "tpu.region"() ({
      %run_scoped3A = tpu.sem_alloc : memref<!tpu.dma_semaphore, #tpu.memory_space<semaphore_mem>>
      %dma_start3A = arith.constant 0 : i32
      %dma_start3A_208 = tpu.memref_slice %arg4[%arg0, %add3A_207, %dma_start3A] : memref<2x50176x32xf32, #tpu.memory_space<hbm>> -> memref<1x196x32xf32, #tpu.memory_space<hbm>>
      %dma_start3A_209 = tpu.memref_squeeze %dma_start3A_208 : memref<1x196x32xf32, #tpu.memory_space<hbm>> -> memref<196x32xf32, #tpu.memory_space<hbm>>
      %dma_start3A_210 = arith.constant 0 : i32
      %dma_start3A_211 = tpu.memref_slice %arg4[%arg0, %add3A_207, %dma_start3A_210] : memref<2x50176x32xf32, #tpu.memory_space<hbm>> -> memref<1x196x32xf32, #tpu.memory_space<hbm>>
      %dma_start3A_212 = tpu.memref_squeeze %dma_start3A_211 : memref<1x196x32xf32, #tpu.memory_space<hbm>> -> memref<196x32xf32, #tpu.memory_space<hbm>>
      tpu.enqueue_dma source(%arg8 : memref<196x32xf32, #tpu.memory_space<vmem>>) target(%dma_start3A_212 : memref<196x32xf32, #tpu.memory_space<hbm>>) target_semaphore(%run_scoped3A : memref<!tpu.dma_semaphore, #tpu.memory_space<semaphore_mem>>)
      %dma_wait3A = arith.constant 0 : i32
      %dma_wait3A_213 = tpu.memref_slice %arg4[%arg0, %add3A_207, %dma_wait3A] : memref<2x50176x32xf32, #tpu.memory_space<hbm>> -> memref<1x196x32xf32, #tpu.memory_space<hbm>>
      %dma_wait3A_214 = tpu.memref_squeeze %dma_wait3A_213 : memref<1x196x32xf32, #tpu.memory_space<hbm>> -> memref<196x32xf32, #tpu.memory_space<hbm>>
      %dma_wait3A_215 = arith.constant 0 : i32
      %dma_wait3A_216 = tpu.memref_slice %arg4[%arg0, %add3A_207, %dma_wait3A_215] : memref<2x50176x32xf32, #tpu.memory_space<hbm>> -> memref<1x196x32xf32, #tpu.memory_space<hbm>>
      %dma_wait3A_217 = tpu.memref_squeeze %dma_wait3A_216 : memref<1x196x32xf32, #tpu.memory_space<hbm>> -> memref<196x32xf32, #tpu.memory_space<hbm>>
      tpu.wait_dma2 semaphore(%run_scoped3A : memref<!tpu.dma_semaphore, #tpu.memory_space<semaphore_mem>>) src(%arg8 : memref<196x32xf32, #tpu.memory_space<vmem>>) dst(%dma_wait3A_217 : memref<196x32xf32, #tpu.memory_space<hbm>>)
      tpu.yield
    }) : () -> ()
    return
  }
}

#map = affine_map<(d0, d1) -> (0, 0, 0)>
#map1 = affine_map<(d0, d1) -> (0, 0, 0, 0)>
module attributes {stable_mosaic.version = 14 : i64} {
  func.func @_deg_body(%arg0: i32, %arg1: i32, %arg2: memref<2x800x2048xi32, #tpu.memory_space<hbm>>, %arg3: memref<2x16x2x50176xf32, #tpu.memory_space<hbm>>, %arg4: memref<2048xi32, #tpu.memory_space<vmem>>, %arg5: memref<2048xi32, #tpu.memory_space<vmem>>, %arg6: memref<50176xf32, #tpu.memory_space<vmem>>, %arg7: memref<50176xf32, #tpu.memory_space<vmem>>) attributes {dimension_semantics = [#tpu.dimension_semantics<core_parallel>, #tpu.dimension_semantics<subcore_parallel>], iteration_bounds = array<i64: 2, 16>, scalar_prefetch = 0 : i64, scratch_operands = 4 : i64, tpu.core_type = #tpu.core_type<sc_vector_subcore>, window_params = [{transform_indices = #map}, {transform_indices = #map1}]} {
    %mul3A = arith.constant 16 : i32
    %mul3A_0 = arith.muli %arg0, %mul3A : i32
    %add3A = arith.addi %mul3A_0, %arg1 : i32
    %broadcast_in_dim3A = arith.constant 0.000000e+00 : f32
    %broadcast_in_dim3A_1 = vector.broadcast %broadcast_in_dim3A : f32 to vector<16xf32>
    %broadcast_in_dim3A_2 = arith.constant 1.000000e+00 : f32
    %broadcast_in_dim3A_3 = vector.broadcast %broadcast_in_dim3A_2 : f32 to vector<16xf32>
    %scan3A = arith.constant 0 : i32
    %scan3A_4 = arith.constant 0 : i32
    %scan3A_5 = arith.constant 3136 : i32
    %scan3A_6 = arith.addi %scan3A_4, %scan3A_5 : i32
    %scan3A_7 = arith.constant 1 : i32
    %scan3A_8 = scf.for %scan3A_18 = %scan3A_4 to %scan3A_6 step %scan3A_7 iter_args(%scan3A_19 = %scan3A) -> (i32)  : i32 {
      %mul3A_20 = arith.constant 16 : i32
      %mul3A_21 = arith.muli %scan3A_18, %mul3A_20 : i32
      %swap3A = arith.index_cast %mul3A_21 : i32 to index
      %swap3A_22 = tpu.vector_load %arg6[%swap3A] {strides = array<i32>} : memref<50176xf32, #tpu.memory_space<vmem>>, vector<16xf32>,
      tpu.vector_store %arg6[%swap3A], %broadcast_in_dim3A_1 {strides = array<i32>} : memref<50176xf32, #tpu.memory_space<vmem>>, vector<16xf32>,
      %mul3A_23 = arith.constant 16 : i32
      %mul3A_24 = arith.muli %scan3A_18, %mul3A_23 : i32
      %swap3A_25 = arith.index_cast %mul3A_24 : i32 to index
      %swap3A_26 = tpu.vector_load %arg7[%swap3A_25] {strides = array<i32>} : memref<50176xf32, #tpu.memory_space<vmem>>, vector<16xf32>,
      tpu.vector_store %arg7[%swap3A_25], %broadcast_in_dim3A_1 {strides = array<i32>} : memref<50176xf32, #tpu.memory_space<vmem>>, vector<16xf32>,
      %scan3A_27 = arith.constant 0 : i32
      scf.yield %scan3A_27 : i32
    }
    %scan3A_9 = arith.constant 3136 : i32
    %scan3A_10 = arith.constant 0 : i32
    %scan3A_11 = arith.constant 0 : i32
    %scan3A_12 = arith.constant 25 : i32
    %scan3A_13 = arith.addi %scan3A_11, %scan3A_12 : i32
    %scan3A_14 = arith.constant 1 : i32
    %scan3A_15 = scf.for %scan3A_18 = %scan3A_11 to %scan3A_13 step %scan3A_14 iter_args(%scan3A_19 = %scan3A_10) -> (i32)  : i32 {
      %mul3A_20 = arith.constant 25 : i32
      %mul3A_21 = arith.muli %add3A, %mul3A_20 : i32
      %add3A_22 = arith.addi %mul3A_21, %scan3A_18 : i32
      %run_scoped3A_23 = arith.constant 0 : i32
      "tpu.region"() ({
        %run_scoped3A_36 = tpu.sem_alloc : memref<!tpu.dma_semaphore, #tpu.memory_space<semaphore_mem>>
        %dma_start3A = arith.constant 0 : i32
        %dma_start3A_37 = tpu.memref_slice %arg2[%run_scoped3A_23, %add3A_22, %dma_start3A] : memref<2x800x2048xi32, #tpu.memory_space<hbm>> -> memref<1x1x2048xi32, #tpu.memory_space<hbm>>
        %dma_start3A_38 = tpu.memref_squeeze %dma_start3A_37 : memref<1x1x2048xi32, #tpu.memory_space<hbm>> -> memref<2048xi32, #tpu.memory_space<hbm>>
        %dma_start3A_39 = arith.constant 0 : i32
        %dma_start3A_40 = tpu.memref_slice %arg2[%run_scoped3A_23, %add3A_22, %dma_start3A_39] : memref<2x800x2048xi32, #tpu.memory_space<hbm>> -> memref<1x1x2048xi32, #tpu.memory_space<hbm>>
        %dma_start3A_41 = tpu.memref_squeeze %dma_start3A_40 : memref<1x1x2048xi32, #tpu.memory_space<hbm>> -> memref<2048xi32, #tpu.memory_space<hbm>>
        tpu.enqueue_dma source(%dma_start3A_41 : memref<2048xi32, #tpu.memory_space<hbm>>) target(%arg4 : memref<2048xi32, #tpu.memory_space<vmem>>) target_semaphore(%run_scoped3A_36 : memref<!tpu.dma_semaphore, #tpu.memory_space<semaphore_mem>>)
        %dma_wait3A = arith.constant 0 : i32
        %dma_wait3A_42 = tpu.memref_slice %arg2[%run_scoped3A_23, %add3A_22, %dma_wait3A] : memref<2x800x2048xi32, #tpu.memory_space<hbm>> -> memref<1x1x2048xi32, #tpu.memory_space<hbm>>
        %dma_wait3A_43 = tpu.memref_squeeze %dma_wait3A_42 : memref<1x1x2048xi32, #tpu.memory_space<hbm>> -> memref<2048xi32, #tpu.memory_space<hbm>>
        %dma_wait3A_44 = arith.constant 0 : i32
        %dma_wait3A_45 = tpu.memref_slice %arg2[%run_scoped3A_23, %add3A_22, %dma_wait3A_44] : memref<2x800x2048xi32, #tpu.memory_space<hbm>> -> memref<1x1x2048xi32, #tpu.memory_space<hbm>>
        %dma_wait3A_46 = tpu.memref_squeeze %dma_wait3A_45 : memref<1x1x2048xi32, #tpu.memory_space<hbm>> -> memref<2048xi32, #tpu.memory_space<hbm>>
        tpu.wait_dma2 semaphore(%run_scoped3A_36 : memref<!tpu.dma_semaphore, #tpu.memory_space<semaphore_mem>>) src(%dma_wait3A_46 : memref<2048xi32, #tpu.memory_space<hbm>>) dst(%arg4 : memref<2048xi32, #tpu.memory_space<vmem>>)
        tpu.yield
      }) : () -> ()
      %mul3A_24 = arith.constant 25 : i32
      %mul3A_25 = arith.muli %add3A, %mul3A_24 : i32
      %add3A_26 = arith.addi %mul3A_25, %scan3A_18 : i32
      %run_scoped3A_27 = arith.constant 1 : i32
      "tpu.region"() ({
        %run_scoped3A_36 = tpu.sem_alloc : memref<!tpu.dma_semaphore, #tpu.memory_space<semaphore_mem>>
        %dma_start3A = arith.constant 0 : i32
        %dma_start3A_37 = tpu.memref_slice %arg2[%run_scoped3A_27, %add3A_26, %dma_start3A] : memref<2x800x2048xi32, #tpu.memory_space<hbm>> -> memref<1x1x2048xi32, #tpu.memory_space<hbm>>
        %dma_start3A_38 = tpu.memref_squeeze %dma_start3A_37 : memref<1x1x2048xi32, #tpu.memory_space<hbm>> -> memref<2048xi32, #tpu.memory_space<hbm>>
        %dma_start3A_39 = arith.constant 0 : i32
        %dma_start3A_40 = tpu.memref_slice %arg2[%run_scoped3A_27, %add3A_26, %dma_start3A_39] : memref<2x800x2048xi32, #tpu.memory_space<hbm>> -> memref<1x1x2048xi32, #tpu.memory_space<hbm>>
        %dma_start3A_41 = tpu.memref_squeeze %dma_start3A_40 : memref<1x1x2048xi32, #tpu.memory_space<hbm>> -> memref<2048xi32, #tpu.memory_space<hbm>>
        tpu.enqueue_dma source(%dma_start3A_41 : memref<2048xi32, #tpu.memory_space<hbm>>) target(%arg5 : memref<2048xi32, #tpu.memory_space<vmem>>) target_semaphore(%run_scoped3A_36 : memref<!tpu.dma_semaphore, #tpu.memory_space<semaphore_mem>>)
        %dma_wait3A = arith.constant 0 : i32
        %dma_wait3A_42 = tpu.memref_slice %arg2[%run_scoped3A_27, %add3A_26, %dma_wait3A] : memref<2x800x2048xi32, #tpu.memory_space<hbm>> -> memref<1x1x2048xi32, #tpu.memory_space<hbm>>
        %dma_wait3A_43 = tpu.memref_squeeze %dma_wait3A_42 : memref<1x1x2048xi32, #tpu.memory_space<hbm>> -> memref<2048xi32, #tpu.memory_space<hbm>>
        %dma_wait3A_44 = arith.constant 0 : i32
        %dma_wait3A_45 = tpu.memref_slice %arg2[%run_scoped3A_27, %add3A_26, %dma_wait3A_44] : memref<2x800x2048xi32, #tpu.memory_space<hbm>> -> memref<1x1x2048xi32, #tpu.memory_space<hbm>>
        %dma_wait3A_46 = tpu.memref_squeeze %dma_wait3A_45 : memref<1x1x2048xi32, #tpu.memory_space<hbm>> -> memref<2048xi32, #tpu.memory_space<hbm>>
        tpu.wait_dma2 semaphore(%run_scoped3A_36 : memref<!tpu.dma_semaphore, #tpu.memory_space<semaphore_mem>>) src(%dma_wait3A_46 : memref<2048xi32, #tpu.memory_space<hbm>>) dst(%arg5 : memref<2048xi32, #tpu.memory_space<vmem>>)
        tpu.yield
      }) : () -> ()
      %scan3A_28 = arith.constant 0 : i32
      %scan3A_29 = arith.constant 0 : i32
      %scan3A_30 = arith.constant 128 : i32
      %scan3A_31 = arith.addi %scan3A_29, %scan3A_30 : i32
      %scan3A_32 = arith.constant 1 : i32
      %scan3A_33 = scf.for %scan3A_36 = %scan3A_29 to %scan3A_31 step %scan3A_32 iter_args(%scan3A_37 = %scan3A_28) -> (i32)  : i32 {
        %mul3A_38 = arith.constant 16 : i32
        %mul3A_39 = arith.muli %scan3A_36, %mul3A_38 : i32
        %get3A = arith.index_cast %mul3A_39 : i32 to index
        %get3A_40 = tpu.vector_load %arg4[%get3A] {strides = array<i32>} : memref<2048xi32, #tpu.memory_space<vmem>>, vector<16xi32>,
        %mul3A_41 = arith.constant 16 : i32
        %mul3A_42 = arith.muli %scan3A_36, %mul3A_41 : i32
        %get3A_43 = arith.index_cast %mul3A_42 : i32 to index
        %get3A_44 = tpu.vector_load %arg5[%get3A_43] {strides = array<i32>} : memref<2048xi32, #tpu.memory_space<vmem>>, vector<16xi32>,
        tpu.vector_store_idx %arg6[%get3A_40], %broadcast_in_dim3A_3 {add = true} : memref<50176xf32, #tpu.memory_space<vmem>>[vector<16xi32>], vector<16xf32>,
        tpu.vector_store_idx %arg7[%get3A_44], %broadcast_in_dim3A_3 {add = true} : memref<50176xf32, #tpu.memory_space<vmem>>[vector<16xi32>], vector<16xf32>,
        %scan3A_45 = arith.constant 0 : i32
        scf.yield %scan3A_45 : i32
      }
      %scan3A_34 = arith.constant 128 : i32
      %scan3A_35 = arith.constant 0 : i32
      scf.yield %scan3A_35 : i32
    }
    %scan3A_16 = arith.constant 25 : i32
    %run_scoped3A = arith.constant 0 : i32
    "tpu.region"() ({
      %run_scoped3A_18 = tpu.sem_alloc : memref<!tpu.dma_semaphore, #tpu.memory_space<semaphore_mem>>
      %dma_start3A = arith.constant 0 : i32
      %dma_start3A_19 = tpu.memref_slice %arg3[%arg0, %arg1, %run_scoped3A, %dma_start3A] : memref<2x16x2x50176xf32, #tpu.memory_space<hbm>> -> memref<1x1x1x50176xf32, #tpu.memory_space<hbm>>
      %dma_start3A_20 = tpu.memref_squeeze %dma_start3A_19 : memref<1x1x1x50176xf32, #tpu.memory_space<hbm>> -> memref<50176xf32, #tpu.memory_space<hbm>>
      %dma_start3A_21 = arith.constant 0 : i32
      %dma_start3A_22 = tpu.memref_slice %arg3[%arg0, %arg1, %run_scoped3A, %dma_start3A_21] : memref<2x16x2x50176xf32, #tpu.memory_space<hbm>> -> memref<1x1x1x50176xf32, #tpu.memory_space<hbm>>
      %dma_start3A_23 = tpu.memref_squeeze %dma_start3A_22 : memref<1x1x1x50176xf32, #tpu.memory_space<hbm>> -> memref<50176xf32, #tpu.memory_space<hbm>>
      tpu.enqueue_dma source(%arg6 : memref<50176xf32, #tpu.memory_space<vmem>>) target(%dma_start3A_23 : memref<50176xf32, #tpu.memory_space<hbm>>) target_semaphore(%run_scoped3A_18 : memref<!tpu.dma_semaphore, #tpu.memory_space<semaphore_mem>>)
      %dma_wait3A = arith.constant 0 : i32
      %dma_wait3A_24 = tpu.memref_slice %arg3[%arg0, %arg1, %run_scoped3A, %dma_wait3A] : memref<2x16x2x50176xf32, #tpu.memory_space<hbm>> -> memref<1x1x1x50176xf32, #tpu.memory_space<hbm>>
      %dma_wait3A_25 = tpu.memref_squeeze %dma_wait3A_24 : memref<1x1x1x50176xf32, #tpu.memory_space<hbm>> -> memref<50176xf32, #tpu.memory_space<hbm>>
      %dma_wait3A_26 = arith.constant 0 : i32
      %dma_wait3A_27 = tpu.memref_slice %arg3[%arg0, %arg1, %run_scoped3A, %dma_wait3A_26] : memref<2x16x2x50176xf32, #tpu.memory_space<hbm>> -> memref<1x1x1x50176xf32, #tpu.memory_space<hbm>>
      %dma_wait3A_28 = tpu.memref_squeeze %dma_wait3A_27 : memref<1x1x1x50176xf32, #tpu.memory_space<hbm>> -> memref<50176xf32, #tpu.memory_space<hbm>>
      tpu.wait_dma2 semaphore(%run_scoped3A_18 : memref<!tpu.dma_semaphore, #tpu.memory_space<semaphore_mem>>) src(%arg6 : memref<50176xf32, #tpu.memory_space<vmem>>) dst(%dma_wait3A_28 : memref<50176xf32, #tpu.memory_space<hbm>>)
      tpu.yield
    }) : () -> ()
    %run_scoped3A_17 = arith.constant 1 : i32
    "tpu.region"() ({
      %run_scoped3A_18 = tpu.sem_alloc : memref<!tpu.dma_semaphore, #tpu.memory_space<semaphore_mem>>
      %dma_start3A = arith.constant 0 : i32
      %dma_start3A_19 = tpu.memref_slice %arg3[%arg0, %arg1, %run_scoped3A_17, %dma_start3A] : memref<2x16x2x50176xf32, #tpu.memory_space<hbm>> -> memref<1x1x1x50176xf32, #tpu.memory_space<hbm>>
      %dma_start3A_20 = tpu.memref_squeeze %dma_start3A_19 : memref<1x1x1x50176xf32, #tpu.memory_space<hbm>> -> memref<50176xf32, #tpu.memory_space<hbm>>
      %dma_start3A_21 = arith.constant 0 : i32
      %dma_start3A_22 = tpu.memref_slice %arg3[%arg0, %arg1, %run_scoped3A_17, %dma_start3A_21] : memref<2x16x2x50176xf32, #tpu.memory_space<hbm>> -> memref<1x1x1x50176xf32, #tpu.memory_space<hbm>>
      %dma_start3A_23 = tpu.memref_squeeze %dma_start3A_22 : memref<1x1x1x50176xf32, #tpu.memory_space<hbm>> -> memref<50176xf32, #tpu.memory_space<hbm>>
      tpu.enqueue_dma source(%arg7 : memref<50176xf32, #tpu.memory_space<vmem>>) target(%dma_start3A_23 : memref<50176xf32, #tpu.memory_space<hbm>>) target_semaphore(%run_scoped3A_18 : memref<!tpu.dma_semaphore, #tpu.memory_space<semaphore_mem>>)
      %dma_wait3A = arith.constant 0 : i32
      %dma_wait3A_24 = tpu.memref_slice %arg3[%arg0, %arg1, %run_scoped3A_17, %dma_wait3A] : memref<2x16x2x50176xf32, #tpu.memory_space<hbm>> -> memref<1x1x1x50176xf32, #tpu.memory_space<hbm>>
      %dma_wait3A_25 = tpu.memref_squeeze %dma_wait3A_24 : memref<1x1x1x50176xf32, #tpu.memory_space<hbm>> -> memref<50176xf32, #tpu.memory_space<hbm>>
      %dma_wait3A_26 = arith.constant 0 : i32
      %dma_wait3A_27 = tpu.memref_slice %arg3[%arg0, %arg1, %run_scoped3A_17, %dma_wait3A_26] : memref<2x16x2x50176xf32, #tpu.memory_space<hbm>> -> memref<1x1x1x50176xf32, #tpu.memory_space<hbm>>
      %dma_wait3A_28 = tpu.memref_squeeze %dma_wait3A_27 : memref<1x1x1x50176xf32, #tpu.memory_space<hbm>> -> memref<50176xf32, #tpu.memory_space<hbm>>
      tpu.wait_dma2 semaphore(%run_scoped3A_18 : memref<!tpu.dma_semaphore, #tpu.memory_space<semaphore_mem>>) src(%arg7 : memref<50176xf32, #tpu.memory_space<vmem>>) dst(%dma_wait3A_28 : memref<50176xf32, #tpu.memory_space<hbm>>)
      tpu.yield
    }) : () -> ()
    return
  }
}

#map = affine_map<(d0, d1) -> (0, 0, 0, 0)>
#map1 = affine_map<(d0, d1) -> (0, 0)>
#map2 = affine_map<(d0, d1) -> (0, 0, 0)>
module attributes {stable_mosaic.version = 14 : i64} {
  func.func @_agg_body(%arg0: i32, %arg1: i32, %arg2: memref<2x800x16x128xi32, #tpu.memory_space<hbm>>, %arg3: memref<50176x32xf32, #tpu.memory_space<hbm>>, %arg4: memref<2x50176x32xf32, #tpu.memory_space<hbm>>, %arg5: memref<16x128xi32, #tpu.memory_space<vmem>>, %arg6: memref<16x128xi32, #tpu.memory_space<vmem>>, %arg7: memref<512x32xf32, #tpu.memory_space<vmem>>, %arg8: memref<196x32xf32, #tpu.memory_space<vmem>>, %arg9: memref<50176x32xf32, #tpu.memory_space<vmem_shared>>, %arg10: memref<!tpu.dma_semaphore, #tpu.memory_space<semaphore_mem>>) attributes {dimension_semantics = [#tpu.dimension_semantics<core_parallel>, #tpu.dimension_semantics<subcore_parallel>], iteration_bounds = array<i64: 2, 16>, scalar_prefetch = 0 : i64, scratch_operands = 6 : i64, tpu.core_type = #tpu.core_type<sc_vector_subcore>, window_params = [{transform_indices = #map}, {transform_indices = #map1}, {transform_indices = #map2}]} {
    %mul3A = arith.constant 16 : i32
    %mul3A_0 = arith.muli %arg0, %mul3A : i32
    %add3A = arith.addi %mul3A_0, %arg1 : i32
    %broadcast_in_dim3A = arith.constant 0.000000e+00 : f32
    %broadcast_in_dim3A_1 = vector.broadcast %broadcast_in_dim3A : f32 to vector<16xf32>
    %scan3A = arith.constant 0 : i32
    %scan3A_2 = arith.constant 0 : i32
    %scan3A_3 = arith.constant 196 : i32
    %scan3A_4 = arith.addi %scan3A_2, %scan3A_3 : i32
    %scan3A_5 = arith.constant 1 : i32
    %scan3A_6 = scf.for %scan3A_208 = %scan3A_2 to %scan3A_4 step %scan3A_5 iter_args(%scan3A_209 = %scan3A) -> (i32)  : i32 {
      %swap3A = arith.index_cast %scan3A_208 : i32 to index
      %swap3A_210 = arith.constant 0 : index
      %swap3A_211 = tpu.vector_load %arg8[%swap3A, %swap3A_210] {strides = array<i32>} : memref<196x32xf32, #tpu.memory_space<vmem>>, vector<16xf32>,
      tpu.vector_store %arg8[%swap3A, %swap3A_210], %broadcast_in_dim3A_1 {strides = array<i32>} : memref<196x32xf32, #tpu.memory_space<vmem>>, vector<16xf32>,
      %swap3A_212 = arith.index_cast %scan3A_208 : i32 to index
      %swap3A_213 = arith.constant 16 : index
      %swap3A_214 = tpu.vector_load %arg8[%swap3A_212, %swap3A_213] {strides = array<i32>} : memref<196x32xf32, #tpu.memory_space<vmem>>, vector<16xf32>,
      tpu.vector_store %arg8[%swap3A_212, %swap3A_213], %broadcast_in_dim3A_1 {strides = array<i32>} : memref<196x32xf32, #tpu.memory_space<vmem>>, vector<16xf32>,
      %scan3A_215 = arith.constant 0 : i32
      scf.yield %scan3A_215 : i32
    }
    %scan3A_7 = arith.constant 196 : i32
    %mul3A_8 = arith.constant 3136 : i32
    %mul3A_9 = arith.muli %arg1, %mul3A_8 : i32
    %add3A_10 = arith.constant 0 : i32
    %add3A_11 = arith.addi %mul3A_9, %add3A_10 : i32
    "tpu.region"() ({
      %run_scoped3A = tpu.sem_alloc : memref<!tpu.dma_semaphore, #tpu.memory_space<semaphore_mem>>
      %dma_start3A = arith.constant 0 : i32
      %dma_start3A_208 = tpu.memref_slice %arg9[%add3A_11, %dma_start3A] : memref<50176x32xf32, #tpu.memory_space<vmem_shared>> -> memref<196x32xf32, #tpu.memory_space<vmem_shared>>
      %dma_start3A_209 = arith.constant 0 : i32
      %dma_start3A_210 = tpu.memref_slice %arg9[%add3A_11, %dma_start3A_209] : memref<50176x32xf32, #tpu.memory_space<vmem_shared>> -> memref<196x32xf32, #tpu.memory_space<vmem_shared>>
      tpu.enqueue_dma source(%arg8 : memref<196x32xf32, #tpu.memory_space<vmem>>) target(%dma_start3A_210 : memref<196x32xf32, #tpu.memory_space<vmem_shared>>) target_semaphore(%run_scoped3A : memref<!tpu.dma_semaphore, #tpu.memory_space<semaphore_mem>>)
      %dma_wait3A = arith.constant 0 : i32
      %dma_wait3A_211 = tpu.memref_slice %arg9[%add3A_11, %dma_wait3A] : memref<50176x32xf32, #tpu.memory_space<vmem_shared>> -> memref<196x32xf32, #tpu.memory_space<vmem_shared>>
      %dma_wait3A_212 = arith.constant 0 : i32
      %dma_wait3A_213 = tpu.memref_slice %arg9[%add3A_11, %dma_wait3A_212] : memref<50176x32xf32, #tpu.memory_space<vmem_shared>> -> memref<196x32xf32, #tpu.memory_space<vmem_shared>>
      tpu.wait_dma2 semaphore(%run_scoped3A : memref<!tpu.dma_semaphore, #tpu.memory_space<semaphore_mem>>) src(%arg8 : memref<196x32xf32, #tpu.memory_space<vmem>>) dst(%dma_wait3A_213 : memref<196x32xf32, #tpu.memory_space<vmem_shared>>)
      tpu.yield
    }) : () -> ()
    %mul3A_12 = arith.constant 3136 : i32
    %mul3A_13 = arith.muli %arg1, %mul3A_12 : i32
    %add3A_14 = arith.constant 196 : i32
    %add3A_15 = arith.addi %mul3A_13, %add3A_14 : i32
    "tpu.region"() ({
      %run_scoped3A = tpu.sem_alloc : memref<!tpu.dma_semaphore, #tpu.memory_space<semaphore_mem>>
      %dma_start3A = arith.constant 0 : i32
      %dma_start3A_208 = tpu.memref_slice %arg9[%add3A_15, %dma_start3A] : memref<50176x32xf32, #tpu.memory_space<vmem_shared>> -> memref<196x32xf32, #tpu.memory_space<vmem_shared>>
      %dma_start3A_209 = arith.constant 0 : i32
      %dma_start3A_210 = tpu.memref_slice %arg9[%add3A_15, %dma_start3A_209] : memref<50176x32xf32, #tpu.memory_space<vmem_shared>> -> memref<196x32xf32, #tpu.memory_space<vmem_shared>>
      tpu.enqueue_dma source(%arg8 : memref<196x32xf32, #tpu.memory_space<vmem>>) target(%dma_start3A_210 : memref<196x32xf32, #tpu.memory_space<vmem_shared>>) target_semaphore(%run_scoped3A : memref<!tpu.dma_semaphore, #tpu.memory_space<semaphore_mem>>)
      %dma_wait3A = arith.constant 0 : i32
      %dma_wait3A_211 = tpu.memref_slice %arg9[%add3A_15, %dma_wait3A] : memref<50176x32xf32, #tpu.memory_space<vmem_shared>> -> memref<196x32xf32, #tpu.memory_space<vmem_shared>>
      %dma_wait3A_212 = arith.constant 0 : i32
      %dma_wait3A_213 = tpu.memref_slice %arg9[%add3A_15, %dma_wait3A_212] : memref<50176x32xf32, #tpu.memory_space<vmem_shared>> -> memref<196x32xf32, #tpu.memory_space<vmem_shared>>
      tpu.wait_dma2 semaphore(%run_scoped3A : memref<!tpu.dma_semaphore, #tpu.memory_space<semaphore_mem>>) src(%arg8 : memref<196x32xf32, #tpu.memory_space<vmem>>) dst(%dma_wait3A_213 : memref<196x32xf32, #tpu.memory_space<vmem_shared>>)
      tpu.yield
    }) : () -> ()
    %mul3A_16 = arith.constant 3136 : i32
    %mul3A_17 = arith.muli %arg1, %mul3A_16 : i32
    %add3A_18 = arith.constant 392 : i32
    %add3A_19 = arith.addi %mul3A_17, %add3A_18 : i32
    "tpu.region"() ({
      %run_scoped3A = tpu.sem_alloc : memref<!tpu.dma_semaphore, #tpu.memory_space<semaphore_mem>>
      %dma_start3A = arith.constant 0 : i32
      %dma_start3A_208 = tpu.memref_slice %arg9[%add3A_19, %dma_start3A] : memref<50176x32xf32, #tpu.memory_space<vmem_shared>> -> memref<196x32xf32, #tpu.memory_space<vmem_shared>>
      %dma_start3A_209 = arith.constant 0 : i32
      %dma_start3A_210 = tpu.memref_slice %arg9[%add3A_19, %dma_start3A_209] : memref<50176x32xf32, #tpu.memory_space<vmem_shared>> -> memref<196x32xf32, #tpu.memory_space<vmem_shared>>
      tpu.enqueue_dma source(%arg8 : memref<196x32xf32, #tpu.memory_space<vmem>>) target(%dma_start3A_210 : memref<196x32xf32, #tpu.memory_space<vmem_shared>>) target_semaphore(%run_scoped3A : memref<!tpu.dma_semaphore, #tpu.memory_space<semaphore_mem>>)
      %dma_wait3A = arith.constant 0 : i32
      %dma_wait3A_211 = tpu.memref_slice %arg9[%add3A_19, %dma_wait3A] : memref<50176x32xf32, #tpu.memory_space<vmem_shared>> -> memref<196x32xf32, #tpu.memory_space<vmem_shared>>
      %dma_wait3A_212 = arith.constant 0 : i32
      %dma_wait3A_213 = tpu.memref_slice %arg9[%add3A_19, %dma_wait3A_212] : memref<50176x32xf32, #tpu.memory_space<vmem_shared>> -> memref<196x32xf32, #tpu.memory_space<vmem_shared>>
      tpu.wait_dma2 semaphore(%run_scoped3A : memref<!tpu.dma_semaphore, #tpu.memory_space<semaphore_mem>>) src(%arg8 : memref<196x32xf32, #tpu.memory_space<vmem>>) dst(%dma_wait3A_213 : memref<196x32xf32, #tpu.memory_space<vmem_shared>>)
      tpu.yield
    }) : () -> ()
    %mul3A_20 = arith.constant 3136 : i32
    %mul3A_21 = arith.muli %arg1, %mul3A_20 : i32
    %add3A_22 = arith.constant 588 : i32
    %add3A_23 = arith.addi %mul3A_21, %add3A_22 : i32
    "tpu.region"() ({
      %run_scoped3A = tpu.sem_alloc : memref<!tpu.dma_semaphore, #tpu.memory_space<semaphore_mem>>
      %dma_start3A = arith.constant 0 : i32
      %dma_start3A_208 = tpu.memref_slice %arg9[%add3A_23, %dma_start3A] : memref<50176x32xf32, #tpu.memory_space<vmem_shared>> -> memref<196x32xf32, #tpu.memory_space<vmem_shared>>
      %dma_start3A_209 = arith.constant 0 : i32
      %dma_start3A_210 = tpu.memref_slice %arg9[%add3A_23, %dma_start3A_209] : memref<50176x32xf32, #tpu.memory_space<vmem_shared>> -> memref<196x32xf32, #tpu.memory_space<vmem_shared>>
      tpu.enqueue_dma source(%arg8 : memref<196x32xf32, #tpu.memory_space<vmem>>) target(%dma_start3A_210 : memref<196x32xf32, #tpu.memory_space<vmem_shared>>) target_semaphore(%run_scoped3A : memref<!tpu.dma_semaphore, #tpu.memory_space<semaphore_mem>>)
      %dma_wait3A = arith.constant 0 : i32
      %dma_wait3A_211 = tpu.memref_slice %arg9[%add3A_23, %dma_wait3A] : memref<50176x32xf32, #tpu.memory_space<vmem_shared>> -> memref<196x32xf32, #tpu.memory_space<vmem_shared>>
      %dma_wait3A_212 = arith.constant 0 : i32
      %dma_wait3A_213 = tpu.memref_slice %arg9[%add3A_23, %dma_wait3A_212] : memref<50176x32xf32, #tpu.memory_space<vmem_shared>> -> memref<196x32xf32, #tpu.memory_space<vmem_shared>>
      tpu.wait_dma2 semaphore(%run_scoped3A : memref<!tpu.dma_semaphore, #tpu.memory_space<semaphore_mem>>) src(%arg8 : memref<196x32xf32, #tpu.memory_space<vmem>>) dst(%dma_wait3A_213 : memref<196x32xf32, #tpu.memory_space<vmem_shared>>)
      tpu.yield
    }) : () -> ()
    %mul3A_24 = arith.constant 3136 : i32
    %mul3A_25 = arith.muli %arg1, %mul3A_24 : i32
    %add3A_26 = arith.constant 784 : i32
    %add3A_27 = arith.addi %mul3A_25, %add3A_26 : i32
    "tpu.region"() ({
      %run_scoped3A = tpu.sem_alloc : memref<!tpu.dma_semaphore, #tpu.memory_space<semaphore_mem>>
      %dma_start3A = arith.constant 0 : i32
      %dma_start3A_208 = tpu.memref_slice %arg9[%add3A_27, %dma_start3A] : memref<50176x32xf32, #tpu.memory_space<vmem_shared>> -> memref<196x32xf32, #tpu.memory_space<vmem_shared>>
      %dma_start3A_209 = arith.constant 0 : i32
      %dma_start3A_210 = tpu.memref_slice %arg9[%add3A_27, %dma_start3A_209] : memref<50176x32xf32, #tpu.memory_space<vmem_shared>> -> memref<196x32xf32, #tpu.memory_space<vmem_shared>>
      tpu.enqueue_dma source(%arg8 : memref<196x32xf32, #tpu.memory_space<vmem>>) target(%dma_start3A_210 : memref<196x32xf32, #tpu.memory_space<vmem_shared>>) target_semaphore(%run_scoped3A : memref<!tpu.dma_semaphore, #tpu.memory_space<semaphore_mem>>)
      %dma_wait3A = arith.constant 0 : i32
      %dma_wait3A_211 = tpu.memref_slice %arg9[%add3A_27, %dma_wait3A] : memref<50176x32xf32, #tpu.memory_space<vmem_shared>> -> memref<196x32xf32, #tpu.memory_space<vmem_shared>>
      %dma_wait3A_212 = arith.constant 0 : i32
      %dma_wait3A_213 = tpu.memref_slice %arg9[%add3A_27, %dma_wait3A_212] : memref<50176x32xf32, #tpu.memory_space<vmem_shared>> -> memref<196x32xf32, #tpu.memory_space<vmem_shared>>
      tpu.wait_dma2 semaphore(%run_scoped3A : memref<!tpu.dma_semaphore, #tpu.memory_space<semaphore_mem>>) src(%arg8 : memref<196x32xf32, #tpu.memory_space<vmem>>) dst(%dma_wait3A_213 : memref<196x32xf32, #tpu.memory_space<vmem_shared>>)
      tpu.yield
    }) : () -> ()
    %mul3A_28 = arith.constant 3136 : i32
    %mul3A_29 = arith.muli %arg1, %mul3A_28 : i32
    %add3A_30 = arith.constant 980 : i32
    %add3A_31 = arith.addi %mul3A_29, %add3A_30 : i32
    "tpu.region"() ({
      %run_scoped3A = tpu.sem_alloc : memref<!tpu.dma_semaphore, #tpu.memory_space<semaphore_mem>>
      %dma_start3A = arith.constant 0 : i32
      %dma_start3A_208 = tpu.memref_slice %arg9[%add3A_31, %dma_start3A] : memref<50176x32xf32, #tpu.memory_space<vmem_shared>> -> memref<196x32xf32, #tpu.memory_space<vmem_shared>>
      %dma_start3A_209 = arith.constant 0 : i32
      %dma_start3A_210 = tpu.memref_slice %arg9[%add3A_31, %dma_start3A_209] : memref<50176x32xf32, #tpu.memory_space<vmem_shared>> -> memref<196x32xf32, #tpu.memory_space<vmem_shared>>
      tpu.enqueue_dma source(%arg8 : memref<196x32xf32, #tpu.memory_space<vmem>>) target(%dma_start3A_210 : memref<196x32xf32, #tpu.memory_space<vmem_shared>>) target_semaphore(%run_scoped3A : memref<!tpu.dma_semaphore, #tpu.memory_space<semaphore_mem>>)
      %dma_wait3A = arith.constant 0 : i32
      %dma_wait3A_211 = tpu.memref_slice %arg9[%add3A_31, %dma_wait3A] : memref<50176x32xf32, #tpu.memory_space<vmem_shared>> -> memref<196x32xf32, #tpu.memory_space<vmem_shared>>
      %dma_wait3A_212 = arith.constant 0 : i32
      %dma_wait3A_213 = tpu.memref_slice %arg9[%add3A_31, %dma_wait3A_212] : memref<50176x32xf32, #tpu.memory_space<vmem_shared>> -> memref<196x32xf32, #tpu.memory_space<vmem_shared>>
      tpu.wait_dma2 semaphore(%run_scoped3A : memref<!tpu.dma_semaphore, #tpu.memory_space<semaphore_mem>>) src(%arg8 : memref<196x32xf32, #tpu.memory_space<vmem>>) dst(%dma_wait3A_213 : memref<196x32xf32, #tpu.memory_space<vmem_shared>>)
      tpu.yield
    }) : () -> ()
    %mul3A_32 = arith.constant 3136 : i32
    %mul3A_33 = arith.muli %arg1, %mul3A_32 : i32
    %add3A_34 = arith.constant 1176 : i32
    %add3A_35 = arith.addi %mul3A_33, %add3A_34 : i32
    "tpu.region"() ({
      %run_scoped3A = tpu.sem_alloc : memref<!tpu.dma_semaphore, #tpu.memory_space<semaphore_mem>>
      %dma_start3A = arith.constant 0 : i32
      %dma_start3A_208 = tpu.memref_slice %arg9[%add3A_35, %dma_start3A] : memref<50176x32xf32, #tpu.memory_space<vmem_shared>> -> memref<196x32xf32, #tpu.memory_space<vmem_shared>>
      %dma_start3A_209 = arith.constant 0 : i32
      %dma_start3A_210 = tpu.memref_slice %arg9[%add3A_35, %dma_start3A_209] : memref<50176x32xf32, #tpu.memory_space<vmem_shared>> -> memref<196x32xf32, #tpu.memory_space<vmem_shared>>
      tpu.enqueue_dma source(%arg8 : memref<196x32xf32, #tpu.memory_space<vmem>>) target(%dma_start3A_210 : memref<196x32xf32, #tpu.memory_space<vmem_shared>>) target_semaphore(%run_scoped3A : memref<!tpu.dma_semaphore, #tpu.memory_space<semaphore_mem>>)
      %dma_wait3A = arith.constant 0 : i32
      %dma_wait3A_211 = tpu.memref_slice %arg9[%add3A_35, %dma_wait3A] : memref<50176x32xf32, #tpu.memory_space<vmem_shared>> -> memref<196x32xf32, #tpu.memory_space<vmem_shared>>
      %dma_wait3A_212 = arith.constant 0 : i32
      %dma_wait3A_213 = tpu.memref_slice %arg9[%add3A_35, %dma_wait3A_212] : memref<50176x32xf32, #tpu.memory_space<vmem_shared>> -> memref<196x32xf32, #tpu.memory_space<vmem_shared>>
      tpu.wait_dma2 semaphore(%run_scoped3A : memref<!tpu.dma_semaphore, #tpu.memory_space<semaphore_mem>>) src(%arg8 : memref<196x32xf32, #tpu.memory_space<vmem>>) dst(%dma_wait3A_213 : memref<196x32xf32, #tpu.memory_space<vmem_shared>>)
      tpu.yield
    }) : () -> ()
    %mul3A_36 = arith.constant 3136 : i32
    %mul3A_37 = arith.muli %arg1, %mul3A_36 : i32
    %add3A_38 = arith.constant 1372 : i32
    %add3A_39 = arith.addi %mul3A_37, %add3A_38 : i32
    "tpu.region"() ({
      %run_scoped3A = tpu.sem_alloc : memref<!tpu.dma_semaphore, #tpu.memory_space<semaphore_mem>>
      %dma_start3A = arith.constant 0 : i32
      %dma_start3A_208 = tpu.memref_slice %arg9[%add3A_39, %dma_start3A] : memref<50176x32xf32, #tpu.memory_space<vmem_shared>> -> memref<196x32xf32, #tpu.memory_space<vmem_shared>>
      %dma_start3A_209 = arith.constant 0 : i32
      %dma_start3A_210 = tpu.memref_slice %arg9[%add3A_39, %dma_start3A_209] : memref<50176x32xf32, #tpu.memory_space<vmem_shared>> -> memref<196x32xf32, #tpu.memory_space<vmem_shared>>
      tpu.enqueue_dma source(%arg8 : memref<196x32xf32, #tpu.memory_space<vmem>>) target(%dma_start3A_210 : memref<196x32xf32, #tpu.memory_space<vmem_shared>>) target_semaphore(%run_scoped3A : memref<!tpu.dma_semaphore, #tpu.memory_space<semaphore_mem>>)
      %dma_wait3A = arith.constant 0 : i32
      %dma_wait3A_211 = tpu.memref_slice %arg9[%add3A_39, %dma_wait3A] : memref<50176x32xf32, #tpu.memory_space<vmem_shared>> -> memref<196x32xf32, #tpu.memory_space<vmem_shared>>
      %dma_wait3A_212 = arith.constant 0 : i32
      %dma_wait3A_213 = tpu.memref_slice %arg9[%add3A_39, %dma_wait3A_212] : memref<50176x32xf32, #tpu.memory_space<vmem_shared>> -> memref<196x32xf32, #tpu.memory_space<vmem_shared>>
      tpu.wait_dma2 semaphore(%run_scoped3A : memref<!tpu.dma_semaphore, #tpu.memory_space<semaphore_mem>>) src(%arg8 : memref<196x32xf32, #tpu.memory_space<vmem>>) dst(%dma_wait3A_213 : memref<196x32xf32, #tpu.memory_space<vmem_shared>>)
      tpu.yield
    }) : () -> ()
    %mul3A_40 = arith.constant 3136 : i32
    %mul3A_41 = arith.muli %arg1, %mul3A_40 : i32
    %add3A_42 = arith.constant 1568 : i32
    %add3A_43 = arith.addi %mul3A_41, %add3A_42 : i32
    "tpu.region"() ({
      %run_scoped3A = tpu.sem_alloc : memref<!tpu.dma_semaphore, #tpu.memory_space<semaphore_mem>>
      %dma_start3A = arith.constant 0 : i32
      %dma_start3A_208 = tpu.memref_slice %arg9[%add3A_43, %dma_start3A] : memref<50176x32xf32, #tpu.memory_space<vmem_shared>> -> memref<196x32xf32, #tpu.memory_space<vmem_shared>>
      %dma_start3A_209 = arith.constant 0 : i32
      %dma_start3A_210 = tpu.memref_slice %arg9[%add3A_43, %dma_start3A_209] : memref<50176x32xf32, #tpu.memory_space<vmem_shared>> -> memref<196x32xf32, #tpu.memory_space<vmem_shared>>
      tpu.enqueue_dma source(%arg8 : memref<196x32xf32, #tpu.memory_space<vmem>>) target(%dma_start3A_210 : memref<196x32xf32, #tpu.memory_space<vmem_shared>>) target_semaphore(%run_scoped3A : memref<!tpu.dma_semaphore, #tpu.memory_space<semaphore_mem>>)
      %dma_wait3A = arith.constant 0 : i32
      %dma_wait3A_211 = tpu.memref_slice %arg9[%add3A_43, %dma_wait3A] : memref<50176x32xf32, #tpu.memory_space<vmem_shared>> -> memref<196x32xf32, #tpu.memory_space<vmem_shared>>
      %dma_wait3A_212 = arith.constant 0 : i32
      %dma_wait3A_213 = tpu.memref_slice %arg9[%add3A_43, %dma_wait3A_212] : memref<50176x32xf32, #tpu.memory_space<vmem_shared>> -> memref<196x32xf32, #tpu.memory_space<vmem_shared>>
      tpu.wait_dma2 semaphore(%run_scoped3A : memref<!tpu.dma_semaphore, #tpu.memory_space<semaphore_mem>>) src(%arg8 : memref<196x32xf32, #tpu.memory_space<vmem>>) dst(%dma_wait3A_213 : memref<196x32xf32, #tpu.memory_space<vmem_shared>>)
      tpu.yield
    }) : () -> ()
    %mul3A_44 = arith.constant 3136 : i32
    %mul3A_45 = arith.muli %arg1, %mul3A_44 : i32
    %add3A_46 = arith.constant 1764 : i32
    %add3A_47 = arith.addi %mul3A_45, %add3A_46 : i32
    "tpu.region"() ({
      %run_scoped3A = tpu.sem_alloc : memref<!tpu.dma_semaphore, #tpu.memory_space<semaphore_mem>>
      %dma_start3A = arith.constant 0 : i32
      %dma_start3A_208 = tpu.memref_slice %arg9[%add3A_47, %dma_start3A] : memref<50176x32xf32, #tpu.memory_space<vmem_shared>> -> memref<196x32xf32, #tpu.memory_space<vmem_shared>>
      %dma_start3A_209 = arith.constant 0 : i32
      %dma_start3A_210 = tpu.memref_slice %arg9[%add3A_47, %dma_start3A_209] : memref<50176x32xf32, #tpu.memory_space<vmem_shared>> -> memref<196x32xf32, #tpu.memory_space<vmem_shared>>
      tpu.enqueue_dma source(%arg8 : memref<196x32xf32, #tpu.memory_space<vmem>>) target(%dma_start3A_210 : memref<196x32xf32, #tpu.memory_space<vmem_shared>>) target_semaphore(%run_scoped3A : memref<!tpu.dma_semaphore, #tpu.memory_space<semaphore_mem>>)
      %dma_wait3A = arith.constant 0 : i32
      %dma_wait3A_211 = tpu.memref_slice %arg9[%add3A_47, %dma_wait3A] : memref<50176x32xf32, #tpu.memory_space<vmem_shared>> -> memref<196x32xf32, #tpu.memory_space<vmem_shared>>
      %dma_wait3A_212 = arith.constant 0 : i32
      %dma_wait3A_213 = tpu.memref_slice %arg9[%add3A_47, %dma_wait3A_212] : memref<50176x32xf32, #tpu.memory_space<vmem_shared>> -> memref<196x32xf32, #tpu.memory_space<vmem_shared>>
      tpu.wait_dma2 semaphore(%run_scoped3A : memref<!tpu.dma_semaphore, #tpu.memory_space<semaphore_mem>>) src(%arg8 : memref<196x32xf32, #tpu.memory_space<vmem>>) dst(%dma_wait3A_213 : memref<196x32xf32, #tpu.memory_space<vmem_shared>>)
      tpu.yield
    }) : () -> ()
    %mul3A_48 = arith.constant 3136 : i32
    %mul3A_49 = arith.muli %arg1, %mul3A_48 : i32
    %add3A_50 = arith.constant 1960 : i32
    %add3A_51 = arith.addi %mul3A_49, %add3A_50 : i32
    "tpu.region"() ({
      %run_scoped3A = tpu.sem_alloc : memref<!tpu.dma_semaphore, #tpu.memory_space<semaphore_mem>>
      %dma_start3A = arith.constant 0 : i32
      %dma_start3A_208 = tpu.memref_slice %arg9[%add3A_51, %dma_start3A] : memref<50176x32xf32, #tpu.memory_space<vmem_shared>> -> memref<196x32xf32, #tpu.memory_space<vmem_shared>>
      %dma_start3A_209 = arith.constant 0 : i32
      %dma_start3A_210 = tpu.memref_slice %arg9[%add3A_51, %dma_start3A_209] : memref<50176x32xf32, #tpu.memory_space<vmem_shared>> -> memref<196x32xf32, #tpu.memory_space<vmem_shared>>
      tpu.enqueue_dma source(%arg8 : memref<196x32xf32, #tpu.memory_space<vmem>>) target(%dma_start3A_210 : memref<196x32xf32, #tpu.memory_space<vmem_shared>>) target_semaphore(%run_scoped3A : memref<!tpu.dma_semaphore, #tpu.memory_space<semaphore_mem>>)
      %dma_wait3A = arith.constant 0 : i32
      %dma_wait3A_211 = tpu.memref_slice %arg9[%add3A_51, %dma_wait3A] : memref<50176x32xf32, #tpu.memory_space<vmem_shared>> -> memref<196x32xf32, #tpu.memory_space<vmem_shared>>
      %dma_wait3A_212 = arith.constant 0 : i32
      %dma_wait3A_213 = tpu.memref_slice %arg9[%add3A_51, %dma_wait3A_212] : memref<50176x32xf32, #tpu.memory_space<vmem_shared>> -> memref<196x32xf32, #tpu.memory_space<vmem_shared>>
      tpu.wait_dma2 semaphore(%run_scoped3A : memref<!tpu.dma_semaphore, #tpu.memory_space<semaphore_mem>>) src(%arg8 : memref<196x32xf32, #tpu.memory_space<vmem>>) dst(%dma_wait3A_213 : memref<196x32xf32, #tpu.memory_space<vmem_shared>>)
      tpu.yield
    }) : () -> ()
    %mul3A_52 = arith.constant 3136 : i32
    %mul3A_53 = arith.muli %arg1, %mul3A_52 : i32
    %add3A_54 = arith.constant 2156 : i32
    %add3A_55 = arith.addi %mul3A_53, %add3A_54 : i32
    "tpu.region"() ({
      %run_scoped3A = tpu.sem_alloc : memref<!tpu.dma_semaphore, #tpu.memory_space<semaphore_mem>>
      %dma_start3A = arith.constant 0 : i32
      %dma_start3A_208 = tpu.memref_slice %arg9[%add3A_55, %dma_start3A] : memref<50176x32xf32, #tpu.memory_space<vmem_shared>> -> memref<196x32xf32, #tpu.memory_space<vmem_shared>>
      %dma_start3A_209 = arith.constant 0 : i32
      %dma_start3A_210 = tpu.memref_slice %arg9[%add3A_55, %dma_start3A_209] : memref<50176x32xf32, #tpu.memory_space<vmem_shared>> -> memref<196x32xf32, #tpu.memory_space<vmem_shared>>
      tpu.enqueue_dma source(%arg8 : memref<196x32xf32, #tpu.memory_space<vmem>>) target(%dma_start3A_210 : memref<196x32xf32, #tpu.memory_space<vmem_shared>>) target_semaphore(%run_scoped3A : memref<!tpu.dma_semaphore, #tpu.memory_space<semaphore_mem>>)
      %dma_wait3A = arith.constant 0 : i32
      %dma_wait3A_211 = tpu.memref_slice %arg9[%add3A_55, %dma_wait3A] : memref<50176x32xf32, #tpu.memory_space<vmem_shared>> -> memref<196x32xf32, #tpu.memory_space<vmem_shared>>
      %dma_wait3A_212 = arith.constant 0 : i32
      %dma_wait3A_213 = tpu.memref_slice %arg9[%add3A_55, %dma_wait3A_212] : memref<50176x32xf32, #tpu.memory_space<vmem_shared>> -> memref<196x32xf32, #tpu.memory_space<vmem_shared>>
      tpu.wait_dma2 semaphore(%run_scoped3A : memref<!tpu.dma_semaphore, #tpu.memory_space<semaphore_mem>>) src(%arg8 : memref<196x32xf32, #tpu.memory_space<vmem>>) dst(%dma_wait3A_213 : memref<196x32xf32, #tpu.memory_space<vmem_shared>>)
      tpu.yield
    }) : () -> ()
    %mul3A_56 = arith.constant 3136 : i32
    %mul3A_57 = arith.muli %arg1, %mul3A_56 : i32
    %add3A_58 = arith.constant 2352 : i32
    %add3A_59 = arith.addi %mul3A_57, %add3A_58 : i32
    "tpu.region"() ({
      %run_scoped3A = tpu.sem_alloc : memref<!tpu.dma_semaphore, #tpu.memory_space<semaphore_mem>>
      %dma_start3A = arith.constant 0 : i32
      %dma_start3A_208 = tpu.memref_slice %arg9[%add3A_59, %dma_start3A] : memref<50176x32xf32, #tpu.memory_space<vmem_shared>> -> memref<196x32xf32, #tpu.memory_space<vmem_shared>>
      %dma_start3A_209 = arith.constant 0 : i32
      %dma_start3A_210 = tpu.memref_slice %arg9[%add3A_59, %dma_start3A_209] : memref<50176x32xf32, #tpu.memory_space<vmem_shared>> -> memref<196x32xf32, #tpu.memory_space<vmem_shared>>
      tpu.enqueue_dma source(%arg8 : memref<196x32xf32, #tpu.memory_space<vmem>>) target(%dma_start3A_210 : memref<196x32xf32, #tpu.memory_space<vmem_shared>>) target_semaphore(%run_scoped3A : memref<!tpu.dma_semaphore, #tpu.memory_space<semaphore_mem>>)
      %dma_wait3A = arith.constant 0 : i32
      %dma_wait3A_211 = tpu.memref_slice %arg9[%add3A_59, %dma_wait3A] : memref<50176x32xf32, #tpu.memory_space<vmem_shared>> -> memref<196x32xf32, #tpu.memory_space<vmem_shared>>
      %dma_wait3A_212 = arith.constant 0 : i32
      %dma_wait3A_213 = tpu.memref_slice %arg9[%add3A_59, %dma_wait3A_212] : memref<50176x32xf32, #tpu.memory_space<vmem_shared>> -> memref<196x32xf32, #tpu.memory_space<vmem_shared>>
      tpu.wait_dma2 semaphore(%run_scoped3A : memref<!tpu.dma_semaphore, #tpu.memory_space<semaphore_mem>>) src(%arg8 : memref<196x32xf32, #tpu.memory_space<vmem>>) dst(%dma_wait3A_213 : memref<196x32xf32, #tpu.memory_space<vmem_shared>>)
      tpu.yield
    }) : () -> ()
    %mul3A_60 = arith.constant 3136 : i32
    %mul3A_61 = arith.muli %arg1, %mul3A_60 : i32
    %add3A_62 = arith.constant 2548 : i32
    %add3A_63 = arith.addi %mul3A_61, %add3A_62 : i32
    "tpu.region"() ({
      %run_scoped3A = tpu.sem_alloc : memref<!tpu.dma_semaphore, #tpu.memory_space<semaphore_mem>>
      %dma_start3A = arith.constant 0 : i32
      %dma_start3A_208 = tpu.memref_slice %arg9[%add3A_63, %dma_start3A] : memref<50176x32xf32, #tpu.memory_space<vmem_shared>> -> memref<196x32xf32, #tpu.memory_space<vmem_shared>>
      %dma_start3A_209 = arith.constant 0 : i32
      %dma_start3A_210 = tpu.memref_slice %arg9[%add3A_63, %dma_start3A_209] : memref<50176x32xf32, #tpu.memory_space<vmem_shared>> -> memref<196x32xf32, #tpu.memory_space<vmem_shared>>
      tpu.enqueue_dma source(%arg8 : memref<196x32xf32, #tpu.memory_space<vmem>>) target(%dma_start3A_210 : memref<196x32xf32, #tpu.memory_space<vmem_shared>>) target_semaphore(%run_scoped3A : memref<!tpu.dma_semaphore, #tpu.memory_space<semaphore_mem>>)
      %dma_wait3A = arith.constant 0 : i32
      %dma_wait3A_211 = tpu.memref_slice %arg9[%add3A_63, %dma_wait3A] : memref<50176x32xf32, #tpu.memory_space<vmem_shared>> -> memref<196x32xf32, #tpu.memory_space<vmem_shared>>
      %dma_wait3A_212 = arith.constant 0 : i32
      %dma_wait3A_213 = tpu.memref_slice %arg9[%add3A_63, %dma_wait3A_212] : memref<50176x32xf32, #tpu.memory_space<vmem_shared>> -> memref<196x32xf32, #tpu.memory_space<vmem_shared>>
      tpu.wait_dma2 semaphore(%run_scoped3A : memref<!tpu.dma_semaphore, #tpu.memory_space<semaphore_mem>>) src(%arg8 : memref<196x32xf32, #tpu.memory_space<vmem>>) dst(%dma_wait3A_213 : memref<196x32xf32, #tpu.memory_space<vmem_shared>>)
      tpu.yield
    }) : () -> ()
    %mul3A_64 = arith.constant 3136 : i32
    %mul3A_65 = arith.muli %arg1, %mul3A_64 : i32
    %add3A_66 = arith.constant 2744 : i32
    %add3A_67 = arith.addi %mul3A_65, %add3A_66 : i32
    "tpu.region"() ({
      %run_scoped3A = tpu.sem_alloc : memref<!tpu.dma_semaphore, #tpu.memory_space<semaphore_mem>>
      %dma_start3A = arith.constant 0 : i32
      %dma_start3A_208 = tpu.memref_slice %arg9[%add3A_67, %dma_start3A] : memref<50176x32xf32, #tpu.memory_space<vmem_shared>> -> memref<196x32xf32, #tpu.memory_space<vmem_shared>>
      %dma_start3A_209 = arith.constant 0 : i32
      %dma_start3A_210 = tpu.memref_slice %arg9[%add3A_67, %dma_start3A_209] : memref<50176x32xf32, #tpu.memory_space<vmem_shared>> -> memref<196x32xf32, #tpu.memory_space<vmem_shared>>
      tpu.enqueue_dma source(%arg8 : memref<196x32xf32, #tpu.memory_space<vmem>>) target(%dma_start3A_210 : memref<196x32xf32, #tpu.memory_space<vmem_shared>>) target_semaphore(%run_scoped3A : memref<!tpu.dma_semaphore, #tpu.memory_space<semaphore_mem>>)
      %dma_wait3A = arith.constant 0 : i32
      %dma_wait3A_211 = tpu.memref_slice %arg9[%add3A_67, %dma_wait3A] : memref<50176x32xf32, #tpu.memory_space<vmem_shared>> -> memref<196x32xf32, #tpu.memory_space<vmem_shared>>
      %dma_wait3A_212 = arith.constant 0 : i32
      %dma_wait3A_213 = tpu.memref_slice %arg9[%add3A_67, %dma_wait3A_212] : memref<50176x32xf32, #tpu.memory_space<vmem_shared>> -> memref<196x32xf32, #tpu.memory_space<vmem_shared>>
      tpu.wait_dma2 semaphore(%run_scoped3A : memref<!tpu.dma_semaphore, #tpu.memory_space<semaphore_mem>>) src(%arg8 : memref<196x32xf32, #tpu.memory_space<vmem>>) dst(%dma_wait3A_213 : memref<196x32xf32, #tpu.memory_space<vmem_shared>>)
      tpu.yield
    }) : () -> ()
    %mul3A_68 = arith.constant 3136 : i32
    %mul3A_69 = arith.muli %arg1, %mul3A_68 : i32
    %add3A_70 = arith.constant 2940 : i32
    %add3A_71 = arith.addi %mul3A_69, %add3A_70 : i32
    "tpu.region"() ({
      %run_scoped3A = tpu.sem_alloc : memref<!tpu.dma_semaphore, #tpu.memory_space<semaphore_mem>>
      %dma_start3A = arith.constant 0 : i32
      %dma_start3A_208 = tpu.memref_slice %arg9[%add3A_71, %dma_start3A] : memref<50176x32xf32, #tpu.memory_space<vmem_shared>> -> memref<196x32xf32, #tpu.memory_space<vmem_shared>>
      %dma_start3A_209 = arith.constant 0 : i32
      %dma_start3A_210 = tpu.memref_slice %arg9[%add3A_71, %dma_start3A_209] : memref<50176x32xf32, #tpu.memory_space<vmem_shared>> -> memref<196x32xf32, #tpu.memory_space<vmem_shared>>
      tpu.enqueue_dma source(%arg8 : memref<196x32xf32, #tpu.memory_space<vmem>>) target(%dma_start3A_210 : memref<196x32xf32, #tpu.memory_space<vmem_shared>>) target_semaphore(%run_scoped3A : memref<!tpu.dma_semaphore, #tpu.memory_space<semaphore_mem>>)
      %dma_wait3A = arith.constant 0 : i32
      %dma_wait3A_211 = tpu.memref_slice %arg9[%add3A_71, %dma_wait3A] : memref<50176x32xf32, #tpu.memory_space<vmem_shared>> -> memref<196x32xf32, #tpu.memory_space<vmem_shared>>
      %dma_wait3A_212 = arith.constant 0 : i32
      %dma_wait3A_213 = tpu.memref_slice %arg9[%add3A_71, %dma_wait3A_212] : memref<50176x32xf32, #tpu.memory_space<vmem_shared>> -> memref<196x32xf32, #tpu.memory_space<vmem_shared>>
      tpu.wait_dma2 semaphore(%run_scoped3A : memref<!tpu.dma_semaphore, #tpu.memory_space<semaphore_mem>>) src(%arg8 : memref<196x32xf32, #tpu.memory_space<vmem>>) dst(%dma_wait3A_213 : memref<196x32xf32, #tpu.memory_space<vmem_shared>>)
      tpu.yield
    }) : () -> ()
    %barrier3A = arith.constant 0 : index
    tpu.barrier barrier_id(%barrier3A)
    %scan3A_72 = arith.constant 0 : i32
    %scan3A_73 = arith.constant 0 : i32
    %scan3A_74 = arith.constant 25 : i32
    %scan3A_75 = arith.addi %scan3A_73, %scan3A_74 : i32
    %scan3A_76 = arith.constant 1 : i32
    %scan3A_77 = scf.for %scan3A_208 = %scan3A_73 to %scan3A_75 step %scan3A_76 iter_args(%scan3A_209 = %scan3A_72) -> (i32)  : i32 {
      %mul3A_210 = arith.constant 25 : i32
      %mul3A_211 = arith.muli %add3A, %mul3A_210 : i32
      %add3A_212 = arith.addi %mul3A_211, %scan3A_208 : i32
      %run_scoped3A = arith.constant 0 : i32
      "tpu.region"() ({
        %run_scoped3A_261 = tpu.sem_alloc : memref<!tpu.dma_semaphore, #tpu.memory_space<semaphore_mem>>
        %dma_start3A_262 = arith.constant 0 : i32
        %dma_start3A_263 = arith.constant 0 : i32
        %dma_start3A_264 = tpu.memref_slice %arg2[%run_scoped3A, %add3A_212, %dma_start3A_262, %dma_start3A_263] : memref<2x800x16x128xi32, #tpu.memory_space<hbm>> -> memref<1x1x16x128xi32, #tpu.memory_space<hbm>>
        %dma_start3A_265 = tpu.memref_squeeze %dma_start3A_264 : memref<1x1x16x128xi32, #tpu.memory_space<hbm>> -> memref<16x128xi32, #tpu.memory_space<hbm>>
        %dma_start3A_266 = arith.constant 0 : i32
        %dma_start3A_267 = arith.constant 0 : i32
        %dma_start3A_268 = tpu.memref_slice %arg2[%run_scoped3A, %add3A_212, %dma_start3A_266, %dma_start3A_267] : memref<2x800x16x128xi32, #tpu.memory_space<hbm>> -> memref<1x1x16x128xi32, #tpu.memory_space<hbm>>
        %dma_start3A_269 = tpu.memref_squeeze %dma_start3A_268 : memref<1x1x16x128xi32, #tpu.memory_space<hbm>> -> memref<16x128xi32, #tpu.memory_space<hbm>>
        tpu.enqueue_dma source(%dma_start3A_269 : memref<16x128xi32, #tpu.memory_space<hbm>>) target(%arg5 : memref<16x128xi32, #tpu.memory_space<vmem>>) target_semaphore(%run_scoped3A_261 : memref<!tpu.dma_semaphore, #tpu.memory_space<semaphore_mem>>)
        %dma_wait3A = arith.constant 0 : i32
        %dma_wait3A_270 = arith.constant 0 : i32
        %dma_wait3A_271 = tpu.memref_slice %arg2[%run_scoped3A, %add3A_212, %dma_wait3A, %dma_wait3A_270] : memref<2x800x16x128xi32, #tpu.memory_space<hbm>> -> memref<1x1x16x128xi32, #tpu.memory_space<hbm>>
        %dma_wait3A_272 = tpu.memref_squeeze %dma_wait3A_271 : memref<1x1x16x128xi32, #tpu.memory_space<hbm>> -> memref<16x128xi32, #tpu.memory_space<hbm>>
        %dma_wait3A_273 = arith.constant 0 : i32
        %dma_wait3A_274 = arith.constant 0 : i32
        %dma_wait3A_275 = tpu.memref_slice %arg2[%run_scoped3A, %add3A_212, %dma_wait3A_273, %dma_wait3A_274] : memref<2x800x16x128xi32, #tpu.memory_space<hbm>> -> memref<1x1x16x128xi32, #tpu.memory_space<hbm>>
        %dma_wait3A_276 = tpu.memref_squeeze %dma_wait3A_275 : memref<1x1x16x128xi32, #tpu.memory_space<hbm>> -> memref<16x128xi32, #tpu.memory_space<hbm>>
        tpu.wait_dma2 semaphore(%run_scoped3A_261 : memref<!tpu.dma_semaphore, #tpu.memory_space<semaphore_mem>>) src(%dma_wait3A_276 : memref<16x128xi32, #tpu.memory_space<hbm>>) dst(%arg5 : memref<16x128xi32, #tpu.memory_space<vmem>>)
        tpu.yield
      }) : () -> ()
      %run_scoped3A_213 = arith.constant 1 : i32
      "tpu.region"() ({
        %run_scoped3A_261 = tpu.sem_alloc : memref<!tpu.dma_semaphore, #tpu.memory_space<semaphore_mem>>
        %dma_start3A_262 = arith.constant 0 : i32
        %dma_start3A_263 = arith.constant 0 : i32
        %dma_start3A_264 = tpu.memref_slice %arg2[%run_scoped3A_213, %add3A_212, %dma_start3A_262, %dma_start3A_263] : memref<2x800x16x128xi32, #tpu.memory_space<hbm>> -> memref<1x1x16x128xi32, #tpu.memory_space<hbm>>
        %dma_start3A_265 = tpu.memref_squeeze %dma_start3A_264 : memref<1x1x16x128xi32, #tpu.memory_space<hbm>> -> memref<16x128xi32, #tpu.memory_space<hbm>>
        %dma_start3A_266 = arith.constant 0 : i32
        %dma_start3A_267 = arith.constant 0 : i32
        %dma_start3A_268 = tpu.memref_slice %arg2[%run_scoped3A_213, %add3A_212, %dma_start3A_266, %dma_start3A_267] : memref<2x800x16x128xi32, #tpu.memory_space<hbm>> -> memref<1x1x16x128xi32, #tpu.memory_space<hbm>>
        %dma_start3A_269 = tpu.memref_squeeze %dma_start3A_268 : memref<1x1x16x128xi32, #tpu.memory_space<hbm>> -> memref<16x128xi32, #tpu.memory_space<hbm>>
        tpu.enqueue_dma source(%dma_start3A_269 : memref<16x128xi32, #tpu.memory_space<hbm>>) target(%arg6 : memref<16x128xi32, #tpu.memory_space<vmem>>) target_semaphore(%run_scoped3A_261 : memref<!tpu.dma_semaphore, #tpu.memory_space<semaphore_mem>>)
        %dma_wait3A = arith.constant 0 : i32
        %dma_wait3A_270 = arith.constant 0 : i32
        %dma_wait3A_271 = tpu.memref_slice %arg2[%run_scoped3A_213, %add3A_212, %dma_wait3A, %dma_wait3A_270] : memref<2x800x16x128xi32, #tpu.memory_space<hbm>> -> memref<1x1x16x128xi32, #tpu.memory_space<hbm>>
        %dma_wait3A_272 = tpu.memref_squeeze %dma_wait3A_271 : memref<1x1x16x128xi32, #tpu.memory_space<hbm>> -> memref<16x128xi32, #tpu.memory_space<hbm>>
        %dma_wait3A_273 = arith.constant 0 : i32
        %dma_wait3A_274 = arith.constant 0 : i32
        %dma_wait3A_275 = tpu.memref_slice %arg2[%run_scoped3A_213, %add3A_212, %dma_wait3A_273, %dma_wait3A_274] : memref<2x800x16x128xi32, #tpu.memory_space<hbm>> -> memref<1x1x16x128xi32, #tpu.memory_space<hbm>>
        %dma_wait3A_276 = tpu.memref_squeeze %dma_wait3A_275 : memref<1x1x16x128xi32, #tpu.memory_space<hbm>> -> memref<16x128xi32, #tpu.memory_space<hbm>>
        tpu.wait_dma2 semaphore(%run_scoped3A_261 : memref<!tpu.dma_semaphore, #tpu.memory_space<semaphore_mem>>) src(%dma_wait3A_276 : memref<16x128xi32, #tpu.memory_space<hbm>>) dst(%arg6 : memref<16x128xi32, #tpu.memory_space<vmem>>)
        tpu.yield
      }) : () -> ()
      %dma_start3A = arith.constant 0 : i32
      %dma_start3A_214 = arith.constant 0 : i32
      %dma_start3A_215 = arith.constant 0 : i32
      %dma_start3A_216 = tpu.memref_slice %arg7[%dma_start3A_214, %dma_start3A_215] : memref<512x32xf32, #tpu.memory_space<vmem>> -> memref<128x32xf32, #tpu.memory_space<vmem>>
      %dma_start3A_217 = arith.constant 0 : i32
      %dma_start3A_218 = tpu.memref_slice %arg5[%dma_start3A, %dma_start3A_217] : memref<16x128xi32, #tpu.memory_space<vmem>> -> memref<1x128xi32, #tpu.memory_space<vmem>>
      %dma_start3A_219 = tpu.memref_squeeze %dma_start3A_218 : memref<1x128xi32, #tpu.memory_space<vmem>> -> memref<128xi32, #tpu.memory_space<vmem>>
      %dma_start3A_220 = arith.constant 0 : i32
      %dma_start3A_221 = arith.constant 0 : i32
      %dma_start3A_222 = tpu.memref_slice %arg3[%dma_start3A_220, %dma_start3A_221] : memref<50176x32xf32, #tpu.memory_space<hbm>> -> memref<50176x32xf32, #tpu.memory_space<hbm>>
      tpu.enqueue_indirect_dma source(%dma_start3A_222 : memref<50176x32xf32, #tpu.memory_space<hbm>>) target(%dma_start3A_216 : memref<128x32xf32, #tpu.memory_space<vmem>>) offsets(%dma_start3A_219 : memref<128xi32, #tpu.memory_space<vmem>>) semaphore(%arg10 : memref<!tpu.dma_semaphore, #tpu.memory_space<semaphore_mem>>)
      %dma_start3A_223 = arith.constant 1 : i32
      %dma_start3A_224 = arith.constant 128 : i32
      %dma_start3A_225 = arith.constant 0 : i32
      %dma_start3A_226 = tpu.memref_slice %arg7[%dma_start3A_224, %dma_start3A_225] : memref<512x32xf32, #tpu.memory_space<vmem>> -> memref<128x32xf32, #tpu.memory_space<vmem>>
      %dma_start3A_227 = arith.constant 0 : i32
      %dma_start3A_228 = tpu.memref_slice %arg5[%dma_start3A_223, %dma_start3A_227] : memref<16x128xi32, #tpu.memory_space<vmem>> -> memref<1x128xi32, #tpu.memory_space<vmem>>
      %dma_start3A_229 = tpu.memref_squeeze %dma_start3A_228 : memref<1x128xi32, #tpu.memory_space<vmem>> -> memref<128xi32, #tpu.memory_space<vmem>>
      %dma_start3A_230 = arith.constant 0 : i32
      %dma_start3A_231 = arith.constant 0 : i32
      %dma_start3A_232 = tpu.memref_slice %arg3[%dma_start3A_230, %dma_start3A_231] : memref<50176x32xf32, #tpu.memory_space<hbm>> -> memref<50176x32xf32, #tpu.memory_space<hbm>>
      tpu.enqueue_indirect_dma source(%dma_start3A_232 : memref<50176x32xf32, #tpu.memory_space<hbm>>) target(%dma_start3A_226 : memref<128x32xf32, #tpu.memory_space<vmem>>) offsets(%dma_start3A_229 : memref<128xi32, #tpu.memory_space<vmem>>) semaphore(%arg10 : memref<!tpu.dma_semaphore, #tpu.memory_space<semaphore_mem>>)
      %dma_start3A_233 = arith.constant 2 : i32
      %dma_start3A_234 = arith.constant 256 : i32
      %dma_start3A_235 = arith.constant 0 : i32
      %dma_start3A_236 = tpu.memref_slice %arg7[%dma_start3A_234, %dma_start3A_235] : memref<512x32xf32, #tpu.memory_space<vmem>> -> memref<128x32xf32, #tpu.memory_space<vmem>>
      %dma_start3A_237 = arith.constant 0 : i32
      %dma_start3A_238 = tpu.memref_slice %arg5[%dma_start3A_233, %dma_start3A_237] : memref<16x128xi32, #tpu.memory_space<vmem>> -> memref<1x128xi32, #tpu.memory_space<vmem>>
      %dma_start3A_239 = tpu.memref_squeeze %dma_start3A_238 : memref<1x128xi32, #tpu.memory_space<vmem>> -> memref<128xi32, #tpu.memory_space<vmem>>
      %dma_start3A_240 = arith.constant 0 : i32
      %dma_start3A_241 = arith.constant 0 : i32
      %dma_start3A_242 = tpu.memref_slice %arg3[%dma_start3A_240, %dma_start3A_241] : memref<50176x32xf32, #tpu.memory_space<hbm>> -> memref<50176x32xf32, #tpu.memory_space<hbm>>
      tpu.enqueue_indirect_dma source(%dma_start3A_242 : memref<50176x32xf32, #tpu.memory_space<hbm>>) target(%dma_start3A_236 : memref<128x32xf32, #tpu.memory_space<vmem>>) offsets(%dma_start3A_239 : memref<128xi32, #tpu.memory_space<vmem>>) semaphore(%arg10 : memref<!tpu.dma_semaphore, #tpu.memory_space<semaphore_mem>>)
      %dma_start3A_243 = arith.constant 3 : i32
      %dma_start3A_244 = arith.constant 384 : i32
      %dma_start3A_245 = arith.constant 0 : i32
      %dma_start3A_246 = tpu.memref_slice %arg7[%dma_start3A_244, %dma_start3A_245] : memref<512x32xf32, #tpu.memory_space<vmem>> -> memref<128x32xf32, #tpu.memory_space<vmem>>
      %dma_start3A_247 = arith.constant 0 : i32
      %dma_start3A_248 = tpu.memref_slice %arg5[%dma_start3A_243, %dma_start3A_247] : memref<16x128xi32, #tpu.memory_space<vmem>> -> memref<1x128xi32, #tpu.memory_space<vmem>>
      %dma_start3A_249 = tpu.memref_squeeze %dma_start3A_248 : memref<1x128xi32, #tpu.memory_space<vmem>> -> memref<128xi32, #tpu.memory_space<vmem>>
      %dma_start3A_250 = arith.constant 0 : i32
      %dma_start3A_251 = arith.constant 0 : i32
      %dma_start3A_252 = tpu.memref_slice %arg3[%dma_start3A_250, %dma_start3A_251] : memref<50176x32xf32, #tpu.memory_space<hbm>> -> memref<50176x32xf32, #tpu.memory_space<hbm>>
      tpu.enqueue_indirect_dma source(%dma_start3A_252 : memref<50176x32xf32, #tpu.memory_space<hbm>>) target(%dma_start3A_246 : memref<128x32xf32, #tpu.memory_space<vmem>>) offsets(%dma_start3A_249 : memref<128xi32, #tpu.memory_space<vmem>>) semaphore(%arg10 : memref<!tpu.dma_semaphore, #tpu.memory_space<semaphore_mem>>)
      %scan3A_253 = arith.constant 0 : i32
      %scan3A_254 = arith.constant 0 : i32
      %scan3A_255 = arith.constant 4 : i32
      %scan3A_256 = arith.addi %scan3A_254, %scan3A_255 : i32
      %scan3A_257 = arith.constant 1 : i32
      %scan3A_258 = scf.for %scan3A_261 = %scan3A_254 to %scan3A_256 step %scan3A_257 iter_args(%scan3A_262 = %scan3A_253) -> (i32)  : i32 {
        %mul3A_263 = arith.constant 4 : i32
        %mul3A_264 = arith.muli %mul3A_263, %scan3A_261 : i32
        %add3A_265 = arith.constant 0 : i32
        %add3A_266 = arith.addi %mul3A_264, %add3A_265 : i32
        %dma_wait3A = arith.constant 0 : i32
        %dma_wait3A_267 = arith.constant 0 : i32
        %dma_wait3A_268 = tpu.memref_slice %arg7[%dma_wait3A, %dma_wait3A_267] : memref<512x32xf32, #tpu.memory_space<vmem>> -> memref<128x32xf32, #tpu.memory_space<vmem>>
        %dma_wait3A_269 = arith.constant 0 : i32
        %dma_wait3A_270 = tpu.memref_slice %arg5[%add3A_266, %dma_wait3A_269] : memref<16x128xi32, #tpu.memory_space<vmem>> -> memref<1x128xi32, #tpu.memory_space<vmem>>
        %dma_wait3A_271 = tpu.memref_squeeze %dma_wait3A_270 : memref<1x128xi32, #tpu.memory_space<vmem>> -> memref<128xi32, #tpu.memory_space<vmem>>
        %dma_wait3A_272 = arith.constant 0 : i32
        %dma_wait3A_273 = arith.constant 0 : i32
        %dma_wait3A_274 = tpu.memref_slice %arg3[%dma_wait3A_272, %dma_wait3A_273] : memref<50176x32xf32, #tpu.memory_space<hbm>> -> memref<50176x32xf32, #tpu.memory_space<hbm>>
        tpu.wait_indirect_dma semaphore(%arg10 : memref<!tpu.dma_semaphore, #tpu.memory_space<semaphore_mem>>) src(%dma_wait3A_274 : memref<50176x32xf32, #tpu.memory_space<hbm>>) dst(%dma_wait3A_268 : memref<128x32xf32, #tpu.memory_space<vmem>>)
        %add3A_275 = arith.constant 0 : i32
        %add3A_276 = arith.addi %mul3A_264, %add3A_275 : i32
        "tpu.region"() ({
          %run_scoped3A_334 = tpu.sem_alloc : memref<!tpu.dma_semaphore, #tpu.memory_space<semaphore_mem>>
          %dma_start3A_335 = arith.constant 0 : i32
          %dma_start3A_336 = arith.constant 0 : i32
          %dma_start3A_337 = tpu.memref_slice %arg7[%dma_start3A_335, %dma_start3A_336] : memref<512x32xf32, #tpu.memory_space<vmem>> -> memref<128x32xf32, #tpu.memory_space<vmem>>
          %dma_start3A_338 = arith.constant 0 : i32
          %dma_start3A_339 = tpu.memref_slice %arg6[%add3A_276, %dma_start3A_338] : memref<16x128xi32, #tpu.memory_space<vmem>> -> memref<1x128xi32, #tpu.memory_space<vmem>>
          %dma_start3A_340 = tpu.memref_squeeze %dma_start3A_339 : memref<1x128xi32, #tpu.memory_space<vmem>> -> memref<128xi32, #tpu.memory_space<vmem>>
          %dma_start3A_341 = arith.constant 0 : i32
          %dma_start3A_342 = arith.constant 0 : i32
          %dma_start3A_343 = tpu.memref_slice %arg9[%dma_start3A_341, %dma_start3A_342] : memref<50176x32xf32, #tpu.memory_space<vmem_shared>> -> memref<50176x32xf32, #tpu.memory_space<vmem_shared>>
          tpu.enqueue_indirect_dma source(%dma_start3A_337 : memref<128x32xf32, #tpu.memory_space<vmem>>) target(%dma_start3A_343 : memref<50176x32xf32, #tpu.memory_space<vmem_shared>>) offsets(%dma_start3A_340 : memref<128xi32, #tpu.memory_space<vmem>>) semaphore(%run_scoped3A_334 : memref<!tpu.dma_semaphore, #tpu.memory_space<semaphore_mem>>) {add = true}
          %dma_wait3A_344 = arith.constant 0 : i32
          %dma_wait3A_345 = arith.constant 0 : i32
          %dma_wait3A_346 = tpu.memref_slice %arg7[%dma_wait3A_344, %dma_wait3A_345] : memref<512x32xf32, #tpu.memory_space<vmem>> -> memref<128x32xf32, #tpu.memory_space<vmem>>
          %dma_wait3A_347 = arith.constant 0 : i32
          %dma_wait3A_348 = tpu.memref_slice %arg6[%add3A_276, %dma_wait3A_347] : memref<16x128xi32, #tpu.memory_space<vmem>> -> memref<1x128xi32, #tpu.memory_space<vmem>>
          %dma_wait3A_349 = tpu.memref_squeeze %dma_wait3A_348 : memref<1x128xi32, #tpu.memory_space<vmem>> -> memref<128xi32, #tpu.memory_space<vmem>>
          %dma_wait3A_350 = arith.constant 0 : i32
          %dma_wait3A_351 = arith.constant 0 : i32
          %dma_wait3A_352 = tpu.memref_slice %arg9[%dma_wait3A_350, %dma_wait3A_351] : memref<50176x32xf32, #tpu.memory_space<vmem_shared>> -> memref<50176x32xf32, #tpu.memory_space<vmem_shared>>
          tpu.wait_indirect_dma semaphore(%run_scoped3A_334 : memref<!tpu.dma_semaphore, #tpu.memory_space<semaphore_mem>>) src(%dma_wait3A_346 : memref<128x32xf32, #tpu.memory_space<vmem>>) dst(%dma_wait3A_352 : memref<50176x32xf32, #tpu.memory_space<vmem_shared>>)
          tpu.yield
        }) : () -> ()
        %lt3A = arith.constant 3 : i32
        %lt3A_277 = arith.cmpi slt, %scan3A_261, %lt3A : i32
        %convert_element_type3A = arith.extui %lt3A_277 : i1 to i32
        %cond3A = arith.constant 0 : i32
        %cond3A_278 = arith.cmpi ne, %convert_element_type3A, %cond3A : i32
        scf.if %cond3A_278 {
          %add3A_334 = arith.constant 4 : i32
          %add3A_335 = arith.addi %mul3A_264, %add3A_334 : i32
          %add3A_336 = arith.constant 0 : i32
          %add3A_337 = arith.addi %add3A_335, %add3A_336 : i32
          %dma_start3A_338 = arith.constant 0 : i32
          %dma_start3A_339 = arith.constant 0 : i32
          %dma_start3A_340 = tpu.memref_slice %arg7[%dma_start3A_338, %dma_start3A_339] : memref<512x32xf32, #tpu.memory_space<vmem>> -> memref<128x32xf32, #tpu.memory_space<vmem>>
          %dma_start3A_341 = arith.constant 0 : i32
          %dma_start3A_342 = tpu.memref_slice %arg5[%add3A_337, %dma_start3A_341] : memref<16x128xi32, #tpu.memory_space<vmem>> -> memref<1x128xi32, #tpu.memory_space<vmem>>
          %dma_start3A_343 = tpu.memref_squeeze %dma_start3A_342 : memref<1x128xi32, #tpu.memory_space<vmem>> -> memref<128xi32, #tpu.memory_space<vmem>>
          %dma_start3A_344 = arith.constant 0 : i32
          %dma_start3A_345 = arith.constant 0 : i32
          %dma_start3A_346 = tpu.memref_slice %arg3[%dma_start3A_344, %dma_start3A_345] : memref<50176x32xf32, #tpu.memory_space<hbm>> -> memref<50176x32xf32, #tpu.memory_space<hbm>>
          tpu.enqueue_indirect_dma source(%dma_start3A_346 : memref<50176x32xf32, #tpu.memory_space<hbm>>) target(%dma_start3A_340 : memref<128x32xf32, #tpu.memory_space<vmem>>) offsets(%dma_start3A_343 : memref<128xi32, #tpu.memory_space<vmem>>) semaphore(%arg10 : memref<!tpu.dma_semaphore, #tpu.memory_space<semaphore_mem>>)
        } else {
        }
        %add3A_279 = arith.constant 1 : i32
        %add3A_280 = arith.addi %mul3A_264, %add3A_279 : i32
        %dma_wait3A_281 = arith.constant 128 : i32
        %dma_wait3A_282 = arith.constant 0 : i32
        %dma_wait3A_283 = tpu.memref_slice %arg7[%dma_wait3A_281, %dma_wait3A_282] : memref<512x32xf32, #tpu.memory_space<vmem>> -> memref<128x32xf32, #tpu.memory_space<vmem>>
        %dma_wait3A_284 = arith.constant 0 : i32
        %dma_wait3A_285 = tpu.memref_slice %arg5[%add3A_280, %dma_wait3A_284] : memref<16x128xi32, #tpu.memory_space<vmem>> -> memref<1x128xi32, #tpu.memory_space<vmem>>
        %dma_wait3A_286 = tpu.memref_squeeze %dma_wait3A_285 : memref<1x128xi32, #tpu.memory_space<vmem>> -> memref<128xi32, #tpu.memory_space<vmem>>
        %dma_wait3A_287 = arith.constant 0 : i32
        %dma_wait3A_288 = arith.constant 0 : i32
        %dma_wait3A_289 = tpu.memref_slice %arg3[%dma_wait3A_287, %dma_wait3A_288] : memref<50176x32xf32, #tpu.memory_space<hbm>> -> memref<50176x32xf32, #tpu.memory_space<hbm>>
        tpu.wait_indirect_dma semaphore(%arg10 : memref<!tpu.dma_semaphore, #tpu.memory_space<semaphore_mem>>) src(%dma_wait3A_289 : memref<50176x32xf32, #tpu.memory_space<hbm>>) dst(%dma_wait3A_283 : memref<128x32xf32, #tpu.memory_space<vmem>>)
        %add3A_290 = arith.constant 1 : i32
        %add3A_291 = arith.addi %mul3A_264, %add3A_290 : i32
        "tpu.region"() ({
          %run_scoped3A_334 = tpu.sem_alloc : memref<!tpu.dma_semaphore, #tpu.memory_space<semaphore_mem>>
          %dma_start3A_335 = arith.constant 128 : i32
          %dma_start3A_336 = arith.constant 0 : i32
          %dma_start3A_337 = tpu.memref_slice %arg7[%dma_start3A_335, %dma_start3A_336] : memref<512x32xf32, #tpu.memory_space<vmem>> -> memref<128x32xf32, #tpu.memory_space<vmem>>
          %dma_start3A_338 = arith.constant 0 : i32
          %dma_start3A_339 = tpu.memref_slice %arg6[%add3A_291, %dma_start3A_338] : memref<16x128xi32, #tpu.memory_space<vmem>> -> memref<1x128xi32, #tpu.memory_space<vmem>>
          %dma_start3A_340 = tpu.memref_squeeze %dma_start3A_339 : memref<1x128xi32, #tpu.memory_space<vmem>> -> memref<128xi32, #tpu.memory_space<vmem>>
          %dma_start3A_341 = arith.constant 0 : i32
          %dma_start3A_342 = arith.constant 0 : i32
          %dma_start3A_343 = tpu.memref_slice %arg9[%dma_start3A_341, %dma_start3A_342] : memref<50176x32xf32, #tpu.memory_space<vmem_shared>> -> memref<50176x32xf32, #tpu.memory_space<vmem_shared>>
          tpu.enqueue_indirect_dma source(%dma_start3A_337 : memref<128x32xf32, #tpu.memory_space<vmem>>) target(%dma_start3A_343 : memref<50176x32xf32, #tpu.memory_space<vmem_shared>>) offsets(%dma_start3A_340 : memref<128xi32, #tpu.memory_space<vmem>>) semaphore(%run_scoped3A_334 : memref<!tpu.dma_semaphore, #tpu.memory_space<semaphore_mem>>) {add = true}
          %dma_wait3A_344 = arith.constant 128 : i32
          %dma_wait3A_345 = arith.constant 0 : i32
          %dma_wait3A_346 = tpu.memref_slice %arg7[%dma_wait3A_344, %dma_wait3A_345] : memref<512x32xf32, #tpu.memory_space<vmem>> -> memref<128x32xf32, #tpu.memory_space<vmem>>
          %dma_wait3A_347 = arith.constant 0 : i32
          %dma_wait3A_348 = tpu.memref_slice %arg6[%add3A_291, %dma_wait3A_347] : memref<16x128xi32, #tpu.memory_space<vmem>> -> memref<1x128xi32, #tpu.memory_space<vmem>>
          %dma_wait3A_349 = tpu.memref_squeeze %dma_wait3A_348 : memref<1x128xi32, #tpu.memory_space<vmem>> -> memref<128xi32, #tpu.memory_space<vmem>>
          %dma_wait3A_350 = arith.constant 0 : i32
          %dma_wait3A_351 = arith.constant 0 : i32
          %dma_wait3A_352 = tpu.memref_slice %arg9[%dma_wait3A_350, %dma_wait3A_351] : memref<50176x32xf32, #tpu.memory_space<vmem_shared>> -> memref<50176x32xf32, #tpu.memory_space<vmem_shared>>
          tpu.wait_indirect_dma semaphore(%run_scoped3A_334 : memref<!tpu.dma_semaphore, #tpu.memory_space<semaphore_mem>>) src(%dma_wait3A_346 : memref<128x32xf32, #tpu.memory_space<vmem>>) dst(%dma_wait3A_352 : memref<50176x32xf32, #tpu.memory_space<vmem_shared>>)
          tpu.yield
        }) : () -> ()
        %lt3A_292 = arith.constant 3 : i32
        %lt3A_293 = arith.cmpi slt, %scan3A_261, %lt3A_292 : i32
        %convert_element_type3A_294 = arith.extui %lt3A_293 : i1 to i32
        %cond3A_295 = arith.constant 0 : i32
        %cond3A_296 = arith.cmpi ne, %convert_element_type3A_294, %cond3A_295 : i32
        scf.if %cond3A_296 {
          %add3A_334 = arith.constant 4 : i32
          %add3A_335 = arith.addi %mul3A_264, %add3A_334 : i32
          %add3A_336 = arith.constant 1 : i32
          %add3A_337 = arith.addi %add3A_335, %add3A_336 : i32
          %dma_start3A_338 = arith.constant 128 : i32
          %dma_start3A_339 = arith.constant 0 : i32
          %dma_start3A_340 = tpu.memref_slice %arg7[%dma_start3A_338, %dma_start3A_339] : memref<512x32xf32, #tpu.memory_space<vmem>> -> memref<128x32xf32, #tpu.memory_space<vmem>>
          %dma_start3A_341 = arith.constant 0 : i32
          %dma_start3A_342 = tpu.memref_slice %arg5[%add3A_337, %dma_start3A_341] : memref<16x128xi32, #tpu.memory_space<vmem>> -> memref<1x128xi32, #tpu.memory_space<vmem>>
          %dma_start3A_343 = tpu.memref_squeeze %dma_start3A_342 : memref<1x128xi32, #tpu.memory_space<vmem>> -> memref<128xi32, #tpu.memory_space<vmem>>
          %dma_start3A_344 = arith.constant 0 : i32
          %dma_start3A_345 = arith.constant 0 : i32
          %dma_start3A_346 = tpu.memref_slice %arg3[%dma_start3A_344, %dma_start3A_345] : memref<50176x32xf32, #tpu.memory_space<hbm>> -> memref<50176x32xf32, #tpu.memory_space<hbm>>
          tpu.enqueue_indirect_dma source(%dma_start3A_346 : memref<50176x32xf32, #tpu.memory_space<hbm>>) target(%dma_start3A_340 : memref<128x32xf32, #tpu.memory_space<vmem>>) offsets(%dma_start3A_343 : memref<128xi32, #tpu.memory_space<vmem>>) semaphore(%arg10 : memref<!tpu.dma_semaphore, #tpu.memory_space<semaphore_mem>>)
        } else {
        }
        %add3A_297 = arith.constant 2 : i32
        %add3A_298 = arith.addi %mul3A_264, %add3A_297 : i32
        %dma_wait3A_299 = arith.constant 256 : i32
        %dma_wait3A_300 = arith.constant 0 : i32
        %dma_wait3A_301 = tpu.memref_slice %arg7[%dma_wait3A_299, %dma_wait3A_300] : memref<512x32xf32, #tpu.memory_space<vmem>> -> memref<128x32xf32, #tpu.memory_space<vmem>>
        %dma_wait3A_302 = arith.constant 0 : i32
        %dma_wait3A_303 = tpu.memref_slice %arg5[%add3A_298, %dma_wait3A_302] : memref<16x128xi32, #tpu.memory_space<vmem>> -> memref<1x128xi32, #tpu.memory_space<vmem>>
        %dma_wait3A_304 = tpu.memref_squeeze %dma_wait3A_303 : memref<1x128xi32, #tpu.memory_space<vmem>> -> memref<128xi32, #tpu.memory_space<vmem>>
        %dma_wait3A_305 = arith.constant 0 : i32
        %dma_wait3A_306 = arith.constant 0 : i32
        %dma_wait3A_307 = tpu.memref_slice %arg3[%dma_wait3A_305, %dma_wait3A_306] : memref<50176x32xf32, #tpu.memory_space<hbm>> -> memref<50176x32xf32, #tpu.memory_space<hbm>>
        tpu.wait_indirect_dma semaphore(%arg10 : memref<!tpu.dma_semaphore, #tpu.memory_space<semaphore_mem>>) src(%dma_wait3A_307 : memref<50176x32xf32, #tpu.memory_space<hbm>>) dst(%dma_wait3A_301 : memref<128x32xf32, #tpu.memory_space<vmem>>)
        %add3A_308 = arith.constant 2 : i32
        %add3A_309 = arith.addi %mul3A_264, %add3A_308 : i32
        "tpu.region"() ({
          %run_scoped3A_334 = tpu.sem_alloc : memref<!tpu.dma_semaphore, #tpu.memory_space<semaphore_mem>>
          %dma_start3A_335 = arith.constant 256 : i32
          %dma_start3A_336 = arith.constant 0 : i32
          %dma_start3A_337 = tpu.memref_slice %arg7[%dma_start3A_335, %dma_start3A_336] : memref<512x32xf32, #tpu.memory_space<vmem>> -> memref<128x32xf32, #tpu.memory_space<vmem>>
          %dma_start3A_338 = arith.constant 0 : i32
          %dma_start3A_339 = tpu.memref_slice %arg6[%add3A_309, %dma_start3A_338] : memref<16x128xi32, #tpu.memory_space<vmem>> -> memref<1x128xi32, #tpu.memory_space<vmem>>
          %dma_start3A_340 = tpu.memref_squeeze %dma_start3A_339 : memref<1x128xi32, #tpu.memory_space<vmem>> -> memref<128xi32, #tpu.memory_space<vmem>>
          %dma_start3A_341 = arith.constant 0 : i32
          %dma_start3A_342 = arith.constant 0 : i32
          %dma_start3A_343 = tpu.memref_slice %arg9[%dma_start3A_341, %dma_start3A_342] : memref<50176x32xf32, #tpu.memory_space<vmem_shared>> -> memref<50176x32xf32, #tpu.memory_space<vmem_shared>>
          tpu.enqueue_indirect_dma source(%dma_start3A_337 : memref<128x32xf32, #tpu.memory_space<vmem>>) target(%dma_start3A_343 : memref<50176x32xf32, #tpu.memory_space<vmem_shared>>) offsets(%dma_start3A_340 : memref<128xi32, #tpu.memory_space<vmem>>) semaphore(%run_scoped3A_334 : memref<!tpu.dma_semaphore, #tpu.memory_space<semaphore_mem>>) {add = true}
          %dma_wait3A_344 = arith.constant 256 : i32
          %dma_wait3A_345 = arith.constant 0 : i32
          %dma_wait3A_346 = tpu.memref_slice %arg7[%dma_wait3A_344, %dma_wait3A_345] : memref<512x32xf32, #tpu.memory_space<vmem>> -> memref<128x32xf32, #tpu.memory_space<vmem>>
          %dma_wait3A_347 = arith.constant 0 : i32
          %dma_wait3A_348 = tpu.memref_slice %arg6[%add3A_309, %dma_wait3A_347] : memref<16x128xi32, #tpu.memory_space<vmem>> -> memref<1x128xi32, #tpu.memory_space<vmem>>
          %dma_wait3A_349 = tpu.memref_squeeze %dma_wait3A_348 : memref<1x128xi32, #tpu.memory_space<vmem>> -> memref<128xi32, #tpu.memory_space<vmem>>
          %dma_wait3A_350 = arith.constant 0 : i32
          %dma_wait3A_351 = arith.constant 0 : i32
          %dma_wait3A_352 = tpu.memref_slice %arg9[%dma_wait3A_350, %dma_wait3A_351] : memref<50176x32xf32, #tpu.memory_space<vmem_shared>> -> memref<50176x32xf32, #tpu.memory_space<vmem_shared>>
          tpu.wait_indirect_dma semaphore(%run_scoped3A_334 : memref<!tpu.dma_semaphore, #tpu.memory_space<semaphore_mem>>) src(%dma_wait3A_346 : memref<128x32xf32, #tpu.memory_space<vmem>>) dst(%dma_wait3A_352 : memref<50176x32xf32, #tpu.memory_space<vmem_shared>>)
          tpu.yield
        }) : () -> ()
        %lt3A_310 = arith.constant 3 : i32
        %lt3A_311 = arith.cmpi slt, %scan3A_261, %lt3A_310 : i32
        %convert_element_type3A_312 = arith.extui %lt3A_311 : i1 to i32
        %cond3A_313 = arith.constant 0 : i32
        %cond3A_314 = arith.cmpi ne, %convert_element_type3A_312, %cond3A_313 : i32
        scf.if %cond3A_314 {
          %add3A_334 = arith.constant 4 : i32
          %add3A_335 = arith.addi %mul3A_264, %add3A_334 : i32
          %add3A_336 = arith.constant 2 : i32
          %add3A_337 = arith.addi %add3A_335, %add3A_336 : i32
          %dma_start3A_338 = arith.constant 256 : i32
          %dma_start3A_339 = arith.constant 0 : i32
          %dma_start3A_340 = tpu.memref_slice %arg7[%dma_start3A_338, %dma_start3A_339] : memref<512x32xf32, #tpu.memory_space<vmem>> -> memref<128x32xf32, #tpu.memory_space<vmem>>
          %dma_start3A_341 = arith.constant 0 : i32
          %dma_start3A_342 = tpu.memref_slice %arg5[%add3A_337, %dma_start3A_341] : memref<16x128xi32, #tpu.memory_space<vmem>> -> memref<1x128xi32, #tpu.memory_space<vmem>>
          %dma_start3A_343 = tpu.memref_squeeze %dma_start3A_342 : memref<1x128xi32, #tpu.memory_space<vmem>> -> memref<128xi32, #tpu.memory_space<vmem>>
          %dma_start3A_344 = arith.constant 0 : i32
          %dma_start3A_345 = arith.constant 0 : i32
          %dma_start3A_346 = tpu.memref_slice %arg3[%dma_start3A_344, %dma_start3A_345] : memref<50176x32xf32, #tpu.memory_space<hbm>> -> memref<50176x32xf32, #tpu.memory_space<hbm>>
          tpu.enqueue_indirect_dma source(%dma_start3A_346 : memref<50176x32xf32, #tpu.memory_space<hbm>>) target(%dma_start3A_340 : memref<128x32xf32, #tpu.memory_space<vmem>>) offsets(%dma_start3A_343 : memref<128xi32, #tpu.memory_space<vmem>>) semaphore(%arg10 : memref<!tpu.dma_semaphore, #tpu.memory_space<semaphore_mem>>)
        } else {
        }
        %add3A_315 = arith.constant 3 : i32
        %add3A_316 = arith.addi %mul3A_264, %add3A_315 : i32
        %dma_wait3A_317 = arith.constant 384 : i32
        %dma_wait3A_318 = arith.constant 0 : i32
        %dma_wait3A_319 = tpu.memref_slice %arg7[%dma_wait3A_317, %dma_wait3A_318] : memref<512x32xf32, #tpu.memory_space<vmem>> -> memref<128x32xf32, #tpu.memory_space<vmem>>
        %dma_wait3A_320 = arith.constant 0 : i32
        %dma_wait3A_321 = tpu.memref_slice %arg5[%add3A_316, %dma_wait3A_320] : memref<16x128xi32, #tpu.memory_space<vmem>> -> memref<1x128xi32, #tpu.memory_space<vmem>>
        %dma_wait3A_322 = tpu.memref_squeeze %dma_wait3A_321 : memref<1x128xi32, #tpu.memory_space<vmem>> -> memref<128xi32, #tpu.memory_space<vmem>>
        %dma_wait3A_323 = arith.constant 0 : i32
        %dma_wait3A_324 = arith.constant 0 : i32
        %dma_wait3A_325 = tpu.memref_slice %arg3[%dma_wait3A_323, %dma_wait3A_324] : memref<50176x32xf32, #tpu.memory_space<hbm>> -> memref<50176x32xf32, #tpu.memory_space<hbm>>
        tpu.wait_indirect_dma semaphore(%arg10 : memref<!tpu.dma_semaphore, #tpu.memory_space<semaphore_mem>>) src(%dma_wait3A_325 : memref<50176x32xf32, #tpu.memory_space<hbm>>) dst(%dma_wait3A_319 : memref<128x32xf32, #tpu.memory_space<vmem>>)
        %add3A_326 = arith.constant 3 : i32
        %add3A_327 = arith.addi %mul3A_264, %add3A_326 : i32
        "tpu.region"() ({
          %run_scoped3A_334 = tpu.sem_alloc : memref<!tpu.dma_semaphore, #tpu.memory_space<semaphore_mem>>
          %dma_start3A_335 = arith.constant 384 : i32
          %dma_start3A_336 = arith.constant 0 : i32
          %dma_start3A_337 = tpu.memref_slice %arg7[%dma_start3A_335, %dma_start3A_336] : memref<512x32xf32, #tpu.memory_space<vmem>> -> memref<128x32xf32, #tpu.memory_space<vmem>>
          %dma_start3A_338 = arith.constant 0 : i32
          %dma_start3A_339 = tpu.memref_slice %arg6[%add3A_327, %dma_start3A_338] : memref<16x128xi32, #tpu.memory_space<vmem>> -> memref<1x128xi32, #tpu.memory_space<vmem>>
          %dma_start3A_340 = tpu.memref_squeeze %dma_start3A_339 : memref<1x128xi32, #tpu.memory_space<vmem>> -> memref<128xi32, #tpu.memory_space<vmem>>
          %dma_start3A_341 = arith.constant 0 : i32
          %dma_start3A_342 = arith.constant 0 : i32
          %dma_start3A_343 = tpu.memref_slice %arg9[%dma_start3A_341, %dma_start3A_342] : memref<50176x32xf32, #tpu.memory_space<vmem_shared>> -> memref<50176x32xf32, #tpu.memory_space<vmem_shared>>
          tpu.enqueue_indirect_dma source(%dma_start3A_337 : memref<128x32xf32, #tpu.memory_space<vmem>>) target(%dma_start3A_343 : memref<50176x32xf32, #tpu.memory_space<vmem_shared>>) offsets(%dma_start3A_340 : memref<128xi32, #tpu.memory_space<vmem>>) semaphore(%run_scoped3A_334 : memref<!tpu.dma_semaphore, #tpu.memory_space<semaphore_mem>>) {add = true}
          %dma_wait3A_344 = arith.constant 384 : i32
          %dma_wait3A_345 = arith.constant 0 : i32
          %dma_wait3A_346 = tpu.memref_slice %arg7[%dma_wait3A_344, %dma_wait3A_345] : memref<512x32xf32, #tpu.memory_space<vmem>> -> memref<128x32xf32, #tpu.memory_space<vmem>>
          %dma_wait3A_347 = arith.constant 0 : i32
          %dma_wait3A_348 = tpu.memref_slice %arg6[%add3A_327, %dma_wait3A_347] : memref<16x128xi32, #tpu.memory_space<vmem>> -> memref<1x128xi32, #tpu.memory_space<vmem>>
          %dma_wait3A_349 = tpu.memref_squeeze %dma_wait3A_348 : memref<1x128xi32, #tpu.memory_space<vmem>> -> memref<128xi32, #tpu.memory_space<vmem>>
          %dma_wait3A_350 = arith.constant 0 : i32
          %dma_wait3A_351 = arith.constant 0 : i32
          %dma_wait3A_352 = tpu.memref_slice %arg9[%dma_wait3A_350, %dma_wait3A_351] : memref<50176x32xf32, #tpu.memory_space<vmem_shared>> -> memref<50176x32xf32, #tpu.memory_space<vmem_shared>>
          tpu.wait_indirect_dma semaphore(%run_scoped3A_334 : memref<!tpu.dma_semaphore, #tpu.memory_space<semaphore_mem>>) src(%dma_wait3A_346 : memref<128x32xf32, #tpu.memory_space<vmem>>) dst(%dma_wait3A_352 : memref<50176x32xf32, #tpu.memory_space<vmem_shared>>)
          tpu.yield
        }) : () -> ()
        %lt3A_328 = arith.constant 3 : i32
        %lt3A_329 = arith.cmpi slt, %scan3A_261, %lt3A_328 : i32
        %convert_element_type3A_330 = arith.extui %lt3A_329 : i1 to i32
        %cond3A_331 = arith.constant 0 : i32
        %cond3A_332 = arith.cmpi ne, %convert_element_type3A_330, %cond3A_331 : i32
        scf.if %cond3A_332 {
          %add3A_334 = arith.constant 4 : i32
          %add3A_335 = arith.addi %mul3A_264, %add3A_334 : i32
          %add3A_336 = arith.constant 3 : i32
          %add3A_337 = arith.addi %add3A_335, %add3A_336 : i32
          %dma_start3A_338 = arith.constant 384 : i32
          %dma_start3A_339 = arith.constant 0 : i32
          %dma_start3A_340 = tpu.memref_slice %arg7[%dma_start3A_338, %dma_start3A_339] : memref<512x32xf32, #tpu.memory_space<vmem>> -> memref<128x32xf32, #tpu.memory_space<vmem>>
          %dma_start3A_341 = arith.constant 0 : i32
          %dma_start3A_342 = tpu.memref_slice %arg5[%add3A_337, %dma_start3A_341] : memref<16x128xi32, #tpu.memory_space<vmem>> -> memref<1x128xi32, #tpu.memory_space<vmem>>
          %dma_start3A_343 = tpu.memref_squeeze %dma_start3A_342 : memref<1x128xi32, #tpu.memory_space<vmem>> -> memref<128xi32, #tpu.memory_space<vmem>>
          %dma_start3A_344 = arith.constant 0 : i32
          %dma_start3A_345 = arith.constant 0 : i32
          %dma_start3A_346 = tpu.memref_slice %arg3[%dma_start3A_344, %dma_start3A_345] : memref<50176x32xf32, #tpu.memory_space<hbm>> -> memref<50176x32xf32, #tpu.memory_space<hbm>>
          tpu.enqueue_indirect_dma source(%dma_start3A_346 : memref<50176x32xf32, #tpu.memory_space<hbm>>) target(%dma_start3A_340 : memref<128x32xf32, #tpu.memory_space<vmem>>) offsets(%dma_start3A_343 : memref<128xi32, #tpu.memory_space<vmem>>) semaphore(%arg10 : memref<!tpu.dma_semaphore, #tpu.memory_space<semaphore_mem>>)
        } else {
        }
        %scan3A_333 = arith.constant 0 : i32
        scf.yield %scan3A_333 : i32
      }
      %scan3A_259 = arith.constant 4 : i32
      %scan3A_260 = arith.constant 0 : i32
      scf.yield %scan3A_260 : i32
    }
    %scan3A_78 = arith.constant 25 : i32
    %barrier3A_79 = arith.constant 0 : index
    tpu.barrier barrier_id(%barrier3A_79)
    %mul3A_80 = arith.constant 3136 : i32
    %mul3A_81 = arith.muli %arg1, %mul3A_80 : i32
    %add3A_82 = arith.constant 0 : i32
    %add3A_83 = arith.addi %mul3A_81, %add3A_82 : i32
    "tpu.region"() ({
      %run_scoped3A = tpu.sem_alloc : memref<!tpu.dma_semaphore, #tpu.memory_space<semaphore_mem>>
      %dma_start3A = arith.constant 0 : i32
      %dma_start3A_208 = tpu.memref_slice %arg9[%add3A_83, %dma_start3A] : memref<50176x32xf32, #tpu.memory_space<vmem_shared>> -> memref<196x32xf32, #tpu.memory_space<vmem_shared>>
      %dma_start3A_209 = arith.constant 0 : i32
      %dma_start3A_210 = tpu.memref_slice %arg9[%add3A_83, %dma_start3A_209] : memref<50176x32xf32, #tpu.memory_space<vmem_shared>> -> memref<196x32xf32, #tpu.memory_space<vmem_shared>>
      tpu.enqueue_dma source(%dma_start3A_210 : memref<196x32xf32, #tpu.memory_space<vmem_shared>>) target(%arg8 : memref<196x32xf32, #tpu.memory_space<vmem>>) target_semaphore(%run_scoped3A : memref<!tpu.dma_semaphore, #tpu.memory_space<semaphore_mem>>)
      %dma_wait3A = arith.constant 0 : i32
      %dma_wait3A_211 = tpu.memref_slice %arg9[%add3A_83, %dma_wait3A] : memref<50176x32xf32, #tpu.memory_space<vmem_shared>> -> memref<196x32xf32, #tpu.memory_space<vmem_shared>>
      %dma_wait3A_212 = arith.constant 0 : i32
      %dma_wait3A_213 = tpu.memref_slice %arg9[%add3A_83, %dma_wait3A_212] : memref<50176x32xf32, #tpu.memory_space<vmem_shared>> -> memref<196x32xf32, #tpu.memory_space<vmem_shared>>
      tpu.wait_dma2 semaphore(%run_scoped3A : memref<!tpu.dma_semaphore, #tpu.memory_space<semaphore_mem>>) src(%dma_wait3A_213 : memref<196x32xf32, #tpu.memory_space<vmem_shared>>) dst(%arg8 : memref<196x32xf32, #tpu.memory_space<vmem>>)
      tpu.yield
    }) : () -> ()
    %mul3A_84 = arith.constant 3136 : i32
    %mul3A_85 = arith.muli %arg1, %mul3A_84 : i32
    %add3A_86 = arith.constant 0 : i32
    %add3A_87 = arith.addi %mul3A_85, %add3A_86 : i32
    "tpu.region"() ({
      %run_scoped3A = tpu.sem_alloc : memref<!tpu.dma_semaphore, #tpu.memory_space<semaphore_mem>>
      %dma_start3A = arith.constant 0 : i32
      %dma_start3A_208 = tpu.memref_slice %arg4[%arg0, %add3A_87, %dma_start3A] : memref<2x50176x32xf32, #tpu.memory_space<hbm>> -> memref<1x196x32xf32, #tpu.memory_space<hbm>>
      %dma_start3A_209 = tpu.memref_squeeze %dma_start3A_208 : memref<1x196x32xf32, #tpu.memory_space<hbm>> -> memref<196x32xf32, #tpu.memory_space<hbm>>
      %dma_start3A_210 = arith.constant 0 : i32
      %dma_start3A_211 = tpu.memref_slice %arg4[%arg0, %add3A_87, %dma_start3A_210] : memref<2x50176x32xf32, #tpu.memory_space<hbm>> -> memref<1x196x32xf32, #tpu.memory_space<hbm>>
      %dma_start3A_212 = tpu.memref_squeeze %dma_start3A_211 : memref<1x196x32xf32, #tpu.memory_space<hbm>> -> memref<196x32xf32, #tpu.memory_space<hbm>>
      tpu.enqueue_dma source(%arg8 : memref<196x32xf32, #tpu.memory_space<vmem>>) target(%dma_start3A_212 : memref<196x32xf32, #tpu.memory_space<hbm>>) target_semaphore(%run_scoped3A : memref<!tpu.dma_semaphore, #tpu.memory_space<semaphore_mem>>)
      %dma_wait3A = arith.constant 0 : i32
      %dma_wait3A_213 = tpu.memref_slice %arg4[%arg0, %add3A_87, %dma_wait3A] : memref<2x50176x32xf32, #tpu.memory_space<hbm>> -> memref<1x196x32xf32, #tpu.memory_space<hbm>>
      %dma_wait3A_214 = tpu.memref_squeeze %dma_wait3A_213 : memref<1x196x32xf32, #tpu.memory_space<hbm>> -> memref<196x32xf32, #tpu.memory_space<hbm>>
      %dma_wait3A_215 = arith.constant 0 : i32
      %dma_wait3A_216 = tpu.memref_slice %arg4[%arg0, %add3A_87, %dma_wait3A_215] : memref<2x50176x32xf32, #tpu.memory_space<hbm>> -> memref<1x196x32xf32, #tpu.memory_space<hbm>>
      %dma_wait3A_217 = tpu.memref_squeeze %dma_wait3A_216 : memref<1x196x32xf32, #tpu.memory_space<hbm>> -> memref<196x32xf32, #tpu.memory_space<hbm>>
      tpu.wait_dma2 semaphore(%run_scoped3A : memref<!tpu.dma_semaphore, #tpu.memory_space<semaphore_mem>>) src(%arg8 : memref<196x32xf32, #tpu.memory_space<vmem>>) dst(%dma_wait3A_217 : memref<196x32xf32, #tpu.memory_space<hbm>>)
      tpu.yield
    }) : () -> ()
    %mul3A_88 = arith.constant 3136 : i32
    %mul3A_89 = arith.muli %arg1, %mul3A_88 : i32
    %add3A_90 = arith.constant 196 : i32
    %add3A_91 = arith.addi %mul3A_89, %add3A_90 : i32
    "tpu.region"() ({
      %run_scoped3A = tpu.sem_alloc : memref<!tpu.dma_semaphore, #tpu.memory_space<semaphore_mem>>
      %dma_start3A = arith.constant 0 : i32
      %dma_start3A_208 = tpu.memref_slice %arg9[%add3A_91, %dma_start3A] : memref<50176x32xf32, #tpu.memory_space<vmem_shared>> -> memref<196x32xf32, #tpu.memory_space<vmem_shared>>
      %dma_start3A_209 = arith.constant 0 : i32
      %dma_start3A_210 = tpu.memref_slice %arg9[%add3A_91, %dma_start3A_209] : memref<50176x32xf32, #tpu.memory_space<vmem_shared>> -> memref<196x32xf32, #tpu.memory_space<vmem_shared>>
      tpu.enqueue_dma source(%dma_start3A_210 : memref<196x32xf32, #tpu.memory_space<vmem_shared>>) target(%arg8 : memref<196x32xf32, #tpu.memory_space<vmem>>) target_semaphore(%run_scoped3A : memref<!tpu.dma_semaphore, #tpu.memory_space<semaphore_mem>>)
      %dma_wait3A = arith.constant 0 : i32
      %dma_wait3A_211 = tpu.memref_slice %arg9[%add3A_91, %dma_wait3A] : memref<50176x32xf32, #tpu.memory_space<vmem_shared>> -> memref<196x32xf32, #tpu.memory_space<vmem_shared>>
      %dma_wait3A_212 = arith.constant 0 : i32
      %dma_wait3A_213 = tpu.memref_slice %arg9[%add3A_91, %dma_wait3A_212] : memref<50176x32xf32, #tpu.memory_space<vmem_shared>> -> memref<196x32xf32, #tpu.memory_space<vmem_shared>>
      tpu.wait_dma2 semaphore(%run_scoped3A : memref<!tpu.dma_semaphore, #tpu.memory_space<semaphore_mem>>) src(%dma_wait3A_213 : memref<196x32xf32, #tpu.memory_space<vmem_shared>>) dst(%arg8 : memref<196x32xf32, #tpu.memory_space<vmem>>)
      tpu.yield
    }) : () -> ()
    %mul3A_92 = arith.constant 3136 : i32
    %mul3A_93 = arith.muli %arg1, %mul3A_92 : i32
    %add3A_94 = arith.constant 196 : i32
    %add3A_95 = arith.addi %mul3A_93, %add3A_94 : i32
    "tpu.region"() ({
      %run_scoped3A = tpu.sem_alloc : memref<!tpu.dma_semaphore, #tpu.memory_space<semaphore_mem>>
      %dma_start3A = arith.constant 0 : i32
      %dma_start3A_208 = tpu.memref_slice %arg4[%arg0, %add3A_95, %dma_start3A] : memref<2x50176x32xf32, #tpu.memory_space<hbm>> -> memref<1x196x32xf32, #tpu.memory_space<hbm>>
      %dma_start3A_209 = tpu.memref_squeeze %dma_start3A_208 : memref<1x196x32xf32, #tpu.memory_space<hbm>> -> memref<196x32xf32, #tpu.memory_space<hbm>>
      %dma_start3A_210 = arith.constant 0 : i32
      %dma_start3A_211 = tpu.memref_slice %arg4[%arg0, %add3A_95, %dma_start3A_210] : memref<2x50176x32xf32, #tpu.memory_space<hbm>> -> memref<1x196x32xf32, #tpu.memory_space<hbm>>
      %dma_start3A_212 = tpu.memref_squeeze %dma_start3A_211 : memref<1x196x32xf32, #tpu.memory_space<hbm>> -> memref<196x32xf32, #tpu.memory_space<hbm>>
      tpu.enqueue_dma source(%arg8 : memref<196x32xf32, #tpu.memory_space<vmem>>) target(%dma_start3A_212 : memref<196x32xf32, #tpu.memory_space<hbm>>) target_semaphore(%run_scoped3A : memref<!tpu.dma_semaphore, #tpu.memory_space<semaphore_mem>>)
      %dma_wait3A = arith.constant 0 : i32
      %dma_wait3A_213 = tpu.memref_slice %arg4[%arg0, %add3A_95, %dma_wait3A] : memref<2x50176x32xf32, #tpu.memory_space<hbm>> -> memref<1x196x32xf32, #tpu.memory_space<hbm>>
      %dma_wait3A_214 = tpu.memref_squeeze %dma_wait3A_213 : memref<1x196x32xf32, #tpu.memory_space<hbm>> -> memref<196x32xf32, #tpu.memory_space<hbm>>
      %dma_wait3A_215 = arith.constant 0 : i32
      %dma_wait3A_216 = tpu.memref_slice %arg4[%arg0, %add3A_95, %dma_wait3A_215] : memref<2x50176x32xf32, #tpu.memory_space<hbm>> -> memref<1x196x32xf32, #tpu.memory_space<hbm>>
      %dma_wait3A_217 = tpu.memref_squeeze %dma_wait3A_216 : memref<1x196x32xf32, #tpu.memory_space<hbm>> -> memref<196x32xf32, #tpu.memory_space<hbm>>
      tpu.wait_dma2 semaphore(%run_scoped3A : memref<!tpu.dma_semaphore, #tpu.memory_space<semaphore_mem>>) src(%arg8 : memref<196x32xf32, #tpu.memory_space<vmem>>) dst(%dma_wait3A_217 : memref<196x32xf32, #tpu.memory_space<hbm>>)
      tpu.yield
    }) : () -> ()
    %mul3A_96 = arith.constant 3136 : i32
    %mul3A_97 = arith.muli %arg1, %mul3A_96 : i32
    %add3A_98 = arith.constant 392 : i32
    %add3A_99 = arith.addi %mul3A_97, %add3A_98 : i32
    "tpu.region"() ({
      %run_scoped3A = tpu.sem_alloc : memref<!tpu.dma_semaphore, #tpu.memory_space<semaphore_mem>>
      %dma_start3A = arith.constant 0 : i32
      %dma_start3A_208 = tpu.memref_slice %arg9[%add3A_99, %dma_start3A] : memref<50176x32xf32, #tpu.memory_space<vmem_shared>> -> memref<196x32xf32, #tpu.memory_space<vmem_shared>>
      %dma_start3A_209 = arith.constant 0 : i32
      %dma_start3A_210 = tpu.memref_slice %arg9[%add3A_99, %dma_start3A_209] : memref<50176x32xf32, #tpu.memory_space<vmem_shared>> -> memref<196x32xf32, #tpu.memory_space<vmem_shared>>
      tpu.enqueue_dma source(%dma_start3A_210 : memref<196x32xf32, #tpu.memory_space<vmem_shared>>) target(%arg8 : memref<196x32xf32, #tpu.memory_space<vmem>>) target_semaphore(%run_scoped3A : memref<!tpu.dma_semaphore, #tpu.memory_space<semaphore_mem>>)
      %dma_wait3A = arith.constant 0 : i32
      %dma_wait3A_211 = tpu.memref_slice %arg9[%add3A_99, %dma_wait3A] : memref<50176x32xf32, #tpu.memory_space<vmem_shared>> -> memref<196x32xf32, #tpu.memory_space<vmem_shared>>
      %dma_wait3A_212 = arith.constant 0 : i32
      %dma_wait3A_213 = tpu.memref_slice %arg9[%add3A_99, %dma_wait3A_212] : memref<50176x32xf32, #tpu.memory_space<vmem_shared>> -> memref<196x32xf32, #tpu.memory_space<vmem_shared>>
      tpu.wait_dma2 semaphore(%run_scoped3A : memref<!tpu.dma_semaphore, #tpu.memory_space<semaphore_mem>>) src(%dma_wait3A_213 : memref<196x32xf32, #tpu.memory_space<vmem_shared>>) dst(%arg8 : memref<196x32xf32, #tpu.memory_space<vmem>>)
      tpu.yield
    }) : () -> ()
    %mul3A_100 = arith.constant 3136 : i32
    %mul3A_101 = arith.muli %arg1, %mul3A_100 : i32
    %add3A_102 = arith.constant 392 : i32
    %add3A_103 = arith.addi %mul3A_101, %add3A_102 : i32
    "tpu.region"() ({
      %run_scoped3A = tpu.sem_alloc : memref<!tpu.dma_semaphore, #tpu.memory_space<semaphore_mem>>
      %dma_start3A = arith.constant 0 : i32
      %dma_start3A_208 = tpu.memref_slice %arg4[%arg0, %add3A_103, %dma_start3A] : memref<2x50176x32xf32, #tpu.memory_space<hbm>> -> memref<1x196x32xf32, #tpu.memory_space<hbm>>
      %dma_start3A_209 = tpu.memref_squeeze %dma_start3A_208 : memref<1x196x32xf32, #tpu.memory_space<hbm>> -> memref<196x32xf32, #tpu.memory_space<hbm>>
      %dma_start3A_210 = arith.constant 0 : i32
      %dma_start3A_211 = tpu.memref_slice %arg4[%arg0, %add3A_103, %dma_start3A_210] : memref<2x50176x32xf32, #tpu.memory_space<hbm>> -> memref<1x196x32xf32, #tpu.memory_space<hbm>>
      %dma_start3A_212 = tpu.memref_squeeze %dma_start3A_211 : memref<1x196x32xf32, #tpu.memory_space<hbm>> -> memref<196x32xf32, #tpu.memory_space<hbm>>
      tpu.enqueue_dma source(%arg8 : memref<196x32xf32, #tpu.memory_space<vmem>>) target(%dma_start3A_212 : memref<196x32xf32, #tpu.memory_space<hbm>>) target_semaphore(%run_scoped3A : memref<!tpu.dma_semaphore, #tpu.memory_space<semaphore_mem>>)
      %dma_wait3A = arith.constant 0 : i32
      %dma_wait3A_213 = tpu.memref_slice %arg4[%arg0, %add3A_103, %dma_wait3A] : memref<2x50176x32xf32, #tpu.memory_space<hbm>> -> memref<1x196x32xf32, #tpu.memory_space<hbm>>
      %dma_wait3A_214 = tpu.memref_squeeze %dma_wait3A_213 : memref<1x196x32xf32, #tpu.memory_space<hbm>> -> memref<196x32xf32, #tpu.memory_space<hbm>>
      %dma_wait3A_215 = arith.constant 0 : i32
      %dma_wait3A_216 = tpu.memref_slice %arg4[%arg0, %add3A_103, %dma_wait3A_215] : memref<2x50176x32xf32, #tpu.memory_space<hbm>> -> memref<1x196x32xf32, #tpu.memory_space<hbm>>
      %dma_wait3A_217 = tpu.memref_squeeze %dma_wait3A_216 : memref<1x196x32xf32, #tpu.memory_space<hbm>> -> memref<196x32xf32, #tpu.memory_space<hbm>>
      tpu.wait_dma2 semaphore(%run_scoped3A : memref<!tpu.dma_semaphore, #tpu.memory_space<semaphore_mem>>) src(%arg8 : memref<196x32xf32, #tpu.memory_space<vmem>>) dst(%dma_wait3A_217 : memref<196x32xf32, #tpu.memory_space<hbm>>)
      tpu.yield
    }) : () -> ()
    %mul3A_104 = arith.constant 3136 : i32
    %mul3A_105 = arith.muli %arg1, %mul3A_104 : i32
    %add3A_106 = arith.constant 588 : i32
    %add3A_107 = arith.addi %mul3A_105, %add3A_106 : i32
    "tpu.region"() ({
      %run_scoped3A = tpu.sem_alloc : memref<!tpu.dma_semaphore, #tpu.memory_space<semaphore_mem>>
      %dma_start3A = arith.constant 0 : i32
      %dma_start3A_208 = tpu.memref_slice %arg9[%add3A_107, %dma_start3A] : memref<50176x32xf32, #tpu.memory_space<vmem_shared>> -> memref<196x32xf32, #tpu.memory_space<vmem_shared>>
      %dma_start3A_209 = arith.constant 0 : i32
      %dma_start3A_210 = tpu.memref_slice %arg9[%add3A_107, %dma_start3A_209] : memref<50176x32xf32, #tpu.memory_space<vmem_shared>> -> memref<196x32xf32, #tpu.memory_space<vmem_shared>>
      tpu.enqueue_dma source(%dma_start3A_210 : memref<196x32xf32, #tpu.memory_space<vmem_shared>>) target(%arg8 : memref<196x32xf32, #tpu.memory_space<vmem>>) target_semaphore(%run_scoped3A : memref<!tpu.dma_semaphore, #tpu.memory_space<semaphore_mem>>)
      %dma_wait3A = arith.constant 0 : i32
      %dma_wait3A_211 = tpu.memref_slice %arg9[%add3A_107, %dma_wait3A] : memref<50176x32xf32, #tpu.memory_space<vmem_shared>> -> memref<196x32xf32, #tpu.memory_space<vmem_shared>>
      %dma_wait3A_212 = arith.constant 0 : i32
      %dma_wait3A_213 = tpu.memref_slice %arg9[%add3A_107, %dma_wait3A_212] : memref<50176x32xf32, #tpu.memory_space<vmem_shared>> -> memref<196x32xf32, #tpu.memory_space<vmem_shared>>
      tpu.wait_dma2 semaphore(%run_scoped3A : memref<!tpu.dma_semaphore, #tpu.memory_space<semaphore_mem>>) src(%dma_wait3A_213 : memref<196x32xf32, #tpu.memory_space<vmem_shared>>) dst(%arg8 : memref<196x32xf32, #tpu.memory_space<vmem>>)
      tpu.yield
    }) : () -> ()
    %mul3A_108 = arith.constant 3136 : i32
    %mul3A_109 = arith.muli %arg1, %mul3A_108 : i32
    %add3A_110 = arith.constant 588 : i32
    %add3A_111 = arith.addi %mul3A_109, %add3A_110 : i32
    "tpu.region"() ({
      %run_scoped3A = tpu.sem_alloc : memref<!tpu.dma_semaphore, #tpu.memory_space<semaphore_mem>>
      %dma_start3A = arith.constant 0 : i32
      %dma_start3A_208 = tpu.memref_slice %arg4[%arg0, %add3A_111, %dma_start3A] : memref<2x50176x32xf32, #tpu.memory_space<hbm>> -> memref<1x196x32xf32, #tpu.memory_space<hbm>>
      %dma_start3A_209 = tpu.memref_squeeze %dma_start3A_208 : memref<1x196x32xf32, #tpu.memory_space<hbm>> -> memref<196x32xf32, #tpu.memory_space<hbm>>
      %dma_start3A_210 = arith.constant 0 : i32
      %dma_start3A_211 = tpu.memref_slice %arg4[%arg0, %add3A_111, %dma_start3A_210] : memref<2x50176x32xf32, #tpu.memory_space<hbm>> -> memref<1x196x32xf32, #tpu.memory_space<hbm>>
      %dma_start3A_212 = tpu.memref_squeeze %dma_start3A_211 : memref<1x196x32xf32, #tpu.memory_space<hbm>> -> memref<196x32xf32, #tpu.memory_space<hbm>>
      tpu.enqueue_dma source(%arg8 : memref<196x32xf32, #tpu.memory_space<vmem>>) target(%dma_start3A_212 : memref<196x32xf32, #tpu.memory_space<hbm>>) target_semaphore(%run_scoped3A : memref<!tpu.dma_semaphore, #tpu.memory_space<semaphore_mem>>)
      %dma_wait3A = arith.constant 0 : i32
      %dma_wait3A_213 = tpu.memref_slice %arg4[%arg0, %add3A_111, %dma_wait3A] : memref<2x50176x32xf32, #tpu.memory_space<hbm>> -> memref<1x196x32xf32, #tpu.memory_space<hbm>>
      %dma_wait3A_214 = tpu.memref_squeeze %dma_wait3A_213 : memref<1x196x32xf32, #tpu.memory_space<hbm>> -> memref<196x32xf32, #tpu.memory_space<hbm>>
      %dma_wait3A_215 = arith.constant 0 : i32
      %dma_wait3A_216 = tpu.memref_slice %arg4[%arg0, %add3A_111, %dma_wait3A_215] : memref<2x50176x32xf32, #tpu.memory_space<hbm>> -> memref<1x196x32xf32, #tpu.memory_space<hbm>>
      %dma_wait3A_217 = tpu.memref_squeeze %dma_wait3A_216 : memref<1x196x32xf32, #tpu.memory_space<hbm>> -> memref<196x32xf32, #tpu.memory_space<hbm>>
      tpu.wait_dma2 semaphore(%run_scoped3A : memref<!tpu.dma_semaphore, #tpu.memory_space<semaphore_mem>>) src(%arg8 : memref<196x32xf32, #tpu.memory_space<vmem>>) dst(%dma_wait3A_217 : memref<196x32xf32, #tpu.memory_space<hbm>>)
      tpu.yield
    }) : () -> ()
    %mul3A_112 = arith.constant 3136 : i32
    %mul3A_113 = arith.muli %arg1, %mul3A_112 : i32
    %add3A_114 = arith.constant 784 : i32
    %add3A_115 = arith.addi %mul3A_113, %add3A_114 : i32
    "tpu.region"() ({
      %run_scoped3A = tpu.sem_alloc : memref<!tpu.dma_semaphore, #tpu.memory_space<semaphore_mem>>
      %dma_start3A = arith.constant 0 : i32
      %dma_start3A_208 = tpu.memref_slice %arg9[%add3A_115, %dma_start3A] : memref<50176x32xf32, #tpu.memory_space<vmem_shared>> -> memref<196x32xf32, #tpu.memory_space<vmem_shared>>
      %dma_start3A_209 = arith.constant 0 : i32
      %dma_start3A_210 = tpu.memref_slice %arg9[%add3A_115, %dma_start3A_209] : memref<50176x32xf32, #tpu.memory_space<vmem_shared>> -> memref<196x32xf32, #tpu.memory_space<vmem_shared>>
      tpu.enqueue_dma source(%dma_start3A_210 : memref<196x32xf32, #tpu.memory_space<vmem_shared>>) target(%arg8 : memref<196x32xf32, #tpu.memory_space<vmem>>) target_semaphore(%run_scoped3A : memref<!tpu.dma_semaphore, #tpu.memory_space<semaphore_mem>>)
      %dma_wait3A = arith.constant 0 : i32
      %dma_wait3A_211 = tpu.memref_slice %arg9[%add3A_115, %dma_wait3A] : memref<50176x32xf32, #tpu.memory_space<vmem_shared>> -> memref<196x32xf32, #tpu.memory_space<vmem_shared>>
      %dma_wait3A_212 = arith.constant 0 : i32
      %dma_wait3A_213 = tpu.memref_slice %arg9[%add3A_115, %dma_wait3A_212] : memref<50176x32xf32, #tpu.memory_space<vmem_shared>> -> memref<196x32xf32, #tpu.memory_space<vmem_shared>>
      tpu.wait_dma2 semaphore(%run_scoped3A : memref<!tpu.dma_semaphore, #tpu.memory_space<semaphore_mem>>) src(%dma_wait3A_213 : memref<196x32xf32, #tpu.memory_space<vmem_shared>>) dst(%arg8 : memref<196x32xf32, #tpu.memory_space<vmem>>)
      tpu.yield
    }) : () -> ()
    %mul3A_116 = arith.constant 3136 : i32
    %mul3A_117 = arith.muli %arg1, %mul3A_116 : i32
    %add3A_118 = arith.constant 784 : i32
    %add3A_119 = arith.addi %mul3A_117, %add3A_118 : i32
    "tpu.region"() ({
      %run_scoped3A = tpu.sem_alloc : memref<!tpu.dma_semaphore, #tpu.memory_space<semaphore_mem>>
      %dma_start3A = arith.constant 0 : i32
      %dma_start3A_208 = tpu.memref_slice %arg4[%arg0, %add3A_119, %dma_start3A] : memref<2x50176x32xf32, #tpu.memory_space<hbm>> -> memref<1x196x32xf32, #tpu.memory_space<hbm>>
      %dma_start3A_209 = tpu.memref_squeeze %dma_start3A_208 : memref<1x196x32xf32, #tpu.memory_space<hbm>> -> memref<196x32xf32, #tpu.memory_space<hbm>>
      %dma_start3A_210 = arith.constant 0 : i32
      %dma_start3A_211 = tpu.memref_slice %arg4[%arg0, %add3A_119, %dma_start3A_210] : memref<2x50176x32xf32, #tpu.memory_space<hbm>> -> memref<1x196x32xf32, #tpu.memory_space<hbm>>
      %dma_start3A_212 = tpu.memref_squeeze %dma_start3A_211 : memref<1x196x32xf32, #tpu.memory_space<hbm>> -> memref<196x32xf32, #tpu.memory_space<hbm>>
      tpu.enqueue_dma source(%arg8 : memref<196x32xf32, #tpu.memory_space<vmem>>) target(%dma_start3A_212 : memref<196x32xf32, #tpu.memory_space<hbm>>) target_semaphore(%run_scoped3A : memref<!tpu.dma_semaphore, #tpu.memory_space<semaphore_mem>>)
      %dma_wait3A = arith.constant 0 : i32
      %dma_wait3A_213 = tpu.memref_slice %arg4[%arg0, %add3A_119, %dma_wait3A] : memref<2x50176x32xf32, #tpu.memory_space<hbm>> -> memref<1x196x32xf32, #tpu.memory_space<hbm>>
      %dma_wait3A_214 = tpu.memref_squeeze %dma_wait3A_213 : memref<1x196x32xf32, #tpu.memory_space<hbm>> -> memref<196x32xf32, #tpu.memory_space<hbm>>
      %dma_wait3A_215 = arith.constant 0 : i32
      %dma_wait3A_216 = tpu.memref_slice %arg4[%arg0, %add3A_119, %dma_wait3A_215] : memref<2x50176x32xf32, #tpu.memory_space<hbm>> -> memref<1x196x32xf32, #tpu.memory_space<hbm>>
      %dma_wait3A_217 = tpu.memref_squeeze %dma_wait3A_216 : memref<1x196x32xf32, #tpu.memory_space<hbm>> -> memref<196x32xf32, #tpu.memory_space<hbm>>
      tpu.wait_dma2 semaphore(%run_scoped3A : memref<!tpu.dma_semaphore, #tpu.memory_space<semaphore_mem>>) src(%arg8 : memref<196x32xf32, #tpu.memory_space<vmem>>) dst(%dma_wait3A_217 : memref<196x32xf32, #tpu.memory_space<hbm>>)
      tpu.yield
    }) : () -> ()
    %mul3A_120 = arith.constant 3136 : i32
    %mul3A_121 = arith.muli %arg1, %mul3A_120 : i32
    %add3A_122 = arith.constant 980 : i32
    %add3A_123 = arith.addi %mul3A_121, %add3A_122 : i32
    "tpu.region"() ({
      %run_scoped3A = tpu.sem_alloc : memref<!tpu.dma_semaphore, #tpu.memory_space<semaphore_mem>>
      %dma_start3A = arith.constant 0 : i32
      %dma_start3A_208 = tpu.memref_slice %arg9[%add3A_123, %dma_start3A] : memref<50176x32xf32, #tpu.memory_space<vmem_shared>> -> memref<196x32xf32, #tpu.memory_space<vmem_shared>>
      %dma_start3A_209 = arith.constant 0 : i32
      %dma_start3A_210 = tpu.memref_slice %arg9[%add3A_123, %dma_start3A_209] : memref<50176x32xf32, #tpu.memory_space<vmem_shared>> -> memref<196x32xf32, #tpu.memory_space<vmem_shared>>
      tpu.enqueue_dma source(%dma_start3A_210 : memref<196x32xf32, #tpu.memory_space<vmem_shared>>) target(%arg8 : memref<196x32xf32, #tpu.memory_space<vmem>>) target_semaphore(%run_scoped3A : memref<!tpu.dma_semaphore, #tpu.memory_space<semaphore_mem>>)
      %dma_wait3A = arith.constant 0 : i32
      %dma_wait3A_211 = tpu.memref_slice %arg9[%add3A_123, %dma_wait3A] : memref<50176x32xf32, #tpu.memory_space<vmem_shared>> -> memref<196x32xf32, #tpu.memory_space<vmem_shared>>
      %dma_wait3A_212 = arith.constant 0 : i32
      %dma_wait3A_213 = tpu.memref_slice %arg9[%add3A_123, %dma_wait3A_212] : memref<50176x32xf32, #tpu.memory_space<vmem_shared>> -> memref<196x32xf32, #tpu.memory_space<vmem_shared>>
      tpu.wait_dma2 semaphore(%run_scoped3A : memref<!tpu.dma_semaphore, #tpu.memory_space<semaphore_mem>>) src(%dma_wait3A_213 : memref<196x32xf32, #tpu.memory_space<vmem_shared>>) dst(%arg8 : memref<196x32xf32, #tpu.memory_space<vmem>>)
      tpu.yield
    }) : () -> ()
    %mul3A_124 = arith.constant 3136 : i32
    %mul3A_125 = arith.muli %arg1, %mul3A_124 : i32
    %add3A_126 = arith.constant 980 : i32
    %add3A_127 = arith.addi %mul3A_125, %add3A_126 : i32
    "tpu.region"() ({
      %run_scoped3A = tpu.sem_alloc : memref<!tpu.dma_semaphore, #tpu.memory_space<semaphore_mem>>
      %dma_start3A = arith.constant 0 : i32
      %dma_start3A_208 = tpu.memref_slice %arg4[%arg0, %add3A_127, %dma_start3A] : memref<2x50176x32xf32, #tpu.memory_space<hbm>> -> memref<1x196x32xf32, #tpu.memory_space<hbm>>
      %dma_start3A_209 = tpu.memref_squeeze %dma_start3A_208 : memref<1x196x32xf32, #tpu.memory_space<hbm>> -> memref<196x32xf32, #tpu.memory_space<hbm>>
      %dma_start3A_210 = arith.constant 0 : i32
      %dma_start3A_211 = tpu.memref_slice %arg4[%arg0, %add3A_127, %dma_start3A_210] : memref<2x50176x32xf32, #tpu.memory_space<hbm>> -> memref<1x196x32xf32, #tpu.memory_space<hbm>>
      %dma_start3A_212 = tpu.memref_squeeze %dma_start3A_211 : memref<1x196x32xf32, #tpu.memory_space<hbm>> -> memref<196x32xf32, #tpu.memory_space<hbm>>
      tpu.enqueue_dma source(%arg8 : memref<196x32xf32, #tpu.memory_space<vmem>>) target(%dma_start3A_212 : memref<196x32xf32, #tpu.memory_space<hbm>>) target_semaphore(%run_scoped3A : memref<!tpu.dma_semaphore, #tpu.memory_space<semaphore_mem>>)
      %dma_wait3A = arith.constant 0 : i32
      %dma_wait3A_213 = tpu.memref_slice %arg4[%arg0, %add3A_127, %dma_wait3A] : memref<2x50176x32xf32, #tpu.memory_space<hbm>> -> memref<1x196x32xf32, #tpu.memory_space<hbm>>
      %dma_wait3A_214 = tpu.memref_squeeze %dma_wait3A_213 : memref<1x196x32xf32, #tpu.memory_space<hbm>> -> memref<196x32xf32, #tpu.memory_space<hbm>>
      %dma_wait3A_215 = arith.constant 0 : i32
      %dma_wait3A_216 = tpu.memref_slice %arg4[%arg0, %add3A_127, %dma_wait3A_215] : memref<2x50176x32xf32, #tpu.memory_space<hbm>> -> memref<1x196x32xf32, #tpu.memory_space<hbm>>
      %dma_wait3A_217 = tpu.memref_squeeze %dma_wait3A_216 : memref<1x196x32xf32, #tpu.memory_space<hbm>> -> memref<196x32xf32, #tpu.memory_space<hbm>>
      tpu.wait_dma2 semaphore(%run_scoped3A : memref<!tpu.dma_semaphore, #tpu.memory_space<semaphore_mem>>) src(%arg8 : memref<196x32xf32, #tpu.memory_space<vmem>>) dst(%dma_wait3A_217 : memref<196x32xf32, #tpu.memory_space<hbm>>)
      tpu.yield
    }) : () -> ()
    %mul3A_128 = arith.constant 3136 : i32
    %mul3A_129 = arith.muli %arg1, %mul3A_128 : i32
    %add3A_130 = arith.constant 1176 : i32
    %add3A_131 = arith.addi %mul3A_129, %add3A_130 : i32
    "tpu.region"() ({
      %run_scoped3A = tpu.sem_alloc : memref<!tpu.dma_semaphore, #tpu.memory_space<semaphore_mem>>
      %dma_start3A = arith.constant 0 : i32
      %dma_start3A_208 = tpu.memref_slice %arg9[%add3A_131, %dma_start3A] : memref<50176x32xf32, #tpu.memory_space<vmem_shared>> -> memref<196x32xf32, #tpu.memory_space<vmem_shared>>
      %dma_start3A_209 = arith.constant 0 : i32
      %dma_start3A_210 = tpu.memref_slice %arg9[%add3A_131, %dma_start3A_209] : memref<50176x32xf32, #tpu.memory_space<vmem_shared>> -> memref<196x32xf32, #tpu.memory_space<vmem_shared>>
      tpu.enqueue_dma source(%dma_start3A_210 : memref<196x32xf32, #tpu.memory_space<vmem_shared>>) target(%arg8 : memref<196x32xf32, #tpu.memory_space<vmem>>) target_semaphore(%run_scoped3A : memref<!tpu.dma_semaphore, #tpu.memory_space<semaphore_mem>>)
      %dma_wait3A = arith.constant 0 : i32
      %dma_wait3A_211 = tpu.memref_slice %arg9[%add3A_131, %dma_wait3A] : memref<50176x32xf32, #tpu.memory_space<vmem_shared>> -> memref<196x32xf32, #tpu.memory_space<vmem_shared>>
      %dma_wait3A_212 = arith.constant 0 : i32
      %dma_wait3A_213 = tpu.memref_slice %arg9[%add3A_131, %dma_wait3A_212] : memref<50176x32xf32, #tpu.memory_space<vmem_shared>> -> memref<196x32xf32, #tpu.memory_space<vmem_shared>>
      tpu.wait_dma2 semaphore(%run_scoped3A : memref<!tpu.dma_semaphore, #tpu.memory_space<semaphore_mem>>) src(%dma_wait3A_213 : memref<196x32xf32, #tpu.memory_space<vmem_shared>>) dst(%arg8 : memref<196x32xf32, #tpu.memory_space<vmem>>)
      tpu.yield
    }) : () -> ()
    %mul3A_132 = arith.constant 3136 : i32
    %mul3A_133 = arith.muli %arg1, %mul3A_132 : i32
    %add3A_134 = arith.constant 1176 : i32
    %add3A_135 = arith.addi %mul3A_133, %add3A_134 : i32
    "tpu.region"() ({
      %run_scoped3A = tpu.sem_alloc : memref<!tpu.dma_semaphore, #tpu.memory_space<semaphore_mem>>
      %dma_start3A = arith.constant 0 : i32
      %dma_start3A_208 = tpu.memref_slice %arg4[%arg0, %add3A_135, %dma_start3A] : memref<2x50176x32xf32, #tpu.memory_space<hbm>> -> memref<1x196x32xf32, #tpu.memory_space<hbm>>
      %dma_start3A_209 = tpu.memref_squeeze %dma_start3A_208 : memref<1x196x32xf32, #tpu.memory_space<hbm>> -> memref<196x32xf32, #tpu.memory_space<hbm>>
      %dma_start3A_210 = arith.constant 0 : i32
      %dma_start3A_211 = tpu.memref_slice %arg4[%arg0, %add3A_135, %dma_start3A_210] : memref<2x50176x32xf32, #tpu.memory_space<hbm>> -> memref<1x196x32xf32, #tpu.memory_space<hbm>>
      %dma_start3A_212 = tpu.memref_squeeze %dma_start3A_211 : memref<1x196x32xf32, #tpu.memory_space<hbm>> -> memref<196x32xf32, #tpu.memory_space<hbm>>
      tpu.enqueue_dma source(%arg8 : memref<196x32xf32, #tpu.memory_space<vmem>>) target(%dma_start3A_212 : memref<196x32xf32, #tpu.memory_space<hbm>>) target_semaphore(%run_scoped3A : memref<!tpu.dma_semaphore, #tpu.memory_space<semaphore_mem>>)
      %dma_wait3A = arith.constant 0 : i32
      %dma_wait3A_213 = tpu.memref_slice %arg4[%arg0, %add3A_135, %dma_wait3A] : memref<2x50176x32xf32, #tpu.memory_space<hbm>> -> memref<1x196x32xf32, #tpu.memory_space<hbm>>
      %dma_wait3A_214 = tpu.memref_squeeze %dma_wait3A_213 : memref<1x196x32xf32, #tpu.memory_space<hbm>> -> memref<196x32xf32, #tpu.memory_space<hbm>>
      %dma_wait3A_215 = arith.constant 0 : i32
      %dma_wait3A_216 = tpu.memref_slice %arg4[%arg0, %add3A_135, %dma_wait3A_215] : memref<2x50176x32xf32, #tpu.memory_space<hbm>> -> memref<1x196x32xf32, #tpu.memory_space<hbm>>
      %dma_wait3A_217 = tpu.memref_squeeze %dma_wait3A_216 : memref<1x196x32xf32, #tpu.memory_space<hbm>> -> memref<196x32xf32, #tpu.memory_space<hbm>>
      tpu.wait_dma2 semaphore(%run_scoped3A : memref<!tpu.dma_semaphore, #tpu.memory_space<semaphore_mem>>) src(%arg8 : memref<196x32xf32, #tpu.memory_space<vmem>>) dst(%dma_wait3A_217 : memref<196x32xf32, #tpu.memory_space<hbm>>)
      tpu.yield
    }) : () -> ()
    %mul3A_136 = arith.constant 3136 : i32
    %mul3A_137 = arith.muli %arg1, %mul3A_136 : i32
    %add3A_138 = arith.constant 1372 : i32
    %add3A_139 = arith.addi %mul3A_137, %add3A_138 : i32
    "tpu.region"() ({
      %run_scoped3A = tpu.sem_alloc : memref<!tpu.dma_semaphore, #tpu.memory_space<semaphore_mem>>
      %dma_start3A = arith.constant 0 : i32
      %dma_start3A_208 = tpu.memref_slice %arg9[%add3A_139, %dma_start3A] : memref<50176x32xf32, #tpu.memory_space<vmem_shared>> -> memref<196x32xf32, #tpu.memory_space<vmem_shared>>
      %dma_start3A_209 = arith.constant 0 : i32
      %dma_start3A_210 = tpu.memref_slice %arg9[%add3A_139, %dma_start3A_209] : memref<50176x32xf32, #tpu.memory_space<vmem_shared>> -> memref<196x32xf32, #tpu.memory_space<vmem_shared>>
      tpu.enqueue_dma source(%dma_start3A_210 : memref<196x32xf32, #tpu.memory_space<vmem_shared>>) target(%arg8 : memref<196x32xf32, #tpu.memory_space<vmem>>) target_semaphore(%run_scoped3A : memref<!tpu.dma_semaphore, #tpu.memory_space<semaphore_mem>>)
      %dma_wait3A = arith.constant 0 : i32
      %dma_wait3A_211 = tpu.memref_slice %arg9[%add3A_139, %dma_wait3A] : memref<50176x32xf32, #tpu.memory_space<vmem_shared>> -> memref<196x32xf32, #tpu.memory_space<vmem_shared>>
      %dma_wait3A_212 = arith.constant 0 : i32
      %dma_wait3A_213 = tpu.memref_slice %arg9[%add3A_139, %dma_wait3A_212] : memref<50176x32xf32, #tpu.memory_space<vmem_shared>> -> memref<196x32xf32, #tpu.memory_space<vmem_shared>>
      tpu.wait_dma2 semaphore(%run_scoped3A : memref<!tpu.dma_semaphore, #tpu.memory_space<semaphore_mem>>) src(%dma_wait3A_213 : memref<196x32xf32, #tpu.memory_space<vmem_shared>>) dst(%arg8 : memref<196x32xf32, #tpu.memory_space<vmem>>)
      tpu.yield
    }) : () -> ()
    %mul3A_140 = arith.constant 3136 : i32
    %mul3A_141 = arith.muli %arg1, %mul3A_140 : i32
    %add3A_142 = arith.constant 1372 : i32
    %add3A_143 = arith.addi %mul3A_141, %add3A_142 : i32
    "tpu.region"() ({
      %run_scoped3A = tpu.sem_alloc : memref<!tpu.dma_semaphore, #tpu.memory_space<semaphore_mem>>
      %dma_start3A = arith.constant 0 : i32
      %dma_start3A_208 = tpu.memref_slice %arg4[%arg0, %add3A_143, %dma_start3A] : memref<2x50176x32xf32, #tpu.memory_space<hbm>> -> memref<1x196x32xf32, #tpu.memory_space<hbm>>
      %dma_start3A_209 = tpu.memref_squeeze %dma_start3A_208 : memref<1x196x32xf32, #tpu.memory_space<hbm>> -> memref<196x32xf32, #tpu.memory_space<hbm>>
      %dma_start3A_210 = arith.constant 0 : i32
      %dma_start3A_211 = tpu.memref_slice %arg4[%arg0, %add3A_143, %dma_start3A_210] : memref<2x50176x32xf32, #tpu.memory_space<hbm>> -> memref<1x196x32xf32, #tpu.memory_space<hbm>>
      %dma_start3A_212 = tpu.memref_squeeze %dma_start3A_211 : memref<1x196x32xf32, #tpu.memory_space<hbm>> -> memref<196x32xf32, #tpu.memory_space<hbm>>
      tpu.enqueue_dma source(%arg8 : memref<196x32xf32, #tpu.memory_space<vmem>>) target(%dma_start3A_212 : memref<196x32xf32, #tpu.memory_space<hbm>>) target_semaphore(%run_scoped3A : memref<!tpu.dma_semaphore, #tpu.memory_space<semaphore_mem>>)
      %dma_wait3A = arith.constant 0 : i32
      %dma_wait3A_213 = tpu.memref_slice %arg4[%arg0, %add3A_143, %dma_wait3A] : memref<2x50176x32xf32, #tpu.memory_space<hbm>> -> memref<1x196x32xf32, #tpu.memory_space<hbm>>
      %dma_wait3A_214 = tpu.memref_squeeze %dma_wait3A_213 : memref<1x196x32xf32, #tpu.memory_space<hbm>> -> memref<196x32xf32, #tpu.memory_space<hbm>>
      %dma_wait3A_215 = arith.constant 0 : i32
      %dma_wait3A_216 = tpu.memref_slice %arg4[%arg0, %add3A_143, %dma_wait3A_215] : memref<2x50176x32xf32, #tpu.memory_space<hbm>> -> memref<1x196x32xf32, #tpu.memory_space<hbm>>
      %dma_wait3A_217 = tpu.memref_squeeze %dma_wait3A_216 : memref<1x196x32xf32, #tpu.memory_space<hbm>> -> memref<196x32xf32, #tpu.memory_space<hbm>>
      tpu.wait_dma2 semaphore(%run_scoped3A : memref<!tpu.dma_semaphore, #tpu.memory_space<semaphore_mem>>) src(%arg8 : memref<196x32xf32, #tpu.memory_space<vmem>>) dst(%dma_wait3A_217 : memref<196x32xf32, #tpu.memory_space<hbm>>)
      tpu.yield
    }) : () -> ()
    %mul3A_144 = arith.constant 3136 : i32
    %mul3A_145 = arith.muli %arg1, %mul3A_144 : i32
    %add3A_146 = arith.constant 1568 : i32
    %add3A_147 = arith.addi %mul3A_145, %add3A_146 : i32
    "tpu.region"() ({
      %run_scoped3A = tpu.sem_alloc : memref<!tpu.dma_semaphore, #tpu.memory_space<semaphore_mem>>
      %dma_start3A = arith.constant 0 : i32
      %dma_start3A_208 = tpu.memref_slice %arg9[%add3A_147, %dma_start3A] : memref<50176x32xf32, #tpu.memory_space<vmem_shared>> -> memref<196x32xf32, #tpu.memory_space<vmem_shared>>
      %dma_start3A_209 = arith.constant 0 : i32
      %dma_start3A_210 = tpu.memref_slice %arg9[%add3A_147, %dma_start3A_209] : memref<50176x32xf32, #tpu.memory_space<vmem_shared>> -> memref<196x32xf32, #tpu.memory_space<vmem_shared>>
      tpu.enqueue_dma source(%dma_start3A_210 : memref<196x32xf32, #tpu.memory_space<vmem_shared>>) target(%arg8 : memref<196x32xf32, #tpu.memory_space<vmem>>) target_semaphore(%run_scoped3A : memref<!tpu.dma_semaphore, #tpu.memory_space<semaphore_mem>>)
      %dma_wait3A = arith.constant 0 : i32
      %dma_wait3A_211 = tpu.memref_slice %arg9[%add3A_147, %dma_wait3A] : memref<50176x32xf32, #tpu.memory_space<vmem_shared>> -> memref<196x32xf32, #tpu.memory_space<vmem_shared>>
      %dma_wait3A_212 = arith.constant 0 : i32
      %dma_wait3A_213 = tpu.memref_slice %arg9[%add3A_147, %dma_wait3A_212] : memref<50176x32xf32, #tpu.memory_space<vmem_shared>> -> memref<196x32xf32, #tpu.memory_space<vmem_shared>>
      tpu.wait_dma2 semaphore(%run_scoped3A : memref<!tpu.dma_semaphore, #tpu.memory_space<semaphore_mem>>) src(%dma_wait3A_213 : memref<196x32xf32, #tpu.memory_space<vmem_shared>>) dst(%arg8 : memref<196x32xf32, #tpu.memory_space<vmem>>)
      tpu.yield
    }) : () -> ()
    %mul3A_148 = arith.constant 3136 : i32
    %mul3A_149 = arith.muli %arg1, %mul3A_148 : i32
    %add3A_150 = arith.constant 1568 : i32
    %add3A_151 = arith.addi %mul3A_149, %add3A_150 : i32
    "tpu.region"() ({
      %run_scoped3A = tpu.sem_alloc : memref<!tpu.dma_semaphore, #tpu.memory_space<semaphore_mem>>
      %dma_start3A = arith.constant 0 : i32
      %dma_start3A_208 = tpu.memref_slice %arg4[%arg0, %add3A_151, %dma_start3A] : memref<2x50176x32xf32, #tpu.memory_space<hbm>> -> memref<1x196x32xf32, #tpu.memory_space<hbm>>
      %dma_start3A_209 = tpu.memref_squeeze %dma_start3A_208 : memref<1x196x32xf32, #tpu.memory_space<hbm>> -> memref<196x32xf32, #tpu.memory_space<hbm>>
      %dma_start3A_210 = arith.constant 0 : i32
      %dma_start3A_211 = tpu.memref_slice %arg4[%arg0, %add3A_151, %dma_start3A_210] : memref<2x50176x32xf32, #tpu.memory_space<hbm>> -> memref<1x196x32xf32, #tpu.memory_space<hbm>>
      %dma_start3A_212 = tpu.memref_squeeze %dma_start3A_211 : memref<1x196x32xf32, #tpu.memory_space<hbm>> -> memref<196x32xf32, #tpu.memory_space<hbm>>
      tpu.enqueue_dma source(%arg8 : memref<196x32xf32, #tpu.memory_space<vmem>>) target(%dma_start3A_212 : memref<196x32xf32, #tpu.memory_space<hbm>>) target_semaphore(%run_scoped3A : memref<!tpu.dma_semaphore, #tpu.memory_space<semaphore_mem>>)
      %dma_wait3A = arith.constant 0 : i32
      %dma_wait3A_213 = tpu.memref_slice %arg4[%arg0, %add3A_151, %dma_wait3A] : memref<2x50176x32xf32, #tpu.memory_space<hbm>> -> memref<1x196x32xf32, #tpu.memory_space<hbm>>
      %dma_wait3A_214 = tpu.memref_squeeze %dma_wait3A_213 : memref<1x196x32xf32, #tpu.memory_space<hbm>> -> memref<196x32xf32, #tpu.memory_space<hbm>>
      %dma_wait3A_215 = arith.constant 0 : i32
      %dma_wait3A_216 = tpu.memref_slice %arg4[%arg0, %add3A_151, %dma_wait3A_215] : memref<2x50176x32xf32, #tpu.memory_space<hbm>> -> memref<1x196x32xf32, #tpu.memory_space<hbm>>
      %dma_wait3A_217 = tpu.memref_squeeze %dma_wait3A_216 : memref<1x196x32xf32, #tpu.memory_space<hbm>> -> memref<196x32xf32, #tpu.memory_space<hbm>>
      tpu.wait_dma2 semaphore(%run_scoped3A : memref<!tpu.dma_semaphore, #tpu.memory_space<semaphore_mem>>) src(%arg8 : memref<196x32xf32, #tpu.memory_space<vmem>>) dst(%dma_wait3A_217 : memref<196x32xf32, #tpu.memory_space<hbm>>)
      tpu.yield
    }) : () -> ()
    %mul3A_152 = arith.constant 3136 : i32
    %mul3A_153 = arith.muli %arg1, %mul3A_152 : i32
    %add3A_154 = arith.constant 1764 : i32
    %add3A_155 = arith.addi %mul3A_153, %add3A_154 : i32
    "tpu.region"() ({
      %run_scoped3A = tpu.sem_alloc : memref<!tpu.dma_semaphore, #tpu.memory_space<semaphore_mem>>
      %dma_start3A = arith.constant 0 : i32
      %dma_start3A_208 = tpu.memref_slice %arg9[%add3A_155, %dma_start3A] : memref<50176x32xf32, #tpu.memory_space<vmem_shared>> -> memref<196x32xf32, #tpu.memory_space<vmem_shared>>
      %dma_start3A_209 = arith.constant 0 : i32
      %dma_start3A_210 = tpu.memref_slice %arg9[%add3A_155, %dma_start3A_209] : memref<50176x32xf32, #tpu.memory_space<vmem_shared>> -> memref<196x32xf32, #tpu.memory_space<vmem_shared>>
      tpu.enqueue_dma source(%dma_start3A_210 : memref<196x32xf32, #tpu.memory_space<vmem_shared>>) target(%arg8 : memref<196x32xf32, #tpu.memory_space<vmem>>) target_semaphore(%run_scoped3A : memref<!tpu.dma_semaphore, #tpu.memory_space<semaphore_mem>>)
      %dma_wait3A = arith.constant 0 : i32
      %dma_wait3A_211 = tpu.memref_slice %arg9[%add3A_155, %dma_wait3A] : memref<50176x32xf32, #tpu.memory_space<vmem_shared>> -> memref<196x32xf32, #tpu.memory_space<vmem_shared>>
      %dma_wait3A_212 = arith.constant 0 : i32
      %dma_wait3A_213 = tpu.memref_slice %arg9[%add3A_155, %dma_wait3A_212] : memref<50176x32xf32, #tpu.memory_space<vmem_shared>> -> memref<196x32xf32, #tpu.memory_space<vmem_shared>>
      tpu.wait_dma2 semaphore(%run_scoped3A : memref<!tpu.dma_semaphore, #tpu.memory_space<semaphore_mem>>) src(%dma_wait3A_213 : memref<196x32xf32, #tpu.memory_space<vmem_shared>>) dst(%arg8 : memref<196x32xf32, #tpu.memory_space<vmem>>)
      tpu.yield
    }) : () -> ()
    %mul3A_156 = arith.constant 3136 : i32
    %mul3A_157 = arith.muli %arg1, %mul3A_156 : i32
    %add3A_158 = arith.constant 1764 : i32
    %add3A_159 = arith.addi %mul3A_157, %add3A_158 : i32
    "tpu.region"() ({
      %run_scoped3A = tpu.sem_alloc : memref<!tpu.dma_semaphore, #tpu.memory_space<semaphore_mem>>
      %dma_start3A = arith.constant 0 : i32
      %dma_start3A_208 = tpu.memref_slice %arg4[%arg0, %add3A_159, %dma_start3A] : memref<2x50176x32xf32, #tpu.memory_space<hbm>> -> memref<1x196x32xf32, #tpu.memory_space<hbm>>
      %dma_start3A_209 = tpu.memref_squeeze %dma_start3A_208 : memref<1x196x32xf32, #tpu.memory_space<hbm>> -> memref<196x32xf32, #tpu.memory_space<hbm>>
      %dma_start3A_210 = arith.constant 0 : i32
      %dma_start3A_211 = tpu.memref_slice %arg4[%arg0, %add3A_159, %dma_start3A_210] : memref<2x50176x32xf32, #tpu.memory_space<hbm>> -> memref<1x196x32xf32, #tpu.memory_space<hbm>>
      %dma_start3A_212 = tpu.memref_squeeze %dma_start3A_211 : memref<1x196x32xf32, #tpu.memory_space<hbm>> -> memref<196x32xf32, #tpu.memory_space<hbm>>
      tpu.enqueue_dma source(%arg8 : memref<196x32xf32, #tpu.memory_space<vmem>>) target(%dma_start3A_212 : memref<196x32xf32, #tpu.memory_space<hbm>>) target_semaphore(%run_scoped3A : memref<!tpu.dma_semaphore, #tpu.memory_space<semaphore_mem>>)
      %dma_wait3A = arith.constant 0 : i32
      %dma_wait3A_213 = tpu.memref_slice %arg4[%arg0, %add3A_159, %dma_wait3A] : memref<2x50176x32xf32, #tpu.memory_space<hbm>> -> memref<1x196x32xf32, #tpu.memory_space<hbm>>
      %dma_wait3A_214 = tpu.memref_squeeze %dma_wait3A_213 : memref<1x196x32xf32, #tpu.memory_space<hbm>> -> memref<196x32xf32, #tpu.memory_space<hbm>>
      %dma_wait3A_215 = arith.constant 0 : i32
      %dma_wait3A_216 = tpu.memref_slice %arg4[%arg0, %add3A_159, %dma_wait3A_215] : memref<2x50176x32xf32, #tpu.memory_space<hbm>> -> memref<1x196x32xf32, #tpu.memory_space<hbm>>
      %dma_wait3A_217 = tpu.memref_squeeze %dma_wait3A_216 : memref<1x196x32xf32, #tpu.memory_space<hbm>> -> memref<196x32xf32, #tpu.memory_space<hbm>>
      tpu.wait_dma2 semaphore(%run_scoped3A : memref<!tpu.dma_semaphore, #tpu.memory_space<semaphore_mem>>) src(%arg8 : memref<196x32xf32, #tpu.memory_space<vmem>>) dst(%dma_wait3A_217 : memref<196x32xf32, #tpu.memory_space<hbm>>)
      tpu.yield
    }) : () -> ()
    %mul3A_160 = arith.constant 3136 : i32
    %mul3A_161 = arith.muli %arg1, %mul3A_160 : i32
    %add3A_162 = arith.constant 1960 : i32
    %add3A_163 = arith.addi %mul3A_161, %add3A_162 : i32
    "tpu.region"() ({
      %run_scoped3A = tpu.sem_alloc : memref<!tpu.dma_semaphore, #tpu.memory_space<semaphore_mem>>
      %dma_start3A = arith.constant 0 : i32
      %dma_start3A_208 = tpu.memref_slice %arg9[%add3A_163, %dma_start3A] : memref<50176x32xf32, #tpu.memory_space<vmem_shared>> -> memref<196x32xf32, #tpu.memory_space<vmem_shared>>
      %dma_start3A_209 = arith.constant 0 : i32
      %dma_start3A_210 = tpu.memref_slice %arg9[%add3A_163, %dma_start3A_209] : memref<50176x32xf32, #tpu.memory_space<vmem_shared>> -> memref<196x32xf32, #tpu.memory_space<vmem_shared>>
      tpu.enqueue_dma source(%dma_start3A_210 : memref<196x32xf32, #tpu.memory_space<vmem_shared>>) target(%arg8 : memref<196x32xf32, #tpu.memory_space<vmem>>) target_semaphore(%run_scoped3A : memref<!tpu.dma_semaphore, #tpu.memory_space<semaphore_mem>>)
      %dma_wait3A = arith.constant 0 : i32
      %dma_wait3A_211 = tpu.memref_slice %arg9[%add3A_163, %dma_wait3A] : memref<50176x32xf32, #tpu.memory_space<vmem_shared>> -> memref<196x32xf32, #tpu.memory_space<vmem_shared>>
      %dma_wait3A_212 = arith.constant 0 : i32
      %dma_wait3A_213 = tpu.memref_slice %arg9[%add3A_163, %dma_wait3A_212] : memref<50176x32xf32, #tpu.memory_space<vmem_shared>> -> memref<196x32xf32, #tpu.memory_space<vmem_shared>>
      tpu.wait_dma2 semaphore(%run_scoped3A : memref<!tpu.dma_semaphore, #tpu.memory_space<semaphore_mem>>) src(%dma_wait3A_213 : memref<196x32xf32, #tpu.memory_space<vmem_shared>>) dst(%arg8 : memref<196x32xf32, #tpu.memory_space<vmem>>)
      tpu.yield
    }) : () -> ()
    %mul3A_164 = arith.constant 3136 : i32
    %mul3A_165 = arith.muli %arg1, %mul3A_164 : i32
    %add3A_166 = arith.constant 1960 : i32
    %add3A_167 = arith.addi %mul3A_165, %add3A_166 : i32
    "tpu.region"() ({
      %run_scoped3A = tpu.sem_alloc : memref<!tpu.dma_semaphore, #tpu.memory_space<semaphore_mem>>
      %dma_start3A = arith.constant 0 : i32
      %dma_start3A_208 = tpu.memref_slice %arg4[%arg0, %add3A_167, %dma_start3A] : memref<2x50176x32xf32, #tpu.memory_space<hbm>> -> memref<1x196x32xf32, #tpu.memory_space<hbm>>
      %dma_start3A_209 = tpu.memref_squeeze %dma_start3A_208 : memref<1x196x32xf32, #tpu.memory_space<hbm>> -> memref<196x32xf32, #tpu.memory_space<hbm>>
      %dma_start3A_210 = arith.constant 0 : i32
      %dma_start3A_211 = tpu.memref_slice %arg4[%arg0, %add3A_167, %dma_start3A_210] : memref<2x50176x32xf32, #tpu.memory_space<hbm>> -> memref<1x196x32xf32, #tpu.memory_space<hbm>>
      %dma_start3A_212 = tpu.memref_squeeze %dma_start3A_211 : memref<1x196x32xf32, #tpu.memory_space<hbm>> -> memref<196x32xf32, #tpu.memory_space<hbm>>
      tpu.enqueue_dma source(%arg8 : memref<196x32xf32, #tpu.memory_space<vmem>>) target(%dma_start3A_212 : memref<196x32xf32, #tpu.memory_space<hbm>>) target_semaphore(%run_scoped3A : memref<!tpu.dma_semaphore, #tpu.memory_space<semaphore_mem>>)
      %dma_wait3A = arith.constant 0 : i32
      %dma_wait3A_213 = tpu.memref_slice %arg4[%arg0, %add3A_167, %dma_wait3A] : memref<2x50176x32xf32, #tpu.memory_space<hbm>> -> memref<1x196x32xf32, #tpu.memory_space<hbm>>
      %dma_wait3A_214 = tpu.memref_squeeze %dma_wait3A_213 : memref<1x196x32xf32, #tpu.memory_space<hbm>> -> memref<196x32xf32, #tpu.memory_space<hbm>>
      %dma_wait3A_215 = arith.constant 0 : i32
      %dma_wait3A_216 = tpu.memref_slice %arg4[%arg0, %add3A_167, %dma_wait3A_215] : memref<2x50176x32xf32, #tpu.memory_space<hbm>> -> memref<1x196x32xf32, #tpu.memory_space<hbm>>
      %dma_wait3A_217 = tpu.memref_squeeze %dma_wait3A_216 : memref<1x196x32xf32, #tpu.memory_space<hbm>> -> memref<196x32xf32, #tpu.memory_space<hbm>>
      tpu.wait_dma2 semaphore(%run_scoped3A : memref<!tpu.dma_semaphore, #tpu.memory_space<semaphore_mem>>) src(%arg8 : memref<196x32xf32, #tpu.memory_space<vmem>>) dst(%dma_wait3A_217 : memref<196x32xf32, #tpu.memory_space<hbm>>)
      tpu.yield
    }) : () -> ()
    %mul3A_168 = arith.constant 3136 : i32
    %mul3A_169 = arith.muli %arg1, %mul3A_168 : i32
    %add3A_170 = arith.constant 2156 : i32
    %add3A_171 = arith.addi %mul3A_169, %add3A_170 : i32
    "tpu.region"() ({
      %run_scoped3A = tpu.sem_alloc : memref<!tpu.dma_semaphore, #tpu.memory_space<semaphore_mem>>
      %dma_start3A = arith.constant 0 : i32
      %dma_start3A_208 = tpu.memref_slice %arg9[%add3A_171, %dma_start3A] : memref<50176x32xf32, #tpu.memory_space<vmem_shared>> -> memref<196x32xf32, #tpu.memory_space<vmem_shared>>
      %dma_start3A_209 = arith.constant 0 : i32
      %dma_start3A_210 = tpu.memref_slice %arg9[%add3A_171, %dma_start3A_209] : memref<50176x32xf32, #tpu.memory_space<vmem_shared>> -> memref<196x32xf32, #tpu.memory_space<vmem_shared>>
      tpu.enqueue_dma source(%dma_start3A_210 : memref<196x32xf32, #tpu.memory_space<vmem_shared>>) target(%arg8 : memref<196x32xf32, #tpu.memory_space<vmem>>) target_semaphore(%run_scoped3A : memref<!tpu.dma_semaphore, #tpu.memory_space<semaphore_mem>>)
      %dma_wait3A = arith.constant 0 : i32
      %dma_wait3A_211 = tpu.memref_slice %arg9[%add3A_171, %dma_wait3A] : memref<50176x32xf32, #tpu.memory_space<vmem_shared>> -> memref<196x32xf32, #tpu.memory_space<vmem_shared>>
      %dma_wait3A_212 = arith.constant 0 : i32
      %dma_wait3A_213 = tpu.memref_slice %arg9[%add3A_171, %dma_wait3A_212] : memref<50176x32xf32, #tpu.memory_space<vmem_shared>> -> memref<196x32xf32, #tpu.memory_space<vmem_shared>>
      tpu.wait_dma2 semaphore(%run_scoped3A : memref<!tpu.dma_semaphore, #tpu.memory_space<semaphore_mem>>) src(%dma_wait3A_213 : memref<196x32xf32, #tpu.memory_space<vmem_shared>>) dst(%arg8 : memref<196x32xf32, #tpu.memory_space<vmem>>)
      tpu.yield
    }) : () -> ()
    %mul3A_172 = arith.constant 3136 : i32
    %mul3A_173 = arith.muli %arg1, %mul3A_172 : i32
    %add3A_174 = arith.constant 2156 : i32
    %add3A_175 = arith.addi %mul3A_173, %add3A_174 : i32
    "tpu.region"() ({
      %run_scoped3A = tpu.sem_alloc : memref<!tpu.dma_semaphore, #tpu.memory_space<semaphore_mem>>
      %dma_start3A = arith.constant 0 : i32
      %dma_start3A_208 = tpu.memref_slice %arg4[%arg0, %add3A_175, %dma_start3A] : memref<2x50176x32xf32, #tpu.memory_space<hbm>> -> memref<1x196x32xf32, #tpu.memory_space<hbm>>
      %dma_start3A_209 = tpu.memref_squeeze %dma_start3A_208 : memref<1x196x32xf32, #tpu.memory_space<hbm>> -> memref<196x32xf32, #tpu.memory_space<hbm>>
      %dma_start3A_210 = arith.constant 0 : i32
      %dma_start3A_211 = tpu.memref_slice %arg4[%arg0, %add3A_175, %dma_start3A_210] : memref<2x50176x32xf32, #tpu.memory_space<hbm>> -> memref<1x196x32xf32, #tpu.memory_space<hbm>>
      %dma_start3A_212 = tpu.memref_squeeze %dma_start3A_211 : memref<1x196x32xf32, #tpu.memory_space<hbm>> -> memref<196x32xf32, #tpu.memory_space<hbm>>
      tpu.enqueue_dma source(%arg8 : memref<196x32xf32, #tpu.memory_space<vmem>>) target(%dma_start3A_212 : memref<196x32xf32, #tpu.memory_space<hbm>>) target_semaphore(%run_scoped3A : memref<!tpu.dma_semaphore, #tpu.memory_space<semaphore_mem>>)
      %dma_wait3A = arith.constant 0 : i32
      %dma_wait3A_213 = tpu.memref_slice %arg4[%arg0, %add3A_175, %dma_wait3A] : memref<2x50176x32xf32, #tpu.memory_space<hbm>> -> memref<1x196x32xf32, #tpu.memory_space<hbm>>
      %dma_wait3A_214 = tpu.memref_squeeze %dma_wait3A_213 : memref<1x196x32xf32, #tpu.memory_space<hbm>> -> memref<196x32xf32, #tpu.memory_space<hbm>>
      %dma_wait3A_215 = arith.constant 0 : i32
      %dma_wait3A_216 = tpu.memref_slice %arg4[%arg0, %add3A_175, %dma_wait3A_215] : memref<2x50176x32xf32, #tpu.memory_space<hbm>> -> memref<1x196x32xf32, #tpu.memory_space<hbm>>
      %dma_wait3A_217 = tpu.memref_squeeze %dma_wait3A_216 : memref<1x196x32xf32, #tpu.memory_space<hbm>> -> memref<196x32xf32, #tpu.memory_space<hbm>>
      tpu.wait_dma2 semaphore(%run_scoped3A : memref<!tpu.dma_semaphore, #tpu.memory_space<semaphore_mem>>) src(%arg8 : memref<196x32xf32, #tpu.memory_space<vmem>>) dst(%dma_wait3A_217 : memref<196x32xf32, #tpu.memory_space<hbm>>)
      tpu.yield
    }) : () -> ()
    %mul3A_176 = arith.constant 3136 : i32
    %mul3A_177 = arith.muli %arg1, %mul3A_176 : i32
    %add3A_178 = arith.constant 2352 : i32
    %add3A_179 = arith.addi %mul3A_177, %add3A_178 : i32
    "tpu.region"() ({
      %run_scoped3A = tpu.sem_alloc : memref<!tpu.dma_semaphore, #tpu.memory_space<semaphore_mem>>
      %dma_start3A = arith.constant 0 : i32
      %dma_start3A_208 = tpu.memref_slice %arg9[%add3A_179, %dma_start3A] : memref<50176x32xf32, #tpu.memory_space<vmem_shared>> -> memref<196x32xf32, #tpu.memory_space<vmem_shared>>
      %dma_start3A_209 = arith.constant 0 : i32
      %dma_start3A_210 = tpu.memref_slice %arg9[%add3A_179, %dma_start3A_209] : memref<50176x32xf32, #tpu.memory_space<vmem_shared>> -> memref<196x32xf32, #tpu.memory_space<vmem_shared>>
      tpu.enqueue_dma source(%dma_start3A_210 : memref<196x32xf32, #tpu.memory_space<vmem_shared>>) target(%arg8 : memref<196x32xf32, #tpu.memory_space<vmem>>) target_semaphore(%run_scoped3A : memref<!tpu.dma_semaphore, #tpu.memory_space<semaphore_mem>>)
      %dma_wait3A = arith.constant 0 : i32
      %dma_wait3A_211 = tpu.memref_slice %arg9[%add3A_179, %dma_wait3A] : memref<50176x32xf32, #tpu.memory_space<vmem_shared>> -> memref<196x32xf32, #tpu.memory_space<vmem_shared>>
      %dma_wait3A_212 = arith.constant 0 : i32
      %dma_wait3A_213 = tpu.memref_slice %arg9[%add3A_179, %dma_wait3A_212] : memref<50176x32xf32, #tpu.memory_space<vmem_shared>> -> memref<196x32xf32, #tpu.memory_space<vmem_shared>>
      tpu.wait_dma2 semaphore(%run_scoped3A : memref<!tpu.dma_semaphore, #tpu.memory_space<semaphore_mem>>) src(%dma_wait3A_213 : memref<196x32xf32, #tpu.memory_space<vmem_shared>>) dst(%arg8 : memref<196x32xf32, #tpu.memory_space<vmem>>)
      tpu.yield
    }) : () -> ()
    %mul3A_180 = arith.constant 3136 : i32
    %mul3A_181 = arith.muli %arg1, %mul3A_180 : i32
    %add3A_182 = arith.constant 2352 : i32
    %add3A_183 = arith.addi %mul3A_181, %add3A_182 : i32
    "tpu.region"() ({
      %run_scoped3A = tpu.sem_alloc : memref<!tpu.dma_semaphore, #tpu.memory_space<semaphore_mem>>
      %dma_start3A = arith.constant 0 : i32
      %dma_start3A_208 = tpu.memref_slice %arg4[%arg0, %add3A_183, %dma_start3A] : memref<2x50176x32xf32, #tpu.memory_space<hbm>> -> memref<1x196x32xf32, #tpu.memory_space<hbm>>
      %dma_start3A_209 = tpu.memref_squeeze %dma_start3A_208 : memref<1x196x32xf32, #tpu.memory_space<hbm>> -> memref<196x32xf32, #tpu.memory_space<hbm>>
      %dma_start3A_210 = arith.constant 0 : i32
      %dma_start3A_211 = tpu.memref_slice %arg4[%arg0, %add3A_183, %dma_start3A_210] : memref<2x50176x32xf32, #tpu.memory_space<hbm>> -> memref<1x196x32xf32, #tpu.memory_space<hbm>>
      %dma_start3A_212 = tpu.memref_squeeze %dma_start3A_211 : memref<1x196x32xf32, #tpu.memory_space<hbm>> -> memref<196x32xf32, #tpu.memory_space<hbm>>
      tpu.enqueue_dma source(%arg8 : memref<196x32xf32, #tpu.memory_space<vmem>>) target(%dma_start3A_212 : memref<196x32xf32, #tpu.memory_space<hbm>>) target_semaphore(%run_scoped3A : memref<!tpu.dma_semaphore, #tpu.memory_space<semaphore_mem>>)
      %dma_wait3A = arith.constant 0 : i32
      %dma_wait3A_213 = tpu.memref_slice %arg4[%arg0, %add3A_183, %dma_wait3A] : memref<2x50176x32xf32, #tpu.memory_space<hbm>> -> memref<1x196x32xf32, #tpu.memory_space<hbm>>
      %dma_wait3A_214 = tpu.memref_squeeze %dma_wait3A_213 : memref<1x196x32xf32, #tpu.memory_space<hbm>> -> memref<196x32xf32, #tpu.memory_space<hbm>>
      %dma_wait3A_215 = arith.constant 0 : i32
      %dma_wait3A_216 = tpu.memref_slice %arg4[%arg0, %add3A_183, %dma_wait3A_215] : memref<2x50176x32xf32, #tpu.memory_space<hbm>> -> memref<1x196x32xf32, #tpu.memory_space<hbm>>
      %dma_wait3A_217 = tpu.memref_squeeze %dma_wait3A_216 : memref<1x196x32xf32, #tpu.memory_space<hbm>> -> memref<196x32xf32, #tpu.memory_space<hbm>>
      tpu.wait_dma2 semaphore(%run_scoped3A : memref<!tpu.dma_semaphore, #tpu.memory_space<semaphore_mem>>) src(%arg8 : memref<196x32xf32, #tpu.memory_space<vmem>>) dst(%dma_wait3A_217 : memref<196x32xf32, #tpu.memory_space<hbm>>)
      tpu.yield
    }) : () -> ()
    %mul3A_184 = arith.constant 3136 : i32
    %mul3A_185 = arith.muli %arg1, %mul3A_184 : i32
    %add3A_186 = arith.constant 2548 : i32
    %add3A_187 = arith.addi %mul3A_185, %add3A_186 : i32
    "tpu.region"() ({
      %run_scoped3A = tpu.sem_alloc : memref<!tpu.dma_semaphore, #tpu.memory_space<semaphore_mem>>
      %dma_start3A = arith.constant 0 : i32
      %dma_start3A_208 = tpu.memref_slice %arg9[%add3A_187, %dma_start3A] : memref<50176x32xf32, #tpu.memory_space<vmem_shared>> -> memref<196x32xf32, #tpu.memory_space<vmem_shared>>
      %dma_start3A_209 = arith.constant 0 : i32
      %dma_start3A_210 = tpu.memref_slice %arg9[%add3A_187, %dma_start3A_209] : memref<50176x32xf32, #tpu.memory_space<vmem_shared>> -> memref<196x32xf32, #tpu.memory_space<vmem_shared>>
      tpu.enqueue_dma source(%dma_start3A_210 : memref<196x32xf32, #tpu.memory_space<vmem_shared>>) target(%arg8 : memref<196x32xf32, #tpu.memory_space<vmem>>) target_semaphore(%run_scoped3A : memref<!tpu.dma_semaphore, #tpu.memory_space<semaphore_mem>>)
      %dma_wait3A = arith.constant 0 : i32
      %dma_wait3A_211 = tpu.memref_slice %arg9[%add3A_187, %dma_wait3A] : memref<50176x32xf32, #tpu.memory_space<vmem_shared>> -> memref<196x32xf32, #tpu.memory_space<vmem_shared>>
      %dma_wait3A_212 = arith.constant 0 : i32
      %dma_wait3A_213 = tpu.memref_slice %arg9[%add3A_187, %dma_wait3A_212] : memref<50176x32xf32, #tpu.memory_space<vmem_shared>> -> memref<196x32xf32, #tpu.memory_space<vmem_shared>>
      tpu.wait_dma2 semaphore(%run_scoped3A : memref<!tpu.dma_semaphore, #tpu.memory_space<semaphore_mem>>) src(%dma_wait3A_213 : memref<196x32xf32, #tpu.memory_space<vmem_shared>>) dst(%arg8 : memref<196x32xf32, #tpu.memory_space<vmem>>)
      tpu.yield
    }) : () -> ()
    %mul3A_188 = arith.constant 3136 : i32
    %mul3A_189 = arith.muli %arg1, %mul3A_188 : i32
    %add3A_190 = arith.constant 2548 : i32
    %add3A_191 = arith.addi %mul3A_189, %add3A_190 : i32
    "tpu.region"() ({
      %run_scoped3A = tpu.sem_alloc : memref<!tpu.dma_semaphore, #tpu.memory_space<semaphore_mem>>
      %dma_start3A = arith.constant 0 : i32
      %dma_start3A_208 = tpu.memref_slice %arg4[%arg0, %add3A_191, %dma_start3A] : memref<2x50176x32xf32, #tpu.memory_space<hbm>> -> memref<1x196x32xf32, #tpu.memory_space<hbm>>
      %dma_start3A_209 = tpu.memref_squeeze %dma_start3A_208 : memref<1x196x32xf32, #tpu.memory_space<hbm>> -> memref<196x32xf32, #tpu.memory_space<hbm>>
      %dma_start3A_210 = arith.constant 0 : i32
      %dma_start3A_211 = tpu.memref_slice %arg4[%arg0, %add3A_191, %dma_start3A_210] : memref<2x50176x32xf32, #tpu.memory_space<hbm>> -> memref<1x196x32xf32, #tpu.memory_space<hbm>>
      %dma_start3A_212 = tpu.memref_squeeze %dma_start3A_211 : memref<1x196x32xf32, #tpu.memory_space<hbm>> -> memref<196x32xf32, #tpu.memory_space<hbm>>
      tpu.enqueue_dma source(%arg8 : memref<196x32xf32, #tpu.memory_space<vmem>>) target(%dma_start3A_212 : memref<196x32xf32, #tpu.memory_space<hbm>>) target_semaphore(%run_scoped3A : memref<!tpu.dma_semaphore, #tpu.memory_space<semaphore_mem>>)
      %dma_wait3A = arith.constant 0 : i32
      %dma_wait3A_213 = tpu.memref_slice %arg4[%arg0, %add3A_191, %dma_wait3A] : memref<2x50176x32xf32, #tpu.memory_space<hbm>> -> memref<1x196x32xf32, #tpu.memory_space<hbm>>
      %dma_wait3A_214 = tpu.memref_squeeze %dma_wait3A_213 : memref<1x196x32xf32, #tpu.memory_space<hbm>> -> memref<196x32xf32, #tpu.memory_space<hbm>>
      %dma_wait3A_215 = arith.constant 0 : i32
      %dma_wait3A_216 = tpu.memref_slice %arg4[%arg0, %add3A_191, %dma_wait3A_215] : memref<2x50176x32xf32, #tpu.memory_space<hbm>> -> memref<1x196x32xf32, #tpu.memory_space<hbm>>
      %dma_wait3A_217 = tpu.memref_squeeze %dma_wait3A_216 : memref<1x196x32xf32, #tpu.memory_space<hbm>> -> memref<196x32xf32, #tpu.memory_space<hbm>>
      tpu.wait_dma2 semaphore(%run_scoped3A : memref<!tpu.dma_semaphore, #tpu.memory_space<semaphore_mem>>) src(%arg8 : memref<196x32xf32, #tpu.memory_space<vmem>>) dst(%dma_wait3A_217 : memref<196x32xf32, #tpu.memory_space<hbm>>)
      tpu.yield
    }) : () -> ()
    %mul3A_192 = arith.constant 3136 : i32
    %mul3A_193 = arith.muli %arg1, %mul3A_192 : i32
    %add3A_194 = arith.constant 2744 : i32
    %add3A_195 = arith.addi %mul3A_193, %add3A_194 : i32
    "tpu.region"() ({
      %run_scoped3A = tpu.sem_alloc : memref<!tpu.dma_semaphore, #tpu.memory_space<semaphore_mem>>
      %dma_start3A = arith.constant 0 : i32
      %dma_start3A_208 = tpu.memref_slice %arg9[%add3A_195, %dma_start3A] : memref<50176x32xf32, #tpu.memory_space<vmem_shared>> -> memref<196x32xf32, #tpu.memory_space<vmem_shared>>
      %dma_start3A_209 = arith.constant 0 : i32
      %dma_start3A_210 = tpu.memref_slice %arg9[%add3A_195, %dma_start3A_209] : memref<50176x32xf32, #tpu.memory_space<vmem_shared>> -> memref<196x32xf32, #tpu.memory_space<vmem_shared>>
      tpu.enqueue_dma source(%dma_start3A_210 : memref<196x32xf32, #tpu.memory_space<vmem_shared>>) target(%arg8 : memref<196x32xf32, #tpu.memory_space<vmem>>) target_semaphore(%run_scoped3A : memref<!tpu.dma_semaphore, #tpu.memory_space<semaphore_mem>>)
      %dma_wait3A = arith.constant 0 : i32
      %dma_wait3A_211 = tpu.memref_slice %arg9[%add3A_195, %dma_wait3A] : memref<50176x32xf32, #tpu.memory_space<vmem_shared>> -> memref<196x32xf32, #tpu.memory_space<vmem_shared>>
      %dma_wait3A_212 = arith.constant 0 : i32
      %dma_wait3A_213 = tpu.memref_slice %arg9[%add3A_195, %dma_wait3A_212] : memref<50176x32xf32, #tpu.memory_space<vmem_shared>> -> memref<196x32xf32, #tpu.memory_space<vmem_shared>>
      tpu.wait_dma2 semaphore(%run_scoped3A : memref<!tpu.dma_semaphore, #tpu.memory_space<semaphore_mem>>) src(%dma_wait3A_213 : memref<196x32xf32, #tpu.memory_space<vmem_shared>>) dst(%arg8 : memref<196x32xf32, #tpu.memory_space<vmem>>)
      tpu.yield
    }) : () -> ()
    %mul3A_196 = arith.constant 3136 : i32
    %mul3A_197 = arith.muli %arg1, %mul3A_196 : i32
    %add3A_198 = arith.constant 2744 : i32
    %add3A_199 = arith.addi %mul3A_197, %add3A_198 : i32
    "tpu.region"() ({
      %run_scoped3A = tpu.sem_alloc : memref<!tpu.dma_semaphore, #tpu.memory_space<semaphore_mem>>
      %dma_start3A = arith.constant 0 : i32
      %dma_start3A_208 = tpu.memref_slice %arg4[%arg0, %add3A_199, %dma_start3A] : memref<2x50176x32xf32, #tpu.memory_space<hbm>> -> memref<1x196x32xf32, #tpu.memory_space<hbm>>
      %dma_start3A_209 = tpu.memref_squeeze %dma_start3A_208 : memref<1x196x32xf32, #tpu.memory_space<hbm>> -> memref<196x32xf32, #tpu.memory_space<hbm>>
      %dma_start3A_210 = arith.constant 0 : i32
      %dma_start3A_211 = tpu.memref_slice %arg4[%arg0, %add3A_199, %dma_start3A_210] : memref<2x50176x32xf32, #tpu.memory_space<hbm>> -> memref<1x196x32xf32, #tpu.memory_space<hbm>>
      %dma_start3A_212 = tpu.memref_squeeze %dma_start3A_211 : memref<1x196x32xf32, #tpu.memory_space<hbm>> -> memref<196x32xf32, #tpu.memory_space<hbm>>
      tpu.enqueue_dma source(%arg8 : memref<196x32xf32, #tpu.memory_space<vmem>>) target(%dma_start3A_212 : memref<196x32xf32, #tpu.memory_space<hbm>>) target_semaphore(%run_scoped3A : memref<!tpu.dma_semaphore, #tpu.memory_space<semaphore_mem>>)
      %dma_wait3A = arith.constant 0 : i32
      %dma_wait3A_213 = tpu.memref_slice %arg4[%arg0, %add3A_199, %dma_wait3A] : memref<2x50176x32xf32, #tpu.memory_space<hbm>> -> memref<1x196x32xf32, #tpu.memory_space<hbm>>
      %dma_wait3A_214 = tpu.memref_squeeze %dma_wait3A_213 : memref<1x196x32xf32, #tpu.memory_space<hbm>> -> memref<196x32xf32, #tpu.memory_space<hbm>>
      %dma_wait3A_215 = arith.constant 0 : i32
      %dma_wait3A_216 = tpu.memref_slice %arg4[%arg0, %add3A_199, %dma_wait3A_215] : memref<2x50176x32xf32, #tpu.memory_space<hbm>> -> memref<1x196x32xf32, #tpu.memory_space<hbm>>
      %dma_wait3A_217 = tpu.memref_squeeze %dma_wait3A_216 : memref<1x196x32xf32, #tpu.memory_space<hbm>> -> memref<196x32xf32, #tpu.memory_space<hbm>>
      tpu.wait_dma2 semaphore(%run_scoped3A : memref<!tpu.dma_semaphore, #tpu.memory_space<semaphore_mem>>) src(%arg8 : memref<196x32xf32, #tpu.memory_space<vmem>>) dst(%dma_wait3A_217 : memref<196x32xf32, #tpu.memory_space<hbm>>)
      tpu.yield
    }) : () -> ()
    %mul3A_200 = arith.constant 3136 : i32
    %mul3A_201 = arith.muli %arg1, %mul3A_200 : i32
    %add3A_202 = arith.constant 2940 : i32
    %add3A_203 = arith.addi %mul3A_201, %add3A_202 : i32
    "tpu.region"() ({
      %run_scoped3A = tpu.sem_alloc : memref<!tpu.dma_semaphore, #tpu.memory_space<semaphore_mem>>
      %dma_start3A = arith.constant 0 : i32
      %dma_start3A_208 = tpu.memref_slice %arg9[%add3A_203, %dma_start3A] : memref<50176x32xf32, #tpu.memory_space<vmem_shared>> -> memref<196x32xf32, #tpu.memory_space<vmem_shared>>
      %dma_start3A_209 = arith.constant 0 : i32
      %dma_start3A_210 = tpu.memref_slice %arg9[%add3A_203, %dma_start3A_209] : memref<50176x32xf32, #tpu.memory_space<vmem_shared>> -> memref<196x32xf32, #tpu.memory_space<vmem_shared>>
      tpu.enqueue_dma source(%dma_start3A_210 : memref<196x32xf32, #tpu.memory_space<vmem_shared>>) target(%arg8 : memref<196x32xf32, #tpu.memory_space<vmem>>) target_semaphore(%run_scoped3A : memref<!tpu.dma_semaphore, #tpu.memory_space<semaphore_mem>>)
      %dma_wait3A = arith.constant 0 : i32
      %dma_wait3A_211 = tpu.memref_slice %arg9[%add3A_203, %dma_wait3A] : memref<50176x32xf32, #tpu.memory_space<vmem_shared>> -> memref<196x32xf32, #tpu.memory_space<vmem_shared>>
      %dma_wait3A_212 = arith.constant 0 : i32
      %dma_wait3A_213 = tpu.memref_slice %arg9[%add3A_203, %dma_wait3A_212] : memref<50176x32xf32, #tpu.memory_space<vmem_shared>> -> memref<196x32xf32, #tpu.memory_space<vmem_shared>>
      tpu.wait_dma2 semaphore(%run_scoped3A : memref<!tpu.dma_semaphore, #tpu.memory_space<semaphore_mem>>) src(%dma_wait3A_213 : memref<196x32xf32, #tpu.memory_space<vmem_shared>>) dst(%arg8 : memref<196x32xf32, #tpu.memory_space<vmem>>)
      tpu.yield
    }) : () -> ()
    %mul3A_204 = arith.constant 3136 : i32
    %mul3A_205 = arith.muli %arg1, %mul3A_204 : i32
    %add3A_206 = arith.constant 2940 : i32
    %add3A_207 = arith.addi %mul3A_205, %add3A_206 : i32
    "tpu.region"() ({
      %run_scoped3A = tpu.sem_alloc : memref<!tpu.dma_semaphore, #tpu.memory_space<semaphore_mem>>
      %dma_start3A = arith.constant 0 : i32
      %dma_start3A_208 = tpu.memref_slice %arg4[%arg0, %add3A_207, %dma_start3A] : memref<2x50176x32xf32, #tpu.memory_space<hbm>> -> memref<1x196x32xf32, #tpu.memory_space<hbm>>
      %dma_start3A_209 = tpu.memref_squeeze %dma_start3A_208 : memref<1x196x32xf32, #tpu.memory_space<hbm>> -> memref<196x32xf32, #tpu.memory_space<hbm>>
      %dma_start3A_210 = arith.constant 0 : i32
      %dma_start3A_211 = tpu.memref_slice %arg4[%arg0, %add3A_207, %dma_start3A_210] : memref<2x50176x32xf32, #tpu.memory_space<hbm>> -> memref<1x196x32xf32, #tpu.memory_space<hbm>>
      %dma_start3A_212 = tpu.memref_squeeze %dma_start3A_211 : memref<1x196x32xf32, #tpu.memory_space<hbm>> -> memref<196x32xf32, #tpu.memory_space<hbm>>
      tpu.enqueue_dma source(%arg8 : memref<196x32xf32, #tpu.memory_space<vmem>>) target(%dma_start3A_212 : memref<196x32xf32, #tpu.memory_space<hbm>>) target_semaphore(%run_scoped3A : memref<!tpu.dma_semaphore, #tpu.memory_space<semaphore_mem>>)
      %dma_wait3A = arith.constant 0 : i32
      %dma_wait3A_213 = tpu.memref_slice %arg4[%arg0, %add3A_207, %dma_wait3A] : memref<2x50176x32xf32, #tpu.memory_space<hbm>> -> memref<1x196x32xf32, #tpu.memory_space<hbm>>
      %dma_wait3A_214 = tpu.memref_squeeze %dma_wait3A_213 : memref<1x196x32xf32, #tpu.memory_space<hbm>> -> memref<196x32xf32, #tpu.memory_space<hbm>>
      %dma_wait3A_215 = arith.constant 0 : i32
      %dma_wait3A_216 = tpu.memref_slice %arg4[%arg0, %add3A_207, %dma_wait3A_215] : memref<2x50176x32xf32, #tpu.memory_space<hbm>> -> memref<1x196x32xf32, #tpu.memory_space<hbm>>
      %dma_wait3A_217 = tpu.memref_squeeze %dma_wait3A_216 : memref<1x196x32xf32, #tpu.memory_space<hbm>> -> memref<196x32xf32, #tpu.memory_space<hbm>>
      tpu.wait_dma2 semaphore(%run_scoped3A : memref<!tpu.dma_semaphore, #tpu.memory_space<semaphore_mem>>) src(%arg8 : memref<196x32xf32, #tpu.memory_space<vmem>>) dst(%dma_wait3A_217 : memref<196x32xf32, #tpu.memory_space<hbm>>)
      tpu.yield
    }) : () -> ()
    return
  }
}

module attributes {stable_mosaic.version = 14 : i64} {
  func.func @_prep_body(%arg0: i32, %arg1: memref<512x128xf32, #tpu.memory_space<vmem>>, %arg2: memref<512x32xf32, #tpu.memory_space<vmem>>, %arg3: memref<128x32xf32, #tpu.memory_space<vmem>>, %arg4: memref<1x32xf32, #tpu.memory_space<vmem>>, %arg5: memref<1x32xf32, #tpu.memory_space<vmem>>, %arg6: memref<1x32xf32, #tpu.memory_space<vmem>>, %arg7: memref<512x32xf32, #tpu.memory_space<vmem>>) attributes {dimension_semantics = [#tpu.dimension_semantics<arbitrary>], iteration_bounds = array<i64: 98>, scalar_prefetch = 0 : i64, scratch_operands = 0 : i64, tpu.core_type = #tpu.core_type<tc>, window_params = [{transform_indices = @transform_0, window_bounds = array<i64: 512, 128>}, {transform_indices = @transform_1, window_bounds = array<i64: 512, 32>}, {pipeline_mode = #tpu.pipeline_mode<synchronous>, transform_indices = @transform_2, window_bounds = array<i64: 128, 32>}, {pipeline_mode = #tpu.pipeline_mode<synchronous>, transform_indices = @transform_3, window_bounds = array<i64: 1, 32>}, {pipeline_mode = #tpu.pipeline_mode<synchronous>, transform_indices = @transform_4, window_bounds = array<i64: 1, 32>}, {pipeline_mode = #tpu.pipeline_mode<synchronous>, transform_indices = @transform_5, window_bounds = array<i64: 1, 32>}, {transform_indices = @transform_6, window_bounds = array<i64: 512, 32>}]} {
    %get3A = arith.constant 0 : index
    %get3A_0 = arith.constant 0 : index
    %get3A_1 = vector.load %arg1[%get3A, %get3A_0] : memref<512x128xf32, #tpu.memory_space<vmem>>, vector<512x128xf32>
    %get3A_2 = arith.constant 0 : index
    %get3A_3 = arith.constant 0 : index
    %get3A_4 = vector.load %arg3[%get3A_2, %get3A_3] : memref<128x32xf32, #tpu.memory_space<vmem>>, vector<128x32xf32>
    %dot_general3A = arith.constant dense<0.000000e+00> : vector<512x32xf32>
    %dot_general3A_5 = tpu.matmul %get3A_1, %get3A_4, %dot_general3A {dimension_numbers = #tpu.dot_dimension_numbers<[1], [0], [0], [1], [0, 0, 1, 1], [], []>, transpose_lhs_hint = false} : vector<512x128xf32>, vector<128x32xf32>, vector<512x32xf32> -> vector<512x32xf32>
    %get3A_6 = arith.constant 0 : index
    %get3A_7 = arith.constant 0 : index
    %get3A_8 = vector.load %arg4[%get3A_6, %get3A_7] : memref<1x32xf32, #tpu.memory_space<vmem>>, vector<1x32xf32>
    %add3A = vector.broadcast %get3A_8 : vector<1x32xf32> to vector<512x32xf32>
    %add3A_9 = arith.addf %dot_general3A_5, %add3A : vector<512x32xf32>
    %get3A_10 = arith.constant 0 : index
    %get3A_11 = arith.constant 0 : index
    %get3A_12 = vector.load %arg5[%get3A_10, %get3A_11] : memref<1x32xf32, #tpu.memory_space<vmem>>, vector<1x32xf32>
    %get3A_13 = arith.constant 0 : index
    %get3A_14 = arith.constant 0 : index
    %get3A_15 = vector.load %arg6[%get3A_13, %get3A_14] : memref<1x32xf32, #tpu.memory_space<vmem>>, vector<1x32xf32>
    %reduce_sum3A = arith.constant dense<0.000000e+00> : vector<512xf32>
    %reduce_sum3A_16 = vector.multi_reduction <add>, %add3A_9, %reduce_sum3A [1] : vector<512x32xf32> to vector<512xf32>
    %broadcast_in_dim3A = vector.shape_cast %reduce_sum3A_16 : vector<512xf32> to vector<512x1xf32>
    %div3A = arith.constant 3.200000e+01 : f32
    %div3A_17 = vector.broadcast %div3A : f32 to vector<512x1xf32>
    %div3A_18 = arith.divf %broadcast_in_dim3A, %div3A_17 : vector<512x1xf32>
    %sub3A = vector.broadcast %div3A_18 : vector<512x1xf32> to vector<512x32xf32>
    %sub3A_19 = arith.subf %add3A_9, %sub3A : vector<512x32xf32>
    %integer_pow3A = arith.mulf %sub3A_19, %sub3A_19 : vector<512x32xf32>
    %reduce_sum3A_20 = arith.constant dense<0.000000e+00> : vector<512xf32>
    %reduce_sum3A_21 = vector.multi_reduction <add>, %integer_pow3A, %reduce_sum3A_20 [1] : vector<512x32xf32> to vector<512xf32>
    %broadcast_in_dim3A_22 = vector.shape_cast %reduce_sum3A_21 : vector<512xf32> to vector<512x1xf32>
    %div3A_23 = arith.constant 3.200000e+01 : f32
    %div3A_24 = vector.broadcast %div3A_23 : f32 to vector<512x1xf32>
    %div3A_25 = arith.divf %broadcast_in_dim3A_22, %div3A_24 : vector<512x1xf32>
    %sub3A_26 = vector.broadcast %div3A_18 : vector<512x1xf32> to vector<512x32xf32>
    %sub3A_27 = arith.subf %add3A_9, %sub3A_26 : vector<512x32xf32>
    %mul3A = vector.broadcast %get3A_12 : vector<1x32xf32> to vector<512x32xf32>
    %mul3A_28 = arith.mulf %mul3A, %sub3A_27 : vector<512x32xf32>
    %add3A_29 = arith.constant 9.99999974E-6 : f32
    %add3A_30 = vector.broadcast %add3A_29 : f32 to vector<512x1xf32>
    %add3A_31 = arith.addf %div3A_25, %add3A_30 : vector<512x1xf32>
    %rsqrt3A = math.rsqrt %add3A_31 : vector<512x1xf32>
    %mul3A_32 = vector.broadcast %rsqrt3A : vector<512x1xf32> to vector<512x32xf32>
    %mul3A_33 = arith.mulf %mul3A_28, %mul3A_32 : vector<512x32xf32>
    %add3A_34 = vector.broadcast %get3A_15 : vector<1x32xf32> to vector<512x32xf32>
    %add3A_35 = arith.addf %mul3A_33, %add3A_34 : vector<512x32xf32>
    %gt3A = arith.constant 0.000000e+00 : f32
    %gt3A_36 = vector.broadcast %gt3A : f32 to vector<512x32xf32>
    %gt3A_37 = arith.cmpf ogt, %add3A_35, %gt3A_36 : vector<512x32xf32>
    %exp3A = math.exp %add3A_35 : vector<512x32xf32>
    %sub3A_38 = arith.constant 1.000000e+00 : f32
    %sub3A_39 = vector.broadcast %sub3A_38 : f32 to vector<512x32xf32>
    %sub3A_40 = arith.subf %exp3A, %sub3A_39 : vector<512x32xf32>
    %select_n3A = arith.select %gt3A_37, %add3A_35, %sub3A_40 : vector<512x32xi1>, vector<512x32xf32>
    %get3A_41 = arith.constant 0 : index
    %get3A_42 = arith.constant 0 : index
    %get3A_43 = vector.load %arg2[%get3A_41, %get3A_42] : memref<512x32xf32, #tpu.memory_space<vmem>>, vector<512x32xf32>
    %reduce_sum3A_44 = arith.constant dense<0.000000e+00> : vector<512xf32>
    %reduce_sum3A_45 = vector.multi_reduction <add>, %get3A_43, %reduce_sum3A_44 [1] : vector<512x32xf32> to vector<512xf32>
    %broadcast_in_dim3A_46 = vector.shape_cast %reduce_sum3A_45 : vector<512xf32> to vector<512x1xf32>
    %gt3A_47 = arith.constant 0.000000e+00 : f32
    %gt3A_48 = vector.broadcast %gt3A_47 : f32 to vector<512x1xf32>
    %gt3A_49 = arith.cmpf ogt, %broadcast_in_dim3A_46, %gt3A_48 : vector<512x1xf32>
    %rsqrt3A_50 = math.rsqrt %broadcast_in_dim3A_46 : vector<512x1xf32>
    %jit3A = arith.constant 0.000000e+00 : f32
    %broadcast_in_dim3A_51 = vector.broadcast %jit3A : f32 to vector<512x1xf32>
    %select_n3A_52 = arith.select %gt3A_49, %rsqrt3A_50, %broadcast_in_dim3A_51 : vector<512x1xi1>, vector<512x1xf32>
    %mul3A_53 = vector.broadcast %select_n3A_52 : vector<512x1xf32> to vector<512x32xf32>
    %mul3A_54 = arith.mulf %select_n3A, %mul3A_53 : vector<512x32xf32>
    %swap3A = arith.constant 0 : index
    %swap3A_55 = arith.constant 0 : index
    %swap3A_56 = vector.load %arg7[%swap3A, %swap3A_55] : memref<512x32xf32, #tpu.memory_space<vmem>>, vector<512x32xf32>
    tpu.vector_store %arg7[%swap3A, %swap3A_55], %mul3A_54 {strides = array<i32>} : memref<512x32xf32, #tpu.memory_space<vmem>>, vector<512x32xf32>,
    return
  }
  func.func @transform_0(%arg0: i32) -> (i32, i32) {
    %c0_i32 = arith.constant 0 : i32
    %c0_i32_0 = arith.constant 0 : i32
    return %arg0, %c0_i32 : i32, i32
  }
  func.func @transform_1(%arg0: i32) -> (i32, i32) {
    %c0_i32 = arith.constant 0 : i32
    %c0_i32_0 = arith.constant 0 : i32
    return %arg0, %c0_i32 : i32, i32
  }
  func.func @transform_2(%arg0: i32) -> (i32, i32) {
    %c0_i32 = arith.constant 0 : i32
    %c0_i32_0 = arith.constant 0 : i32
    %c0_i32_1 = arith.constant 0 : i32
    return %c0_i32, %c0_i32_0 : i32, i32
  }
  func.func @transform_3(%arg0: i32) -> (i32, i32) {
    %c0_i32 = arith.constant 0 : i32
    %c0_i32_0 = arith.constant 0 : i32
    %c0_i32_1 = arith.constant 0 : i32
    return %c0_i32, %c0_i32_0 : i32, i32
  }
  func.func @transform_4(%arg0: i32) -> (i32, i32) {
    %c0_i32 = arith.constant 0 : i32
    %c0_i32_0 = arith.constant 0 : i32
    %c0_i32_1 = arith.constant 0 : i32
    return %c0_i32, %c0_i32_0 : i32, i32
  }
  func.func @transform_5(%arg0: i32) -> (i32, i32) {
    %c0_i32 = arith.constant 0 : i32
    %c0_i32_0 = arith.constant 0 : i32
    %c0_i32_1 = arith.constant 0 : i32
    return %c0_i32, %c0_i32_0 : i32, i32
  }
  func.func @transform_6(%arg0: i32) -> (i32, i32) {
    %c0_i32 = arith.constant 0 : i32
    %c0_i32_0 = arith.constant 0 : i32
    return %arg0, %c0_i32 : i32, i32
  }
}

module attributes {stable_mosaic.version = 14 : i64} {
  func.func @_mid_body(%arg0: i32, %arg1: memref<2x512x32xf32, #tpu.memory_space<vmem>>, %arg2: memref<512x32xf32, #tpu.memory_space<vmem>>, %arg3: memref<512x32xf32, #tpu.memory_space<vmem>>, %arg4: memref<32x32xf32, #tpu.memory_space<vmem>>, %arg5: memref<1x32xf32, #tpu.memory_space<vmem>>, %arg6: memref<32x32xf32, #tpu.memory_space<vmem>>, %arg7: memref<1x32xf32, #tpu.memory_space<vmem>>, %arg8: memref<1x32xf32, #tpu.memory_space<vmem>>, %arg9: memref<1x32xf32, #tpu.memory_space<vmem>>, %arg10: memref<512x32xf32, #tpu.memory_space<vmem>>) attributes {dimension_semantics = [#tpu.dimension_semantics<arbitrary>], iteration_bounds = array<i64: 98>, scalar_prefetch = 0 : i64, scratch_operands = 0 : i64, tpu.core_type = #tpu.core_type<tc>, window_params = [{transform_indices = @transform_0, window_bounds = array<i64: 2, 512, 32>}, {transform_indices = @transform_1, window_bounds = array<i64: 512, 32>}, {transform_indices = @transform_2, window_bounds = array<i64: 512, 32>}, {pipeline_mode = #tpu.pipeline_mode<synchronous>, transform_indices = @transform_3, window_bounds = array<i64: 32, 32>}, {pipeline_mode = #tpu.pipeline_mode<synchronous>, transform_indices = @transform_4, window_bounds = array<i64: 1, 32>}, {pipeline_mode = #tpu.pipeline_mode<synchronous>, transform_indices = @transform_5, window_bounds = array<i64: 32, 32>}, {pipeline_mode = #tpu.pipeline_mode<synchronous>, transform_indices = @transform_6, window_bounds = array<i64: 1, 32>}, {pipeline_mode = #tpu.pipeline_mode<synchronous>, transform_indices = @transform_7, window_bounds = array<i64: 1, 32>}, {pipeline_mode = #tpu.pipeline_mode<synchronous>, transform_indices = @transform_8, window_bounds = array<i64: 1, 32>}, {transform_indices = @transform_9, window_bounds = array<i64: 512, 32>}]} {
    %get3A = arith.constant 0 : index
    %get3A_0 = arith.constant 0 : index
    %get3A_1 = arith.constant 0 : index
    %get3A_2 = vector.load %arg1[%get3A, %get3A_0, %get3A_1] : memref<2x512x32xf32, #tpu.memory_space<vmem>>, vector<1x512x32xf32>
    %get3A_3 = vector.shape_cast %get3A_2 : vector<1x512x32xf32> to vector<512x32xf32>
    %get3A_4 = arith.constant 1 : index
    %get3A_5 = arith.constant 0 : index
    %get3A_6 = arith.constant 0 : index
    %get3A_7 = vector.load %arg1[%get3A_4, %get3A_5, %get3A_6] : memref<2x512x32xf32, #tpu.memory_space<vmem>>, vector<1x512x32xf32>
    %get3A_8 = vector.shape_cast %get3A_7 : vector<1x512x32xf32> to vector<512x32xf32>
    %add3A = arith.addf %get3A_3, %get3A_8 : vector<512x32xf32>
    %get3A_9 = arith.constant 0 : index
    %get3A_10 = arith.constant 0 : index
    %get3A_11 = vector.load %arg3[%get3A_9, %get3A_10] : memref<512x32xf32, #tpu.memory_space<vmem>>, vector<512x32xf32>
    %reduce_sum3A = arith.constant dense<0.000000e+00> : vector<512xf32>
    %reduce_sum3A_12 = vector.multi_reduction <add>, %get3A_11, %reduce_sum3A [1] : vector<512x32xf32> to vector<512xf32>
    %broadcast_in_dim3A = vector.shape_cast %reduce_sum3A_12 : vector<512xf32> to vector<512x1xf32>
    %gt3A = arith.constant 0.000000e+00 : f32
    %gt3A_13 = vector.broadcast %gt3A : f32 to vector<512x1xf32>
    %gt3A_14 = arith.cmpf ogt, %broadcast_in_dim3A, %gt3A_13 : vector<512x1xf32>
    %rsqrt3A = math.rsqrt %broadcast_in_dim3A : vector<512x1xf32>
    %jit3A = arith.constant 0.000000e+00 : f32
    %broadcast_in_dim3A_15 = vector.broadcast %jit3A : f32 to vector<512x1xf32>
    %select_n3A = arith.select %gt3A_14, %rsqrt3A, %broadcast_in_dim3A_15 : vector<512x1xi1>, vector<512x1xf32>
    %mul3A = vector.broadcast %select_n3A : vector<512x1xf32> to vector<512x32xf32>
    %mul3A_16 = arith.mulf %add3A, %mul3A : vector<512x32xf32>
    %get3A_17 = arith.constant 0 : index
    %get3A_18 = arith.constant 0 : index
    %get3A_19 = vector.load %arg4[%get3A_17, %get3A_18] : memref<32x32xf32, #tpu.memory_space<vmem>>, vector<32x32xf32>
    %dot_general3A = arith.constant dense<0.000000e+00> : vector<512x32xf32>
    %dot_general3A_20 = tpu.matmul %mul3A_16, %get3A_19, %dot_general3A {dimension_numbers = #tpu.dot_dimension_numbers<[1], [0], [0], [1], [0, 0, 1, 1], [], []>, transpose_lhs_hint = false} : vector<512x32xf32>, vector<32x32xf32>, vector<512x32xf32> -> vector<512x32xf32>
    %get3A_21 = arith.constant 0 : index
    %get3A_22 = arith.constant 0 : index
    %get3A_23 = vector.load %arg5[%get3A_21, %get3A_22] : memref<1x32xf32, #tpu.memory_space<vmem>>, vector<1x32xf32>
    %add3A_24 = vector.broadcast %get3A_23 : vector<1x32xf32> to vector<512x32xf32>
    %add3A_25 = arith.addf %dot_general3A_20, %add3A_24 : vector<512x32xf32>
    %gt3A_26 = arith.constant 0.000000e+00 : f32
    %gt3A_27 = vector.broadcast %gt3A_26 : f32 to vector<512x32xf32>
    %gt3A_28 = arith.cmpf ogt, %add3A_25, %gt3A_27 : vector<512x32xf32>
    %exp3A = math.exp %add3A_25 : vector<512x32xf32>
    %sub3A = arith.constant 1.000000e+00 : f32
    %sub3A_29 = vector.broadcast %sub3A : f32 to vector<512x32xf32>
    %sub3A_30 = arith.subf %exp3A, %sub3A_29 : vector<512x32xf32>
    %select_n3A_31 = arith.select %gt3A_28, %add3A_25, %sub3A_30 : vector<512x32xi1>, vector<512x32xf32>
    %get3A_32 = arith.constant 0 : index
    %get3A_33 = arith.constant 0 : index
    %get3A_34 = vector.load %arg6[%get3A_32, %get3A_33] : memref<32x32xf32, #tpu.memory_space<vmem>>, vector<32x32xf32>
    %dot_general3A_35 = arith.constant dense<0.000000e+00> : vector<512x32xf32>
    %dot_general3A_36 = tpu.matmul %select_n3A_31, %get3A_34, %dot_general3A_35 {dimension_numbers = #tpu.dot_dimension_numbers<[1], [0], [0], [1], [0, 0, 1, 1], [], []>, transpose_lhs_hint = false} : vector<512x32xf32>, vector<32x32xf32>, vector<512x32xf32> -> vector<512x32xf32>
    %get3A_37 = arith.constant 0 : index
    %get3A_38 = arith.constant 0 : index
    %get3A_39 = vector.load %arg7[%get3A_37, %get3A_38] : memref<1x32xf32, #tpu.memory_space<vmem>>, vector<1x32xf32>
    %add3A_40 = vector.broadcast %get3A_39 : vector<1x32xf32> to vector<512x32xf32>
    %add3A_41 = arith.addf %dot_general3A_36, %add3A_40 : vector<512x32xf32>
    %get3A_42 = arith.constant 0 : index
    %get3A_43 = arith.constant 0 : index
    %get3A_44 = vector.load %arg8[%get3A_42, %get3A_43] : memref<1x32xf32, #tpu.memory_space<vmem>>, vector<1x32xf32>
    %get3A_45 = arith.constant 0 : index
    %get3A_46 = arith.constant 0 : index
    %get3A_47 = vector.load %arg9[%get3A_45, %get3A_46] : memref<1x32xf32, #tpu.memory_space<vmem>>, vector<1x32xf32>
    %reduce_sum3A_48 = arith.constant dense<0.000000e+00> : vector<512xf32>
    %reduce_sum3A_49 = vector.multi_reduction <add>, %add3A_41, %reduce_sum3A_48 [1] : vector<512x32xf32> to vector<512xf32>
    %broadcast_in_dim3A_50 = vector.shape_cast %reduce_sum3A_49 : vector<512xf32> to vector<512x1xf32>
    %div3A = arith.constant 3.200000e+01 : f32
    %div3A_51 = vector.broadcast %div3A : f32 to vector<512x1xf32>
    %div3A_52 = arith.divf %broadcast_in_dim3A_50, %div3A_51 : vector<512x1xf32>
    %sub3A_53 = vector.broadcast %div3A_52 : vector<512x1xf32> to vector<512x32xf32>
    %sub3A_54 = arith.subf %add3A_41, %sub3A_53 : vector<512x32xf32>
    %integer_pow3A = arith.mulf %sub3A_54, %sub3A_54 : vector<512x32xf32>
    %reduce_sum3A_55 = arith.constant dense<0.000000e+00> : vector<512xf32>
    %reduce_sum3A_56 = vector.multi_reduction <add>, %integer_pow3A, %reduce_sum3A_55 [1] : vector<512x32xf32> to vector<512xf32>
    %broadcast_in_dim3A_57 = vector.shape_cast %reduce_sum3A_56 : vector<512xf32> to vector<512x1xf32>
    %div3A_58 = arith.constant 3.200000e+01 : f32
    %div3A_59 = vector.broadcast %div3A_58 : f32 to vector<512x1xf32>
    %div3A_60 = arith.divf %broadcast_in_dim3A_57, %div3A_59 : vector<512x1xf32>
    %sub3A_61 = vector.broadcast %div3A_52 : vector<512x1xf32> to vector<512x32xf32>
    %sub3A_62 = arith.subf %add3A_41, %sub3A_61 : vector<512x32xf32>
    %mul3A_63 = vector.broadcast %get3A_44 : vector<1x32xf32> to vector<512x32xf32>
    %mul3A_64 = arith.mulf %mul3A_63, %sub3A_62 : vector<512x32xf32>
    %add3A_65 = arith.constant 9.99999974E-6 : f32
    %add3A_66 = vector.broadcast %add3A_65 : f32 to vector<512x1xf32>
    %add3A_67 = arith.addf %div3A_60, %add3A_66 : vector<512x1xf32>
    %rsqrt3A_68 = math.rsqrt %add3A_67 : vector<512x1xf32>
    %mul3A_69 = vector.broadcast %rsqrt3A_68 : vector<512x1xf32> to vector<512x32xf32>
    %mul3A_70 = arith.mulf %mul3A_64, %mul3A_69 : vector<512x32xf32>
    %add3A_71 = vector.broadcast %get3A_47 : vector<1x32xf32> to vector<512x32xf32>
    %add3A_72 = arith.addf %mul3A_70, %add3A_71 : vector<512x32xf32>
    %gt3A_73 = arith.constant 0.000000e+00 : f32
    %gt3A_74 = vector.broadcast %gt3A_73 : f32 to vector<512x32xf32>
    %gt3A_75 = arith.cmpf ogt, %add3A_72, %gt3A_74 : vector<512x32xf32>
    %exp3A_76 = math.exp %add3A_72 : vector<512x32xf32>
    %sub3A_77 = arith.constant 1.000000e+00 : f32
    %sub3A_78 = vector.broadcast %sub3A_77 : f32 to vector<512x32xf32>
    %sub3A_79 = arith.subf %exp3A_76, %sub3A_78 : vector<512x32xf32>
    %select_n3A_80 = arith.select %gt3A_75, %add3A_72, %sub3A_79 : vector<512x32xi1>, vector<512x32xf32>
    %get3A_81 = arith.constant 0 : index
    %get3A_82 = arith.constant 0 : index
    %get3A_83 = vector.load %arg2[%get3A_81, %get3A_82] : memref<512x32xf32, #tpu.memory_space<vmem>>, vector<512x32xf32>
    %reduce_sum3A_84 = arith.constant dense<0.000000e+00> : vector<512xf32>
    %reduce_sum3A_85 = vector.multi_reduction <add>, %get3A_83, %reduce_sum3A_84 [1] : vector<512x32xf32> to vector<512xf32>
    %broadcast_in_dim3A_86 = vector.shape_cast %reduce_sum3A_85 : vector<512xf32> to vector<512x1xf32>
    %gt3A_87 = arith.constant 0.000000e+00 : f32
    %gt3A_88 = vector.broadcast %gt3A_87 : f32 to vector<512x1xf32>
    %gt3A_89 = arith.cmpf ogt, %broadcast_in_dim3A_86, %gt3A_88 : vector<512x1xf32>
    %rsqrt3A_90 = math.rsqrt %broadcast_in_dim3A_86 : vector<512x1xf32>
    %jit3A_91 = arith.constant 0.000000e+00 : f32
    %broadcast_in_dim3A_92 = vector.broadcast %jit3A_91 : f32 to vector<512x1xf32>
    %select_n3A_93 = arith.select %gt3A_89, %rsqrt3A_90, %broadcast_in_dim3A_92 : vector<512x1xi1>, vector<512x1xf32>
    %mul3A_94 = vector.broadcast %select_n3A_93 : vector<512x1xf32> to vector<512x32xf32>
    %mul3A_95 = arith.mulf %select_n3A_80, %mul3A_94 : vector<512x32xf32>
    %swap3A = arith.constant 0 : index
    %swap3A_96 = arith.constant 0 : index
    %swap3A_97 = vector.load %arg10[%swap3A, %swap3A_96] : memref<512x32xf32, #tpu.memory_space<vmem>>, vector<512x32xf32>
    tpu.vector_store %arg10[%swap3A, %swap3A_96], %mul3A_95 {strides = array<i32>} : memref<512x32xf32, #tpu.memory_space<vmem>>, vector<512x32xf32>,
    return
  }
  func.func @transform_0(%arg0: i32) -> (i32, i32, i32) {
    %c0_i32 = arith.constant 0 : i32
    %c0_i32_0 = arith.constant 0 : i32
    %c0_i32_1 = arith.constant 0 : i32
    return %c0_i32, %arg0, %c0_i32_0 : i32, i32, i32
  }
  func.func @transform_1(%arg0: i32) -> (i32, i32) {
    %c0_i32 = arith.constant 0 : i32
    %c0_i32_0 = arith.constant 0 : i32
    return %arg0, %c0_i32 : i32, i32
  }
  func.func @transform_2(%arg0: i32) -> (i32, i32) {
    %c0_i32 = arith.constant 0 : i32
    %c0_i32_0 = arith.constant 0 : i32
    return %arg0, %c0_i32 : i32, i32
  }
  func.func @transform_3(%arg0: i32) -> (i32, i32) {
    %c0_i32 = arith.constant 0 : i32
    %c0_i32_0 = arith.constant 0 : i32
    %c0_i32_1 = arith.constant 0 : i32
    return %c0_i32, %c0_i32_0 : i32, i32
  }
  func.func @transform_4(%arg0: i32) -> (i32, i32) {
    %c0_i32 = arith.constant 0 : i32
    %c0_i32_0 = arith.constant 0 : i32
    %c0_i32_1 = arith.constant 0 : i32
    return %c0_i32, %c0_i32_0 : i32, i32
  }
  func.func @transform_5(%arg0: i32) -> (i32, i32) {
    %c0_i32 = arith.constant 0 : i32
    %c0_i32_0 = arith.constant 0 : i32
    %c0_i32_1 = arith.constant 0 : i32
    return %c0_i32, %c0_i32_0 : i32, i32
  }
  func.func @transform_6(%arg0: i32) -> (i32, i32) {
    %c0_i32 = arith.constant 0 : i32
    %c0_i32_0 = arith.constant 0 : i32
    %c0_i32_1 = arith.constant 0 : i32
    return %c0_i32, %c0_i32_0 : i32, i32
  }
  func.func @transform_7(%arg0: i32) -> (i32, i32) {
    %c0_i32 = arith.constant 0 : i32
    %c0_i32_0 = arith.constant 0 : i32
    %c0_i32_1 = arith.constant 0 : i32
    return %c0_i32, %c0_i32_0 : i32, i32
  }
  func.func @transform_8(%arg0: i32) -> (i32, i32) {
    %c0_i32 = arith.constant 0 : i32
    %c0_i32_0 = arith.constant 0 : i32
    %c0_i32_1 = arith.constant 0 : i32
    return %c0_i32, %c0_i32_0 : i32, i32
  }
  func.func @transform_9(%arg0: i32) -> (i32, i32) {
    %c0_i32 = arith.constant 0 : i32
    %c0_i32_0 = arith.constant 0 : i32
    return %arg0, %c0_i32 : i32, i32
  }
}

module attributes {stable_mosaic.version = 14 : i64} {
  func.func @_fin_body(%arg0: i32, %arg1: memref<2x512x32xf32, #tpu.memory_space<vmem>>, %arg2: memref<512x32xf32, #tpu.memory_space<vmem>>, %arg3: memref<32x32xf32, #tpu.memory_space<vmem>>, %arg4: memref<1x32xf32, #tpu.memory_space<vmem>>, %arg5: memref<32x32xf32, #tpu.memory_space<vmem>>, %arg6: memref<1x32xf32, #tpu.memory_space<vmem>>, %arg7: memref<1x32xf32, #tpu.memory_space<vmem>>, %arg8: memref<1x32xf32, #tpu.memory_space<vmem>>, %arg9: memref<32x64xf32, #tpu.memory_space<vmem>>, %arg10: memref<1x64xf32, #tpu.memory_space<vmem>>, %arg11: memref<1x64xf32, #tpu.memory_space<vmem>>) attributes {dimension_semantics = [#tpu.dimension_semantics<arbitrary>], iteration_bounds = array<i64: 98>, scalar_prefetch = 0 : i64, scratch_operands = 0 : i64, tpu.core_type = #tpu.core_type<tc>, window_params = [{transform_indices = @transform_0, window_bounds = array<i64: 2, 512, 32>}, {transform_indices = @transform_1, window_bounds = array<i64: 512, 32>}, {pipeline_mode = #tpu.pipeline_mode<synchronous>, transform_indices = @transform_2, window_bounds = array<i64: 32, 32>}, {pipeline_mode = #tpu.pipeline_mode<synchronous>, transform_indices = @transform_3, window_bounds = array<i64: 1, 32>}, {pipeline_mode = #tpu.pipeline_mode<synchronous>, transform_indices = @transform_4, window_bounds = array<i64: 32, 32>}, {pipeline_mode = #tpu.pipeline_mode<synchronous>, transform_indices = @transform_5, window_bounds = array<i64: 1, 32>}, {pipeline_mode = #tpu.pipeline_mode<synchronous>, transform_indices = @transform_6, window_bounds = array<i64: 1, 32>}, {pipeline_mode = #tpu.pipeline_mode<synchronous>, transform_indices = @transform_7, window_bounds = array<i64: 1, 32>}, {pipeline_mode = #tpu.pipeline_mode<synchronous>, transform_indices = @transform_8, window_bounds = array<i64: 32, 64>}, {pipeline_mode = #tpu.pipeline_mode<synchronous>, transform_indices = @transform_9, window_bounds = array<i64: 1, 64>}, {pipeline_mode = #tpu.pipeline_mode<synchronous>, transform_indices = @transform_10, window_bounds = array<i64: 1, 64>}]} {
    %get3A = arith.constant 0 : index
    %get3A_0 = arith.constant 0 : index
    %get3A_1 = arith.constant 0 : index
    %get3A_2 = vector.load %arg1[%get3A, %get3A_0, %get3A_1] : memref<2x512x32xf32, #tpu.memory_space<vmem>>, vector<1x512x32xf32>
    %get3A_3 = vector.shape_cast %get3A_2 : vector<1x512x32xf32> to vector<512x32xf32>
    %get3A_4 = arith.constant 1 : index
    %get3A_5 = arith.constant 0 : index
    %get3A_6 = arith.constant 0 : index
    %get3A_7 = vector.load %arg1[%get3A_4, %get3A_5, %get3A_6] : memref<2x512x32xf32, #tpu.memory_space<vmem>>, vector<1x512x32xf32>
    %get3A_8 = vector.shape_cast %get3A_7 : vector<1x512x32xf32> to vector<512x32xf32>
    %add3A = arith.addf %get3A_3, %get3A_8 : vector<512x32xf32>
    %get3A_9 = arith.constant 0 : index
    %get3A_10 = arith.constant 0 : index
    %get3A_11 = vector.load %arg2[%get3A_9, %get3A_10] : memref<512x32xf32, #tpu.memory_space<vmem>>, vector<512x32xf32>
    %reduce_sum3A = arith.constant dense<0.000000e+00> : vector<512xf32>
    %reduce_sum3A_12 = vector.multi_reduction <add>, %get3A_11, %reduce_sum3A [1] : vector<512x32xf32> to vector<512xf32>
    %broadcast_in_dim3A = vector.shape_cast %reduce_sum3A_12 : vector<512xf32> to vector<512x1xf32>
    %gt3A = arith.constant 0.000000e+00 : f32
    %gt3A_13 = vector.broadcast %gt3A : f32 to vector<512x1xf32>
    %gt3A_14 = arith.cmpf ogt, %broadcast_in_dim3A, %gt3A_13 : vector<512x1xf32>
    %rsqrt3A = math.rsqrt %broadcast_in_dim3A : vector<512x1xf32>
    %jit3A = arith.constant 0.000000e+00 : f32
    %broadcast_in_dim3A_15 = vector.broadcast %jit3A : f32 to vector<512x1xf32>
    %select_n3A = arith.select %gt3A_14, %rsqrt3A, %broadcast_in_dim3A_15 : vector<512x1xi1>, vector<512x1xf32>
    %mul3A = vector.broadcast %select_n3A : vector<512x1xf32> to vector<512x32xf32>
    %mul3A_16 = arith.mulf %add3A, %mul3A : vector<512x32xf32>
    %get3A_17 = arith.constant 0 : index
    %get3A_18 = arith.constant 0 : index
    %get3A_19 = vector.load %arg3[%get3A_17, %get3A_18] : memref<32x32xf32, #tpu.memory_space<vmem>>, vector<32x32xf32>
    %dot_general3A = arith.constant dense<0.000000e+00> : vector<512x32xf32>
    %dot_general3A_20 = tpu.matmul %mul3A_16, %get3A_19, %dot_general3A {dimension_numbers = #tpu.dot_dimension_numbers<[1], [0], [0], [1], [0, 0, 1, 1], [], []>, transpose_lhs_hint = false} : vector<512x32xf32>, vector<32x32xf32>, vector<512x32xf32> -> vector<512x32xf32>
    %get3A_21 = arith.constant 0 : index
    %get3A_22 = arith.constant 0 : index
    %get3A_23 = vector.load %arg4[%get3A_21, %get3A_22] : memref<1x32xf32, #tpu.memory_space<vmem>>, vector<1x32xf32>
    %add3A_24 = vector.broadcast %get3A_23 : vector<1x32xf32> to vector<512x32xf32>
    %add3A_25 = arith.addf %dot_general3A_20, %add3A_24 : vector<512x32xf32>
    %gt3A_26 = arith.constant 0.000000e+00 : f32
    %gt3A_27 = vector.broadcast %gt3A_26 : f32 to vector<512x32xf32>
    %gt3A_28 = arith.cmpf ogt, %add3A_25, %gt3A_27 : vector<512x32xf32>
    %exp3A = math.exp %add3A_25 : vector<512x32xf32>
    %sub3A = arith.constant 1.000000e+00 : f32
    %sub3A_29 = vector.broadcast %sub3A : f32 to vector<512x32xf32>
    %sub3A_30 = arith.subf %exp3A, %sub3A_29 : vector<512x32xf32>
    %select_n3A_31 = arith.select %gt3A_28, %add3A_25, %sub3A_30 : vector<512x32xi1>, vector<512x32xf32>
    %get3A_32 = arith.constant 0 : index
    %get3A_33 = arith.constant 0 : index
    %get3A_34 = vector.load %arg5[%get3A_32, %get3A_33] : memref<32x32xf32, #tpu.memory_space<vmem>>, vector<32x32xf32>
    %dot_general3A_35 = arith.constant dense<0.000000e+00> : vector<512x32xf32>
    %dot_general3A_36 = tpu.matmul %select_n3A_31, %get3A_34, %dot_general3A_35 {dimension_numbers = #tpu.dot_dimension_numbers<[1], [0], [0], [1], [0, 0, 1, 1], [], []>, transpose_lhs_hint = false} : vector<512x32xf32>, vector<32x32xf32>, vector<512x32xf32> -> vector<512x32xf32>
    %get3A_37 = arith.constant 0 : index
    %get3A_38 = arith.constant 0 : index
    %get3A_39 = vector.load %arg6[%get3A_37, %get3A_38] : memref<1x32xf32, #tpu.memory_space<vmem>>, vector<1x32xf32>
    %add3A_40 = vector.broadcast %get3A_39 : vector<1x32xf32> to vector<512x32xf32>
    %add3A_41 = arith.addf %dot_general3A_36, %add3A_40 : vector<512x32xf32>
    %get3A_42 = arith.constant 0 : index
    %get3A_43 = arith.constant 0 : index
    %get3A_44 = vector.load %arg7[%get3A_42, %get3A_43] : memref<1x32xf32, #tpu.memory_space<vmem>>, vector<1x32xf32>
    %get3A_45 = arith.constant 0 : index
    %get3A_46 = arith.constant 0 : index
    %get3A_47 = vector.load %arg8[%get3A_45, %get3A_46] : memref<1x32xf32, #tpu.memory_space<vmem>>, vector<1x32xf32>
    %reduce_sum3A_48 = arith.constant dense<0.000000e+00> : vector<512xf32>
    %reduce_sum3A_49 = vector.multi_reduction <add>, %add3A_41, %reduce_sum3A_48 [1] : vector<512x32xf32> to vector<512xf32>
    %broadcast_in_dim3A_50 = vector.shape_cast %reduce_sum3A_49 : vector<512xf32> to vector<512x1xf32>
    %div3A = arith.constant 3.200000e+01 : f32
    %div3A_51 = vector.broadcast %div3A : f32 to vector<512x1xf32>
    %div3A_52 = arith.divf %broadcast_in_dim3A_50, %div3A_51 : vector<512x1xf32>
    %sub3A_53 = vector.broadcast %div3A_52 : vector<512x1xf32> to vector<512x32xf32>
    %sub3A_54 = arith.subf %add3A_41, %sub3A_53 : vector<512x32xf32>
    %integer_pow3A = arith.mulf %sub3A_54, %sub3A_54 : vector<512x32xf32>
    %reduce_sum3A_55 = arith.constant dense<0.000000e+00> : vector<512xf32>
    %reduce_sum3A_56 = vector.multi_reduction <add>, %integer_pow3A, %reduce_sum3A_55 [1] : vector<512x32xf32> to vector<512xf32>
    %broadcast_in_dim3A_57 = vector.shape_cast %reduce_sum3A_56 : vector<512xf32> to vector<512x1xf32>
    %div3A_58 = arith.constant 3.200000e+01 : f32
    %div3A_59 = vector.broadcast %div3A_58 : f32 to vector<512x1xf32>
    %div3A_60 = arith.divf %broadcast_in_dim3A_57, %div3A_59 : vector<512x1xf32>
    %sub3A_61 = vector.broadcast %div3A_52 : vector<512x1xf32> to vector<512x32xf32>
    %sub3A_62 = arith.subf %add3A_41, %sub3A_61 : vector<512x32xf32>
    %mul3A_63 = vector.broadcast %get3A_44 : vector<1x32xf32> to vector<512x32xf32>
    %mul3A_64 = arith.mulf %mul3A_63, %sub3A_62 : vector<512x32xf32>
    %add3A_65 = arith.constant 9.99999974E-6 : f32
    %add3A_66 = vector.broadcast %add3A_65 : f32 to vector<512x1xf32>
    %add3A_67 = arith.addf %div3A_60, %add3A_66 : vector<512x1xf32>
    %rsqrt3A_68 = math.rsqrt %add3A_67 : vector<512x1xf32>
    %mul3A_69 = vector.broadcast %rsqrt3A_68 : vector<512x1xf32> to vector<512x32xf32>
    %mul3A_70 = arith.mulf %mul3A_64, %mul3A_69 : vector<512x32xf32>
    %add3A_71 = vector.broadcast %get3A_47 : vector<1x32xf32> to vector<512x32xf32>
    %add3A_72 = arith.addf %mul3A_70, %add3A_71 : vector<512x32xf32>
    %gt3A_73 = arith.constant 0.000000e+00 : f32
    %gt3A_74 = vector.broadcast %gt3A_73 : f32 to vector<512x32xf32>
    %gt3A_75 = arith.cmpf ogt, %add3A_72, %gt3A_74 : vector<512x32xf32>
    %exp3A_76 = math.exp %add3A_72 : vector<512x32xf32>
    %sub3A_77 = arith.constant 1.000000e+00 : f32
    %sub3A_78 = vector.broadcast %sub3A_77 : f32 to vector<512x32xf32>
    %sub3A_79 = arith.subf %exp3A_76, %sub3A_78 : vector<512x32xf32>
    %select_n3A_80 = arith.select %gt3A_75, %add3A_72, %sub3A_79 : vector<512x32xi1>, vector<512x32xf32>
    %get3A_81 = arith.constant 0 : index
    %get3A_82 = arith.constant 0 : index
    %get3A_83 = vector.load %arg9[%get3A_81, %get3A_82] : memref<32x64xf32, #tpu.memory_space<vmem>>, vector<32x64xf32>
    %dot_general3A_84 = arith.constant dense<0.000000e+00> : vector<512x64xf32>
    %dot_general3A_85 = tpu.matmul %select_n3A_80, %get3A_83, %dot_general3A_84 {dimension_numbers = #tpu.dot_dimension_numbers<[1], [0], [0], [1], [0, 0, 1, 1], [], []>, transpose_lhs_hint = false} : vector<512x32xf32>, vector<32x64xf32>, vector<512x64xf32> -> vector<512x64xf32>
    %get3A_86 = arith.constant 0 : index
    %get3A_87 = arith.constant 0 : index
    %get3A_88 = vector.load %arg10[%get3A_86, %get3A_87] : memref<1x64xf32, #tpu.memory_space<vmem>>, vector<1x64xf32>
    %add3A_89 = vector.broadcast %get3A_88 : vector<1x64xf32> to vector<512x64xf32>
    %add3A_90 = arith.addf %dot_general3A_85, %add3A_89 : vector<512x64xf32>
    %gt3A_91 = arith.constant 0.000000e+00 : f32
    %gt3A_92 = vector.broadcast %gt3A_91 : f32 to vector<512x64xf32>
    %gt3A_93 = arith.cmpf ogt, %add3A_90, %gt3A_92 : vector<512x64xf32>
    %exp3A_94 = math.exp %add3A_90 : vector<512x64xf32>
    %sub3A_95 = arith.constant 1.000000e+00 : f32
    %sub3A_96 = vector.broadcast %sub3A_95 : f32 to vector<512x64xf32>
    %sub3A_97 = arith.subf %exp3A_94, %sub3A_96 : vector<512x64xf32>
    %select_n3A_98 = arith.select %gt3A_93, %add3A_90, %sub3A_97 : vector<512x64xi1>, vector<512x64xf32>
    %mul3A_99 = arith.constant 512 : i32
    %mul3A_100 = arith.muli %arg0, %mul3A_99 : i32
    %iota3A = tpu.iota {dimensions = array<i32: 0>} : vector<512x1xi32>
    %add3A_101 = vector.broadcast %mul3A_100 : i32 to vector<512x1xi32>
    %add3A_102 = arith.addi %add3A_101, %iota3A : vector<512x1xi32>
    %lt3A = arith.constant 50000 : i32
    %lt3A_103 = vector.broadcast %lt3A : i32 to vector<512x1xi32>
    %lt3A_104 = arith.cmpi slt, %add3A_102, %lt3A_103 : vector<512x1xi32>
    %jit3A_105 = arith.constant 0.000000e+00 : f32
    %broadcast_in_dim3A_106 = vector.shape_cast %lt3A_104 : vector<512x1xi1> to vector<512x1xi1>
    %broadcast_in_dim3A_107 = vector.broadcast %broadcast_in_dim3A_106 : vector<512x1xi1> to vector<512x64xi1>
    %broadcast_in_dim3A_108 = vector.broadcast %jit3A_105 : f32 to vector<512x64xf32>
    %select_n3A_109 = arith.select %broadcast_in_dim3A_107, %select_n3A_98, %broadcast_in_dim3A_108 : vector<512x64xi1>, vector<512x64xf32>
    %eq3A = arith.constant 0 : i32
    %eq3A_110 = arith.cmpi eq, %arg0, %eq3A : i32
    %convert_element_type3A = arith.extui %eq3A_110 : i1 to i32
    %cond3A = arith.constant 0 : i32
    %cond3A_111 = arith.cmpi ne, %convert_element_type3A, %cond3A : i32
    scf.if %cond3A_111 {
      %broadcast_in_dim3A_121 = arith.constant 0.000000e+00 : f32
      %broadcast_in_dim3A_122 = vector.broadcast %broadcast_in_dim3A_121 : f32 to vector<1x64xf32>
      %swap3A_123 = arith.constant 0 : index
      %swap3A_124 = arith.constant 0 : index
      %swap3A_125 = vector.load %arg11[%swap3A_123, %swap3A_124] : memref<1x64xf32, #tpu.memory_space<vmem>>, vector<1x64xf32>
      tpu.vector_store %arg11[%swap3A_123, %swap3A_124], %broadcast_in_dim3A_122 {strides = array<i32>} : memref<1x64xf32, #tpu.memory_space<vmem>>, vector<1x64xf32>,
    } else {
    }
    %get3A_112 = arith.constant 0 : index
    %get3A_113 = arith.constant 0 : index
    %get3A_114 = vector.load %arg11[%get3A_112, %get3A_113] : memref<1x64xf32, #tpu.memory_space<vmem>>, vector<1x64xf32>
    %reduce_sum3A_115 = arith.constant dense<0.000000e+00> : vector<64xf32>
    %reduce_sum3A_116 = vector.multi_reduction <add>, %select_n3A_109, %reduce_sum3A_115 [0] : vector<512x64xf32> to vector<64xf32>
    %broadcast_in_dim3A_117 = vector.shape_cast %reduce_sum3A_116 : vector<64xf32> to vector<1x64xf32>
    %add3A_118 = arith.addf %get3A_114, %broadcast_in_dim3A_117 : vector<1x64xf32>
    %swap3A = arith.constant 0 : index
    %swap3A_119 = arith.constant 0 : index
    %swap3A_120 = vector.load %arg11[%swap3A, %swap3A_119] : memref<1x64xf32, #tpu.memory_space<vmem>>, vector<1x64xf32>
    tpu.vector_store %arg11[%swap3A, %swap3A_119], %add3A_118 {strides = array<i32>} : memref<1x64xf32, #tpu.memory_space<vmem>>, vector<1x64xf32>,
    return
  }
  func.func @transform_0(%arg0: i32) -> (i32, i32, i32) {
    %c0_i32 = arith.constant 0 : i32
    %c0_i32_0 = arith.constant 0 : i32
    %c0_i32_1 = arith.constant 0 : i32
    return %c0_i32, %arg0, %c0_i32_0 : i32, i32, i32
  }
  func.func @transform_1(%arg0: i32) -> (i32, i32) {
    %c0_i32 = arith.constant 0 : i32
    %c0_i32_0 = arith.constant 0 : i32
    return %arg0, %c0_i32 : i32, i32
  }
  func.func @transform_2(%arg0: i32) -> (i32, i32) {
    %c0_i32 = arith.constant 0 : i32
    %c0_i32_0 = arith.constant 0 : i32
    %c0_i32_1 = arith.constant 0 : i32
    return %c0_i32, %c0_i32_0 : i32, i32
  }
  func.func @transform_3(%arg0: i32) -> (i32, i32) {
    %c0_i32 = arith.constant 0 : i32
    %c0_i32_0 = arith.constant 0 : i32
    %c0_i32_1 = arith.constant 0 : i32
    return %c0_i32, %c0_i32_0 : i32, i32
  }
  func.func @transform_4(%arg0: i32) -> (i32, i32) {
    %c0_i32 = arith.constant 0 : i32
    %c0_i32_0 = arith.constant 0 : i32
    %c0_i32_1 = arith.constant 0 : i32
    return %c0_i32, %c0_i32_0 : i32, i32
  }
  func.func @transform_5(%arg0: i32) -> (i32, i32) {
    %c0_i32 = arith.constant 0 : i32
    %c0_i32_0 = arith.constant 0 : i32
    %c0_i32_1 = arith.constant 0 : i32
    return %c0_i32, %c0_i32_0 : i32, i32
  }
  func.func @transform_6(%arg0: i32) -> (i32, i32) {
    %c0_i32 = arith.constant 0 : i32
    %c0_i32_0 = arith.constant 0 : i32
    %c0_i32_1 = arith.constant 0 : i32
    return %c0_i32, %c0_i32_0 : i32, i32
  }
  func.func @transform_7(%arg0: i32) -> (i32, i32) {
    %c0_i32 = arith.constant 0 : i32
    %c0_i32_0 = arith.constant 0 : i32
    %c0_i32_1 = arith.constant 0 : i32
    return %c0_i32, %c0_i32_0 : i32, i32
  }
  func.func @transform_8(%arg0: i32) -> (i32, i32) {
    %c0_i32 = arith.constant 0 : i32
    %c0_i32_0 = arith.constant 0 : i32
    %c0_i32_1 = arith.constant 0 : i32
    return %c0_i32, %c0_i32_0 : i32, i32
  }
  func.func @transform_9(%arg0: i32) -> (i32, i32) {
    %c0_i32 = arith.constant 0 : i32
    %c0_i32_0 = arith.constant 0 : i32
    %c0_i32_1 = arith.constant 0 : i32
    return %c0_i32, %c0_i32_0 : i32, i32
  }
  func.func @transform_10(%arg0: i32) -> (i32, i32) {
    %c0_i32 = arith.constant 0 : i32
    %c0_i32_0 = arith.constant 0 : i32
    %c0_i32_1 = arith.constant 0 : i32
    return %c0_i32, %c0_i32_0 : i32, i32
  }
}

</mosaic_0001>

<sc_bundles>
// kernel: kernel.11.cloned.1.call-start
scs
__scs_entry_jumppad:
0x0: {  	(pc) =	sbr.rel $0x88, $3  }
0x1: {  	(tag) =	ssettag $0x0;
	lr =	simm.s32 $0x1  }
0x2: {  	[smem:$0x3F8D] =	sst lr;
	_ =	strace $0xD0000000  }
0x3: {  	_ = 	snop  }
0x4: {  	_ = 	snop  }
0x5: {  	_ = 	snop  }
0x6: {  	_ = 	snop  }
0x7: {  	_ = 	snop  }
__scs_overlays_trampoline_lowered:
0x8: {  	[smem:$0x3F9C] =	sst s0  }
0x9: {  	[smem:$0x3F9D] =	sst s1  }
0xa: {  	[smem:$0x3F9E] =	sst s2  }
0xb: {  	[smem:$0x3F9F] =	sst s3  }
0xc: {  	[smem:$0x3FA0] =	sst s4  }
0xd: {  	[smem:$0x3FA1] =	sst s5  }
0xe: {  	[smem:$0x3FA2] =	sst s6  }
0xf: {  	[smem:$0x3FA3] =	sst s7  }
0x10: {  	[smem:$0x3FA4] =	sst s8  }
0x11: {  	[smem:$0x3FA5] =	sst s9;
	s0 =	simm.s32 @!p0 $0x0  }
0x12: {  	s1 =	sld [smem:$0x3F8B];
	s0 =	simm.s32 @p0 $0x1  }
0x13: {  	[smem:$0x3FA6] =	sst s0;
	s0 =	simm.s32 @!p1 $0x0  }
0x14: {  	s2 =	sld [smem:$0x3F8A];
	s0 =	simm.s32 @p1 $0x1  }
0x15: {  	[smem:$0x3FA7] =	sst s0;
	s0 =	simm.s32 @!p2 $0x0  }
0x16: {  	s3 =	sld [smem:$0x3FDB];
	s0 =	simm.s32 @p2 $0x1  }
0x17: {  	s4 =	simm.s32 $0x1BF5;
	[smem:$0x3FA9] =	sst s0  }
0x18: {  	s0 =	sld [smem:$0x3F8C];
	_ =	swait.ge [sflag:s4], $0x0  }
0x19: {  	s7 =	sld [smem:$0x3F8D]  }
0x1a: {  	s8 =	sadd.s32 $0xFFFFE003, lr  }
0x1b: {  	s9 =	sadd.s32 $0xFFFFFEF7, lr;
	s5 =	simm.s32 $0xFFFFFFFF;
	p2 =	slt.u32 s8, $0xFFFFF086  }
0x1c: {  	p1 =	slt.u32 s9, $0xF7A;
	s5 =	simm.s32 @!p2 $0x0  }
0x1d: {  	s5 =	simm.s32 @p1 $0x1;
	p0 =	seq.s32 s7, s2  }
0x1e: {  	s7 =	smul.u32 @!p0 $0xF7A, s2;
	p2 =	seq.s32 @!p0 s5, $0x0  }
0x1f: {  	s9 =	smul.u32 $0xF7A, s1;
	s8 =	simm.s32 @!p0 $0x1BF5;
	p2 =	por !p2, p0  }
0x20: {  	[sflag:s8] =	ssyncset.s32 @!p0 $0xFFFFF086;
	s6 =	sadd.s32 @!p0 s3, s7;
	s7 =	simm.s32 @!p0 $0x108  }
0x21: {  	s3 =	sadd.s32 s3, s9;
	s6 =	sadd.s32 @!p0 $0x88, s6;
	s7 =	simm.s32 @p2 $0x1082  }
0x22: {  	[simem:s7], [sflag:s8] =	dma.local @!p0 [hbm:s6], $0xF7A  }
0x23: {  	s9 =	sor.u32 $0xD0000000, s2;
	s6 =	simm.s32 $0x108;
	_ =	swait.ge @!p0 [sflag:s8], $0x0  }
0x24: {  	s3 =	sadd.s32 $0x88, s3;
	s6 =	simm.s32 @!p1 $0x1082;
	[sflag:s4] =	ssyncset.s32 $0xFFFFF086  }
0x25: {  	[simem:s6], [sflag:s4] =	dma.local [hbm:s3], $0xF7A  }
0x26: {  	[smem:$0x3F8D] =	sst s1;
	(tag) =	ssettag s2;
	_ =	strace s9  }
0x27: {  	s1 =	sld [smem:$0x3F9D]  }
0x28: {  	s2 =	sld [smem:$0x3F9E]  }
0x29: {  	s4 =	sld [smem:$0x3FA0]  }
0x2a: {  	p0 =	seq.s32 s5, $0x0;
	s5 =	sld [smem:$0x3FA1]  }
0x2b: {  	s6 =	sld [smem:$0x3FA2]  }
0x2c: {  	s7 =	sld [smem:$0x3FA3]  }
0x2d: {  	s3 =	simm.s32 $0x108;
	s8 =	sld [smem:$0x3FA4]  }
0x2e: {  	s3 =	simm.s32 @!p0 $0x1082;
	s9 =	sld [smem:$0x3FA5]  }
0x2f: {  	lr =	sadd.s32 s0, s3;
	s0 =	sld [smem:$0x3F9C]  }
0x30: {  	s3 =	sld [smem:$0x3F9F]  }
0x31: {  	[smem:$0x3FA8] =	sst s10  }
0x32: {  	s10 =	sld [smem:$0x3FA6];
	_ =	sdelay $0x3  }
0x33: {  	p0 =	seq.s32 s10, $0x1;
	s10 =	sld [smem:$0x3FA8];
	_ =	sdelay $0x3  }
0x34: {  	[smem:$0x3FA8] =	sst s10  }
0x35: {  	s10 =	sld [smem:$0x3FA7];
	_ =	sdelay $0x3  }
0x36: {  	p1 =	seq.s32 s10, $0x1;
	s10 =	sld [smem:$0x3FA8];
	_ =	sdelay $0x3  }
0x37: {  	[smem:$0x3FA8] =	sst s10  }
0x38: {  	s10 =	sld [smem:$0x3FA9]  }
0x39: {  	_ = 	snop;
	(pc) =	sbr.ind lr, $3  }
0x3a: {  	_ = 	snop  }
0x3b: {  	_ = 	snop  }
0x3c: {  	p2 =	seq.s32 s10, $0x1;
	s10 =	sld [smem:$0x3FA8]  }
0x3d: {  	_ =	shalt  }
0x3e: {  	_ =	shalt  }
0x3f: {  	_ =	shalt  }
0x40: {  	_ =	shalt  }
0x41: {  	_ =	shalt  }
0x42: {  	_ =	shalt  }
0x43: {  	_ =	shalt  }
0x44: {  	_ =	shalt  }
0x45: {  	_ =	shalt  }
0x46: {  	_ =	shalt  }
0x47: {  	_ =	shalt  }
0x48: {  	_ =	shalt  }
0x49: {  	_ =	shalt  }
0x4a: {  	_ =	shalt  }
0x4b: {  	_ =	shalt  }
0x4c: {  	_ =	shalt  }
0x4d: {  	_ =	shalt  }
0x4e: {  	_ =	shalt  }
0x4f: {  	_ =	shalt  }
0x50: {  	_ =	shalt  }
0x51: {  	_ =	shalt  }
0x52: {  	_ =	shalt  }
0x53: {  	_ =	shalt  }
0x54: {  	_ =	shalt  }
0x55: {  	_ =	shalt  }
0x56: {  	_ =	shalt  }
0x57: {  	_ =	shalt  }
0x58: {  	_ =	shalt  }
0x59: {  	_ =	shalt  }
0x5a: {  	_ =	shalt  }
0x5b: {  	_ =	shalt  }
0x5c: {  	_ =	shalt  }
0x5d: {  	_ =	shalt  }
0x5e: {  	_ =	shalt  }
0x5f: {  	_ =	shalt  }
0x60: {  	_ =	shalt  }
0x61: {  	_ =	shalt  }
0x62: {  	_ =	shalt  }
0x63: {  	_ =	shalt  }
0x64: {  	_ =	shalt  }
0x65: {  	_ =	shalt  }
0x66: {  	_ =	shalt  }
0x67: {  	_ =	shalt  }
0x68: {  	_ =	shalt  }
0x69: {  	_ =	shalt  }
0x6a: {  	_ =	shalt  }
0x6b: {  	_ =	shalt  }
0x6c: {  	_ =	shalt  }
0x6d: {  	_ =	shalt  }
0x6e: {  	_ =	shalt  }
0x6f: {  	_ =	shalt  }
0x70: {  	_ =	shalt  }
0x71: {  	_ =	shalt  }
0x72: {  	_ =	shalt  }
0x73: {  	_ =	shalt  }
0x74: {  	_ =	shalt  }
0x75: {  	_ =	shalt  }
0x76: {  	_ =	shalt  }
0x77: {  	_ =	shalt  }
0x78: {  	_ =	shalt  }
0x79: {  	_ =	shalt  }
0x7a: {  	_ =	shalt  }
0x7b: {  	_ =	shalt  }
0x7c: {  	_ =	shalt  }
0x7d: {  	_ =	shalt  }
0x7e: {  	_ =	shalt  }
0x7f: {  	_ =	shalt  }
0x80: {  	_ =	shalt  }
0x81: {  	_ =	shalt  }
0x82: {  	_ =	shalt  }
0x83: {  	_ =	shalt  }
0x84: {  	_ =	shalt  }
0x85: {  	_ =	shalt  }
0x86: {  	_ =	shalt  }
0x87: {  	_ =	shalt  }
.Lfunc_end0:
.L_simem_size_0:
called_computation.1_lowered:
.L_overlay_start_0:
0x88: {  	s2 =	sld [smem:$0x3FD9]  }
0x89: {  	s3 =	sld [smem:$0x3FFE];
	_ =	sdelay $0x1  }
0x8a: {  	s1 =	srdreg.scid  }
0x8b: {  	s0 =	sand.u32 $0x1, s1  }
0x8c: {  	s16 =	sshll.u32 s0, $0xA;
	s2 =	sadd.s32 s3, s2  }
0x8d: {  	s2 =	sadd.s32 s2, s16  }
0x8e: {  	[smem:$0x3FB4] =	sst s2  }
0x8f: {  	_ = 	snop  }
0x90: {  	(tm) =	ssettm $0x1  }
0x91: {  	s17 =	sld [smem:$0x3FFB];
	_ =	sdelay $0x3  }
0x92: {  	_ =	strace s17  }
0x93: {  	s2 =	sld [smem:$0x3FFC];
	_ =	sdelay $0x3  }
0x94: {  	_ =	strace s2  }
0x95: {  	s2 =	sld [smem:$0x3FFD];
	_ =	sdelay $0x3  }
0x96: {  	_ =	strace s2  }
0x97: {  	_ =	strace $0x8FFFFFFF  }
0x98: {  	s18 =	sld [smem:$0x3FDB];
	_ =	sdelay $0x1  }
0x99: {  	s19 =	simm.s32 $_scs_section_size  }
0x9a: {  	s4 =	simm.s32 $_size__tile_overlayer_lowered;
	s5 =	simm.s32 $_tile_overlayer_lowered  }
0x9b: {  	s22 =	simm.s32 $0x1BFF;
	s21 =	sshll.u32 s5, $0x1;
	s2 =	sadd.s32 s19, s18  }
0x9c: {  	s6 =	simm.s32 $0x0;
	s20 =	sshll.u32 s4, $0x1;
	s4 =	sadd.s32 s21, s2  }
0x9d: {  	[timem:s6], [sflag:s22] =	dma.local [hbm:s4], s20  }
0x9e: {  	_ =	swait.ge [sflag:s22], s20  }
0x9f: {  	s3 =	ssub.s32 $0x0, s20;
	[sflag:s22] =	ssyncset.done $0x0  }
0xa0: {  	[sflag:s22] =	ssyncadd.s32 s3;
	_ =	sdelay $0x1  }
0xa1: {  	s23 =	simm.s32 $0x1B8B  }
0xa2: {  	_ =	swait.ge [sflag:s23], $0x1  }
0xa3: {  	[sflag:s23] =	ssyncset.done $0x0  }
0xa4: {  	s25 =	simm.s32 $0x1B8E;
	s24 =	sld [smem:$0x3FFE];
	[sflag:s23] =	ssyncadd.s32 $0xFFFFFFFF  }
0xa5: {  	s26 =	simm.s32 $execute0_lowered;
	[smem:$0x3FD2] =	sst s25  }
0xa6: {  	s4 =	sshll.u32 s26, $0x1;
	_ =	strace $0x80000049;
	[dreg:$0x1] =	wrdreg $0xFFFFFFFF  }
0xa7: {  	s28 =	simm.s32 $_size_execute0_lowered;
	s2 =	sadd.s32 s2, s4;
	[dreg:$0x0] =	wrdreg $0x0  }
0xa8: {  	s4 =	sshll.u32 s28, $0x1;
	[dreg:$0x2] =	wrdreg s2  }
0xa9: {  	[dreg:$0x3] =	wrdreg s4  }
0xaa: {  	[dreg:$0x4] =	wrdreg $0xC0  }
0xab: {  	_ =	task [dreg:s6], $0x5FFFF  }
0xac: {  	[dreg:$0x1] =	wrdreg $0xFFFFFFFF  }
0xad: {  	[dreg:$0x0] =	wrdreg $0x60  }
0xae: {  	[dreg:$0x2] =	wrdreg s24  }
0xaf: {  	[dreg:$0x3] =	wrdreg $0x68800  }
0xb0: {  	[dreg:$0x4] =	wrdreg $0x9  }
0xb1: {  	_ =	task.clear_ibuf [dreg:s6], $0x5FFFF;
	_ =	strace $0x90000049  }
0xb2: {  	s29 =	simm.s32 $0x9;
	_ =	strace $0x8000004B  }
0xb3: {  	_ =	swait.ge [sflag:s29], $0x1  }
0xb4: {  	[sflag:s29] =	ssyncadd.s32 $0xFFFFFFFF  }
0xb5: {  	_ =	strace $0x9000004B  }
0xb6: {  	_ =	sfence  }
0xb7: {  	s30 =	sld [smem:$0x0];
	_ =	sdelay $0x2  }
0xb8: {  	s31 =	sshll.u32 s1, $0xD;
	s1 =	sshrl.u32 s1, $0x2  }
0xb9: {  	s3 =	sand.u32 $0x4000, s31;
	s1 =	sadd.s32 s1, s30  }
0xba: {  	s0 =	sor.u32 s3, s0;
	s1 =	sshll.u32 s1, $0x11  }
0xbb: {  	s0 =	sor.u32 s1, s0  }
0xbc: {  	s0 =	sadd.s32 $0x8F2B, s0  }
0xbd: {  	[sflag:s0] =	ssyncadd.remote.s32 $0x1  }
0xbe: {  	_ =	sfence.sel $0xFFFF  }
0xbf: {  	[dreg:$0x0] =	wrdreg $0xFFFFFFFF;
	(pc) =	sbr.abs _section_cstart, $3  }
0xc0: {  	[dreg:$0x1] =	wrdreg $0xFFFFFFFF  }
0xc1: {  	_ =	task.clear_ibuf [dreg:s6], $0x2FFFF;
	_ =	strace $0x9FFFFFFF  }
0xc2: {  	(tm) =	ssettm $0x7FFFFFFF  }
0xc3: {  	_ =	shalt  }
tec
execute0_lowered:
.L_overlay_start_1:
0x0: {  	(tag) =	ssettag $0x1  }
0x1: {  	s3 =	rddreg [dreg:$0x0]  }
0x2: {  	s1 =	rddreg [dreg:$0x1]  }
0x3: {  	s2 =	simm.s32 $0x0;
	s0 =	srdreg.scid;
	s18 =	stileid.u32  }
0x4: {  	s20 =	simm.s32 $0x200;
	s21 =	simm.s32 $0x880;
	s23 =	simm.s32 $0x280  }
0x5: {  	s24 =	simm.s32 $0x900;
	s28 =	simm.s32 $0x700;
	s29 =	simm.s32 $0xD80  }
0x6: {  	s30 =	simm.s32 $0x780;
	s31 =	simm.s32 $0xE00;
	[smem:$0x7FF] =	sst s2  }
0x7: {  	s4 =	smul.u32 $0x18800, s18;
	_ =	strace $0x8000004A;
	[dreg:$0x6] =	wrdreg s20  }
0x8: {  	s7 =	sand.u32 $0x1, s0;
	s18 =	smul.u32 $0x1900, s18;
	[dreg:$0x7] =	wrdreg s21  }
0x9: {  	s13 =	sadd.s32 $0x99E00, s3;
	s0 =	smul.u32 $0x19000, s7;
	[dreg:$0x8] =	wrdreg s23  }
0xa: {  	s5 =	ssub.s32 $0x2, s7;
	s15 =	smul.u32 $0x188000, s7;
	[dreg:$0x9] =	wrdreg s24  }
0xb: {  	s20 =	simm.s32 $0xA00;
	s6 =	sshrl.u32 s5, $0x1;
	s7 =	sadd.s32 $0x4980, s4  }
0xc: {  	s8 =	sadd.s32 $0x6200, s4;
	s10 =	sadd.s32 $0x9300, s4;
	s11 =	sadd.s32 $0xAB80, s4  }
0xd: {  	[dreg:$0xd] =	wrdreg s20;
	s16 =	sadd.s32 s0, s3;
	s0 =	ssub.s32 s5, s6  }
0xe: {  	s5 =	sadd.s32 $0x1880, s4;
	s6 =	sadd.s32 $0x3100, s4;
	s14 =	sadd.s32 s4, s15  }
0xf: {  	s22 =	sadd.s32 s15, s8;
	s21 =	sadd.s32 s15, s10;
	s8 =	sadd.s32 s8, s1  }
0x10: {  	s23 =	sadd.s32 s15, s11;
	s10 =	sadd.s32 s10, s1;
	[smem:$0x7F1] =	sst s8  }
0x11: {  	s11 =	sadd.s32 s11, s1;
	s25 =	sadd.s32 s15, s5;
	[smem:$0x7F2] =	sst s10  }
0x12: {  	s19 =	sadd.s32 s15, s6;
	s5 =	sadd.s32 s5, s1;
	[smem:$0x7F3] =	sst s11  }
0x13: {  	s16 =	sadd.s32 s18, s16;
	s6 =	sadd.s32 s6, s1;
	[smem:$0x7EE] =	sst s5  }
0x14: {  	s18 =	sadd.s32 s15, s7;
	s7 =	sadd.s32 s7, s1;
	[smem:$0x7EF] =	sst s6  }
0x15: {  	s17 =	sshrl.u32 s14, $0x3;
	s0 =	smax.u32 s0, $0x1;
	[smem:$0x7F0] =	sst s7  }
0x16: {  	s9 =	sadd.s32 $0x7A80, s4;
	s17 =	sadd.s32 s13, s17;
	[smem:$0x7FC] =	sst s0  }
0x17: {  	s12 =	sadd.s32 $0xC400, s4;
	s16 =	sadd.s32 $0x4E00, s16;
	[dreg:$0x11] =	wrdreg s17  }
0x18: {  	s26 =	sshrl.u32 s19, $0x3;
	s19 =	simm.s32 $0x180;
	[dreg:$0x3] =	wrdreg s16  }
0x19: {  	s17 =	sshrl.u32 s25, $0x3;
	[dreg:$0x5] =	wrdreg s19;
	s25 =	simm.s32 $0x300  }
0x1a: {  	s24 =	sadd.s32 s15, s12;
	s19 =	simm.s32 $0x380;
	[dreg:$0xa] =	wrdreg s25  }
0x1b: {  	s16 =	sshrl.u32 s23, $0x3;
	s17 =	sadd.s32 s13, s17;
	[dreg:$0xc] =	wrdreg s19  }
0x1c: {  	s14 =	sadd.s32 $0xDC80, s4;
	s16 =	sadd.s32 s13, s16;
	[dreg:$0x12] =	wrdreg s17  }
0x1d: {  	s25 =	sshrl.u32 s24, $0x3;
	s17 =	sadd.s32 s13, s26;
	[dreg:$0x18] =	wrdreg s16  }
0x1e: {  	s10 =	simm.s32 $0x2;
	s16 =	sadd.s32 s13, s25;
	[dreg:$0x13] =	wrdreg s17  }
0x1f: {  	s11 =	simm.s32 $0x800;
	s25 =	simm.s32 $0xA80;
	[dreg:$0x19] =	wrdreg s16  }
0x20: {  	s26 =	sadd.s32 s15, s9;
	s9 =	sadd.s32 s9, s1;
	[dreg:$0xf] =	wrdreg s25  }
0x21: {  	s8 =	simm.s32 $0xB80;
	s17 =	simm.s32 $0x100;
	[smem:$0x7FD] =	sst s9  }
0x22: {  	[dreg:$0x4] =	wrdreg s17;
	s17 =	sshrl.u32 s18, $0x3;
	s18 =	simm.s32 $0x980  }
0x23: {  	s0 =	simm.s32 $0xE80;
	s17 =	sadd.s32 s13, s17;
	[dreg:$0xb] =	wrdreg s18  }
0x24: {  	[dreg:$0x14] =	wrdreg s17;
	s17 =	sshrl.u32 s22, $0x3;
	s22 =	simm.s32 $0x400  }
0x25: {  	s6 =	simm.s32 $0x0;
	s17 =	sadd.s32 s13, s17;
	[dreg:$0xe] =	wrdreg s22  }
0x26: {  	[dreg:$0x15] =	wrdreg s17;
	s17 =	sshrl.u32 s26, $0x3;
	s26 =	sadd.s32 s15, s14  }
0x27: {  	s14 =	sadd.s32 s14, s1;
	s17 =	sadd.s32 s13, s17;
	s18 =	sshrl.u32 s26, $0x3  }
0x28: {  	s26 =	simm.s32 $0x480;
	[dreg:$0x16] =	wrdreg s17;
	s17 =	sshrl.u32 s21, $0x3  }
0x29: {  	[smem:$0x7F5] =	sst s14;
	s14 =	simm.s32 $0x2000;
	s17 =	sadd.s32 s13, s17  }
0x2a: {  	s16 =	sadd.s32 s13, s18;
	[dreg:$0x17] =	wrdreg s17;
	s17 =	sadd.s32 $0xF500, s4  }
0x2b: {  	[dreg:$0x1a] =	wrdreg s16;
	s16 =	sadd.s32 $0x10D80, s4;
	s19 =	sadd.s32 s15, s17  }
0x2c: {  	[dreg:$0x10] =	wrdreg s26;
	s20 =	sadd.s32 s15, s16;
	s18 =	sshrl.u32 s19, $0x3  }
0x2d: {  	s20 =	sshrl.u32 s20, $0x3;
	s19 =	sadd.s32 $0x12600, s4;
	s18 =	sadd.s32 s13, s18  }
0x2e: {  	s21 =	sadd.s32 s15, s19;
	[dreg:$0x1b] =	wrdreg s18;
	s18 =	sadd.s32 s13, s20  }
0x2f: {  	s22 =	sshrl.u32 s21, $0x3;
	s21 =	sadd.s32 $0x13E80, s4;
	[dreg:$0x1c] =	wrdreg s18  }
0x30: {  	s18 =	sadd.s32 s13, s22;
	s23 =	sadd.s32 s15, s21;
	s22 =	sadd.s32 $0x16F80, s4  }
0x31: {  	[dreg:$0x1d] =	wrdreg s18;
	s18 =	sadd.s32 $0x15700, s4;
	s20 =	sshrl.u32 s23, $0x3  }
0x32: {  	s4 =	sadd.s32 s4, s1;
	s26 =	sadd.s32 s22, s1;
	s23 =	sadd.s32 s15, s18  }
0x33: {  	s20 =	sadd.s32 s13, s20;
	s15 =	sadd.s32 s15, s22;
	[smem:$0x7ED] =	sst s4  }
0x34: {  	s25 =	sadd.s32 s18, s1;
	[smem:$0x7FB] =	sst s26;
	s18 =	simm.s32 $0xB00  }
0x35: {  	s22 =	simm.s32 $0xC00;
	s26 =	simm.s32 $0xD00;
	s4 =	simm.s32 $0xF80  }
0x36: {  	[dreg:$0x1e] =	wrdreg s20;
	s24 =	sshrl.u32 s23, $0x3;
	s15 =	sshrl.u32 s15, $0x3  }
0x37: {  	s23 =	sadd.s32 s19, s1;
	[smem:$0x7FA] =	sst s25;
	s19 =	simm.s32 $0x500  }
0x38: {  	s25 =	simm.s32 $0x680;
	s20 =	sadd.s32 s13, s24;
	[smem:$0x7F8] =	sst s23  }
0x39: {  	s13 =	sadd.s32 s13, s15;
	s15 =	sadd.s32 s17, s1;
	[dreg:$0x1f] =	wrdreg s20  }
0x3a: {  	s17 =	sadd.s32 s16, s1;
	s24 =	sadd.s32 s21, s1;
	[smem:$0x7EC] =	sst s13  }
0x3b: {  	s16 =	simm.s32 $0x4000;
	s21 =	simm.s32 $0x580;
	[smem:$0x7F6] =	sst s15  }
0x3c: {  	s23 =	simm.s32 $0x600;
	s20 =	sadd.s32 $0x68E00, s3;
	[smem:$0x7F7] =	sst s17  }
0x3d: {  	s13 =	sadd.s32 s12, s1;
	[smem:$0x7F9] =	sst s24;
	s12 =	simm.s32 $0x80  }
0x3e: {  	s15 =	simm.s32 $0x3000;
	s17 =	simm.s32 $0x1;
	s24 =	simm.s32 $0xC80  }
0x3f: {  	v0 =	vimm.f32 $0.0e+00;
	s3 =	simm.s32 $0xF00;
	[smem:$0x7F4] =	sst s13;
	s13 =	simm.s32 $0x1000  }
.LBB2_1:
0x40: {  	[smem:$0x7EB] =	sst s6;
	s6 =	simm.s32 $0x80;
	s5 =	simm.s32 $0x0  }
.LBB2_2:
0x41: {  	p0 =	sne.s32 s6, $0x6180;
	[tilespmem:s5+$0x5000] =	vst v0;
	s7 =	smov.u32 s6;
	s6 =	sadd.s32 $0x80, s6  }
.Ltmp0:
0x42: {  	[tilespmem:s5+$0x5010] =	vst v0;
	(pc) =	sbr.rel @p0 .LBB2_2-.Ltmp0, $2  }
0x43: {  	_ =	sdelay $0x2  }
0x44: {  	s5 =	sshra.s32 s7, $0x2  }
0x45: {  	s7 =	sld [smem:$0x7ED]  }
0x46: {  	[tilespmem:s5+$0x5000] =	vst v0  }
0x47: {  	[tilespmem:s5+$0x5010] =	vst v0;
	s6 =	simm.s32 $0x5000  }
0x48: {  	[spmem:s7] =	stream.linear.scatter [tilespmem:s6], [sflag:$0x2], $0x1880, $0x38;
	[tilespmem:$0x1F080] =	vst v63  }
0x49: {  	_ =	swait.ge [sflag:s10], $0x1880  }
0x4a: {  	s7 =	sld [smem:$0x7EE]  }
0x4b: {  	[sflag:s10] =	ssyncset.done $0x0  }
0x4c: {  	[sflag:s10] =	ssyncadd.s32 $0xFFFFE780  }
0x4d: {  	[spmem:s7] =	stream.linear.scatter [tilespmem:s6], [sflag:$0x2], $0x1880, $0x38;
	[tilespmem:$0x1F080] =	vst v63  }
0x4e: {  	_ =	swait.ge [sflag:s10], $0x1880  }
0x4f: {  	s7 =	sld [smem:$0x7EF]  }
0x50: {  	[sflag:s10] =	ssyncset.done $0x0  }
0x51: {  	[sflag:s10] =	ssyncadd.s32 $0xFFFFE780  }
0x52: {  	[spmem:s7] =	stream.linear.scatter [tilespmem:s6], [sflag:$0x2], $0x1880, $0x38;
	[tilespmem:$0x1F080] =	vst v63  }
0x53: {  	_ =	swait.ge [sflag:s10], $0x1880  }
0x54: {  	s7 =	sld [smem:$0x7F0]  }
0x55: {  	[sflag:s10] =	ssyncset.done $0x0  }
0x56: {  	[sflag:s10] =	ssyncadd.s32 $0xFFFFE780  }
0x57: {  	[spmem:s7] =	stream.linear.scatter [tilespmem:s6], [sflag:$0x2], $0x1880, $0x38;
	[tilespmem:$0x1F080] =	vst v63  }
0x58: {  	_ =	swait.ge [sflag:s10], $0x1880  }
0x59: {  	s7 =	sld [smem:$0x7F1]  }
0x5a: {  	[sflag:s10] =	ssyncset.done $0x0  }
0x5b: {  	[sflag:s10] =	ssyncadd.s32 $0xFFFFE780  }
0x5c: {  	[spmem:s7] =	stream.linear.scatter [tilespmem:s6], [sflag:$0x2], $0x1880, $0x38;
	[tilespmem:$0x1F080] =	vst v63  }
0x5d: {  	_ =	swait.ge [sflag:s10], $0x1880  }
0x5e: {  	[sflag:s10] =	ssyncset.done $0x0  }
0x5f: {  	[sflag:s10] =	ssyncadd.s32 $0xFFFFE780  }
0x60: {  	[spmem:s9] =	stream.linear.scatter [tilespmem:s6], [sflag:$0x2], $0x1880, $0x38;
	[tilespmem:$0x1F080] =	vst v63  }
0x61: {  	_ =	swait.ge [sflag:s10], $0x1880  }
0x62: {  	s7 =	sld [smem:$0x7F2]  }
0x63: {  	[sflag:s10] =	ssyncset.done $0x0  }
0x64: {  	[sflag:s10] =	ssyncadd.s32 $0xFFFFE780  }
0x65: {  	[spmem:s7] =	stream.linear.scatter [tilespmem:s6], [sflag:$0x2], $0x1880, $0x38;
	[tilespmem:$0x1F080] =	vst v63  }
0x66: {  	_ =	swait.ge [sflag:s10], $0x1880  }
0x67: {  	s9 =	sld [smem:$0x7F3]  }
0x68: {  	[sflag:s10] =	ssyncset.done $0x0  }
0x69: {  	[sflag:s10] =	ssyncadd.s32 $0xFFFFE780  }
0x6a: {  	[spmem:s9] =	stream.linear.scatter [tilespmem:s6], [sflag:$0x2], $0x1880, $0x38;
	[tilespmem:$0x1F080] =	vst v63  }
0x6b: {  	_ =	swait.ge [sflag:s10], $0x1880  }
0x6c: {  	s7 =	sld [smem:$0x7F4]  }
0x6d: {  	[sflag:s10] =	ssyncset.done $0x0  }
0x6e: {  	[sflag:s10] =	ssyncadd.s32 $0xFFFFE780  }
0x6f: {  	[spmem:s7] =	stream.linear.scatter [tilespmem:s6], [sflag:$0x2], $0x1880, $0x38;
	[tilespmem:$0x1F080] =	vst v63  }
0x70: {  	_ =	swait.ge [sflag:s10], $0x1880  }
0x71: {  	s9 =	sld [smem:$0x7F5]  }
0x72: {  	[sflag:s10] =	ssyncset.done $0x0  }
0x73: {  	[sflag:s10] =	ssyncadd.s32 $0xFFFFE780  }
0x74: {  	[spmem:s9] =	stream.linear.scatter [tilespmem:s6], [sflag:$0x2], $0x1880, $0x38;
	[tilespmem:$0x1F080] =	vst v63  }
0x75: {  	_ =	swait.ge [sflag:s10], $0x1880  }
0x76: {  	s7 =	sld [smem:$0x7F6]  }
0x77: {  	[sflag:s10] =	ssyncset.done $0x0  }
0x78: {  	[sflag:s10] =	ssyncadd.s32 $0xFFFFE780  }
0x79: {  	[spmem:s7] =	stream.linear.scatter [tilespmem:s6], [sflag:$0x2], $0x1880, $0x38;
	[tilespmem:$0x1F080] =	vst v63  }
0x7a: {  	_ =	swait.ge [sflag:s10], $0x1880  }
0x7b: {  	s9 =	sld [smem:$0x7F7]  }
0x7c: {  	[sflag:s10] =	ssyncset.done $0x0  }
0x7d: {  	[sflag:s10] =	ssyncadd.s32 $0xFFFFE780  }
0x7e: {  	[spmem:s9] =	stream.linear.scatter [tilespmem:s6], [sflag:$0x2], $0x1880, $0x38;
	[tilespmem:$0x1F080] =	vst v63  }
0x7f: {  	_ =	swait.ge [sflag:s10], $0x1880  }
0x80: {  	s7 =	sld [smem:$0x7F8]  }
0x81: {  	[sflag:s10] =	ssyncset.done $0x0  }
0x82: {  	[sflag:s10] =	ssyncadd.s32 $0xFFFFE780  }
0x83: {  	[spmem:s7] =	stream.linear.scatter [tilespmem:s6], [sflag:$0x2], $0x1880, $0x38;
	[tilespmem:$0x1F080] =	vst v63  }
0x84: {  	_ =	swait.ge [sflag:s10], $0x1880  }
0x85: {  	s9 =	sld [smem:$0x7F9]  }
0x86: {  	[sflag:s10] =	ssyncset.done $0x0  }
0x87: {  	[sflag:s10] =	ssyncadd.s32 $0xFFFFE780  }
0x88: {  	[spmem:s9] =	stream.linear.scatter [tilespmem:s6], [sflag:$0x2], $0x1880, $0x38;
	[tilespmem:$0x1F080] =	vst v63  }
0x89: {  	_ =	swait.ge [sflag:s10], $0x1880  }
0x8a: {  	s7 =	sld [smem:$0x7FA]  }
0x8b: {  	[sflag:s10] =	ssyncset.done $0x0  }
0x8c: {  	[sflag:s10] =	ssyncadd.s32 $0xFFFFE780  }
0x8d: {  	[spmem:s7] =	stream.linear.scatter [tilespmem:s6], [sflag:$0x2], $0x1880, $0x38;
	[tilespmem:$0x1F080] =	vst v63  }
0x8e: {  	_ =	swait.ge [sflag:s10], $0x1880  }
0x8f: {  	s9 =	sld [smem:$0x7FB]  }
0x90: {  	[sflag:s10] =	ssyncset.done $0x0  }
0x91: {  	[sflag:s10] =	ssyncadd.s32 $0xFFFFE780  }
0x92: {  	[spmem:s9] =	stream.linear.scatter [tilespmem:s6], [sflag:$0x2], $0x1880, $0x38;
	[tilespmem:$0x1F080] =	vst v63  }
0x93: {  	_ =	swait.ge [sflag:s10], $0x1880  }
0x94: {  	[sflag:s10] =	ssyncset.done $0x0  }
0x95: {  	[sflag:s10] =	ssyncadd.s32 $0xFFFFE780  }
0x96: {  	[bflag:$0x0] =	sbarrier.arrive $0xFFFF  }
0x97: {  	s6 =	rddreg [dreg:$0x3]  }
0x98: {  	s5 =	sadd.s32 $0x0, s6  }
0x99: {  	[tilespmem:s2], [sflag:$0x2] =	stream.linear.gather [hbm4b:s5+s2], $0x800, $0x38;
	[tilespmem:$0x1F080] =	vst v63  }
0x9a: {  	_ =	swait.ge [sflag:s10], $0x800  }
0x9b: {  	[sflag:s10] =	ssyncset.done $0x0  }
0x9c: {  	s5 =	sadd.s32 $0x32000, s5;
	[sflag:s10] =	ssyncadd.s32 $0xFFFFF800  }
0x9d: {  	[tilespmem:s11], [sflag:$0x2] =	stream.linear.gather [hbm4b:s5+s2], $0x800, $0x38;
	[tilespmem:$0x1F080] =	vst v63  }
0x9e: {  	_ =	swait.ge [sflag:s10], $0x800  }
0x9f: {  	[sflag:s10] =	ssyncset.done $0x0  }
0xa0: {  	[sflag:s10] =	ssyncadd.s32 $0xFFFFF800  }
0xa1: {  	[tilespmem:s13], [sflag:$0x1] =	stream.indirect.gather [hbm4b:s20+s12], $0x20, s2, s12, $0xb8;
	[tilespmem:$0x1F080] =	vst v63  }
0xa2: {  	_ = 	snop  }
0xa3: {  	[tilespmem:s14], [sflag:$0x1] =	stream.indirect.gather [hbm4b:s20+s12], $0x20, s12, s12, $0xb8;
	[tilespmem:$0x1F080] =	vst v63  }
0xa4: {  	s7 =	rddreg [dreg:$0x4]  }
0xa5: {  	[tilespmem:s15], [sflag:$0x1] =	stream.indirect.gather [hbm4b:s20+s12], $0x20, s7, s12, $0xb8;
	[tilespmem:$0x1F080] =	vst v63  }
0xa6: {  	s9 =	rddreg [dreg:$0x5]  }
0xa7: {  	[tilespmem:s16], [sflag:$0x1] =	stream.indirect.gather [hbm4b:s20+s12], $0x20, s9, s12, $0xb8;
	[tilespmem:$0x1F080] =	vst v63  }
0xa8: {  	_ =	swait.ge [sflag:s17], $0x1000  }
0xa9: {  	[sflag:s17] =	ssyncset.done $0x0  }
0xaa: {  	[sflag:s17] =	ssyncadd.s32 $0xFFFFF000  }
0xab: {  	[spmem:s1] =	stream.indirect.scatter.add.f32 [tilespmem:s13], [sflag:$0x2], $0x20, s11, s12, $0xb8;
	[tilespmem:$0x1F080] =	vst v63  }
0xac: {  	_ =	swait.ge [sflag:s10], $0x1000  }
0xad: {  	[sflag:s10] =	ssyncset.done $0x0  }
0xae: {  	s7 =	rddreg [dreg:$0x6];
	[sflag:s10] =	ssyncadd.s32 $0xFFFFF000  }
0xaf: {  	[tilespmem:s13], [sflag:$0x1] =	stream.indirect.gather [hbm4b:s20+s12], $0x20, s7, s12, $0xb8;
	[tilespmem:$0x1F080] =	vst v63  }
0xb0: {  	_ =	swait.ge [sflag:s17], $0x1000  }
0xb1: {  	[sflag:s17] =	ssyncset.done $0x0  }
0xb2: {  	s9 =	rddreg [dreg:$0x7];
	[sflag:s17] =	ssyncadd.s32 $0xFFFFF000  }
0xb3: {  	[spmem:s1] =	stream.indirect.scatter.add.f32 [tilespmem:s14], [sflag:$0x2], $0x20, s9, s12, $0xb8;
	[tilespmem:$0x1F080] =	vst v63  }
0xb4: {  	_ =	swait.ge [sflag:s10], $0x1000  }
0xb5: {  	[sflag:s10] =	ssyncset.done $0x0  }
0xb6: {  	s6 =	rddreg [dreg:$0x8];
	[sflag:s10] =	ssyncadd.s32 $0xFFFFF000  }
0xb7: {  	[tilespmem:s14], [sflag:$0x1] =	stream.indirect.gather [hbm4b:s20+s12], $0x20, s6, s12, $0xb8;
	[tilespmem:$0x1F080] =	vst v63  }
0xb8: {  	_ =	swait.ge [sflag:s17], $0x1000  }
0xb9: {  	[sflag:s17] =	ssyncset.done $0x0  }
0xba: {  	s7 =	rddreg [dreg:$0x9];
	[sflag:s17] =	ssyncadd.s32 $0xFFFFF000  }
0xbb: {  	[spmem:s1] =	stream.indirect.scatter.add.f32 [tilespmem:s15], [sflag:$0x2], $0x20, s7, s12, $0xb8;
	[tilespmem:$0x1F080] =	vst v63  }
0xbc: {  	_ =	swait.ge [sflag:s10], $0x1000  }
0xbd: {  	[sflag:s10] =	ssyncset.done $0x0  }
0xbe: {  	s9 =	rddreg [dreg:$0xa];
	[sflag:s10] =	ssyncadd.s32 $0xFFFFF000  }
0xbf: {  	[tilespmem:s15], [sflag:$0x1] =	stream.indirect.gather [hbm4b:s20+s12], $0x20, s9, s12, $0xb8;
	[tilespmem:$0x1F080] =	vst v63  }
0xc0: {  	_ =	swait.ge [sflag:s17], $0x1000  }
0xc1: {  	[sflag:s17] =	ssyncset.done $0x0  }
0xc2: {  	s6 =	rddreg [dreg:$0xb];
	[sflag:s17] =	ssyncadd.s32 $0xFFFFF000  }
0xc3: {  	[spmem:s1] =	stream.indirect.scatter.add.f32 [tilespmem:s16], [sflag:$0x2], $0x20, s6, s12, $0xb8;
	[tilespmem:$0x1F080] =	vst v63  }
0xc4: {  	_ =	swait.ge [sflag:s10], $0x1000  }
0xc5: {  	[sflag:s10] =	ssyncset.done $0x0  }
0xc6: {  	s7 =	rddreg [dreg:$0xc];
	[sflag:s10] =	ssyncadd.s32 $0xFFFFF000  }
0xc7: {  	[tilespmem:s16], [sflag:$0x1] =	stream.indirect.gather [hbm4b:s20+s12], $0x20, s7, s12, $0xb8;
	[tilespmem:$0x1F080] =	vst v63  }
0xc8: {  	_ =	swait.ge [sflag:s17], $0x1000  }
0xc9: {  	[sflag:s17] =	ssyncset.done $0x0  }
0xca: {  	s9 =	rddreg [dreg:$0xd];
	[sflag:s17] =	ssyncadd.s32 $0xFFFFF000  }
0xcb: {  	[spmem:s1] =	stream.indirect.scatter.add.f32 [tilespmem:s13], [sflag:$0x2], $0x20, s9, s12, $0xb8;
	[tilespmem:$0x1F080] =	vst v63  }
0xcc: {  	_ =	swait.ge [sflag:s10], $0x1000  }
0xcd: {  	[sflag:s10] =	ssyncset.done $0x0  }
0xce: {  	s6 =	rddreg [dreg:$0xe];
	[sflag:s10] =	ssyncadd.s32 $0xFFFFF000  }
0xcf: {  	[tilespmem:s13], [sflag:$0x1] =	stream.indirect.gather [hbm4b:s20+s12], $0x20, s6, s12, $0xb8;
	[tilespmem:$0x1F080] =	vst v63  }
0xd0: {  	_ =	swait.ge [sflag:s17], $0x1000  }
0xd1: {  	[sflag:s17] =	ssyncset.done $0x0  }
0xd2: {  	s7 =	rddreg [dreg:$0xf];
	[sflag:s17] =	ssyncadd.s32 $0xFFFFF000  }
0xd3: {  	[spmem:s1] =	stream.indirect.scatter.add.f32 [tilespmem:s14], [sflag:$0x2], $0x20, s7, s12, $0xb8;
	[tilespmem:$0x1F080] =	vst v63  }
0xd4: {  	_ =	swait.ge [sflag:s10], $0x1000  }
0xd5: {  	[sflag:s10] =	ssyncset.done $0x0  }
0xd6: {  	s9 =	rddreg [dreg:$0x10];
	[sflag:s10] =	ssyncadd.s32 $0xFFFFF000  }
0xd7: {  	[tilespmem:s14], [sflag:$0x1] =	stream.indirect.gather [hbm4b:s20+s12], $0x20, s9, s12, $0xb8;
	[tilespmem:$0x1F080] =	vst v63  }
0xd8: {  	_ =	swait.ge [sflag:s17], $0x1000  }
0xd9: {  	[sflag:s17] =	ssyncset.done $0x0  }
0xda: {  	[sflag:s17] =	ssyncadd.s32 $0xFFFFF000  }
0xdb: {  	[spmem:s1] =	stream.indirect.scatter.add.f32 [tilespmem:s15], [sflag:$0x2], $0x20, s18, s12, $0xb8;
	[tilespmem:$0x1F080] =	vst v63  }
0xdc: {  	_ =	swait.ge [sflag:s10], $0x1000  }
0xdd: {  	[sflag:s10] =	ssyncset.done $0x0  }
0xde: {  	[sflag:s10] =	ssyncadd.s32 $0xFFFFF000  }
0xdf: {  	[tilespmem:s15], [sflag:$0x1] =	stream.indirect.gather [hbm4b:s20+s12], $0x20, s19, s12, $0xb8;
	[tilespmem:$0x1F080] =	vst v63  }
0xe0: {  	_ =	swait.ge [sflag:s17], $0x1000  }
0xe1: {  	[sflag:s17] =	ssyncset.done $0x0  }
0xe2: {  	[sflag:s17] =	ssyncadd.s32 $0xFFFFF000  }
0xe3: {  	[spmem:s1] =	stream.indirect.scatter.add.f32 [tilespmem:s16], [sflag:$0x2], $0x20, s8, s12, $0xb8;
	[tilespmem:$0x1F080] =	vst v63  }
0xe4: {  	_ =	swait.ge [sflag:s10], $0x1000  }
0xe5: {  	[sflag:s10] =	ssyncset.done $0x0  }
0xe6: {  	[sflag:s10] =	ssyncadd.s32 $0xFFFFF000  }
0xe7: {  	[tilespmem:s16], [sflag:$0x1] =	stream.indirect.gather [hbm4b:s20+s12], $0x20, s21, s12, $0xb8;
	[tilespmem:$0x1F080] =	vst v63  }
0xe8: {  	_ =	swait.ge [sflag:s17], $0x1000  }
0xe9: {  	[sflag:s17] =	ssyncset.done $0x0  }
0xea: {  	[sflag:s17] =	ssyncadd.s32 $0xFFFFF000  }
0xeb: {  	[spmem:s1] =	stream.indirect.scatter.add.f32 [tilespmem:s13], [sflag:$0x2], $0x20, s22, s12, $0xb8;
	[tilespmem:$0x1F080] =	vst v63  }
0xec: {  	_ =	swait.ge [sflag:s10], $0x1000  }
0xed: {  	[sflag:s10] =	ssyncset.done $0x0  }
0xee: {  	[sflag:s10] =	ssyncadd.s32 $0xFFFFF000  }
0xef: {  	[tilespmem:s13], [sflag:$0x1] =	stream.indirect.gather [hbm4b:s20+s12], $0x20, s23, s12, $0xb8;
	[tilespmem:$0x1F080] =	vst v63  }
0xf0: {  	_ =	swait.ge [sflag:s17], $0x1000  }
0xf1: {  	[sflag:s17] =	ssyncset.done $0x0  }
0xf2: {  	[sflag:s17] =	ssyncadd.s32 $0xFFFFF000  }
0xf3: {  	[spmem:s1] =	stream.indirect.scatter.add.f32 [tilespmem:s14], [sflag:$0x2], $0x20, s24, s12, $0xb8;
	[tilespmem:$0x1F080] =	vst v63  }
0xf4: {  	_ =	swait.ge [sflag:s10], $0x1000  }
0xf5: {  	[sflag:s10] =	ssyncset.done $0x0  }
0xf6: {  	[sflag:s10] =	ssyncadd.s32 $0xFFFFF000  }
0xf7: {  	[tilespmem:s14], [sflag:$0x1] =	stream.indirect.gather [hbm4b:s20+s12], $0x20, s25, s12, $0xb8;
	[tilespmem:$0x1F080] =	vst v63  }
0xf8: {  	_ =	swait.ge [sflag:s17], $0x1000  }
0xf9: {  	[sflag:s17] =	ssyncset.done $0x0  }
0xfa: {  	[sflag:s17] =	ssyncadd.s32 $0xFFFFF000  }
0xfb: {  	[spmem:s1] =	stream.indirect.scatter.add.f32 [tilespmem:s15], [sflag:$0x2], $0x20, s26, s12, $0xb8;
	[tilespmem:$0x1F080] =	vst v63  }
0xfc: {  	_ =	swait.ge [sflag:s10], $0x1000  }
0xfd: {  	[sflag:s10] =	ssyncset.done $0x0  }
0xfe: {  	[sflag:s10] =	ssyncadd.s32 $0xFFFFF000  }
0xff: {  	[tilespmem:s15], [sflag:$0x1] =	stream.indirect.gather [hbm4b:s20+s12], $0x20, s28, s12, $0xb8;
	[tilespmem:$0x1F080] =	vst v63  }
0x100: {  	_ =	swait.ge [sflag:s17], $0x1000  }
0x101: {  	[sflag:s17] =	ssyncset.done $0x0  }
0x102: {  	[sflag:s17] =	ssyncadd.s32 $0xFFFFF000  }
0x103: {  	[spmem:s1] =	stream.indirect.scatter.add.f32 [tilespmem:s16], [sflag:$0x2], $0x20, s29, s12, $0xb8;
	[tilespmem:$0x1F080] =	vst v63  }
0x104: {  	_ =	swait.ge [sflag:s10], $0x1000  }
0x105: {  	[sflag:s10] =	ssyncset.done $0x0  }
0x106: {  	[sflag:s10] =	ssyncadd.s32 $0xFFFFF000  }
0x107: {  	[tilespmem:s16], [sflag:$0x1] =	stream.indirect.gather [hbm4b:s20+s12], $0x20, s30, s12, $0xb8;
	[tilespmem:$0x1F080] =	vst v63  }
0x108: {  	_ =	swait.ge [sflag:s17], $0x1000  }
0x109: {  	[sflag:s17] =	ssyncset.done $0x0  }
0x10a: {  	[sflag:s17] =	ssyncadd.s32 $0xFFFFF000  }
0x10b: {  	[spmem:s1] =	stream.indirect.scatter.add.f32 [tilespmem:s13], [sflag:$0x2], $0x20, s31, s12, $0xb8;
	[tilespmem:$0x1F080] =	vst v63  }
0x10c: {  	_ =	swait.ge [sflag:s10], $0x1000  }
0x10d: {  	[sflag:s10] =	ssyncset.done $0x0  }
0x10e: {  	[sflag:s10] =	ssyncadd.s32 $0xFFFFF000  }
0x10f: {  	_ =	swait.ge [sflag:s17], $0x1000  }
0x110: {  	[sflag:s17] =	ssyncset.done $0x0  }
0x111: {  	[sflag:s17] =	ssyncadd.s32 $0xFFFFF000  }
0x112: {  	[spmem:s1] =	stream.indirect.scatter.add.f32 [tilespmem:s14], [sflag:$0x2], $0x20, s0, s12, $0xb8;
	[tilespmem:$0x1F080] =	vst v63  }
0x113: {  	_ =	swait.ge [sflag:s10], $0x1000  }
0x114: {  	[sflag:s10] =	ssyncset.done $0x0  }
0x115: {  	[sflag:s10] =	ssyncadd.s32 $0xFFFFF000  }
0x116: {  	_ =	swait.ge [sflag:s17], $0x1000  }
0x117: {  	[sflag:s17] =	ssyncset.done $0x0  }
0x118: {  	[sflag:s17] =	ssyncadd.s32 $0xFFFFF000  }
0x119: {  	[spmem:s1] =	stream.indirect.scatter.add.f32 [tilespmem:s15], [sflag:$0x2], $0x20, s3, s12, $0xb8;
	[tilespmem:$0x1F080] =	vst v63  }
0x11a: {  	_ =	swait.ge [sflag:s10], $0x1000  }
0x11b: {  	[sflag:s10] =	ssyncset.done $0x0  }
0x11c: {  	[sflag:s10] =	ssyncadd.s32 $0xFFFFF000  }
0x11d: {  	_ =	swait.ge [sflag:s17], $0x1000  }
0x11e: {  	[sflag:s17] =	ssyncset.done $0x0  }
0x11f: {  	[sflag:s17] =	ssyncadd.s32 $0xFFFFF000  }
0x120: {  	[spmem:s1] =	stream.indirect.scatter.add.f32 [tilespmem:s16], [sflag:$0x2], $0x20, s4, s12, $0xb8;
	[tilespmem:$0x1F080] =	vst v63  }
0x121: {  	s6 =	simm.s32 $0x100;
	_ =	swait.ge [sflag:s10], $0x1000  }
0x122: {  	s7 =	simm.s32 $0x200;
	s5 =	rddreg [dreg:$0x3];
	[sflag:s10] =	ssyncset.done $0x0  }
.LBB2_4:
0x123: {  	[sflag:s10] =	ssyncadd.s32 $0xFFFFF000;
	s5 =	sadd.s32 s6, s5  }
0x124: {  	[tilespmem:s2], [sflag:$0x2] =	stream.linear.gather [hbm4b:s5+s2], $0x800, $0x38;
	[tilespmem:$0x1F080] =	vst v63  }
0x125: {  	_ =	swait.ge [sflag:s10], $0x800  }
0x126: {  	[sflag:s10] =	ssyncset.done $0x0  }
0x127: {  	s5 =	sadd.s32 $0x32000, s5;
	[sflag:s10] =	ssyncadd.s32 $0xFFFFF800  }
0x128: {  	[tilespmem:s11], [sflag:$0x2] =	stream.linear.gather [hbm4b:s5+s2], $0x800, $0x38;
	[tilespmem:$0x1F080] =	vst v63  }
0x129: {  	_ =	swait.ge [sflag:s10], $0x800  }
0x12a: {  	[sflag:s10] =	ssyncset.done $0x0  }
0x12b: {  	[sflag:s10] =	ssyncadd.s32 $0xFFFFF800  }
0x12c: {  	[tilespmem:s13], [sflag:$0x1] =	stream.indirect.gather [hbm4b:s20+s12], $0x20, s2, s12, $0xb8;
	[tilespmem:$0x1F080] =	vst v63  }
0x12d: {  	_ = 	snop  }
0x12e: {  	[tilespmem:s14], [sflag:$0x1] =	stream.indirect.gather [hbm4b:s20+s12], $0x20, s12, s12, $0xb8;
	[tilespmem:$0x1F080] =	vst v63  }
0x12f: {  	s9 =	smov.u32 s7;
	s5 =	rddreg [dreg:$0x4]  }
0x130: {  	[tilespmem:s15], [sflag:$0x1] =	stream.indirect.gather [hbm4b:s20+s12], $0x20, s5, s12, $0xb8;
	[tilespmem:$0x1F080] =	vst v63  }
0x131: {  	s6 =	smov.u32 s9;
	s9 =	rddreg [dreg:$0x5]  }
0x132: {  	[tilespmem:s16], [sflag:$0x1] =	stream.indirect.gather [hbm4b:s20+s12], $0x20, s9, s12, $0xb8;
	[tilespmem:$0x1F080] =	vst v63  }
0x133: {  	_ =	swait.ge [sflag:s17], $0x1000  }
0x134: {  	[sflag:s17] =	ssyncset.done $0x0  }
0x135: {  	[sflag:s17] =	ssyncadd.s32 $0xFFFFF000  }
0x136: {  	[spmem:s1] =	stream.indirect.scatter.add.f32 [tilespmem:s13], [sflag:$0x2], $0x20, s11, s12, $0xb8;
	[tilespmem:$0x1F080] =	vst v63  }
0x137: {  	_ =	swait.ge [sflag:s10], $0x1000  }
0x138: {  	[sflag:s10] =	ssyncset.done $0x0  }
0x139: {  	s9 =	rddreg [dreg:$0x6];
	[sflag:s10] =	ssyncadd.s32 $0xFFFFF000  }
0x13a: {  	[tilespmem:s13], [sflag:$0x1] =	stream.indirect.gather [hbm4b:s20+s12], $0x20, s9, s12, $0xb8;
	[tilespmem:$0x1F080] =	vst v63  }
0x13b: {  	_ =	swait.ge [sflag:s17], $0x1000  }
0x13c: {  	[sflag:s17] =	ssyncset.done $0x0  }
0x13d: {  	s9 =	rddreg [dreg:$0x7];
	[sflag:s17] =	ssyncadd.s32 $0xFFFFF000  }
0x13e: {  	[spmem:s1] =	stream.indirect.scatter.add.f32 [tilespmem:s14], [sflag:$0x2], $0x20, s9, s12, $0xb8;
	[tilespmem:$0x1F080] =	vst v63  }
0x13f: {  	_ =	swait.ge [sflag:s10], $0x1000  }
0x140: {  	[sflag:s10] =	ssyncset.done $0x0  }
0x141: {  	s9 =	rddreg [dreg:$0x8];
	[sflag:s10] =	ssyncadd.s32 $0xFFFFF000  }
0x142: {  	[tilespmem:s14], [sflag:$0x1] =	stream.indirect.gather [hbm4b:s20+s12], $0x20, s9, s12, $0xb8;
	[tilespmem:$0x1F080] =	vst v63  }
0x143: {  	_ =	swait.ge [sflag:s17], $0x1000  }
0x144: {  	[sflag:s17] =	ssyncset.done $0x0  }
0x145: {  	s9 =	rddreg [dreg:$0x9];
	[sflag:s17] =	ssyncadd.s32 $0xFFFFF000  }
0x146: {  	[spmem:s1] =	stream.indirect.scatter.add.f32 [tilespmem:s15], [sflag:$0x2], $0x20, s9, s12, $0xb8;
	[tilespmem:$0x1F080] =	vst v63  }
0x147: {  	_ =	swait.ge [sflag:s10], $0x1000  }
0x148: {  	[sflag:s10] =	ssyncset.done $0x0  }
0x149: {  	s9 =	rddreg [dreg:$0xa];
	[sflag:s10] =	ssyncadd.s32 $0xFFFFF000  }
0x14a: {  	[tilespmem:s15], [sflag:$0x1] =	stream.indirect.gather [hbm4b:s20+s12], $0x20, s9, s12, $0xb8;
	[tilespmem:$0x1F080] =	vst v63  }
0x14b: {  	_ =	swait.ge [sflag:s17], $0x1000  }
0x14c: {  	[sflag:s17] =	ssyncset.done $0x0  }
0x14d: {  	s9 =	rddreg [dreg:$0xb];
	[sflag:s17] =	ssyncadd.s32 $0xFFFFF000  }
0x14e: {  	[spmem:s1] =	stream.indirect.scatter.add.f32 [tilespmem:s16], [sflag:$0x2], $0x20, s9, s12, $0xb8;
	[tilespmem:$0x1F080] =	vst v63  }
0x14f: {  	_ =	swait.ge [sflag:s10], $0x1000  }
0x150: {  	[sflag:s10] =	ssyncset.done $0x0  }
0x151: {  	s9 =	rddreg [dreg:$0xc];
	[sflag:s10] =	ssyncadd.s32 $0xFFFFF000  }
0x152: {  	[tilespmem:s16], [sflag:$0x1] =	stream.indirect.gather [hbm4b:s20+s12], $0x20, s9, s12, $0xb8;
	[tilespmem:$0x1F080] =	vst v63  }
0x153: {  	_ =	swait.ge [sflag:s17], $0x1000  }
0x154: {  	[sflag:s17] =	ssyncset.done $0x0  }
0x155: {  	s9 =	rddreg [dreg:$0xd];
	[sflag:s17] =	ssyncadd.s32 $0xFFFFF000  }
0x156: {  	[spmem:s1] =	stream.indirect.scatter.add.f32 [tilespmem:s13], [sflag:$0x2], $0x20, s9, s12, $0xb8;
	[tilespmem:$0x1F080] =	vst v63  }
0x157: {  	_ =	swait.ge [sflag:s10], $0x1000  }
0x158: {  	[sflag:s10] =	ssyncset.done $0x0  }
0x159: {  	s9 =	rddreg [dreg:$0xe];
	[sflag:s10] =	ssyncadd.s32 $0xFFFFF000  }
0x15a: {  	[tilespmem:s13], [sflag:$0x1] =	stream.indirect.gather [hbm4b:s20+s12], $0x20, s9, s12, $0xb8;
	[tilespmem:$0x1F080] =	vst v63  }
0x15b: {  	_ =	swait.ge [sflag:s17], $0x1000  }
0x15c: {  	[sflag:s17] =	ssyncset.done $0x0  }
0x15d: {  	s9 =	rddreg [dreg:$0xf];
	[sflag:s17] =	ssyncadd.s32 $0xFFFFF000  }
0x15e: {  	[spmem:s1] =	stream.indirect.scatter.add.f32 [tilespmem:s14], [sflag:$0x2], $0x20, s9, s12, $0xb8;
	[tilespmem:$0x1F080] =	vst v63  }
0x15f: {  	_ =	swait.ge [sflag:s10], $0x1000  }
0x160: {  	[sflag:s10] =	ssyncset.done $0x0  }
0x161: {  	s9 =	rddreg [dreg:$0x10];
	[sflag:s10] =	ssyncadd.s32 $0xFFFFF000  }
0x162: {  	[tilespmem:s14], [sflag:$0x1] =	stream.indirect.gather [hbm4b:s20+s12], $0x20, s9, s12, $0xb8;
	[tilespmem:$0x1F080] =	vst v63  }
0x163: {  	_ =	swait.ge [sflag:s17], $0x1000  }
0x164: {  	[sflag:s17] =	ssyncset.done $0x0  }
0x165: {  	[sflag:s17] =	ssyncadd.s32 $0xFFFFF000  }
0x166: {  	[spmem:s1] =	stream.indirect.scatter.add.f32 [tilespmem:s15], [sflag:$0x2], $0x20, s18, s12, $0xb8;
	[tilespmem:$0x1F080] =	vst v63  }
0x167: {  	_ =	swait.ge [sflag:s10], $0x1000  }
0x168: {  	[sflag:s10] =	ssyncset.done $0x0  }
0x169: {  	[sflag:s10] =	ssyncadd.s32 $0xFFFFF000  }
0x16a: {  	[tilespmem:s15], [sflag:$0x1] =	stream.indirect.gather [hbm4b:s20+s12], $0x20, s19, s12, $0xb8;
	[tilespmem:$0x1F080] =	vst v63  }
0x16b: {  	_ =	swait.ge [sflag:s17], $0x1000  }
0x16c: {  	[sflag:s17] =	ssyncset.done $0x0  }
0x16d: {  	[sflag:s17] =	ssyncadd.s32 $0xFFFFF000  }
0x16e: {  	[spmem:s1] =	stream.indirect.scatter.add.f32 [tilespmem:s16], [sflag:$0x2], $0x20, s8, s12, $0xb8;
	[tilespmem:$0x1F080] =	vst v63  }
0x16f: {  	_ =	swait.ge [sflag:s10], $0x1000  }
0x170: {  	[sflag:s10] =	ssyncset.done $0x0  }
0x171: {  	[sflag:s10] =	ssyncadd.s32 $0xFFFFF000  }
0x172: {  	[tilespmem:s16], [sflag:$0x1] =	stream.indirect.gather [hbm4b:s20+s12], $0x20, s21, s12, $0xb8;
	[tilespmem:$0x1F080] =	vst v63  }
0x173: {  	_ =	swait.ge [sflag:s17], $0x1000  }
0x174: {  	[sflag:s17] =	ssyncset.done $0x0  }
0x175: {  	[sflag:s17] =	ssyncadd.s32 $0xFFFFF000  }
0x176: {  	[spmem:s1] =	stream.indirect.scatter.add.f32 [tilespmem:s13], [sflag:$0x2], $0x20, s22, s12, $0xb8;
	[tilespmem:$0x1F080] =	vst v63  }
0x177: {  	_ =	swait.ge [sflag:s10], $0x1000  }
0x178: {  	[sflag:s10] =	ssyncset.done $0x0  }
0x179: {  	[sflag:s10] =	ssyncadd.s32 $0xFFFFF000  }
0x17a: {  	[tilespmem:s13], [sflag:$0x1] =	stream.indirect.gather [hbm4b:s20+s12], $0x20, s23, s12, $0xb8;
	[tilespmem:$0x1F080] =	vst v63  }
0x17b: {  	_ =	swait.ge [sflag:s17], $0x1000  }
0x17c: {  	[sflag:s17] =	ssyncset.done $0x0  }
0x17d: {  	[sflag:s17] =	ssyncadd.s32 $0xFFFFF000  }
0x17e: {  	[spmem:s1] =	stream.indirect.scatter.add.f32 [tilespmem:s14], [sflag:$0x2], $0x20, s24, s12, $0xb8;
	[tilespmem:$0x1F080] =	vst v63  }
0x17f: {  	_ =	swait.ge [sflag:s10], $0x1000  }
0x180: {  	[sflag:s10] =	ssyncset.done $0x0  }
0x181: {  	[sflag:s10] =	ssyncadd.s32 $0xFFFFF000  }
0x182: {  	[tilespmem:s14], [sflag:$0x1] =	stream.indirect.gather [hbm4b:s20+s12], $0x20, s25, s12, $0xb8;
	[tilespmem:$0x1F080] =	vst v63  }
0x183: {  	_ =	swait.ge [sflag:s17], $0x1000  }
0x184: {  	[sflag:s17] =	ssyncset.done $0x0  }
0x185: {  	[sflag:s17] =	ssyncadd.s32 $0xFFFFF000  }
0x186: {  	[spmem:s1] =	stream.indirect.scatter.add.f32 [tilespmem:s15], [sflag:$0x2], $0x20, s26, s12, $0xb8;
	[tilespmem:$0x1F080] =	vst v63  }
0x187: {  	_ =	swait.ge [sflag:s10], $0x1000  }
0x188: {  	[sflag:s10] =	ssyncset.done $0x0  }
0x189: {  	[sflag:s10] =	ssyncadd.s32 $0xFFFFF000  }
0x18a: {  	[tilespmem:s15], [sflag:$0x1] =	stream.indirect.gather [hbm4b:s20+s12], $0x20, s28, s12, $0xb8;
	[tilespmem:$0x1F080] =	vst v63  }
0x18b: {  	_ =	swait.ge [sflag:s17], $0x1000  }
0x18c: {  	[sflag:s17] =	ssyncset.done $0x0  }
0x18d: {  	[sflag:s17] =	ssyncadd.s32 $0xFFFFF000  }
0x18e: {  	[spmem:s1] =	stream.indirect.scatter.add.f32 [tilespmem:s16], [sflag:$0x2], $0x20, s29, s12, $0xb8;
	[tilespmem:$0x1F080] =	vst v63  }
0x18f: {  	_ =	swait.ge [sflag:s10], $0x1000  }
0x190: {  	[sflag:s10] =	ssyncset.done $0x0  }
0x191: {  	[sflag:s10] =	ssyncadd.s32 $0xFFFFF000  }
0x192: {  	[tilespmem:s16], [sflag:$0x1] =	stream.indirect.gather [hbm4b:s20+s12], $0x20, s30, s12, $0xb8;
	[tilespmem:$0x1F080] =	vst v63  }
0x193: {  	_ =	swait.ge [sflag:s17], $0x1000  }
0x194: {  	[sflag:s17] =	ssyncset.done $0x0  }
0x195: {  	[sflag:s17] =	ssyncadd.s32 $0xFFFFF000  }
0x196: {  	[spmem:s1] =	stream.indirect.scatter.add.f32 [tilespmem:s13], [sflag:$0x2], $0x20, s31, s12, $0xb8;
	[tilespmem:$0x1F080] =	vst v63  }
0x197: {  	_ =	swait.ge [sflag:s10], $0x1000  }
0x198: {  	[sflag:s10] =	ssyncset.done $0x0  }
0x199: {  	[sflag:s10] =	ssyncadd.s32 $0xFFFFF000  }
0x19a: {  	_ =	swait.ge [sflag:s17], $0x1000  }
0x19b: {  	[sflag:s17] =	ssyncset.done $0x0  }
0x19c: {  	[sflag:s17] =	ssyncadd.s32 $0xFFFFF000  }
0x19d: {  	[spmem:s1] =	stream.indirect.scatter.add.f32 [tilespmem:s14], [sflag:$0x2], $0x20, s0, s12, $0xb8;
	[tilespmem:$0x1F080] =	vst v63  }
0x19e: {  	_ =	swait.ge [sflag:s10], $0x1000  }
0x19f: {  	[sflag:s10] =	ssyncset.done $0x0  }
0x1a0: {  	[sflag:s10] =	ssyncadd.s32 $0xFFFFF000  }
0x1a1: {  	_ =	swait.ge [sflag:s17], $0x1000  }
0x1a2: {  	[sflag:s17] =	ssyncset.done $0x0  }
0x1a3: {  	[sflag:s17] =	ssyncadd.s32 $0xFFFFF000  }
0x1a4: {  	[spmem:s1] =	stream.indirect.scatter.add.f32 [tilespmem:s15], [sflag:$0x2], $0x20, s3, s12, $0xb8;
	[tilespmem:$0x1F080] =	vst v63  }
0x1a5: {  	_ =	swait.ge [sflag:s10], $0x1000  }
0x1a6: {  	[sflag:s10] =	ssyncset.done $0x0  }
0x1a7: {  	[sflag:s10] =	ssyncadd.s32 $0xFFFFF000  }
0x1a8: {  	p0 =	sne.s32 s7, $0x1800;
	_ =	swait.ge [sflag:s17], $0x1000  }
.Ltmp1:
0x1a9: {  	[sflag:s17] =	ssyncset.done $0x0;
	(pc) =	sbr.rel @p0 .LBB2_4-.Ltmp1, $4  }
0x1aa: {  	[sflag:s17] =	ssyncadd.s32 $0xFFFFF000  }
0x1ab: {  	[spmem:s1] =	stream.indirect.scatter.add.f32 [tilespmem:s16], [sflag:$0x2], $0x20, s4, s12, $0xb8;
	[tilespmem:$0x1F080] =	vst v63  }
0x1ac: {  	_ =	swait.ge [sflag:s10], $0x1000  }
0x1ad: {  	s7 =	sadd.s32 $0x100, s7;
	s5 =	rddreg [dreg:$0x3];
	[sflag:s10] =	ssyncset.done $0x0  }
0x1ae: {  	[sflag:s10] =	ssyncadd.s32 $0xFFFFF000;
	s5 =	sadd.s32 s6, s5  }
0x1af: {  	[tilespmem:s2], [sflag:$0x2] =	stream.linear.gather [hbm4b:s5+s2], $0x800, $0x38;
	[tilespmem:$0x1F080] =	vst v63  }
0x1b0: {  	_ =	swait.ge [sflag:s10], $0x800  }
0x1b1: {  	[sflag:s10] =	ssyncset.done $0x0  }
0x1b2: {  	s5 =	sadd.s32 $0x32000, s5;
	[sflag:s10] =	ssyncadd.s32 $0xFFFFF800  }
0x1b3: {  	[tilespmem:s11], [sflag:$0x2] =	stream.linear.gather [hbm4b:s5+s2], $0x800, $0x38;
	[tilespmem:$0x1F080] =	vst v63  }
0x1b4: {  	_ =	swait.ge [sflag:s10], $0x800  }
0x1b5: {  	[sflag:s10] =	ssyncset.done $0x0  }
0x1b6: {  	[sflag:s10] =	ssyncadd.s32 $0xFFFFF800  }
0x1b7: {  	[tilespmem:s13], [sflag:$0x1] =	stream.indirect.gather [hbm4b:s20+s12], $0x20, s2, s12, $0xb8;
	[tilespmem:$0x1F080] =	vst v63  }
0x1b8: {  	_ = 	snop  }
0x1b9: {  	[tilespmem:s14], [sflag:$0x1] =	stream.indirect.gather [hbm4b:s20+s12], $0x20, s12, s12, $0xb8;
	[tilespmem:$0x1F080] =	vst v63  }
0x1ba: {  	s6 =	rddreg [dreg:$0x4]  }
0x1bb: {  	[tilespmem:s15], [sflag:$0x1] =	stream.indirect.gather [hbm4b:s20+s12], $0x20, s6, s12, $0xb8;
	[tilespmem:$0x1F080] =	vst v63  }
0x1bc: {  	s7 =	rddreg [dreg:$0x5]  }
0x1bd: {  	[tilespmem:s16], [sflag:$0x1] =	stream.indirect.gather [hbm4b:s20+s12], $0x20, s7, s12, $0xb8;
	[tilespmem:$0x1F080] =	vst v63  }
0x1be: {  	_ =	swait.ge [sflag:s17], $0x1000  }
0x1bf: {  	[sflag:s17] =	ssyncset.done $0x0  }
0x1c0: {  	[sflag:s17] =	ssyncadd.s32 $0xFFFFF000  }
0x1c1: {  	[spmem:s1] =	stream.indirect.scatter.add.f32 [tilespmem:s13], [sflag:$0x2], $0x20, s11, s12, $0xb8;
	[tilespmem:$0x1F080] =	vst v63  }
0x1c2: {  	_ =	swait.ge [sflag:s10], $0x1000  }
0x1c3: {  	[sflag:s10] =	ssyncset.done $0x0  }
0x1c4: {  	s9 =	rddreg [dreg:$0x6];
	[sflag:s10] =	ssyncadd.s32 $0xFFFFF000  }
0x1c5: {  	[tilespmem:s13], [sflag:$0x1] =	stream.indirect.gather [hbm4b:s20+s12], $0x20, s9, s12, $0xb8;
	[tilespmem:$0x1F080] =	vst v63  }
0x1c6: {  	_ =	swait.ge [sflag:s17], $0x1000  }
0x1c7: {  	[sflag:s17] =	ssyncset.done $0x0  }
0x1c8: {  	s6 =	rddreg [dreg:$0x7];
	[sflag:s17] =	ssyncadd.s32 $0xFFFFF000  }
0x1c9: {  	[spmem:s1] =	stream.indirect.scatter.add.f32 [tilespmem:s14], [sflag:$0x2], $0x20, s6, s12, $0xb8;
	[tilespmem:$0x1F080] =	vst v63  }
0x1ca: {  	_ =	swait.ge [sflag:s10], $0x1000  }
0x1cb: {  	[sflag:s10] =	ssyncset.done $0x0  }
0x1cc: {  	s7 =	rddreg [dreg:$0x8];
	[sflag:s10] =	ssyncadd.s32 $0xFFFFF000  }
0x1cd: {  	[tilespmem:s14], [sflag:$0x1] =	stream.indirect.gather [hbm4b:s20+s12], $0x20, s7, s12, $0xb8;
	[tilespmem:$0x1F080] =	vst v63  }
0x1ce: {  	_ =	swait.ge [sflag:s17], $0x1000  }
0x1cf: {  	[sflag:s17] =	ssyncset.done $0x0  }
0x1d0: {  	s9 =	rddreg [dreg:$0x9];
	[sflag:s17] =	ssyncadd.s32 $0xFFFFF000  }
0x1d1: {  	[spmem:s1] =	stream.indirect.scatter.add.f32 [tilespmem:s15], [sflag:$0x2], $0x20, s9, s12, $0xb8;
	[tilespmem:$0x1F080] =	vst v63  }
0x1d2: {  	_ =	swait.ge [sflag:s10], $0x1000  }
0x1d3: {  	[sflag:s10] =	ssyncset.done $0x0  }
0x1d4: {  	s6 =	rddreg [dreg:$0xa];
	[sflag:s10] =	ssyncadd.s32 $0xFFFFF000  }
0x1d5: {  	[tilespmem:s15], [sflag:$0x1] =	stream.indirect.gather [hbm4b:s20+s12], $0x20, s6, s12, $0xb8;
	[tilespmem:$0x1F080] =	vst v63  }
0x1d6: {  	_ =	swait.ge [sflag:s17], $0x1000  }
0x1d7: {  	[sflag:s17] =	ssyncset.done $0x0  }
0x1d8: {  	s7 =	rddreg [dreg:$0xb];
	[sflag:s17] =	ssyncadd.s32 $0xFFFFF000  }
0x1d9: {  	[spmem:s1] =	stream.indirect.scatter.add.f32 [tilespmem:s16], [sflag:$0x2], $0x20, s7, s12, $0xb8;
	[tilespmem:$0x1F080] =	vst v63  }
0x1da: {  	_ =	swait.ge [sflag:s10], $0x1000  }
0x1db: {  	[sflag:s10] =	ssyncset.done $0x0  }
0x1dc: {  	s9 =	rddreg [dreg:$0xc];
	[sflag:s10] =	ssyncadd.s32 $0xFFFFF000  }
0x1dd: {  	[tilespmem:s16], [sflag:$0x1] =	stream.indirect.gather [hbm4b:s20+s12], $0x20, s9, s12, $0xb8;
	[tilespmem:$0x1F080] =	vst v63  }
0x1de: {  	_ =	swait.ge [sflag:s17], $0x1000  }
0x1df: {  	[sflag:s17] =	ssyncset.done $0x0  }
0x1e0: {  	s6 =	rddreg [dreg:$0xd];
	[sflag:s17] =	ssyncadd.s32 $0xFFFFF000  }
0x1e1: {  	[spmem:s1] =	stream.indirect.scatter.add.f32 [tilespmem:s13], [sflag:$0x2], $0x20, s6, s12, $0xb8;
	[tilespmem:$0x1F080] =	vst v63  }
0x1e2: {  	_ =	swait.ge [sflag:s10], $0x1000  }
0x1e3: {  	[sflag:s10] =	ssyncset.done $0x0  }
0x1e4: {  	s7 =	rddreg [dreg:$0xe];
	[sflag:s10] =	ssyncadd.s32 $0xFFFFF000  }
0x1e5: {  	[tilespmem:s13], [sflag:$0x1] =	stream.indirect.gather [hbm4b:s20+s12], $0x20, s7, s12, $0xb8;
	[tilespmem:$0x1F080] =	vst v63  }
0x1e6: {  	_ =	swait.ge [sflag:s17], $0x1000  }
0x1e7: {  	[sflag:s17] =	ssyncset.done $0x0  }
0x1e8: {  	s9 =	rddreg [dreg:$0xf];
	[sflag:s17] =	ssyncadd.s32 $0xFFFFF000  }
0x1e9: {  	[spmem:s1] =	stream.indirect.scatter.add.f32 [tilespmem:s14], [sflag:$0x2], $0x20, s9, s12, $0xb8;
	[tilespmem:$0x1F080] =	vst v63  }
0x1ea: {  	_ =	swait.ge [sflag:s10], $0x1000  }
0x1eb: {  	[sflag:s10] =	ssyncset.done $0x0  }
0x1ec: {  	s6 =	rddreg [dreg:$0x10];
	[sflag:s10] =	ssyncadd.s32 $0xFFFFF000  }
0x1ed: {  	[tilespmem:s14], [sflag:$0x1] =	stream.indirect.gather [hbm4b:s20+s12], $0x20, s6, s12, $0xb8;
	[tilespmem:$0x1F080] =	vst v63  }
0x1ee: {  	_ =	swait.ge [sflag:s17], $0x1000  }
0x1ef: {  	[sflag:s17] =	ssyncset.done $0x0  }
0x1f0: {  	[sflag:s17] =	ssyncadd.s32 $0xFFFFF000  }
0x1f1: {  	[spmem:s1] =	stream.indirect.scatter.add.f32 [tilespmem:s15], [sflag:$0x2], $0x20, s18, s12, $0xb8;
	[tilespmem:$0x1F080] =	vst v63  }
0x1f2: {  	_ =	swait.ge [sflag:s10], $0x1000  }
0x1f3: {  	[sflag:s10] =	ssyncset.done $0x0  }
0x1f4: {  	[sflag:s10] =	ssyncadd.s32 $0xFFFFF000  }
0x1f5: {  	[tilespmem:s15], [sflag:$0x1] =	stream.indirect.gather [hbm4b:s20+s12], $0x20, s19, s12, $0xb8;
	[tilespmem:$0x1F080] =	vst v63  }
0x1f6: {  	_ =	swait.ge [sflag:s17], $0x1000  }
0x1f7: {  	[sflag:s17] =	ssyncset.done $0x0  }
0x1f8: {  	[sflag:s17] =	ssyncadd.s32 $0xFFFFF000  }
0x1f9: {  	[spmem:s1] =	stream.indirect.scatter.add.f32 [tilespmem:s16], [sflag:$0x2], $0x20, s8, s12, $0xb8;
	[tilespmem:$0x1F080] =	vst v63  }
0x1fa: {  	_ =	swait.ge [sflag:s10], $0x1000  }
0x1fb: {  	[sflag:s10] =	ssyncset.done $0x0  }
0x1fc: {  	[sflag:s10] =	ssyncadd.s32 $0xFFFFF000  }
0x1fd: {  	[tilespmem:s16], [sflag:$0x1] =	stream.indirect.gather [hbm4b:s20+s12], $0x20, s21, s12, $0xb8;
	[tilespmem:$0x1F080] =	vst v63  }
0x1fe: {  	_ =	swait.ge [sflag:s17], $0x1000  }
0x1ff: {  	[sflag:s17] =	ssyncset.done $0x0  }
0x200: {  	[sflag:s17] =	ssyncadd.s32 $0xFFFFF000  }
0x201: {  	[spmem:s1] =	stream.indirect.scatter.add.f32 [tilespmem:s13], [sflag:$0x2], $0x20, s22, s12, $0xb8;
	[tilespmem:$0x1F080] =	vst v63  }
0x202: {  	_ =	swait.ge [sflag:s10], $0x1000  }
0x203: {  	[sflag:s10] =	ssyncset.done $0x0  }
0x204: {  	[sflag:s10] =	ssyncadd.s32 $0xFFFFF000  }
0x205: {  	[tilespmem:s13], [sflag:$0x1] =	stream.indirect.gather [hbm4b:s20+s12], $0x20, s23, s12, $0xb8;
	[tilespmem:$0x1F080] =	vst v63  }
0x206: {  	_ =	swait.ge [sflag:s17], $0x1000  }
0x207: {  	[sflag:s17] =	ssyncset.done $0x0  }
0x208: {  	[sflag:s17] =	ssyncadd.s32 $0xFFFFF000  }
0x209: {  	[spmem:s1] =	stream.indirect.scatter.add.f32 [tilespmem:s14], [sflag:$0x2], $0x20, s24, s12, $0xb8;
	[tilespmem:$0x1F080] =	vst v63  }
0x20a: {  	_ =	swait.ge [sflag:s10], $0x1000  }
0x20b: {  	[sflag:s10] =	ssyncset.done $0x0  }
0x20c: {  	[sflag:s10] =	ssyncadd.s32 $0xFFFFF000  }
0x20d: {  	[tilespmem:s14], [sflag:$0x1] =	stream.indirect.gather [hbm4b:s20+s12], $0x20, s25, s12, $0xb8;
	[tilespmem:$0x1F080] =	vst v63  }
0x20e: {  	_ =	swait.ge [sflag:s17], $0x1000  }
0x20f: {  	[sflag:s17] =	ssyncset.done $0x0  }
0x210: {  	[sflag:s17] =	ssyncadd.s32 $0xFFFFF000  }
0x211: {  	[spmem:s1] =	stream.indirect.scatter.add.f32 [tilespmem:s15], [sflag:$0x2], $0x20, s26, s12, $0xb8;
	[tilespmem:$0x1F080] =	vst v63  }
0x212: {  	_ =	swait.ge [sflag:s10], $0x1000  }
0x213: {  	[sflag:s10] =	ssyncset.done $0x0  }
0x214: {  	[sflag:s10] =	ssyncadd.s32 $0xFFFFF000  }
0x215: {  	[tilespmem:s15], [sflag:$0x1] =	stream.indirect.gather [hbm4b:s20+s12], $0x20, s28, s12, $0xb8;
	[tilespmem:$0x1F080] =	vst v63  }
0x216: {  	_ =	swait.ge [sflag:s17], $0x1000  }
0x217: {  	[sflag:s17] =	ssyncset.done $0x0  }
0x218: {  	[sflag:s17] =	ssyncadd.s32 $0xFFFFF000  }
0x219: {  	[spmem:s1] =	stream.indirect.scatter.add.f32 [tilespmem:s16], [sflag:$0x2], $0x20, s29, s12, $0xb8;
	[tilespmem:$0x1F080] =	vst v63  }
0x21a: {  	_ =	swait.ge [sflag:s10], $0x1000  }
0x21b: {  	[sflag:s10] =	ssyncset.done $0x0  }
0x21c: {  	[sflag:s10] =	ssyncadd.s32 $0xFFFFF000  }
0x21d: {  	[tilespmem:s16], [sflag:$0x1] =	stream.indirect.gather [hbm4b:s20+s12], $0x20, s30, s12, $0xb8;
	[tilespmem:$0x1F080] =	vst v63  }
0x21e: {  	_ =	swait.ge [sflag:s17], $0x1000  }
0x21f: {  	[sflag:s17] =	ssyncset.done $0x0  }
0x220: {  	[sflag:s17] =	ssyncadd.s32 $0xFFFFF000  }
0x221: {  	[spmem:s1] =	stream.indirect.scatter.add.f32 [tilespmem:s13], [sflag:$0x2], $0x20, s31, s12, $0xb8;
	[tilespmem:$0x1F080] =	vst v63  }
0x222: {  	_ =	swait.ge [sflag:s10], $0x1000  }
0x223: {  	[sflag:s10] =	ssyncset.done $0x0  }
0x224: {  	[sflag:s10] =	ssyncadd.s32 $0xFFFFF000  }
0x225: {  	_ =	swait.ge [sflag:s17], $0x1000  }
0x226: {  	[sflag:s17] =	ssyncset.done $0x0  }
0x227: {  	[sflag:s17] =	ssyncadd.s32 $0xFFFFF000  }
0x228: {  	[spmem:s1] =	stream.indirect.scatter.add.f32 [tilespmem:s14], [sflag:$0x2], $0x20, s0, s12, $0xb8;
	[tilespmem:$0x1F080] =	vst v63  }
0x229: {  	_ =	swait.ge [sflag:s10], $0x1000  }
0x22a: {  	[sflag:s10] =	ssyncset.done $0x0  }
0x22b: {  	[sflag:s10] =	ssyncadd.s32 $0xFFFFF000  }
0x22c: {  	_ =	swait.ge [sflag:s17], $0x1000  }
0x22d: {  	[sflag:s17] =	ssyncset.done $0x0  }
0x22e: {  	[sflag:s17] =	ssyncadd.s32 $0xFFFFF000  }
0x22f: {  	[spmem:s1] =	stream.indirect.scatter.add.f32 [tilespmem:s15], [sflag:$0x2], $0x20, s3, s12, $0xb8;
	[tilespmem:$0x1F080] =	vst v63  }
0x230: {  	_ =	swait.ge [sflag:s10], $0x1000  }
0x231: {  	[sflag:s10] =	ssyncset.done $0x0  }
0x232: {  	[sflag:s10] =	ssyncadd.s32 $0xFFFFF000  }
0x233: {  	_ =	swait.ge [sflag:s17], $0x1000  }
0x234: {  	[sflag:s17] =	ssyncset.done $0x0  }
0x235: {  	[sflag:s17] =	ssyncadd.s32 $0xFFFFF000  }
0x236: {  	[spmem:s1] =	stream.indirect.scatter.add.f32 [tilespmem:s16], [sflag:$0x2], $0x20, s4, s12, $0xb8;
	[tilespmem:$0x1F080] =	vst v63  }
0x237: {  	_ =	swait.ge [sflag:s10], $0x1000  }
0x238: {  	[sflag:s10] =	ssyncset.done $0x0  }
0x239: {  	[sflag:s10] =	ssyncadd.s32 $0xFFFFF000  }
0x23a: {  	[bflag:$0x0] =	sbarrier.arrive $0xFFFF  }
0x23b: {  	s7 =	sld [smem:$0x7ED];
	_ =	sdelay $0x1  }
0x23c: {  	s6 =	simm.s32 $0x5000  }
0x23d: {  	[tilespmem:s6], [sflag:$0x2] =	stream.linear.gather [spmem:s7], $0x1880, $0x38;
	[tilespmem:$0x1F080] =	vst v63  }
0x23e: {  	_ =	swait.ge [sflag:s10], $0x1880  }
0x23f: {  	[sflag:s10] =	ssyncset.done $0x0  }
0x240: {  	s9 =	rddreg [dreg:$0x11];
	[sflag:s10] =	ssyncadd.s32 $0xFFFFE780  }
0x241: {  	[hbm4b:s9+s2] =	stream.linear.scatter [tilespmem:s6], [sflag:$0x2], $0x1880, $0x38;
	[tilespmem:$0x1F080] =	vst v63  }
0x242: {  	_ =	swait.ge [sflag:s10], $0x1880  }
0x243: {  	s7 =	sld [smem:$0x7EE]  }
0x244: {  	[sflag:s10] =	ssyncset.done $0x0  }
0x245: {  	[sflag:s10] =	ssyncadd.s32 $0xFFFFE780  }
0x246: {  	[tilespmem:s6], [sflag:$0x2] =	stream.linear.gather [spmem:s7], $0x1880, $0x38;
	[tilespmem:$0x1F080] =	vst v63  }
0x247: {  	_ =	swait.ge [sflag:s10], $0x1880  }
0x248: {  	[sflag:s10] =	ssyncset.done $0x0  }
0x249: {  	s9 =	rddreg [dreg:$0x12];
	[sflag:s10] =	ssyncadd.s32 $0xFFFFE780  }
0x24a: {  	[hbm4b:s9+s2] =	stream.linear.scatter [tilespmem:s6], [sflag:$0x2], $0x1880, $0x38;
	[tilespmem:$0x1F080] =	vst v63  }
0x24b: {  	_ =	swait.ge [sflag:s10], $0x1880  }
0x24c: {  	s7 =	sld [smem:$0x7EF]  }
0x24d: {  	[sflag:s10] =	ssyncset.done $0x0  }
0x24e: {  	[sflag:s10] =	ssyncadd.s32 $0xFFFFE780  }
0x24f: {  	[tilespmem:s6], [sflag:$0x2] =	stream.linear.gather [spmem:s7], $0x1880, $0x38;
	[tilespmem:$0x1F080] =	vst v63  }
0x250: {  	_ =	swait.ge [sflag:s10], $0x1880  }
0x251: {  	[sflag:s10] =	ssyncset.done $0x0  }
0x252: {  	s9 =	rddreg [dreg:$0x13];
	[sflag:s10] =	ssyncadd.s32 $0xFFFFE780  }
0x253: {  	[hbm4b:s9+s2] =	stream.linear.scatter [tilespmem:s6], [sflag:$0x2], $0x1880, $0x38;
	[tilespmem:$0x1F080] =	vst v63  }
0x254: {  	_ =	swait.ge [sflag:s10], $0x1880  }
0x255: {  	s7 =	sld [smem:$0x7F0]  }
0x256: {  	[sflag:s10] =	ssyncset.done $0x0  }
0x257: {  	[sflag:s10] =	ssyncadd.s32 $0xFFFFE780  }
0x258: {  	[tilespmem:s6], [sflag:$0x2] =	stream.linear.gather [spmem:s7], $0x1880, $0x38;
	[tilespmem:$0x1F080] =	vst v63  }
0x259: {  	_ =	swait.ge [sflag:s10], $0x1880  }
0x25a: {  	[sflag:s10] =	ssyncset.done $0x0  }
0x25b: {  	s9 =	rddreg [dreg:$0x14];
	[sflag:s10] =	ssyncadd.s32 $0xFFFFE780  }
0x25c: {  	[hbm4b:s9+s2] =	stream.linear.scatter [tilespmem:s6], [sflag:$0x2], $0x1880, $0x38;
	[tilespmem:$0x1F080] =	vst v63  }
0x25d: {  	_ =	swait.ge [sflag:s10], $0x1880  }
0x25e: {  	s7 =	sld [smem:$0x7F1]  }
0x25f: {  	[sflag:s10] =	ssyncset.done $0x0  }
0x260: {  	[sflag:s10] =	ssyncadd.s32 $0xFFFFE780  }
0x261: {  	[tilespmem:s6], [sflag:$0x2] =	stream.linear.gather [spmem:s7], $0x1880, $0x38;
	[tilespmem:$0x1F080] =	vst v63  }
0x262: {  	_ =	swait.ge [sflag:s10], $0x1880  }
0x263: {  	[sflag:s10] =	ssyncset.done $0x0  }
0x264: {  	s9 =	rddreg [dreg:$0x15];
	[sflag:s10] =	ssyncadd.s32 $0xFFFFE780  }
0x265: {  	[hbm4b:s9+s2] =	stream.linear.scatter [tilespmem:s6], [sflag:$0x2], $0x1880, $0x38;
	[tilespmem:$0x1F080] =	vst v63  }
0x266: {  	_ =	swait.ge [sflag:s10], $0x1880  }
0x267: {  	s9 =	sld [smem:$0x7FD]  }
0x268: {  	[sflag:s10] =	ssyncset.done $0x0  }
0x269: {  	[sflag:s10] =	ssyncadd.s32 $0xFFFFE780  }
0x26a: {  	[tilespmem:s6], [sflag:$0x2] =	stream.linear.gather [spmem:s9], $0x1880, $0x38;
	[tilespmem:$0x1F080] =	vst v63  }
0x26b: {  	_ =	swait.ge [sflag:s10], $0x1880  }
0x26c: {  	[sflag:s10] =	ssyncset.done $0x0  }
0x26d: {  	s7 =	rddreg [dreg:$0x16];
	[sflag:s10] =	ssyncadd.s32 $0xFFFFE780  }
0x26e: {  	[hbm4b:s7+s2] =	stream.linear.scatter [tilespmem:s6], [sflag:$0x2], $0x1880, $0x38;
	[tilespmem:$0x1F080] =	vst v63  }
0x26f: {  	_ =	swait.ge [sflag:s10], $0x1880  }
0x270: {  	s7 =	sld [smem:$0x7F2]  }
0x271: {  	[sflag:s10] =	ssyncset.done $0x0  }
0x272: {  	[sflag:s10] =	ssyncadd.s32 $0xFFFFE780  }
0x273: {  	[tilespmem:s6], [sflag:$0x2] =	stream.linear.gather [spmem:s7], $0x1880, $0x38;
	[tilespmem:$0x1F080] =	vst v63  }
0x274: {  	_ =	swait.ge [sflag:s10], $0x1880  }
0x275: {  	[sflag:s10] =	ssyncset.done $0x0  }
0x276: {  	s7 =	rddreg [dreg:$0x17];
	[sflag:s10] =	ssyncadd.s32 $0xFFFFE780  }
0x277: {  	[hbm4b:s7+s2] =	stream.linear.scatter [tilespmem:s6], [sflag:$0x2], $0x1880, $0x38;
	[tilespmem:$0x1F080] =	vst v63  }
0x278: {  	_ =	swait.ge [sflag:s10], $0x1880  }
0x279: {  	s7 =	sld [smem:$0x7F3]  }
0x27a: {  	[sflag:s10] =	ssyncset.done $0x0  }
0x27b: {  	[sflag:s10] =	ssyncadd.s32 $0xFFFFE780  }
0x27c: {  	[tilespmem:s6], [sflag:$0x2] =	stream.linear.gather [spmem:s7], $0x1880, $0x38;
	[tilespmem:$0x1F080] =	vst v63  }
0x27d: {  	_ =	swait.ge [sflag:s10], $0x1880  }
0x27e: {  	[sflag:s10] =	ssyncset.done $0x0  }
0x27f: {  	s7 =	rddreg [dreg:$0x18];
	[sflag:s10] =	ssyncadd.s32 $0xFFFFE780  }
0x280: {  	[hbm4b:s7+s2] =	stream.linear.scatter [tilespmem:s6], [sflag:$0x2], $0x1880, $0x38;
	[tilespmem:$0x1F080] =	vst v63  }
0x281: {  	_ =	swait.ge [sflag:s10], $0x1880  }
0x282: {  	s7 =	sld [smem:$0x7F4]  }
0x283: {  	[sflag:s10] =	ssyncset.done $0x0  }
0x284: {  	[sflag:s10] =	ssyncadd.s32 $0xFFFFE780  }
0x285: {  	[tilespmem:s6], [sflag:$0x2] =	stream.linear.gather [spmem:s7], $0x1880, $0x38;
	[tilespmem:$0x1F080] =	vst v63  }
0x286: {  	_ =	swait.ge [sflag:s10], $0x1880  }
0x287: {  	[sflag:s10] =	ssyncset.done $0x0  }
0x288: {  	s7 =	rddreg [dreg:$0x19];
	[sflag:s10] =	ssyncadd.s32 $0xFFFFE780  }
0x289: {  	[hbm4b:s7+s2] =	stream.linear.scatter [tilespmem:s6], [sflag:$0x2], $0x1880, $0x38;
	[tilespmem:$0x1F080] =	vst v63  }
0x28a: {  	_ =	swait.ge [sflag:s10], $0x1880  }
0x28b: {  	s7 =	sld [smem:$0x7F5]  }
0x28c: {  	[sflag:s10] =	ssyncset.done $0x0  }
0x28d: {  	[sflag:s10] =	ssyncadd.s32 $0xFFFFE780  }
0x28e: {  	[tilespmem:s6], [sflag:$0x2] =	stream.linear.gather [spmem:s7], $0x1880, $0x38;
	[tilespmem:$0x1F080] =	vst v63  }
0x28f: {  	_ =	swait.ge [sflag:s10], $0x1880  }
0x290: {  	[sflag:s10] =	ssyncset.done $0x0  }
0x291: {  	s7 =	rddreg [dreg:$0x1a];
	[sflag:s10] =	ssyncadd.s32 $0xFFFFE780  }
0x292: {  	[hbm4b:s7+s2] =	stream.linear.scatter [tilespmem:s6], [sflag:$0x2], $0x1880, $0x38;
	[tilespmem:$0x1F080] =	vst v63  }
0x293: {  	_ =	swait.ge [sflag:s10], $0x1880  }
0x294: {  	s7 =	sld [smem:$0x7F6]  }
0x295: {  	[sflag:s10] =	ssyncset.done $0x0  }
0x296: {  	[sflag:s10] =	ssyncadd.s32 $0xFFFFE780  }
0x297: {  	[tilespmem:s6], [sflag:$0x2] =	stream.linear.gather [spmem:s7], $0x1880, $0x38;
	[tilespmem:$0x1F080] =	vst v63  }
0x298: {  	_ =	swait.ge [sflag:s10], $0x1880  }
0x299: {  	[sflag:s10] =	ssyncset.done $0x0  }
0x29a: {  	s7 =	rddreg [dreg:$0x1b];
	[sflag:s10] =	ssyncadd.s32 $0xFFFFE780  }
0x29b: {  	[hbm4b:s7+s2] =	stream.linear.scatter [tilespmem:s6], [sflag:$0x2], $0x1880, $0x38;
	[tilespmem:$0x1F080] =	vst v63  }
0x29c: {  	_ =	swait.ge [sflag:s10], $0x1880  }
0x29d: {  	s7 =	sld [smem:$0x7F7]  }
0x29e: {  	[sflag:s10] =	ssyncset.done $0x0  }
0x29f: {  	[sflag:s10] =	ssyncadd.s32 $0xFFFFE780  }
0x2a0: {  	[tilespmem:s6], [sflag:$0x2] =	stream.linear.gather [spmem:s7], $0x1880, $0x38;
	[tilespmem:$0x1F080] =	vst v63  }
0x2a1: {  	_ =	swait.ge [sflag:s10], $0x1880  }
0x2a2: {  	[sflag:s10] =	ssyncset.done $0x0  }
0x2a3: {  	s7 =	rddreg [dreg:$0x1c];
	[sflag:s10] =	ssyncadd.s32 $0xFFFFE780  }
0x2a4: {  	[hbm4b:s7+s2] =	stream.linear.scatter [tilespmem:s6], [sflag:$0x2], $0x1880, $0x38;
	[tilespmem:$0x1F080] =	vst v63  }
0x2a5: {  	_ =	swait.ge [sflag:s10], $0x1880  }
0x2a6: {  	s7 =	sld [smem:$0x7F8]  }
0x2a7: {  	[sflag:s10] =	ssyncset.done $0x0  }
0x2a8: {  	[sflag:s10] =	ssyncadd.s32 $0xFFFFE780  }
0x2a9: {  	[tilespmem:s6], [sflag:$0x2] =	stream.linear.gather [spmem:s7], $0x1880, $0x38;
	[tilespmem:$0x1F080] =	vst v63  }
0x2aa: {  	_ =	swait.ge [sflag:s10], $0x1880  }
0x2ab: {  	[sflag:s10] =	ssyncset.done $0x0  }
0x2ac: {  	s7 =	rddreg [dreg:$0x1d];
	[sflag:s10] =	ssyncadd.s32 $0xFFFFE780  }
0x2ad: {  	[hbm4b:s7+s2] =	stream.linear.scatter [tilespmem:s6], [sflag:$0x2], $0x1880, $0x38;
	[tilespmem:$0x1F080] =	vst v63  }
0x2ae: {  	_ =	swait.ge [sflag:s10], $0x1880  }
0x2af: {  	s7 =	sld [smem:$0x7F9]  }
0x2b0: {  	[sflag:s10] =	ssyncset.done $0x0  }
0x2b1: {  	[sflag:s10] =	ssyncadd.s32 $0xFFFFE780  }
0x2b2: {  	[tilespmem:s6], [sflag:$0x2] =	stream.linear.gather [spmem:s7], $0x1880, $0x38;
	[tilespmem:$0x1F080] =	vst v63  }
0x2b3: {  	_ =	swait.ge [sflag:s10], $0x1880  }
0x2b4: {  	[sflag:s10] =	ssyncset.done $0x0  }
0x2b5: {  	s7 =	rddreg [dreg:$0x1e];
	[sflag:s10] =	ssyncadd.s32 $0xFFFFE780  }
0x2b6: {  	[hbm4b:s7+s2] =	stream.linear.scatter [tilespmem:s6], [sflag:$0x2], $0x1880, $0x38;
	[tilespmem:$0x1F080] =	vst v63  }
0x2b7: {  	_ =	swait.ge [sflag:s10], $0x1880  }
0x2b8: {  	s7 =	sld [smem:$0x7FA]  }
0x2b9: {  	[sflag:s10] =	ssyncset.done $0x0  }
0x2ba: {  	[sflag:s10] =	ssyncadd.s32 $0xFFFFE780  }
0x2bb: {  	[tilespmem:s6], [sflag:$0x2] =	stream.linear.gather [spmem:s7], $0x1880, $0x38;
	[tilespmem:$0x1F080] =	vst v63  }
0x2bc: {  	_ =	swait.ge [sflag:s10], $0x1880  }
0x2bd: {  	[sflag:s10] =	ssyncset.done $0x0  }
0x2be: {  	s7 =	rddreg [dreg:$0x1f];
	[sflag:s10] =	ssyncadd.s32 $0xFFFFE780  }
0x2bf: {  	[hbm4b:s7+s2] =	stream.linear.scatter [tilespmem:s6], [sflag:$0x2], $0x1880, $0x38;
	[tilespmem:$0x1F080] =	vst v63  }
0x2c0: {  	_ =	swait.ge [sflag:s10], $0x1880  }
0x2c1: {  	s7 =	sld [smem:$0x7FB]  }
0x2c2: {  	[sflag:s10] =	ssyncset.done $0x0  }
0x2c3: {  	[sflag:s10] =	ssyncadd.s32 $0xFFFFE780  }
0x2c4: {  	[tilespmem:s6], [sflag:$0x2] =	stream.linear.gather [spmem:s7], $0x1880, $0x38;
	[tilespmem:$0x1F080] =	vst v63  }
0x2c5: {  	_ =	swait.ge [sflag:s10], $0x1880  }
0x2c6: {  	s7 =	sld [smem:$0x7EC]  }
0x2c7: {  	[sflag:s10] =	ssyncset.done $0x0  }
0x2c8: {  	[sflag:s10] =	ssyncadd.s32 $0xFFFFE780  }
0x2c9: {  	[hbm4b:s7+s2] =	stream.linear.scatter [tilespmem:s6], [sflag:$0x2], $0x1880, $0x38;
	[tilespmem:$0x1F080] =	vst v63  }
0x2ca: {  	_ =	swait.ge [sflag:s10], $0x1880  }
0x2cb: {  	s5 =	sld [smem:$0x7EB]  }
0x2cc: {  	s7 =	sld [smem:$0x7FC];
	_ =	sdelay $0x1  }
0x2cd: {  	s6 =	sadd.s32 $0x1, s5  }
0x2ce: {  	p0 =	sne.s32 s6, s7  }
.Ltmp2:
0x2cf: {  	_ = 	snop;
	(pc) =	sbr.rel @p0 .LBB2_1-.Ltmp2, $3  }
0x2d0: {  	_ =	sdelay $0x1  }
0x2d1: {  	[sflag:s10] =	ssyncset.done $0x0  }
0x2d2: {  	[sflag:s10] =	ssyncadd.s32 $0xFFFFE780  }
0x2d3: {  	_ =	sfence.sel $0x180000  }
0x2d4: {  	[bflag:$0x0] =	sbarrier.arrive $0xFFFF  }
0x2d5: {  	_ =	strace $0x9000004A  }
0x2d6: {  	s0 =	stileid.u32;
	[bflag:$0x2] =	sbarrier.arrive $0xFFFF  }
0x2d7: {  	p0 =	sne.s32 s0, $0x0;
	s0 =	rddreg [dreg:$0x2]  }
0x2d8: {  	s0 =	sadd.s32 @!p0 $0x100000, s0  }
0x2d9: {  	[sflag:s0] =	ssyncadd.tile.s32 @!p0 $0x1;
	_ =	shalt  }
.Lfunc_end2:
_tile_overlayer_lowered:
.L_overlay_start_2:
0x2da: {  	(tag) =	ssettag $0x2  }
0x2db: {  	s0 =	rddreg [dreg:$0x0];
	s2 =	stileid.u32  }
0x2dc: {  	s1 =	rddreg [dreg:$0x1];
	p0 =	sne.s32 s2, $0x0  }
0x2dd: {  	s3 =	rddreg [dreg:$0x2];
	[bflag:$0x3] =	sbarrier.arrive $0xFFFF;
	s2 =	simm.s32 @!p0 $0x1C02  }
0x2de: {  	[timem:s3], [sflag:s2] =	dma.local @!p0 [hbm:s0], s1  }
0x2df: {  	s0 =	simm.s32 @!p0 $0x2  }
0x2e0: {  	_ =	swait.ge @!p0 [sflag:s0], s1  }
0x2e1: {  	s1 =	ssub.s32 @!p0 $0x0, s1;
	[sflag:s0] =	ssyncset.done @!p0 $0x0  }
0x2e2: {  	[sflag:s0] =	ssyncadd.s32 @!p0 s1  }
0x2e3: {  	[bflag:$0x3] =	sbarrier.arrive $0xFFFF  }
0x2e4: {  	_ =	shalt  }

// kernel: kernel.14.cloned.1.call-start
scs
__scs_entry_jumppad:
0x0: {  	(pc) =	sbr.rel $0x88, $3  }
0x1: {  	(tag) =	ssettag $0x0;
	lr =	simm.s32 $0x1  }
0x2: {  	[smem:$0x3F8D] =	sst lr;
	_ =	strace $0xD0000000  }
0x3: {  	_ = 	snop  }
0x4: {  	_ = 	snop  }
0x5: {  	_ = 	snop  }
0x6: {  	_ = 	snop  }
0x7: {  	_ = 	snop  }
__scs_overlays_trampoline_lowered:
0x8: {  	[smem:$0x3F9C] =	sst s0  }
0x9: {  	[smem:$0x3F9D] =	sst s1  }
0xa: {  	[smem:$0x3F9E] =	sst s2  }
0xb: {  	[smem:$0x3F9F] =	sst s3  }
0xc: {  	[smem:$0x3FA0] =	sst s4  }
0xd: {  	[smem:$0x3FA1] =	sst s5  }
0xe: {  	[smem:$0x3FA2] =	sst s6  }
0xf: {  	[smem:$0x3FA3] =	sst s7  }
0x10: {  	[smem:$0x3FA4] =	sst s8  }
0x11: {  	[smem:$0x3FA5] =	sst s9;
	s0 =	simm.s32 @!p0 $0x0  }
0x12: {  	s1 =	sld [smem:$0x3F8B];
	s0 =	simm.s32 @p0 $0x1  }
0x13: {  	[smem:$0x3FA6] =	sst s0;
	s0 =	simm.s32 @!p1 $0x0  }
0x14: {  	s2 =	sld [smem:$0x3F8A];
	s0 =	simm.s32 @p1 $0x1  }
0x15: {  	[smem:$0x3FA7] =	sst s0;
	s0 =	simm.s32 @!p2 $0x0  }
0x16: {  	s3 =	sld [smem:$0x3FDB];
	s0 =	simm.s32 @p2 $0x1  }
0x17: {  	s4 =	simm.s32 $0x1BF5;
	[smem:$0x3FA9] =	sst s0  }
0x18: {  	s0 =	sld [smem:$0x3F8C];
	_ =	swait.ge [sflag:s4], $0x0  }
0x19: {  	s7 =	sld [smem:$0x3F8D]  }
0x1a: {  	s8 =	sadd.s32 $0xFFFFE003, lr  }
0x1b: {  	s9 =	sadd.s32 $0xFFFFFEF7, lr;
	s5 =	simm.s32 $0xFFFFFFFF;
	p2 =	slt.u32 s8, $0xFFFFF086  }
0x1c: {  	p1 =	slt.u32 s9, $0xF7A;
	s5 =	simm.s32 @!p2 $0x0  }
0x1d: {  	s5 =	simm.s32 @p1 $0x1;
	p0 =	seq.s32 s7, s2  }
0x1e: {  	s7 =	smul.u32 @!p0 $0xF7A, s2;
	p2 =	seq.s32 @!p0 s5, $0x0  }
0x1f: {  	s9 =	smul.u32 $0xF7A, s1;
	s8 =	simm.s32 @!p0 $0x1BF5;
	p2 =	por !p2, p0  }
0x20: {  	[sflag:s8] =	ssyncset.s32 @!p0 $0xFFFFF086;
	s6 =	sadd.s32 @!p0 s3, s7;
	s7 =	simm.s32 @!p0 $0x108  }
0x21: {  	s3 =	sadd.s32 s3, s9;
	s6 =	sadd.s32 @!p0 $0x88, s6;
	s7 =	simm.s32 @p2 $0x1082  }
0x22: {  	[simem:s7], [sflag:s8] =	dma.local @!p0 [hbm:s6], $0xF7A  }
0x23: {  	s9 =	sor.u32 $0xD0000000, s2;
	s6 =	simm.s32 $0x108;
	_ =	swait.ge @!p0 [sflag:s8], $0x0  }
0x24: {  	s3 =	sadd.s32 $0x88, s3;
	s6 =	simm.s32 @!p1 $0x1082;
	[sflag:s4] =	ssyncset.s32 $0xFFFFF086  }
0x25: {  	[simem:s6], [sflag:s4] =	dma.local [hbm:s3], $0xF7A  }
0x26: {  	[smem:$0x3F8D] =	sst s1;
	(tag) =	ssettag s2;
	_ =	strace s9  }
0x27: {  	s1 =	sld [smem:$0x3F9D]  }
0x28: {  	s2 =	sld [smem:$0x3F9E]  }
0x29: {  	s4 =	sld [smem:$0x3FA0]  }
0x2a: {  	p0 =	seq.s32 s5, $0x0;
	s5 =	sld [smem:$0x3FA1]  }
0x2b: {  	s6 =	sld [smem:$0x3FA2]  }
0x2c: {  	s7 =	sld [smem:$0x3FA3]  }
0x2d: {  	s3 =	simm.s32 $0x108;
	s8 =	sld [smem:$0x3FA4]  }
0x2e: {  	s3 =	simm.s32 @!p0 $0x1082;
	s9 =	sld [smem:$0x3FA5]  }
0x2f: {  	lr =	sadd.s32 s0, s3;
	s0 =	sld [smem:$0x3F9C]  }
0x30: {  	s3 =	sld [smem:$0x3F9F]  }
0x31: {  	[smem:$0x3FA8] =	sst s10  }
0x32: {  	s10 =	sld [smem:$0x3FA6];
	_ =	sdelay $0x3  }
0x33: {  	p0 =	seq.s32 s10, $0x1;
	s10 =	sld [smem:$0x3FA8];
	_ =	sdelay $0x3  }
0x34: {  	[smem:$0x3FA8] =	sst s10  }
0x35: {  	s10 =	sld [smem:$0x3FA7];
	_ =	sdelay $0x3  }
0x36: {  	p1 =	seq.s32 s10, $0x1;
	s10 =	sld [smem:$0x3FA8];
	_ =	sdelay $0x3  }
0x37: {  	[smem:$0x3FA8] =	sst s10  }
0x38: {  	s10 =	sld [smem:$0x3FA9]  }
0x39: {  	_ = 	snop;
	(pc) =	sbr.ind lr, $3  }
0x3a: {  	_ = 	snop  }
0x3b: {  	_ = 	snop  }
0x3c: {  	p2 =	seq.s32 s10, $0x1;
	s10 =	sld [smem:$0x3FA8]  }
0x3d: {  	_ =	shalt  }
0x3e: {  	_ =	shalt  }
0x3f: {  	_ =	shalt  }
0x40: {  	_ =	shalt  }
0x41: {  	_ =	shalt  }
0x42: {  	_ =	shalt  }
0x43: {  	_ =	shalt  }
0x44: {  	_ =	shalt  }
0x45: {  	_ =	shalt  }
0x46: {  	_ =	shalt  }
0x47: {  	_ =	shalt  }
0x48: {  	_ =	shalt  }
0x49: {  	_ =	shalt  }
0x4a: {  	_ =	shalt  }
0x4b: {  	_ =	shalt  }
0x4c: {  	_ =	shalt  }
0x4d: {  	_ =	shalt  }
0x4e: {  	_ =	shalt  }
0x4f: {  	_ =	shalt  }
0x50: {  	_ =	shalt  }
0x51: {  	_ =	shalt  }
0x52: {  	_ =	shalt  }
0x53: {  	_ =	shalt  }
0x54: {  	_ =	shalt  }
0x55: {  	_ =	shalt  }
0x56: {  	_ =	shalt  }
0x57: {  	_ =	shalt  }
0x58: {  	_ =	shalt  }
0x59: {  	_ =	shalt  }
0x5a: {  	_ =	shalt  }
0x5b: {  	_ =	shalt  }
0x5c: {  	_ =	shalt  }
0x5d: {  	_ =	shalt  }
0x5e: {  	_ =	shalt  }
0x5f: {  	_ =	shalt  }
0x60: {  	_ =	shalt  }
0x61: {  	_ =	shalt  }
0x62: {  	_ =	shalt  }
0x63: {  	_ =	shalt  }
0x64: {  	_ =	shalt  }
0x65: {  	_ =	shalt  }
0x66: {  	_ =	shalt  }
0x67: {  	_ =	shalt  }
0x68: {  	_ =	shalt  }
0x69: {  	_ =	shalt  }
0x6a: {  	_ =	shalt  }
0x6b: {  	_ =	shalt  }
0x6c: {  	_ =	shalt  }
0x6d: {  	_ =	shalt  }
0x6e: {  	_ =	shalt  }
0x6f: {  	_ =	shalt  }
0x70: {  	_ =	shalt  }
0x71: {  	_ =	shalt  }
0x72: {  	_ =	shalt  }
0x73: {  	_ =	shalt  }
0x74: {  	_ =	shalt  }
0x75: {  	_ =	shalt  }
0x76: {  	_ =	shalt  }
0x77: {  	_ =	shalt  }
0x78: {  	_ =	shalt  }
0x79: {  	_ =	shalt  }
0x7a: {  	_ =	shalt  }
0x7b: {  	_ =	shalt  }
0x7c: {  	_ =	shalt  }
0x7d: {  	_ =	shalt  }
0x7e: {  	_ =	shalt  }
0x7f: {  	_ =	shalt  }
0x80: {  	_ =	shalt  }
0x81: {  	_ =	shalt  }
0x82: {  	_ =	shalt  }
0x83: {  	_ =	shalt  }
0x84: {  	_ =	shalt  }
0x85: {  	_ =	shalt  }
0x86: {  	_ =	shalt  }
0x87: {  	_ =	shalt  }
.Lfunc_end0:
.L_simem_size_0:
called_computation.2_lowered:
.L_overlay_start_0:
0x88: {  	s2 =	sld [smem:$0x3FD9]  }
0x89: {  	s3 =	sld [smem:$0x3FFE];
	_ =	sdelay $0x1  }
0x8a: {  	s1 =	srdreg.scid  }
0x8b: {  	s0 =	sand.u32 $0x1, s1  }
0x8c: {  	s16 =	sshll.u32 s0, $0xA;
	s2 =	sadd.s32 s3, s2  }
0x8d: {  	s2 =	sadd.s32 s2, s16  }
0x8e: {  	[smem:$0x3FB4] =	sst s2  }
0x8f: {  	_ = 	snop  }
0x90: {  	(tm) =	ssettm $0x1  }
0x91: {  	s17 =	sld [smem:$0x3FFB];
	_ =	sdelay $0x3  }
0x92: {  	_ =	strace s17  }
0x93: {  	s2 =	sld [smem:$0x3FFC];
	_ =	sdelay $0x3  }
0x94: {  	_ =	strace s2  }
0x95: {  	s2 =	sld [smem:$0x3FFD];
	_ =	sdelay $0x3  }
0x96: {  	_ =	strace s2  }
0x97: {  	_ =	strace $0x8FFFFFFF  }
0x98: {  	s18 =	sld [smem:$0x3FDB];
	_ =	sdelay $0x1  }
0x99: {  	s19 =	simm.s32 $_scs_section_size  }
0x9a: {  	s4 =	simm.s32 $_size__tile_overlayer_lowered;
	s5 =	simm.s32 $_tile_overlayer_lowered  }
0x9b: {  	s22 =	simm.s32 $0x1BFF;
	s21 =	sshll.u32 s5, $0x1;
	s2 =	sadd.s32 s19, s18  }
0x9c: {  	s6 =	simm.s32 $0x0;
	s20 =	sshll.u32 s4, $0x1;
	s4 =	sadd.s32 s21, s2  }
0x9d: {  	[timem:s6], [sflag:s22] =	dma.local [hbm:s4], s20  }
0x9e: {  	_ =	swait.ge [sflag:s22], s20  }
0x9f: {  	s3 =	ssub.s32 $0x0, s20;
	[sflag:s22] =	ssyncset.done $0x0  }
0xa0: {  	[sflag:s22] =	ssyncadd.s32 s3;
	_ =	sdelay $0x1  }
0xa1: {  	s23 =	simm.s32 $0x1B8B  }
0xa2: {  	_ =	swait.ge [sflag:s23], $0x1  }
0xa3: {  	[sflag:s23] =	ssyncset.done $0x0  }
0xa4: {  	s25 =	simm.s32 $0x1B8E;
	s24 =	sld [smem:$0x3FFE];
	[sflag:s23] =	ssyncadd.s32 $0xFFFFFFFF  }
0xa5: {  	s26 =	simm.s32 $execute0_lowered;
	[smem:$0x3FD2] =	sst s25  }
0xa6: {  	s4 =	sshll.u32 s26, $0x1;
	_ =	strace $0x8000004C;
	[dreg:$0x1] =	wrdreg $0xFFFFFFFF  }
0xa7: {  	s28 =	simm.s32 $_size_execute0_lowered;
	s2 =	sadd.s32 s2, s4;
	[dreg:$0x0] =	wrdreg $0x0  }
0xa8: {  	s4 =	sshll.u32 s28, $0x1;
	[dreg:$0x2] =	wrdreg s2  }
0xa9: {  	[dreg:$0x3] =	wrdreg s4  }
0xaa: {  	[dreg:$0x4] =	wrdreg $0xC0  }
0xab: {  	_ =	task [dreg:s6], $0x5FFFF  }
0xac: {  	[dreg:$0x1] =	wrdreg $0xFFFFFFFF  }
0xad: {  	[dreg:$0x0] =	wrdreg $0x60  }
0xae: {  	[dreg:$0x2] =	wrdreg s24  }
0xaf: {  	[dreg:$0x3] =	wrdreg $0x68800  }
0xb0: {  	[dreg:$0x4] =	wrdreg $0x9  }
0xb1: {  	_ =	task.clear_ibuf [dreg:s6], $0x5FFFF;
	_ =	strace $0x9000004C  }
0xb2: {  	s29 =	simm.s32 $0x9;
	_ =	strace $0x8000004E  }
0xb3: {  	_ =	swait.ge [sflag:s29], $0x1  }
0xb4: {  	[sflag:s29] =	ssyncadd.s32 $0xFFFFFFFF  }
0xb5: {  	_ =	strace $0x9000004E  }
0xb6: {  	_ =	sfence  }
0xb7: {  	s30 =	sld [smem:$0x0];
	_ =	sdelay $0x2  }
0xb8: {  	s31 =	sshll.u32 s1, $0xD;
	s1 =	sshrl.u32 s1, $0x2  }
0xb9: {  	s3 =	sand.u32 $0x4000, s31;
	s1 =	sadd.s32 s1, s30  }
0xba: {  	s0 =	sor.u32 s3, s0;
	s1 =	sshll.u32 s1, $0x11  }
0xbb: {  	s0 =	sor.u32 s1, s0  }
0xbc: {  	s0 =	sadd.s32 $0x8F2B, s0  }
0xbd: {  	[sflag:s0] =	ssyncadd.remote.s32 $0x1  }
0xbe: {  	_ =	sfence.sel $0xFFFF  }
0xbf: {  	[dreg:$0x0] =	wrdreg $0xFFFFFFFF;
	(pc) =	sbr.abs _section_cstart, $3  }
0xc0: {  	[dreg:$0x1] =	wrdreg $0xFFFFFFFF  }
0xc1: {  	_ =	task.clear_ibuf [dreg:s6], $0x2FFFF;
	_ =	strace $0x9FFFFFFF  }
0xc2: {  	(tm) =	ssettm $0x7FFFFFFF  }
0xc3: {  	_ =	shalt  }
tec
execute0_lowered:
.L_overlay_start_1:
0x0: {  	(tag) =	ssettag $0x1  }
0x1: {  	s3 =	rddreg [dreg:$0x0]  }
0x2: {  	s1 =	rddreg [dreg:$0x1]  }
0x3: {  	s2 =	simm.s32 $0x0;
	s0 =	srdreg.scid;
	s18 =	stileid.u32  }
0x4: {  	s20 =	simm.s32 $0x200;
	s21 =	simm.s32 $0x880;
	s23 =	simm.s32 $0x280  }
0x5: {  	s24 =	simm.s32 $0x900;
	s28 =	simm.s32 $0x700;
	s29 =	simm.s32 $0xD80  }
0x6: {  	s30 =	simm.s32 $0x780;
	s31 =	simm.s32 $0xE00;
	[smem:$0x7FF] =	sst s2  }
0x7: {  	s4 =	smul.u32 $0x18800, s18;
	_ =	strace $0x8000004D;
	[dreg:$0x6] =	wrdreg s20  }
0x8: {  	s7 =	sand.u32 $0x1, s0;
	s18 =	smul.u32 $0x1900, s18;
	[dreg:$0x7] =	wrdreg s21  }
0x9: {  	s13 =	sadd.s32 $0x68E00, s3;
	s0 =	smul.u32 $0x19000, s7;
	[dreg:$0x8] =	wrdreg s23  }
0xa: {  	s5 =	ssub.s32 $0x2, s7;
	s15 =	smul.u32 $0x188000, s7;
	[dreg:$0x9] =	wrdreg s24  }
0xb: {  	s20 =	simm.s32 $0xA00;
	s6 =	sshrl.u32 s5, $0x1;
	s7 =	sadd.s32 $0x4980, s4  }
0xc: {  	s8 =	sadd.s32 $0x6200, s4;
	s10 =	sadd.s32 $0x9300, s4;
	s11 =	sadd.s32 $0xAB80, s4  }
0xd: {  	[dreg:$0xd] =	wrdreg s20;
	s16 =	sadd.s32 s0, s3;
	s0 =	ssub.s32 s5, s6  }
0xe: {  	s5 =	sadd.s32 $0x1880, s4;
	s6 =	sadd.s32 $0x3100, s4;
	s14 =	sadd.s32 s4, s15  }
0xf: {  	s22 =	sadd.s32 s15, s8;
	s21 =	sadd.s32 s15, s10;
	s8 =	sadd.s32 s8, s1  }
0x10: {  	s23 =	sadd.s32 s15, s11;
	s10 =	sadd.s32 s10, s1;
	[smem:$0x7F1] =	sst s8  }
0x11: {  	s11 =	sadd.s32 s11, s1;
	s25 =	sadd.s32 s15, s5;
	[smem:$0x7F2] =	sst s10  }
0x12: {  	s19 =	sadd.s32 s15, s6;
	s5 =	sadd.s32 s5, s1;
	[smem:$0x7F3] =	sst s11  }
0x13: {  	s16 =	sadd.s32 s18, s16;
	s6 =	sadd.s32 s6, s1;
	[smem:$0x7EE] =	sst s5  }
0x14: {  	s18 =	sadd.s32 s15, s7;
	s7 =	sadd.s32 s7, s1;
	[smem:$0x7EF] =	sst s6  }
0x15: {  	s17 =	sshrl.u32 s14, $0x3;
	s0 =	smax.u32 s0, $0x1;
	[smem:$0x7F0] =	sst s7  }
0x16: {  	s9 =	sadd.s32 $0x7A80, s4;
	s17 =	sadd.s32 s13, s17;
	[smem:$0x7FC] =	sst s0  }
0x17: {  	s12 =	sadd.s32 $0xC400, s4;
	s16 =	sadd.s32 $0x4E00, s16;
	[dreg:$0x11] =	wrdreg s17  }
0x18: {  	s26 =	sshrl.u32 s19, $0x3;
	s19 =	simm.s32 $0x180;
	[dreg:$0x3] =	wrdreg s16  }
0x19: {  	s17 =	sshrl.u32 s25, $0x3;
	[dreg:$0x5] =	wrdreg s19;
	s25 =	simm.s32 $0x300  }
0x1a: {  	s24 =	sadd.s32 s15, s12;
	s19 =	simm.s32 $0x380;
	[dreg:$0xa] =	wrdreg s25  }
0x1b: {  	s16 =	sshrl.u32 s23, $0x3;
	s17 =	sadd.s32 s13, s17;
	[dreg:$0xc] =	wrdreg s19  }
0x1c: {  	s14 =	sadd.s32 $0xDC80, s4;
	s16 =	sadd.s32 s13, s16;
	[dreg:$0x12] =	wrdreg s17  }
0x1d: {  	s25 =	sshrl.u32 s24, $0x3;
	s17 =	sadd.s32 s13, s26;
	[dreg:$0x18] =	wrdreg s16  }
0x1e: {  	s10 =	simm.s32 $0x2;
	s16 =	sadd.s32 s13, s25;
	[dreg:$0x13] =	wrdreg s17  }
0x1f: {  	s11 =	simm.s32 $0x800;
	s25 =	simm.s32 $0xA80;
	[dreg:$0x19] =	wrdreg s16  }
0x20: {  	s26 =	sadd.s32 s15, s9;
	s9 =	sadd.s32 s9, s1;
	[dreg:$0xf] =	wrdreg s25  }
0x21: {  	s8 =	simm.s32 $0xB80;
	s17 =	simm.s32 $0x100;
	[smem:$0x7FD] =	sst s9  }
0x22: {  	[dreg:$0x4] =	wrdreg s17;
	s17 =	sshrl.u32 s18, $0x3;
	s18 =	simm.s32 $0x980  }
0x23: {  	s0 =	simm.s32 $0xE80;
	s17 =	sadd.s32 s13, s17;
	[dreg:$0xb] =	wrdreg s18  }
0x24: {  	[dreg:$0x14] =	wrdreg s17;
	s17 =	sshrl.u32 s22, $0x3;
	s22 =	simm.s32 $0x400  }
0x25: {  	s6 =	simm.s32 $0x0;
	s17 =	sadd.s32 s13, s17;
	[dreg:$0xe] =	wrdreg s22  }
0x26: {  	[dreg:$0x15] =	wrdreg s17;
	s17 =	sshrl.u32 s26, $0x3;
	s26 =	sadd.s32 s15, s14  }
0x27: {  	s14 =	sadd.s32 s14, s1;
	s17 =	sadd.s32 s13, s17;
	s18 =	sshrl.u32 s26, $0x3  }
0x28: {  	s26 =	simm.s32 $0x480;
	[dreg:$0x16] =	wrdreg s17;
	s17 =	sshrl.u32 s21, $0x3  }
0x29: {  	[smem:$0x7F5] =	sst s14;
	s14 =	simm.s32 $0x2000;
	s17 =	sadd.s32 s13, s17  }
0x2a: {  	s16 =	sadd.s32 s13, s18;
	[dreg:$0x17] =	wrdreg s17;
	s17 =	sadd.s32 $0xF500, s4  }
0x2b: {  	[dreg:$0x1a] =	wrdreg s16;
	s16 =	sadd.s32 $0x10D80, s4;
	s19 =	sadd.s32 s15, s17  }
0x2c: {  	[dreg:$0x10] =	wrdreg s26;
	s20 =	sadd.s32 s15, s16;
	s18 =	sshrl.u32 s19, $0x3  }
0x2d: {  	s20 =	sshrl.u32 s20, $0x3;
	s19 =	sadd.s32 $0x12600, s4;
	s18 =	sadd.s32 s13, s18  }
0x2e: {  	s21 =	sadd.s32 s15, s19;
	[dreg:$0x1b] =	wrdreg s18;
	s18 =	sadd.s32 s13, s20  }
0x2f: {  	s22 =	sshrl.u32 s21, $0x3;
	s21 =	sadd.s32 $0x13E80, s4;
	[dreg:$0x1c] =	wrdreg s18  }
0x30: {  	s18 =	sadd.s32 s13, s22;
	s23 =	sadd.s32 s15, s21;
	s22 =	sadd.s32 $0x16F80, s4  }
0x31: {  	[dreg:$0x1d] =	wrdreg s18;
	s18 =	sadd.s32 $0x15700, s4;
	s20 =	sshrl.u32 s23, $0x3  }
0x32: {  	s4 =	sadd.s32 s4, s1;
	s26 =	sadd.s32 s22, s1;
	s23 =	sadd.s32 s15, s18  }
0x33: {  	s20 =	sadd.s32 s13, s20;
	s15 =	sadd.s32 s15, s22;
	[smem:$0x7ED] =	sst s4  }
0x34: {  	s25 =	sadd.s32 s18, s1;
	[smem:$0x7FB] =	sst s26;
	s18 =	simm.s32 $0xB00  }
0x35: {  	s22 =	simm.s32 $0xC00;
	s26 =	simm.s32 $0xD00;
	s4 =	simm.s32 $0xF80  }
0x36: {  	[dreg:$0x1e] =	wrdreg s20;
	s24 =	sshrl.u32 s23, $0x3;
	s15 =	sshrl.u32 s15, $0x3  }
0x37: {  	s23 =	sadd.s32 s19, s1;
	[smem:$0x7FA] =	sst s25;
	s19 =	simm.s32 $0x500  }
0x38: {  	s25 =	simm.s32 $0x680;
	s20 =	sadd.s32 s13, s24;
	[smem:$0x7F8] =	sst s23  }
0x39: {  	s13 =	sadd.s32 s13, s15;
	s15 =	sadd.s32 s17, s1;
	[dreg:$0x1f] =	wrdreg s20  }
0x3a: {  	s17 =	sadd.s32 s16, s1;
	s24 =	sadd.s32 s21, s1;
	[smem:$0x7EC] =	sst s13  }
0x3b: {  	s16 =	simm.s32 $0x4000;
	s21 =	simm.s32 $0x580;
	[smem:$0x7F6] =	sst s15  }
0x3c: {  	s23 =	simm.s32 $0x600;
	s20 =	sadd.s32 $0x12CE00, s3;
	[smem:$0x7F7] =	sst s17  }
0x3d: {  	s13 =	sadd.s32 s12, s1;
	[smem:$0x7F9] =	sst s24;
	s12 =	simm.s32 $0x80  }
0x3e: {  	s15 =	simm.s32 $0x3000;
	s17 =	simm.s32 $0x1;
	s24 =	simm.s32 $0xC80  }
0x3f: {  	v0 =	vimm.f32 $0.0e+00;
	s3 =	simm.s32 $0xF00;
	[smem:$0x7F4] =	sst s13;
	s13 =	simm.s32 $0x1000  }
.LBB2_1:
0x40: {  	[smem:$0x7EB] =	sst s6;
	s6 =	simm.s32 $0x80;
	s5 =	simm.s32 $0x0  }
.LBB2_2:
0x41: {  	p0 =	sne.s32 s6, $0x6180;
	[tilespmem:s5+$0x5000] =	vst v0;
	s7 =	smov.u32 s6;
	s6 =	sadd.s32 $0x80, s6  }
.Ltmp0:
0x42: {  	[tilespmem:s5+$0x5010] =	vst v0;
	(pc) =	sbr.rel @p0 .LBB2_2-.Ltmp0, $2  }
0x43: {  	_ =	sdelay $0x2  }
0x44: {  	s5 =	sshra.s32 s7, $0x2  }
0x45: {  	s7 =	sld [smem:$0x7ED]  }
0x46: {  	[tilespmem:s5+$0x5000] =	vst v0  }
0x47: {  	[tilespmem:s5+$0x5010] =	vst v0;
	s6 =	simm.s32 $0x5000  }
0x48: {  	[spmem:s7] =	stream.linear.scatter [tilespmem:s6], [sflag:$0x2], $0x1880, $0x38;
	[tilespmem:$0x1F080] =	vst v63  }
0x49: {  	_ =	swait.ge [sflag:s10], $0x1880  }
0x4a: {  	s7 =	sld [smem:$0x7EE]  }
0x4b: {  	[sflag:s10] =	ssyncset.done $0x0  }
0x4c: {  	[sflag:s10] =	ssyncadd.s32 $0xFFFFE780  }
0x4d: {  	[spmem:s7] =	stream.linear.scatter [tilespmem:s6], [sflag:$0x2], $0x1880, $0x38;
	[tilespmem:$0x1F080] =	vst v63  }
0x4e: {  	_ =	swait.ge [sflag:s10], $0x1880  }
0x4f: {  	s7 =	sld [smem:$0x7EF]  }
0x50: {  	[sflag:s10] =	ssyncset.done $0x0  }
0x51: {  	[sflag:s10] =	ssyncadd.s32 $0xFFFFE780  }
0x52: {  	[spmem:s7] =	stream.linear.scatter [tilespmem:s6], [sflag:$0x2], $0x1880, $0x38;
	[tilespmem:$0x1F080] =	vst v63  }
0x53: {  	_ =	swait.ge [sflag:s10], $0x1880  }
0x54: {  	s7 =	sld [smem:$0x7F0]  }
0x55: {  	[sflag:s10] =	ssyncset.done $0x0  }
0x56: {  	[sflag:s10] =	ssyncadd.s32 $0xFFFFE780  }
0x57: {  	[spmem:s7] =	stream.linear.scatter [tilespmem:s6], [sflag:$0x2], $0x1880, $0x38;
	[tilespmem:$0x1F080] =	vst v63  }
0x58: {  	_ =	swait.ge [sflag:s10], $0x1880  }
0x59: {  	s7 =	sld [smem:$0x7F1]  }
0x5a: {  	[sflag:s10] =	ssyncset.done $0x0  }
0x5b: {  	[sflag:s10] =	ssyncadd.s32 $0xFFFFE780  }
0x5c: {  	[spmem:s7] =	stream.linear.scatter [tilespmem:s6], [sflag:$0x2], $0x1880, $0x38;
	[tilespmem:$0x1F080] =	vst v63  }
0x5d: {  	_ =	swait.ge [sflag:s10], $0x1880  }
0x5e: {  	[sflag:s10] =	ssyncset.done $0x0  }
0x5f: {  	[sflag:s10] =	ssyncadd.s32 $0xFFFFE780  }
0x60: {  	[spmem:s9] =	stream.linear.scatter [tilespmem:s6], [sflag:$0x2], $0x1880, $0x38;
	[tilespmem:$0x1F080] =	vst v63  }
0x61: {  	_ =	swait.ge [sflag:s10], $0x1880  }
0x62: {  	s7 =	sld [smem:$0x7F2]  }
0x63: {  	[sflag:s10] =	ssyncset.done $0x0  }
0x64: {  	[sflag:s10] =	ssyncadd.s32 $0xFFFFE780  }
0x65: {  	[spmem:s7] =	stream.linear.scatter [tilespmem:s6], [sflag:$0x2], $0x1880, $0x38;
	[tilespmem:$0x1F080] =	vst v63  }
0x66: {  	_ =	swait.ge [sflag:s10], $0x1880  }
0x67: {  	s9 =	sld [smem:$0x7F3]  }
0x68: {  	[sflag:s10] =	ssyncset.done $0x0  }
0x69: {  	[sflag:s10] =	ssyncadd.s32 $0xFFFFE780  }
0x6a: {  	[spmem:s9] =	stream.linear.scatter [tilespmem:s6], [sflag:$0x2], $0x1880, $0x38;
	[tilespmem:$0x1F080] =	vst v63  }
0x6b: {  	_ =	swait.ge [sflag:s10], $0x1880  }
0x6c: {  	s7 =	sld [smem:$0x7F4]  }
0x6d: {  	[sflag:s10] =	ssyncset.done $0x0  }
0x6e: {  	[sflag:s10] =	ssyncadd.s32 $0xFFFFE780  }
0x6f: {  	[spmem:s7] =	stream.linear.scatter [tilespmem:s6], [sflag:$0x2], $0x1880, $0x38;
	[tilespmem:$0x1F080] =	vst v63  }
0x70: {  	_ =	swait.ge [sflag:s10], $0x1880  }
0x71: {  	s9 =	sld [smem:$0x7F5]  }
0x72: {  	[sflag:s10] =	ssyncset.done $0x0  }
0x73: {  	[sflag:s10] =	ssyncadd.s32 $0xFFFFE780  }
0x74: {  	[spmem:s9] =	stream.linear.scatter [tilespmem:s6], [sflag:$0x2], $0x1880, $0x38;
	[tilespmem:$0x1F080] =	vst v63  }
0x75: {  	_ =	swait.ge [sflag:s10], $0x1880  }
0x76: {  	s7 =	sld [smem:$0x7F6]  }
0x77: {  	[sflag:s10] =	ssyncset.done $0x0  }
0x78: {  	[sflag:s10] =	ssyncadd.s32 $0xFFFFE780  }
0x79: {  	[spmem:s7] =	stream.linear.scatter [tilespmem:s6], [sflag:$0x2], $0x1880, $0x38;
	[tilespmem:$0x1F080] =	vst v63  }
0x7a: {  	_ =	swait.ge [sflag:s10], $0x1880  }
0x7b: {  	s9 =	sld [smem:$0x7F7]  }
0x7c: {  	[sflag:s10] =	ssyncset.done $0x0  }
0x7d: {  	[sflag:s10] =	ssyncadd.s32 $0xFFFFE780  }
0x7e: {  	[spmem:s9] =	stream.linear.scatter [tilespmem:s6], [sflag:$0x2], $0x1880, $0x38;
	[tilespmem:$0x1F080] =	vst v63  }
0x7f: {  	_ =	swait.ge [sflag:s10], $0x1880  }
0x80: {  	s7 =	sld [smem:$0x7F8]  }
0x81: {  	[sflag:s10] =	ssyncset.done $0x0  }
0x82: {  	[sflag:s10] =	ssyncadd.s32 $0xFFFFE780  }
0x83: {  	[spmem:s7] =	stream.linear.scatter [tilespmem:s6], [sflag:$0x2], $0x1880, $0x38;
	[tilespmem:$0x1F080] =	vst v63  }
0x84: {  	_ =	swait.ge [sflag:s10], $0x1880  }
0x85: {  	s9 =	sld [smem:$0x7F9]  }
0x86: {  	[sflag:s10] =	ssyncset.done $0x0  }
0x87: {  	[sflag:s10] =	ssyncadd.s32 $0xFFFFE780  }
0x88: {  	[spmem:s9] =	stream.linear.scatter [tilespmem:s6], [sflag:$0x2], $0x1880, $0x38;
	[tilespmem:$0x1F080] =	vst v63  }
0x89: {  	_ =	swait.ge [sflag:s10], $0x1880  }
0x8a: {  	s7 =	sld [smem:$0x7FA]  }
0x8b: {  	[sflag:s10] =	ssyncset.done $0x0  }
0x8c: {  	[sflag:s10] =	ssyncadd.s32 $0xFFFFE780  }
0x8d: {  	[spmem:s7] =	stream.linear.scatter [tilespmem:s6], [sflag:$0x2], $0x1880, $0x38;
	[tilespmem:$0x1F080] =	vst v63  }
0x8e: {  	_ =	swait.ge [sflag:s10], $0x1880  }
0x8f: {  	s9 =	sld [smem:$0x7FB]  }
0x90: {  	[sflag:s10] =	ssyncset.done $0x0  }
0x91: {  	[sflag:s10] =	ssyncadd.s32 $0xFFFFE780  }
0x92: {  	[spmem:s9] =	stream.linear.scatter [tilespmem:s6], [sflag:$0x2], $0x1880, $0x38;
	[tilespmem:$0x1F080] =	vst v63  }
0x93: {  	_ =	swait.ge [sflag:s10], $0x1880  }
0x94: {  	[sflag:s10] =	ssyncset.done $0x0  }
0x95: {  	[sflag:s10] =	ssyncadd.s32 $0xFFFFE780  }
0x96: {  	[bflag:$0x0] =	sbarrier.arrive $0xFFFF  }
0x97: {  	s6 =	rddreg [dreg:$0x3]  }
0x98: {  	s5 =	sadd.s32 $0x0, s6  }
0x99: {  	[tilespmem:s2], [sflag:$0x2] =	stream.linear.gather [hbm4b:s5+s2], $0x800, $0x38;
	[tilespmem:$0x1F080] =	vst v63  }
0x9a: {  	_ =	swait.ge [sflag:s10], $0x800  }
0x9b: {  	[sflag:s10] =	ssyncset.done $0x0  }
0x9c: {  	s5 =	sadd.s32 $0x32000, s5;
	[sflag:s10] =	ssyncadd.s32 $0xFFFFF800  }
0x9d: {  	[tilespmem:s11], [sflag:$0x2] =	stream.linear.gather [hbm4b:s5+s2], $0x800, $0x38;
	[tilespmem:$0x1F080] =	vst v63  }
0x9e: {  	_ =	swait.ge [sflag:s10], $0x800  }
0x9f: {  	[sflag:s10] =	ssyncset.done $0x0  }
0xa0: {  	[sflag:s10] =	ssyncadd.s32 $0xFFFFF800  }
0xa1: {  	[tilespmem:s13], [sflag:$0x1] =	stream.indirect.gather [hbm4b:s20+s12], $0x20, s2, s12, $0xb8;
	[tilespmem:$0x1F080] =	vst v63  }
0xa2: {  	_ = 	snop  }
0xa3: {  	[tilespmem:s14], [sflag:$0x1] =	stream.indirect.gather [hbm4b:s20+s12], $0x20, s12, s12, $0xb8;
	[tilespmem:$0x1F080] =	vst v63  }
0xa4: {  	s7 =	rddreg [dreg:$0x4]  }
0xa5: {  	[tilespmem:s15], [sflag:$0x1] =	stream.indirect.gather [hbm4b:s20+s12], $0x20, s7, s12, $0xb8;
	[tilespmem:$0x1F080] =	vst v63  }
0xa6: {  	s9 =	rddreg [dreg:$0x5]  }
0xa7: {  	[tilespmem:s16], [sflag:$0x1] =	stream.indirect.gather [hbm4b:s20+s12], $0x20, s9, s12, $0xb8;
	[tilespmem:$0x1F080] =	vst v63  }
0xa8: {  	_ =	swait.ge [sflag:s17], $0x1000  }
0xa9: {  	[sflag:s17] =	ssyncset.done $0x0  }
0xaa: {  	[sflag:s17] =	ssyncadd.s32 $0xFFFFF000  }
0xab: {  	[spmem:s1] =	stream.indirect.scatter.add.f32 [tilespmem:s13], [sflag:$0x2], $0x20, s11, s12, $0xb8;
	[tilespmem:$0x1F080] =	vst v63  }
0xac: {  	_ =	swait.ge [sflag:s10], $0x1000  }
0xad: {  	[sflag:s10] =	ssyncset.done $0x0  }
0xae: {  	s7 =	rddreg [dreg:$0x6];
	[sflag:s10] =	ssyncadd.s32 $0xFFFFF000  }
0xaf: {  	[tilespmem:s13], [sflag:$0x1] =	stream.indirect.gather [hbm4b:s20+s12], $0x20, s7, s12, $0xb8;
	[tilespmem:$0x1F080] =	vst v63  }
0xb0: {  	_ =	swait.ge [sflag:s17], $0x1000  }
0xb1: {  	[sflag:s17] =	ssyncset.done $0x0  }
0xb2: {  	s9 =	rddreg [dreg:$0x7];
	[sflag:s17] =	ssyncadd.s32 $0xFFFFF000  }
0xb3: {  	[spmem:s1] =	stream.indirect.scatter.add.f32 [tilespmem:s14], [sflag:$0x2], $0x20, s9, s12, $0xb8;
	[tilespmem:$0x1F080] =	vst v63  }
0xb4: {  	_ =	swait.ge [sflag:s10], $0x1000  }
0xb5: {  	[sflag:s10] =	ssyncset.done $0x0  }
0xb6: {  	s6 =	rddreg [dreg:$0x8];
	[sflag:s10] =	ssyncadd.s32 $0xFFFFF000  }
0xb7: {  	[tilespmem:s14], [sflag:$0x1] =	stream.indirect.gather [hbm4b:s20+s12], $0x20, s6, s12, $0xb8;
	[tilespmem:$0x1F080] =	vst v63  }
0xb8: {  	_ =	swait.ge [sflag:s17], $0x1000  }
0xb9: {  	[sflag:s17] =	ssyncset.done $0x0  }
0xba: {  	s7 =	rddreg [dreg:$0x9];
	[sflag:s17] =	ssyncadd.s32 $0xFFFFF000  }
0xbb: {  	[spmem:s1] =	stream.indirect.scatter.add.f32 [tilespmem:s15], [sflag:$0x2], $0x20, s7, s12, $0xb8;
	[tilespmem:$0x1F080] =	vst v63  }
0xbc: {  	_ =	swait.ge [sflag:s10], $0x1000  }
0xbd: {  	[sflag:s10] =	ssyncset.done $0x0  }
0xbe: {  	s9 =	rddreg [dreg:$0xa];
	[sflag:s10] =	ssyncadd.s32 $0xFFFFF000  }
0xbf: {  	[tilespmem:s15], [sflag:$0x1] =	stream.indirect.gather [hbm4b:s20+s12], $0x20, s9, s12, $0xb8;
	[tilespmem:$0x1F080] =	vst v63  }
0xc0: {  	_ =	swait.ge [sflag:s17], $0x1000  }
0xc1: {  	[sflag:s17] =	ssyncset.done $0x0  }
0xc2: {  	s6 =	rddreg [dreg:$0xb];
	[sflag:s17] =	ssyncadd.s32 $0xFFFFF000  }
0xc3: {  	[spmem:s1] =	stream.indirect.scatter.add.f32 [tilespmem:s16], [sflag:$0x2], $0x20, s6, s12, $0xb8;
	[tilespmem:$0x1F080] =	vst v63  }
0xc4: {  	_ =	swait.ge [sflag:s10], $0x1000  }
0xc5: {  	[sflag:s10] =	ssyncset.done $0x0  }
0xc6: {  	s7 =	rddreg [dreg:$0xc];
	[sflag:s10] =	ssyncadd.s32 $0xFFFFF000  }
0xc7: {  	[tilespmem:s16], [sflag:$0x1] =	stream.indirect.gather [hbm4b:s20+s12], $0x20, s7, s12, $0xb8;
	[tilespmem:$0x1F080] =	vst v63  }
0xc8: {  	_ =	swait.ge [sflag:s17], $0x1000  }
0xc9: {  	[sflag:s17] =	ssyncset.done $0x0  }
0xca: {  	s9 =	rddreg [dreg:$0xd];
	[sflag:s17] =	ssyncadd.s32 $0xFFFFF000  }
0xcb: {  	[spmem:s1] =	stream.indirect.scatter.add.f32 [tilespmem:s13], [sflag:$0x2], $0x20, s9, s12, $0xb8;
	[tilespmem:$0x1F080] =	vst v63  }
0xcc: {  	_ =	swait.ge [sflag:s10], $0x1000  }
0xcd: {  	[sflag:s10] =	ssyncset.done $0x0  }
0xce: {  	s6 =	rddreg [dreg:$0xe];
	[sflag:s10] =	ssyncadd.s32 $0xFFFFF000  }
0xcf: {  	[tilespmem:s13], [sflag:$0x1] =	stream.indirect.gather [hbm4b:s20+s12], $0x20, s6, s12, $0xb8;
	[tilespmem:$0x1F080] =	vst v63  }
0xd0: {  	_ =	swait.ge [sflag:s17], $0x1000  }
0xd1: {  	[sflag:s17] =	ssyncset.done $0x0  }
0xd2: {  	s7 =	rddreg [dreg:$0xf];
	[sflag:s17] =	ssyncadd.s32 $0xFFFFF000  }
0xd3: {  	[spmem:s1] =	stream.indirect.scatter.add.f32 [tilespmem:s14], [sflag:$0x2], $0x20, s7, s12, $0xb8;
	[tilespmem:$0x1F080] =	vst v63  }
0xd4: {  	_ =	swait.ge [sflag:s10], $0x1000  }
0xd5: {  	[sflag:s10] =	ssyncset.done $0x0  }
0xd6: {  	s9 =	rddreg [dreg:$0x10];
	[sflag:s10] =	ssyncadd.s32 $0xFFFFF000  }
0xd7: {  	[tilespmem:s14], [sflag:$0x1] =	stream.indirect.gather [hbm4b:s20+s12], $0x20, s9, s12, $0xb8;
	[tilespmem:$0x1F080] =	vst v63  }
0xd8: {  	_ =	swait.ge [sflag:s17], $0x1000  }
0xd9: {  	[sflag:s17] =	ssyncset.done $0x0  }
0xda: {  	[sflag:s17] =	ssyncadd.s32 $0xFFFFF000  }
0xdb: {  	[spmem:s1] =	stream.indirect.scatter.add.f32 [tilespmem:s15], [sflag:$0x2], $0x20, s18, s12, $0xb8;
	[tilespmem:$0x1F080] =	vst v63  }
0xdc: {  	_ =	swait.ge [sflag:s10], $0x1000  }
0xdd: {  	[sflag:s10] =	ssyncset.done $0x0  }
0xde: {  	[sflag:s10] =	ssyncadd.s32 $0xFFFFF000  }
0xdf: {  	[tilespmem:s15], [sflag:$0x1] =	stream.indirect.gather [hbm4b:s20+s12], $0x20, s19, s12, $0xb8;
	[tilespmem:$0x1F080] =	vst v63  }
0xe0: {  	_ =	swait.ge [sflag:s17], $0x1000  }
0xe1: {  	[sflag:s17] =	ssyncset.done $0x0  }
0xe2: {  	[sflag:s17] =	ssyncadd.s32 $0xFFFFF000  }
0xe3: {  	[spmem:s1] =	stream.indirect.scatter.add.f32 [tilespmem:s16], [sflag:$0x2], $0x20, s8, s12, $0xb8;
	[tilespmem:$0x1F080] =	vst v63  }
0xe4: {  	_ =	swait.ge [sflag:s10], $0x1000  }
0xe5: {  	[sflag:s10] =	ssyncset.done $0x0  }
0xe6: {  	[sflag:s10] =	ssyncadd.s32 $0xFFFFF000  }
0xe7: {  	[tilespmem:s16], [sflag:$0x1] =	stream.indirect.gather [hbm4b:s20+s12], $0x20, s21, s12, $0xb8;
	[tilespmem:$0x1F080] =	vst v63  }
0xe8: {  	_ =	swait.ge [sflag:s17], $0x1000  }
0xe9: {  	[sflag:s17] =	ssyncset.done $0x0  }
0xea: {  	[sflag:s17] =	ssyncadd.s32 $0xFFFFF000  }
0xeb: {  	[spmem:s1] =	stream.indirect.scatter.add.f32 [tilespmem:s13], [sflag:$0x2], $0x20, s22, s12, $0xb8;
	[tilespmem:$0x1F080] =	vst v63  }
0xec: {  	_ =	swait.ge [sflag:s10], $0x1000  }
0xed: {  	[sflag:s10] =	ssyncset.done $0x0  }
0xee: {  	[sflag:s10] =	ssyncadd.s32 $0xFFFFF000  }
0xef: {  	[tilespmem:s13], [sflag:$0x1] =	stream.indirect.gather [hbm4b:s20+s12], $0x20, s23, s12, $0xb8;
	[tilespmem:$0x1F080] =	vst v63  }
0xf0: {  	_ =	swait.ge [sflag:s17], $0x1000  }
0xf1: {  	[sflag:s17] =	ssyncset.done $0x0  }
0xf2: {  	[sflag:s17] =	ssyncadd.s32 $0xFFFFF000  }
0xf3: {  	[spmem:s1] =	stream.indirect.scatter.add.f32 [tilespmem:s14], [sflag:$0x2], $0x20, s24, s12, $0xb8;
	[tilespmem:$0x1F080] =	vst v63  }
0xf4: {  	_ =	swait.ge [sflag:s10], $0x1000  }
0xf5: {  	[sflag:s10] =	ssyncset.done $0x0  }
0xf6: {  	[sflag:s10] =	ssyncadd.s32 $0xFFFFF000  }
0xf7: {  	[tilespmem:s14], [sflag:$0x1] =	stream.indirect.gather [hbm4b:s20+s12], $0x20, s25, s12, $0xb8;
	[tilespmem:$0x1F080] =	vst v63  }
0xf8: {  	_ =	swait.ge [sflag:s17], $0x1000  }
0xf9: {  	[sflag:s17] =	ssyncset.done $0x0  }
0xfa: {  	[sflag:s17] =	ssyncadd.s32 $0xFFFFF000  }
0xfb: {  	[spmem:s1] =	stream.indirect.scatter.add.f32 [tilespmem:s15], [sflag:$0x2], $0x20, s26, s12, $0xb8;
	[tilespmem:$0x1F080] =	vst v63  }
0xfc: {  	_ =	swait.ge [sflag:s10], $0x1000  }
0xfd: {  	[sflag:s10] =	ssyncset.done $0x0  }
0xfe: {  	[sflag:s10] =	ssyncadd.s32 $0xFFFFF000  }
0xff: {  	[tilespmem:s15], [sflag:$0x1] =	stream.indirect.gather [hbm4b:s20+s12], $0x20, s28, s12, $0xb8;
	[tilespmem:$0x1F080] =	vst v63  }
0x100: {  	_ =	swait.ge [sflag:s17], $0x1000  }
0x101: {  	[sflag:s17] =	ssyncset.done $0x0  }
0x102: {  	[sflag:s17] =	ssyncadd.s32 $0xFFFFF000  }
0x103: {  	[spmem:s1] =	stream.indirect.scatter.add.f32 [tilespmem:s16], [sflag:$0x2], $0x20, s29, s12, $0xb8;
	[tilespmem:$0x1F080] =	vst v63  }
0x104: {  	_ =	swait.ge [sflag:s10], $0x1000  }
0x105: {  	[sflag:s10] =	ssyncset.done $0x0  }
0x106: {  	[sflag:s10] =	ssyncadd.s32 $0xFFFFF000  }
0x107: {  	[tilespmem:s16], [sflag:$0x1] =	stream.indirect.gather [hbm4b:s20+s12], $0x20, s30, s12, $0xb8;
	[tilespmem:$0x1F080] =	vst v63  }
0x108: {  	_ =	swait.ge [sflag:s17], $0x1000  }
0x109: {  	[sflag:s17] =	ssyncset.done $0x0  }
0x10a: {  	[sflag:s17] =	ssyncadd.s32 $0xFFFFF000  }
0x10b: {  	[spmem:s1] =	stream.indirect.scatter.add.f32 [tilespmem:s13], [sflag:$0x2], $0x20, s31, s12, $0xb8;
	[tilespmem:$0x1F080] =	vst v63  }
0x10c: {  	_ =	swait.ge [sflag:s10], $0x1000  }
0x10d: {  	[sflag:s10] =	ssyncset.done $0x0  }
0x10e: {  	[sflag:s10] =	ssyncadd.s32 $0xFFFFF000  }
0x10f: {  	_ =	swait.ge [sflag:s17], $0x1000  }
0x110: {  	[sflag:s17] =	ssyncset.done $0x0  }
0x111: {  	[sflag:s17] =	ssyncadd.s32 $0xFFFFF000  }
0x112: {  	[spmem:s1] =	stream.indirect.scatter.add.f32 [tilespmem:s14], [sflag:$0x2], $0x20, s0, s12, $0xb8;
	[tilespmem:$0x1F080] =	vst v63  }
0x113: {  	_ =	swait.ge [sflag:s10], $0x1000  }
0x114: {  	[sflag:s10] =	ssyncset.done $0x0  }
0x115: {  	[sflag:s10] =	ssyncadd.s32 $0xFFFFF000  }
0x116: {  	_ =	swait.ge [sflag:s17], $0x1000  }
0x117: {  	[sflag:s17] =	ssyncset.done $0x0  }
0x118: {  	[sflag:s17] =	ssyncadd.s32 $0xFFFFF000  }
0x119: {  	[spmem:s1] =	stream.indirect.scatter.add.f32 [tilespmem:s15], [sflag:$0x2], $0x20, s3, s12, $0xb8;
	[tilespmem:$0x1F080] =	vst v63  }
0x11a: {  	_ =	swait.ge [sflag:s10], $0x1000  }
0x11b: {  	[sflag:s10] =	ssyncset.done $0x0  }
0x11c: {  	[sflag:s10] =	ssyncadd.s32 $0xFFFFF000  }
0x11d: {  	_ =	swait.ge [sflag:s17], $0x1000  }
0x11e: {  	[sflag:s17] =	ssyncset.done $0x0  }
0x11f: {  	[sflag:s17] =	ssyncadd.s32 $0xFFFFF000  }
0x120: {  	[spmem:s1] =	stream.indirect.scatter.add.f32 [tilespmem:s16], [sflag:$0x2], $0x20, s4, s12, $0xb8;
	[tilespmem:$0x1F080] =	vst v63  }
0x121: {  	s6 =	simm.s32 $0x100;
	_ =	swait.ge [sflag:s10], $0x1000  }
0x122: {  	s7 =	simm.s32 $0x200;
	s5 =	rddreg [dreg:$0x3];
	[sflag:s10] =	ssyncset.done $0x0  }
.LBB2_4:
0x123: {  	[sflag:s10] =	ssyncadd.s32 $0xFFFFF000;
	s5 =	sadd.s32 s6, s5  }
0x124: {  	[tilespmem:s2], [sflag:$0x2] =	stream.linear.gather [hbm4b:s5+s2], $0x800, $0x38;
	[tilespmem:$0x1F080] =	vst v63  }
0x125: {  	_ =	swait.ge [sflag:s10], $0x800  }
0x126: {  	[sflag:s10] =	ssyncset.done $0x0  }
0x127: {  	s5 =	sadd.s32 $0x32000, s5;
	[sflag:s10] =	ssyncadd.s32 $0xFFFFF800  }
0x128: {  	[tilespmem:s11], [sflag:$0x2] =	stream.linear.gather [hbm4b:s5+s2], $0x800, $0x38;
	[tilespmem:$0x1F080] =	vst v63  }
0x129: {  	_ =	swait.ge [sflag:s10], $0x800  }
0x12a: {  	[sflag:s10] =	ssyncset.done $0x0  }
0x12b: {  	[sflag:s10] =	ssyncadd.s32 $0xFFFFF800  }
0x12c: {  	[tilespmem:s13], [sflag:$0x1] =	stream.indirect.gather [hbm4b:s20+s12], $0x20, s2, s12, $0xb8;
	[tilespmem:$0x1F080] =	vst v63  }
0x12d: {  	_ = 	snop  }
0x12e: {  	[tilespmem:s14], [sflag:$0x1] =	stream.indirect.gather [hbm4b:s20+s12], $0x20, s12, s12, $0xb8;
	[tilespmem:$0x1F080] =	vst v63  }
0x12f: {  	s9 =	smov.u32 s7;
	s5 =	rddreg [dreg:$0x4]  }
0x130: {  	[tilespmem:s15], [sflag:$0x1] =	stream.indirect.gather [hbm4b:s20+s12], $0x20, s5, s12, $0xb8;
	[tilespmem:$0x1F080] =	vst v63  }
0x131: {  	s6 =	smov.u32 s9;
	s9 =	rddreg [dreg:$0x5]  }
0x132: {  	[tilespmem:s16], [sflag:$0x1] =	stream.indirect.gather [hbm4b:s20+s12], $0x20, s9, s12, $0xb8;
	[tilespmem:$0x1F080] =	vst v63  }
0x133: {  	_ =	swait.ge [sflag:s17], $0x1000  }
0x134: {  	[sflag:s17] =	ssyncset.done $0x0  }
0x135: {  	[sflag:s17] =	ssyncadd.s32 $0xFFFFF000  }
0x136: {  	[spmem:s1] =	stream.indirect.scatter.add.f32 [tilespmem:s13], [sflag:$0x2], $0x20, s11, s12, $0xb8;
	[tilespmem:$0x1F080] =	vst v63  }
0x137: {  	_ =	swait.ge [sflag:s10], $0x1000  }
0x138: {  	[sflag:s10] =	ssyncset.done $0x0  }
0x139: {  	s9 =	rddreg [dreg:$0x6];
	[sflag:s10] =	ssyncadd.s32 $0xFFFFF000  }
0x13a: {  	[tilespmem:s13], [sflag:$0x1] =	stream.indirect.gather [hbm4b:s20+s12], $0x20, s9, s12, $0xb8;
	[tilespmem:$0x1F080] =	vst v63  }
0x13b: {  	_ =	swait.ge [sflag:s17], $0x1000  }
0x13c: {  	[sflag:s17] =	ssyncset.done $0x0  }
0x13d: {  	s9 =	rddreg [dreg:$0x7];
	[sflag:s17] =	ssyncadd.s32 $0xFFFFF000  }
0x13e: {  	[spmem:s1] =	stream.indirect.scatter.add.f32 [tilespmem:s14], [sflag:$0x2], $0x20, s9, s12, $0xb8;
	[tilespmem:$0x1F080] =	vst v63  }
0x13f: {  	_ =	swait.ge [sflag:s10], $0x1000  }
0x140: {  	[sflag:s10] =	ssyncset.done $0x0  }
0x141: {  	s9 =	rddreg [dreg:$0x8];
	[sflag:s10] =	ssyncadd.s32 $0xFFFFF000  }
0x142: {  	[tilespmem:s14], [sflag:$0x1] =	stream.indirect.gather [hbm4b:s20+s12], $0x20, s9, s12, $0xb8;
	[tilespmem:$0x1F080] =	vst v63  }
0x143: {  	_ =	swait.ge [sflag:s17], $0x1000  }
0x144: {  	[sflag:s17] =	ssyncset.done $0x0  }
0x145: {  	s9 =	rddreg [dreg:$0x9];
	[sflag:s17] =	ssyncadd.s32 $0xFFFFF000  }
0x146: {  	[spmem:s1] =	stream.indirect.scatter.add.f32 [tilespmem:s15], [sflag:$0x2], $0x20, s9, s12, $0xb8;
	[tilespmem:$0x1F080] =	vst v63  }
0x147: {  	_ =	swait.ge [sflag:s10], $0x1000  }
0x148: {  	[sflag:s10] =	ssyncset.done $0x0  }
0x149: {  	s9 =	rddreg [dreg:$0xa];
	[sflag:s10] =	ssyncadd.s32 $0xFFFFF000  }
0x14a: {  	[tilespmem:s15], [sflag:$0x1] =	stream.indirect.gather [hbm4b:s20+s12], $0x20, s9, s12, $0xb8;
	[tilespmem:$0x1F080] =	vst v63  }
0x14b: {  	_ =	swait.ge [sflag:s17], $0x1000  }
0x14c: {  	[sflag:s17] =	ssyncset.done $0x0  }
0x14d: {  	s9 =	rddreg [dreg:$0xb];
	[sflag:s17] =	ssyncadd.s32 $0xFFFFF000  }
0x14e: {  	[spmem:s1] =	stream.indirect.scatter.add.f32 [tilespmem:s16], [sflag:$0x2], $0x20, s9, s12, $0xb8;
	[tilespmem:$0x1F080] =	vst v63  }
0x14f: {  	_ =	swait.ge [sflag:s10], $0x1000  }
0x150: {  	[sflag:s10] =	ssyncset.done $0x0  }
0x151: {  	s9 =	rddreg [dreg:$0xc];
	[sflag:s10] =	ssyncadd.s32 $0xFFFFF000  }
0x152: {  	[tilespmem:s16], [sflag:$0x1] =	stream.indirect.gather [hbm4b:s20+s12], $0x20, s9, s12, $0xb8;
	[tilespmem:$0x1F080] =	vst v63  }
0x153: {  	_ =	swait.ge [sflag:s17], $0x1000  }
0x154: {  	[sflag:s17] =	ssyncset.done $0x0  }
0x155: {  	s9 =	rddreg [dreg:$0xd];
	[sflag:s17] =	ssyncadd.s32 $0xFFFFF000  }
0x156: {  	[spmem:s1] =	stream.indirect.scatter.add.f32 [tilespmem:s13], [sflag:$0x2], $0x20, s9, s12, $0xb8;
	[tilespmem:$0x1F080] =	vst v63  }
0x157: {  	_ =	swait.ge [sflag:s10], $0x1000  }
0x158: {  	[sflag:s10] =	ssyncset.done $0x0  }
0x159: {  	s9 =	rddreg [dreg:$0xe];
	[sflag:s10] =	ssyncadd.s32 $0xFFFFF000  }
0x15a: {  	[tilespmem:s13], [sflag:$0x1] =	stream.indirect.gather [hbm4b:s20+s12], $0x20, s9, s12, $0xb8;
	[tilespmem:$0x1F080] =	vst v63  }
0x15b: {  	_ =	swait.ge [sflag:s17], $0x1000  }
0x15c: {  	[sflag:s17] =	ssyncset.done $0x0  }
0x15d: {  	s9 =	rddreg [dreg:$0xf];
	[sflag:s17] =	ssyncadd.s32 $0xFFFFF000  }
0x15e: {  	[spmem:s1] =	stream.indirect.scatter.add.f32 [tilespmem:s14], [sflag:$0x2], $0x20, s9, s12, $0xb8;
	[tilespmem:$0x1F080] =	vst v63  }
0x15f: {  	_ =	swait.ge [sflag:s10], $0x1000  }
0x160: {  	[sflag:s10] =	ssyncset.done $0x0  }
0x161: {  	s9 =	rddreg [dreg:$0x10];
	[sflag:s10] =	ssyncadd.s32 $0xFFFFF000  }
0x162: {  	[tilespmem:s14], [sflag:$0x1] =	stream.indirect.gather [hbm4b:s20+s12], $0x20, s9, s12, $0xb8;
	[tilespmem:$0x1F080] =	vst v63  }
0x163: {  	_ =	swait.ge [sflag:s17], $0x1000  }
0x164: {  	[sflag:s17] =	ssyncset.done $0x0  }
0x165: {  	[sflag:s17] =	ssyncadd.s32 $0xFFFFF000  }
0x166: {  	[spmem:s1] =	stream.indirect.scatter.add.f32 [tilespmem:s15], [sflag:$0x2], $0x20, s18, s12, $0xb8;
	[tilespmem:$0x1F080] =	vst v63  }
0x167: {  	_ =	swait.ge [sflag:s10], $0x1000  }
0x168: {  	[sflag:s10] =	ssyncset.done $0x0  }
0x169: {  	[sflag:s10] =	ssyncadd.s32 $0xFFFFF000  }
0x16a: {  	[tilespmem:s15], [sflag:$0x1] =	stream.indirect.gather [hbm4b:s20+s12], $0x20, s19, s12, $0xb8;
	[tilespmem:$0x1F080] =	vst v63  }
0x16b: {  	_ =	swait.ge [sflag:s17], $0x1000  }
0x16c: {  	[sflag:s17] =	ssyncset.done $0x0  }
0x16d: {  	[sflag:s17] =	ssyncadd.s32 $0xFFFFF000  }
0x16e: {  	[spmem:s1] =	stream.indirect.scatter.add.f32 [tilespmem:s16], [sflag:$0x2], $0x20, s8, s12, $0xb8;
	[tilespmem:$0x1F080] =	vst v63  }
0x16f: {  	_ =	swait.ge [sflag:s10], $0x1000  }
0x170: {  	[sflag:s10] =	ssyncset.done $0x0  }
0x171: {  	[sflag:s10] =	ssyncadd.s32 $0xFFFFF000  }
0x172: {  	[tilespmem:s16], [sflag:$0x1] =	stream.indirect.gather [hbm4b:s20+s12], $0x20, s21, s12, $0xb8;
	[tilespmem:$0x1F080] =	vst v63  }
0x173: {  	_ =	swait.ge [sflag:s17], $0x1000  }
0x174: {  	[sflag:s17] =	ssyncset.done $0x0  }
0x175: {  	[sflag:s17] =	ssyncadd.s32 $0xFFFFF000  }
0x176: {  	[spmem:s1] =	stream.indirect.scatter.add.f32 [tilespmem:s13], [sflag:$0x2], $0x20, s22, s12, $0xb8;
	[tilespmem:$0x1F080] =	vst v63  }
0x177: {  	_ =	swait.ge [sflag:s10], $0x1000  }
0x178: {  	[sflag:s10] =	ssyncset.done $0x0  }
0x179: {  	[sflag:s10] =	ssyncadd.s32 $0xFFFFF000  }
0x17a: {  	[tilespmem:s13], [sflag:$0x1] =	stream.indirect.gather [hbm4b:s20+s12], $0x20, s23, s12, $0xb8;
	[tilespmem:$0x1F080] =	vst v63  }
0x17b: {  	_ =	swait.ge [sflag:s17], $0x1000  }
0x17c: {  	[sflag:s17] =	ssyncset.done $0x0  }
0x17d: {  	[sflag:s17] =	ssyncadd.s32 $0xFFFFF000  }
0x17e: {  	[spmem:s1] =	stream.indirect.scatter.add.f32 [tilespmem:s14], [sflag:$0x2], $0x20, s24, s12, $0xb8;
	[tilespmem:$0x1F080] =	vst v63  }
0x17f: {  	_ =	swait.ge [sflag:s10], $0x1000  }
0x180: {  	[sflag:s10] =	ssyncset.done $0x0  }
0x181: {  	[sflag:s10] =	ssyncadd.s32 $0xFFFFF000  }
0x182: {  	[tilespmem:s14], [sflag:$0x1] =	stream.indirect.gather [hbm4b:s20+s12], $0x20, s25, s12, $0xb8;
	[tilespmem:$0x1F080] =	vst v63  }
0x183: {  	_ =	swait.ge [sflag:s17], $0x1000  }
0x184: {  	[sflag:s17] =	ssyncset.done $0x0  }
0x185: {  	[sflag:s17] =	ssyncadd.s32 $0xFFFFF000  }
0x186: {  	[spmem:s1] =	stream.indirect.scatter.add.f32 [tilespmem:s15], [sflag:$0x2], $0x20, s26, s12, $0xb8;
	[tilespmem:$0x1F080] =	vst v63  }
0x187: {  	_ =	swait.ge [sflag:s10], $0x1000  }
0x188: {  	[sflag:s10] =	ssyncset.done $0x0  }
0x189: {  	[sflag:s10] =	ssyncadd.s32 $0xFFFFF000  }
0x18a: {  	[tilespmem:s15], [sflag:$0x1] =	stream.indirect.gather [hbm4b:s20+s12], $0x20, s28, s12, $0xb8;
	[tilespmem:$0x1F080] =	vst v63  }
0x18b: {  	_ =	swait.ge [sflag:s17], $0x1000  }
0x18c: {  	[sflag:s17] =	ssyncset.done $0x0  }
0x18d: {  	[sflag:s17] =	ssyncadd.s32 $0xFFFFF000  }
0x18e: {  	[spmem:s1] =	stream.indirect.scatter.add.f32 [tilespmem:s16], [sflag:$0x2], $0x20, s29, s12, $0xb8;
	[tilespmem:$0x1F080] =	vst v63  }
0x18f: {  	_ =	swait.ge [sflag:s10], $0x1000  }
0x190: {  	[sflag:s10] =	ssyncset.done $0x0  }
0x191: {  	[sflag:s10] =	ssyncadd.s32 $0xFFFFF000  }
0x192: {  	[tilespmem:s16], [sflag:$0x1] =	stream.indirect.gather [hbm4b:s20+s12], $0x20, s30, s12, $0xb8;
	[tilespmem:$0x1F080] =	vst v63  }
0x193: {  	_ =	swait.ge [sflag:s17], $0x1000  }
0x194: {  	[sflag:s17] =	ssyncset.done $0x0  }
0x195: {  	[sflag:s17] =	ssyncadd.s32 $0xFFFFF000  }
0x196: {  	[spmem:s1] =	stream.indirect.scatter.add.f32 [tilespmem:s13], [sflag:$0x2], $0x20, s31, s12, $0xb8;
	[tilespmem:$0x1F080] =	vst v63  }
0x197: {  	_ =	swait.ge [sflag:s10], $0x1000  }
0x198: {  	[sflag:s10] =	ssyncset.done $0x0  }
0x199: {  	[sflag:s10] =	ssyncadd.s32 $0xFFFFF000  }
0x19a: {  	_ =	swait.ge [sflag:s17], $0x1000  }
0x19b: {  	[sflag:s17] =	ssyncset.done $0x0  }
0x19c: {  	[sflag:s17] =	ssyncadd.s32 $0xFFFFF000  }
0x19d: {  	[spmem:s1] =	stream.indirect.scatter.add.f32 [tilespmem:s14], [sflag:$0x2], $0x20, s0, s12, $0xb8;
	[tilespmem:$0x1F080] =	vst v63  }
0x19e: {  	_ =	swait.ge [sflag:s10], $0x1000  }
0x19f: {  	[sflag:s10] =	ssyncset.done $0x0  }
0x1a0: {  	[sflag:s10] =	ssyncadd.s32 $0xFFFFF000  }
0x1a1: {  	_ =	swait.ge [sflag:s17], $0x1000  }
0x1a2: {  	[sflag:s17] =	ssyncset.done $0x0  }
0x1a3: {  	[sflag:s17] =	ssyncadd.s32 $0xFFFFF000  }
0x1a4: {  	[spmem:s1] =	stream.indirect.scatter.add.f32 [tilespmem:s15], [sflag:$0x2], $0x20, s3, s12, $0xb8;
	[tilespmem:$0x1F080] =	vst v63  }
0x1a5: {  	_ =	swait.ge [sflag:s10], $0x1000  }
0x1a6: {  	[sflag:s10] =	ssyncset.done $0x0  }
0x1a7: {  	[sflag:s10] =	ssyncadd.s32 $0xFFFFF000  }
0x1a8: {  	p0 =	sne.s32 s7, $0x1800;
	_ =	swait.ge [sflag:s17], $0x1000  }
.Ltmp1:
0x1a9: {  	[sflag:s17] =	ssyncset.done $0x0;
	(pc) =	sbr.rel @p0 .LBB2_4-.Ltmp1, $4  }
0x1aa: {  	[sflag:s17] =	ssyncadd.s32 $0xFFFFF000  }
0x1ab: {  	[spmem:s1] =	stream.indirect.scatter.add.f32 [tilespmem:s16], [sflag:$0x2], $0x20, s4, s12, $0xb8;
	[tilespmem:$0x1F080] =	vst v63  }
0x1ac: {  	_ =	swait.ge [sflag:s10], $0x1000  }
0x1ad: {  	s7 =	sadd.s32 $0x100, s7;
	s5 =	rddreg [dreg:$0x3];
	[sflag:s10] =	ssyncset.done $0x0  }
0x1ae: {  	[sflag:s10] =	ssyncadd.s32 $0xFFFFF000;
	s5 =	sadd.s32 s6, s5  }
0x1af: {  	[tilespmem:s2], [sflag:$0x2] =	stream.linear.gather [hbm4b:s5+s2], $0x800, $0x38;
	[tilespmem:$0x1F080] =	vst v63  }
0x1b0: {  	_ =	swait.ge [sflag:s10], $0x800  }
0x1b1: {  	[sflag:s10] =	ssyncset.done $0x0  }
0x1b2: {  	s5 =	sadd.s32 $0x32000, s5;
	[sflag:s10] =	ssyncadd.s32 $0xFFFFF800  }
0x1b3: {  	[tilespmem:s11], [sflag:$0x2] =	stream.linear.gather [hbm4b:s5+s2], $0x800, $0x38;
	[tilespmem:$0x1F080] =	vst v63  }
0x1b4: {  	_ =	swait.ge [sflag:s10], $0x800  }
0x1b5: {  	[sflag:s10] =	ssyncset.done $0x0  }
0x1b6: {  	[sflag:s10] =	ssyncadd.s32 $0xFFFFF800  }
0x1b7: {  	[tilespmem:s13], [sflag:$0x1] =	stream.indirect.gather [hbm4b:s20+s12], $0x20, s2, s12, $0xb8;
	[tilespmem:$0x1F080] =	vst v63  }
0x1b8: {  	_ = 	snop  }
0x1b9: {  	[tilespmem:s14], [sflag:$0x1] =	stream.indirect.gather [hbm4b:s20+s12], $0x20, s12, s12, $0xb8;
	[tilespmem:$0x1F080] =	vst v63  }
0x1ba: {  	s6 =	rddreg [dreg:$0x4]  }
0x1bb: {  	[tilespmem:s15], [sflag:$0x1] =	stream.indirect.gather [hbm4b:s20+s12], $0x20, s6, s12, $0xb8;
	[tilespmem:$0x1F080] =	vst v63  }
0x1bc: {  	s7 =	rddreg [dreg:$0x5]  }
0x1bd: {  	[tilespmem:s16], [sflag:$0x1] =	stream.indirect.gather [hbm4b:s20+s12], $0x20, s7, s12, $0xb8;
	[tilespmem:$0x1F080] =	vst v63  }
0x1be: {  	_ =	swait.ge [sflag:s17], $0x1000  }
0x1bf: {  	[sflag:s17] =	ssyncset.done $0x0  }
0x1c0: {  	[sflag:s17] =	ssyncadd.s32 $0xFFFFF000  }
0x1c1: {  	[spmem:s1] =	stream.indirect.scatter.add.f32 [tilespmem:s13], [sflag:$0x2], $0x20, s11, s12, $0xb8;
	[tilespmem:$0x1F080] =	vst v63  }
0x1c2: {  	_ =	swait.ge [sflag:s10], $0x1000  }
0x1c3: {  	[sflag:s10] =	ssyncset.done $0x0  }
0x1c4: {  	s9 =	rddreg [dreg:$0x6];
	[sflag:s10] =	ssyncadd.s32 $0xFFFFF000  }
0x1c5: {  	[tilespmem:s13], [sflag:$0x1] =	stream.indirect.gather [hbm4b:s20+s12], $0x20, s9, s12, $0xb8;
	[tilespmem:$0x1F080] =	vst v63  }
0x1c6: {  	_ =	swait.ge [sflag:s17], $0x1000  }
0x1c7: {  	[sflag:s17] =	ssyncset.done $0x0  }
0x1c8: {  	s6 =	rddreg [dreg:$0x7];
	[sflag:s17] =	ssyncadd.s32 $0xFFFFF000  }
0x1c9: {  	[spmem:s1] =	stream.indirect.scatter.add.f32 [tilespmem:s14], [sflag:$0x2], $0x20, s6, s12, $0xb8;
	[tilespmem:$0x1F080] =	vst v63  }
0x1ca: {  	_ =	swait.ge [sflag:s10], $0x1000  }
0x1cb: {  	[sflag:s10] =	ssyncset.done $0x0  }
0x1cc: {  	s7 =	rddreg [dreg:$0x8];
	[sflag:s10] =	ssyncadd.s32 $0xFFFFF000  }
0x1cd: {  	[tilespmem:s14], [sflag:$0x1] =	stream.indirect.gather [hbm4b:s20+s12], $0x20, s7, s12, $0xb8;
	[tilespmem:$0x1F080] =	vst v63  }
0x1ce: {  	_ =	swait.ge [sflag:s17], $0x1000  }
0x1cf: {  	[sflag:s17] =	ssyncset.done $0x0  }
0x1d0: {  	s9 =	rddreg [dreg:$0x9];
	[sflag:s17] =	ssyncadd.s32 $0xFFFFF000  }
0x1d1: {  	[spmem:s1] =	stream.indirect.scatter.add.f32 [tilespmem:s15], [sflag:$0x2], $0x20, s9, s12, $0xb8;
	[tilespmem:$0x1F080] =	vst v63  }
0x1d2: {  	_ =	swait.ge [sflag:s10], $0x1000  }
0x1d3: {  	[sflag:s10] =	ssyncset.done $0x0  }
0x1d4: {  	s6 =	rddreg [dreg:$0xa];
	[sflag:s10] =	ssyncadd.s32 $0xFFFFF000  }
0x1d5: {  	[tilespmem:s15], [sflag:$0x1] =	stream.indirect.gather [hbm4b:s20+s12], $0x20, s6, s12, $0xb8;
	[tilespmem:$0x1F080] =	vst v63  }
0x1d6: {  	_ =	swait.ge [sflag:s17], $0x1000  }
0x1d7: {  	[sflag:s17] =	ssyncset.done $0x0  }
0x1d8: {  	s7 =	rddreg [dreg:$0xb];
	[sflag:s17] =	ssyncadd.s32 $0xFFFFF000  }
0x1d9: {  	[spmem:s1] =	stream.indirect.scatter.add.f32 [tilespmem:s16], [sflag:$0x2], $0x20, s7, s12, $0xb8;
	[tilespmem:$0x1F080] =	vst v63  }
0x1da: {  	_ =	swait.ge [sflag:s10], $0x1000  }
0x1db: {  	[sflag:s10] =	ssyncset.done $0x0  }
0x1dc: {  	s9 =	rddreg [dreg:$0xc];
	[sflag:s10] =	ssyncadd.s32 $0xFFFFF000  }
0x1dd: {  	[tilespmem:s16], [sflag:$0x1] =	stream.indirect.gather [hbm4b:s20+s12], $0x20, s9, s12, $0xb8;
	[tilespmem:$0x1F080] =	vst v63  }
0x1de: {  	_ =	swait.ge [sflag:s17], $0x1000  }
0x1df: {  	[sflag:s17] =	ssyncset.done $0x0  }
0x1e0: {  	s6 =	rddreg [dreg:$0xd];
	[sflag:s17] =	ssyncadd.s32 $0xFFFFF000  }
0x1e1: {  	[spmem:s1] =	stream.indirect.scatter.add.f32 [tilespmem:s13], [sflag:$0x2], $0x20, s6, s12, $0xb8;
	[tilespmem:$0x1F080] =	vst v63  }
0x1e2: {  	_ =	swait.ge [sflag:s10], $0x1000  }
0x1e3: {  	[sflag:s10] =	ssyncset.done $0x0  }
0x1e4: {  	s7 =	rddreg [dreg:$0xe];
	[sflag:s10] =	ssyncadd.s32 $0xFFFFF000  }
0x1e5: {  	[tilespmem:s13], [sflag:$0x1] =	stream.indirect.gather [hbm4b:s20+s12], $0x20, s7, s12, $0xb8;
	[tilespmem:$0x1F080] =	vst v63  }
0x1e6: {  	_ =	swait.ge [sflag:s17], $0x1000  }
0x1e7: {  	[sflag:s17] =	ssyncset.done $0x0  }
0x1e8: {  	s9 =	rddreg [dreg:$0xf];
	[sflag:s17] =	ssyncadd.s32 $0xFFFFF000  }
0x1e9: {  	[spmem:s1] =	stream.indirect.scatter.add.f32 [tilespmem:s14], [sflag:$0x2], $0x20, s9, s12, $0xb8;
	[tilespmem:$0x1F080] =	vst v63  }
0x1ea: {  	_ =	swait.ge [sflag:s10], $0x1000  }
0x1eb: {  	[sflag:s10] =	ssyncset.done $0x0  }
0x1ec: {  	s6 =	rddreg [dreg:$0x10];
	[sflag:s10] =	ssyncadd.s32 $0xFFFFF000  }
0x1ed: {  	[tilespmem:s14], [sflag:$0x1] =	stream.indirect.gather [hbm4b:s20+s12], $0x20, s6, s12, $0xb8;
	[tilespmem:$0x1F080] =	vst v63  }
0x1ee: {  	_ =	swait.ge [sflag:s17], $0x1000  }
0x1ef: {  	[sflag:s17] =	ssyncset.done $0x0  }
0x1f0: {  	[sflag:s17] =	ssyncadd.s32 $0xFFFFF000  }
0x1f1: {  	[spmem:s1] =	stream.indirect.scatter.add.f32 [tilespmem:s15], [sflag:$0x2], $0x20, s18, s12, $0xb8;
	[tilespmem:$0x1F080] =	vst v63  }
0x1f2: {  	_ =	swait.ge [sflag:s10], $0x1000  }
0x1f3: {  	[sflag:s10] =	ssyncset.done $0x0  }
0x1f4: {  	[sflag:s10] =	ssyncadd.s32 $0xFFFFF000  }
0x1f5: {  	[tilespmem:s15], [sflag:$0x1] =	stream.indirect.gather [hbm4b:s20+s12], $0x20, s19, s12, $0xb8;
	[tilespmem:$0x1F080] =	vst v63  }
0x1f6: {  	_ =	swait.ge [sflag:s17], $0x1000  }
0x1f7: {  	[sflag:s17] =	ssyncset.done $0x0  }
0x1f8: {  	[sflag:s17] =	ssyncadd.s32 $0xFFFFF000  }
0x1f9: {  	[spmem:s1] =	stream.indirect.scatter.add.f32 [tilespmem:s16], [sflag:$0x2], $0x20, s8, s12, $0xb8;
	[tilespmem:$0x1F080] =	vst v63  }
0x1fa: {  	_ =	swait.ge [sflag:s10], $0x1000  }
0x1fb: {  	[sflag:s10] =	ssyncset.done $0x0  }
0x1fc: {  	[sflag:s10] =	ssyncadd.s32 $0xFFFFF000  }
0x1fd: {  	[tilespmem:s16], [sflag:$0x1] =	stream.indirect.gather [hbm4b:s20+s12], $0x20, s21, s12, $0xb8;
	[tilespmem:$0x1F080] =	vst v63  }
0x1fe: {  	_ =	swait.ge [sflag:s17], $0x1000  }
0x1ff: {  	[sflag:s17] =	ssyncset.done $0x0  }
0x200: {  	[sflag:s17] =	ssyncadd.s32 $0xFFFFF000  }
0x201: {  	[spmem:s1] =	stream.indirect.scatter.add.f32 [tilespmem:s13], [sflag:$0x2], $0x20, s22, s12, $0xb8;
	[tilespmem:$0x1F080] =	vst v63  }
0x202: {  	_ =	swait.ge [sflag:s10], $0x1000  }
0x203: {  	[sflag:s10] =	ssyncset.done $0x0  }
0x204: {  	[sflag:s10] =	ssyncadd.s32 $0xFFFFF000  }
0x205: {  	[tilespmem:s13], [sflag:$0x1] =	stream.indirect.gather [hbm4b:s20+s12], $0x20, s23, s12, $0xb8;
	[tilespmem:$0x1F080] =	vst v63  }
0x206: {  	_ =	swait.ge [sflag:s17], $0x1000  }
0x207: {  	[sflag:s17] =	ssyncset.done $0x0  }
0x208: {  	[sflag:s17] =	ssyncadd.s32 $0xFFFFF000  }
0x209: {  	[spmem:s1] =	stream.indirect.scatter.add.f32 [tilespmem:s14], [sflag:$0x2], $0x20, s24, s12, $0xb8;
	[tilespmem:$0x1F080] =	vst v63  }
0x20a: {  	_ =	swait.ge [sflag:s10], $0x1000  }
0x20b: {  	[sflag:s10] =	ssyncset.done $0x0  }
0x20c: {  	[sflag:s10] =	ssyncadd.s32 $0xFFFFF000  }
0x20d: {  	[tilespmem:s14], [sflag:$0x1] =	stream.indirect.gather [hbm4b:s20+s12], $0x20, s25, s12, $0xb8;
	[tilespmem:$0x1F080] =	vst v63  }
0x20e: {  	_ =	swait.ge [sflag:s17], $0x1000  }
0x20f: {  	[sflag:s17] =	ssyncset.done $0x0  }
0x210: {  	[sflag:s17] =	ssyncadd.s32 $0xFFFFF000  }
0x211: {  	[spmem:s1] =	stream.indirect.scatter.add.f32 [tilespmem:s15], [sflag:$0x2], $0x20, s26, s12, $0xb8;
	[tilespmem:$0x1F080] =	vst v63  }
0x212: {  	_ =	swait.ge [sflag:s10], $0x1000  }
0x213: {  	[sflag:s10] =	ssyncset.done $0x0  }
0x214: {  	[sflag:s10] =	ssyncadd.s32 $0xFFFFF000  }
0x215: {  	[tilespmem:s15], [sflag:$0x1] =	stream.indirect.gather [hbm4b:s20+s12], $0x20, s28, s12, $0xb8;
	[tilespmem:$0x1F080] =	vst v63  }
0x216: {  	_ =	swait.ge [sflag:s17], $0x1000  }
0x217: {  	[sflag:s17] =	ssyncset.done $0x0  }
0x218: {  	[sflag:s17] =	ssyncadd.s32 $0xFFFFF000  }
0x219: {  	[spmem:s1] =	stream.indirect.scatter.add.f32 [tilespmem:s16], [sflag:$0x2], $0x20, s29, s12, $0xb8;
	[tilespmem:$0x1F080] =	vst v63  }
0x21a: {  	_ =	swait.ge [sflag:s10], $0x1000  }
0x21b: {  	[sflag:s10] =	ssyncset.done $0x0  }
0x21c: {  	[sflag:s10] =	ssyncadd.s32 $0xFFFFF000  }
0x21d: {  	[tilespmem:s16], [sflag:$0x1] =	stream.indirect.gather [hbm4b:s20+s12], $0x20, s30, s12, $0xb8;
	[tilespmem:$0x1F080] =	vst v63  }
0x21e: {  	_ =	swait.ge [sflag:s17], $0x1000  }
0x21f: {  	[sflag:s17] =	ssyncset.done $0x0  }
0x220: {  	[sflag:s17] =	ssyncadd.s32 $0xFFFFF000  }
0x221: {  	[spmem:s1] =	stream.indirect.scatter.add.f32 [tilespmem:s13], [sflag:$0x2], $0x20, s31, s12, $0xb8;
	[tilespmem:$0x1F080] =	vst v63  }
0x222: {  	_ =	swait.ge [sflag:s10], $0x1000  }
0x223: {  	[sflag:s10] =	ssyncset.done $0x0  }
0x224: {  	[sflag:s10] =	ssyncadd.s32 $0xFFFFF000  }
0x225: {  	_ =	swait.ge [sflag:s17], $0x1000  }
0x226: {  	[sflag:s17] =	ssyncset.done $0x0  }
0x227: {  	[sflag:s17] =	ssyncadd.s32 $0xFFFFF000  }
0x228: {  	[spmem:s1] =	stream.indirect.scatter.add.f32 [tilespmem:s14], [sflag:$0x2], $0x20, s0, s12, $0xb8;
	[tilespmem:$0x1F080] =	vst v63  }
0x229: {  	_ =	swait.ge [sflag:s10], $0x1000  }
0x22a: {  	[sflag:s10] =	ssyncset.done $0x0  }
0x22b: {  	[sflag:s10] =	ssyncadd.s32 $0xFFFFF000  }
0x22c: {  	_ =	swait.ge [sflag:s17], $0x1000  }
0x22d: {  	[sflag:s17] =	ssyncset.done $0x0  }
0x22e: {  	[sflag:s17] =	ssyncadd.s32 $0xFFFFF000  }
0x22f: {  	[spmem:s1] =	stream.indirect.scatter.add.f32 [tilespmem:s15], [sflag:$0x2], $0x20, s3, s12, $0xb8;
	[tilespmem:$0x1F080] =	vst v63  }
0x230: {  	_ =	swait.ge [sflag:s10], $0x1000  }
0x231: {  	[sflag:s10] =	ssyncset.done $0x0  }
0x232: {  	[sflag:s10] =	ssyncadd.s32 $0xFFFFF000  }
0x233: {  	_ =	swait.ge [sflag:s17], $0x1000  }
0x234: {  	[sflag:s17] =	ssyncset.done $0x0  }
0x235: {  	[sflag:s17] =	ssyncadd.s32 $0xFFFFF000  }
0x236: {  	[spmem:s1] =	stream.indirect.scatter.add.f32 [tilespmem:s16], [sflag:$0x2], $0x20, s4, s12, $0xb8;
	[tilespmem:$0x1F080] =	vst v63  }
0x237: {  	_ =	swait.ge [sflag:s10], $0x1000  }
0x238: {  	[sflag:s10] =	ssyncset.done $0x0  }
0x239: {  	[sflag:s10] =	ssyncadd.s32 $0xFFFFF000  }
0x23a: {  	[bflag:$0x0] =	sbarrier.arrive $0xFFFF  }
0x23b: {  	s7 =	sld [smem:$0x7ED];
	_ =	sdelay $0x1  }
0x23c: {  	s6 =	simm.s32 $0x5000  }
0x23d: {  	[tilespmem:s6], [sflag:$0x2] =	stream.linear.gather [spmem:s7], $0x1880, $0x38;
	[tilespmem:$0x1F080] =	vst v63  }
0x23e: {  	_ =	swait.ge [sflag:s10], $0x1880  }
0x23f: {  	[sflag:s10] =	ssyncset.done $0x0  }
0x240: {  	s9 =	rddreg [dreg:$0x11];
	[sflag:s10] =	ssyncadd.s32 $0xFFFFE780  }
0x241: {  	[hbm4b:s9+s2] =	stream.linear.scatter [tilespmem:s6], [sflag:$0x2], $0x1880, $0x38;
	[tilespmem:$0x1F080] =	vst v63  }
0x242: {  	_ =	swait.ge [sflag:s10], $0x1880  }
0x243: {  	s7 =	sld [smem:$0x7EE]  }
0x244: {  	[sflag:s10] =	ssyncset.done $0x0  }
0x245: {  	[sflag:s10] =	ssyncadd.s32 $0xFFFFE780  }
0x246: {  	[tilespmem:s6], [sflag:$0x2] =	stream.linear.gather [spmem:s7], $0x1880, $0x38;
	[tilespmem:$0x1F080] =	vst v63  }
0x247: {  	_ =	swait.ge [sflag:s10], $0x1880  }
0x248: {  	[sflag:s10] =	ssyncset.done $0x0  }
0x249: {  	s9 =	rddreg [dreg:$0x12];
	[sflag:s10] =	ssyncadd.s32 $0xFFFFE780  }
0x24a: {  	[hbm4b:s9+s2] =	stream.linear.scatter [tilespmem:s6], [sflag:$0x2], $0x1880, $0x38;
	[tilespmem:$0x1F080] =	vst v63  }
0x24b: {  	_ =	swait.ge [sflag:s10], $0x1880  }
0x24c: {  	s7 =	sld [smem:$0x7EF]  }
0x24d: {  	[sflag:s10] =	ssyncset.done $0x0  }
0x24e: {  	[sflag:s10] =	ssyncadd.s32 $0xFFFFE780  }
0x24f: {  	[tilespmem:s6], [sflag:$0x2] =	stream.linear.gather [spmem:s7], $0x1880, $0x38;
	[tilespmem:$0x1F080] =	vst v63  }
0x250: {  	_ =	swait.ge [sflag:s10], $0x1880  }
0x251: {  	[sflag:s10] =	ssyncset.done $0x0  }
0x252: {  	s9 =	rddreg [dreg:$0x13];
	[sflag:s10] =	ssyncadd.s32 $0xFFFFE780  }
0x253: {  	[hbm4b:s9+s2] =	stream.linear.scatter [tilespmem:s6], [sflag:$0x2], $0x1880, $0x38;
	[tilespmem:$0x1F080] =	vst v63  }
0x254: {  	_ =	swait.ge [sflag:s10], $0x1880  }
0x255: {  	s7 =	sld [smem:$0x7F0]  }
0x256: {  	[sflag:s10] =	ssyncset.done $0x0  }
0x257: {  	[sflag:s10] =	ssyncadd.s32 $0xFFFFE780  }
0x258: {  	[tilespmem:s6], [sflag:$0x2] =	stream.linear.gather [spmem:s7], $0x1880, $0x38;
	[tilespmem:$0x1F080] =	vst v63  }
0x259: {  	_ =	swait.ge [sflag:s10], $0x1880  }
0x25a: {  	[sflag:s10] =	ssyncset.done $0x0  }
0x25b: {  	s9 =	rddreg [dreg:$0x14];
	[sflag:s10] =	ssyncadd.s32 $0xFFFFE780  }
0x25c: {  	[hbm4b:s9+s2] =	stream.linear.scatter [tilespmem:s6], [sflag:$0x2], $0x1880, $0x38;
	[tilespmem:$0x1F080] =	vst v63  }
0x25d: {  	_ =	swait.ge [sflag:s10], $0x1880  }
0x25e: {  	s7 =	sld [smem:$0x7F1]  }
0x25f: {  	[sflag:s10] =	ssyncset.done $0x0  }
0x260: {  	[sflag:s10] =	ssyncadd.s32 $0xFFFFE780  }
0x261: {  	[tilespmem:s6], [sflag:$0x2] =	stream.linear.gather [spmem:s7], $0x1880, $0x38;
	[tilespmem:$0x1F080] =	vst v63  }
0x262: {  	_ =	swait.ge [sflag:s10], $0x1880  }
0x263: {  	[sflag:s10] =	ssyncset.done $0x0  }
0x264: {  	s9 =	rddreg [dreg:$0x15];
	[sflag:s10] =	ssyncadd.s32 $0xFFFFE780  }
0x265: {  	[hbm4b:s9+s2] =	stream.linear.scatter [tilespmem:s6], [sflag:$0x2], $0x1880, $0x38;
	[tilespmem:$0x1F080] =	vst v63  }
0x266: {  	_ =	swait.ge [sflag:s10], $0x1880  }
0x267: {  	s9 =	sld [smem:$0x7FD]  }
0x268: {  	[sflag:s10] =	ssyncset.done $0x0  }
0x269: {  	[sflag:s10] =	ssyncadd.s32 $0xFFFFE780  }
0x26a: {  	[tilespmem:s6], [sflag:$0x2] =	stream.linear.gather [spmem:s9], $0x1880, $0x38;
	[tilespmem:$0x1F080] =	vst v63  }
0x26b: {  	_ =	swait.ge [sflag:s10], $0x1880  }
0x26c: {  	[sflag:s10] =	ssyncset.done $0x0  }
0x26d: {  	s7 =	rddreg [dreg:$0x16];
	[sflag:s10] =	ssyncadd.s32 $0xFFFFE780  }
0x26e: {  	[hbm4b:s7+s2] =	stream.linear.scatter [tilespmem:s6], [sflag:$0x2], $0x1880, $0x38;
	[tilespmem:$0x1F080] =	vst v63  }
0x26f: {  	_ =	swait.ge [sflag:s10], $0x1880  }
0x270: {  	s7 =	sld [smem:$0x7F2]  }
0x271: {  	[sflag:s10] =	ssyncset.done $0x0  }
0x272: {  	[sflag:s10] =	ssyncadd.s32 $0xFFFFE780  }
0x273: {  	[tilespmem:s6], [sflag:$0x2] =	stream.linear.gather [spmem:s7], $0x1880, $0x38;
	[tilespmem:$0x1F080] =	vst v63  }
0x274: {  	_ =	swait.ge [sflag:s10], $0x1880  }
0x275: {  	[sflag:s10] =	ssyncset.done $0x0  }
0x276: {  	s7 =	rddreg [dreg:$0x17];
	[sflag:s10] =	ssyncadd.s32 $0xFFFFE780  }
0x277: {  	[hbm4b:s7+s2] =	stream.linear.scatter [tilespmem:s6], [sflag:$0x2], $0x1880, $0x38;
	[tilespmem:$0x1F080] =	vst v63  }
0x278: {  	_ =	swait.ge [sflag:s10], $0x1880  }
0x279: {  	s7 =	sld [smem:$0x7F3]  }
0x27a: {  	[sflag:s10] =	ssyncset.done $0x0  }
0x27b: {  	[sflag:s10] =	ssyncadd.s32 $0xFFFFE780  }
0x27c: {  	[tilespmem:s6], [sflag:$0x2] =	stream.linear.gather [spmem:s7], $0x1880, $0x38;
	[tilespmem:$0x1F080] =	vst v63  }
0x27d: {  	_ =	swait.ge [sflag:s10], $0x1880  }
0x27e: {  	[sflag:s10] =	ssyncset.done $0x0  }
0x27f: {  	s7 =	rddreg [dreg:$0x18];
	[sflag:s10] =	ssyncadd.s32 $0xFFFFE780  }
0x280: {  	[hbm4b:s7+s2] =	stream.linear.scatter [tilespmem:s6], [sflag:$0x2], $0x1880, $0x38;
	[tilespmem:$0x1F080] =	vst v63  }
0x281: {  	_ =	swait.ge [sflag:s10], $0x1880  }
0x282: {  	s7 =	sld [smem:$0x7F4]  }
0x283: {  	[sflag:s10] =	ssyncset.done $0x0  }
0x284: {  	[sflag:s10] =	ssyncadd.s32 $0xFFFFE780  }
0x285: {  	[tilespmem:s6], [sflag:$0x2] =	stream.linear.gather [spmem:s7], $0x1880, $0x38;
	[tilespmem:$0x1F080] =	vst v63  }
0x286: {  	_ =	swait.ge [sflag:s10], $0x1880  }
0x287: {  	[sflag:s10] =	ssyncset.done $0x0  }
0x288: {  	s7 =	rddreg [dreg:$0x19];
	[sflag:s10] =	ssyncadd.s32 $0xFFFFE780  }
0x289: {  	[hbm4b:s7+s2] =	stream.linear.scatter [tilespmem:s6], [sflag:$0x2], $0x1880, $0x38;
	[tilespmem:$0x1F080] =	vst v63  }
0x28a: {  	_ =	swait.ge [sflag:s10], $0x1880  }
0x28b: {  	s7 =	sld [smem:$0x7F5]  }
0x28c: {  	[sflag:s10] =	ssyncset.done $0x0  }
0x28d: {  	[sflag:s10] =	ssyncadd.s32 $0xFFFFE780  }
0x28e: {  	[tilespmem:s6], [sflag:$0x2] =	stream.linear.gather [spmem:s7], $0x1880, $0x38;
	[tilespmem:$0x1F080] =	vst v63  }
0x28f: {  	_ =	swait.ge [sflag:s10], $0x1880  }
0x290: {  	[sflag:s10] =	ssyncset.done $0x0  }
0x291: {  	s7 =	rddreg [dreg:$0x1a];
	[sflag:s10] =	ssyncadd.s32 $0xFFFFE780  }
0x292: {  	[hbm4b:s7+s2] =	stream.linear.scatter [tilespmem:s6], [sflag:$0x2], $0x1880, $0x38;
	[tilespmem:$0x1F080] =	vst v63  }
0x293: {  	_ =	swait.ge [sflag:s10], $0x1880  }
0x294: {  	s7 =	sld [smem:$0x7F6]  }
0x295: {  	[sflag:s10] =	ssyncset.done $0x0  }
0x296: {  	[sflag:s10] =	ssyncadd.s32 $0xFFFFE780  }
0x297: {  	[tilespmem:s6], [sflag:$0x2] =	stream.linear.gather [spmem:s7], $0x1880, $0x38;
	[tilespmem:$0x1F080] =	vst v63  }
0x298: {  	_ =	swait.ge [sflag:s10], $0x1880  }
0x299: {  	[sflag:s10] =	ssyncset.done $0x0  }
0x29a: {  	s7 =	rddreg [dreg:$0x1b];
	[sflag:s10] =	ssyncadd.s32 $0xFFFFE780  }
0x29b: {  	[hbm4b:s7+s2] =	stream.linear.scatter [tilespmem:s6], [sflag:$0x2], $0x1880, $0x38;
	[tilespmem:$0x1F080] =	vst v63  }
0x29c: {  	_ =	swait.ge [sflag:s10], $0x1880  }
0x29d: {  	s7 =	sld [smem:$0x7F7]  }
0x29e: {  	[sflag:s10] =	ssyncset.done $0x0  }
0x29f: {  	[sflag:s10] =	ssyncadd.s32 $0xFFFFE780  }
0x2a0: {  	[tilespmem:s6], [sflag:$0x2] =	stream.linear.gather [spmem:s7], $0x1880, $0x38;
	[tilespmem:$0x1F080] =	vst v63  }
0x2a1: {  	_ =	swait.ge [sflag:s10], $0x1880  }
0x2a2: {  	[sflag:s10] =	ssyncset.done $0x0  }
0x2a3: {  	s7 =	rddreg [dreg:$0x1c];
	[sflag:s10] =	ssyncadd.s32 $0xFFFFE780  }
0x2a4: {  	[hbm4b:s7+s2] =	stream.linear.scatter [tilespmem:s6], [sflag:$0x2], $0x1880, $0x38;
	[tilespmem:$0x1F080] =	vst v63  }
0x2a5: {  	_ =	swait.ge [sflag:s10], $0x1880  }
0x2a6: {  	s7 =	sld [smem:$0x7F8]  }
0x2a7: {  	[sflag:s10] =	ssyncset.done $0x0  }
0x2a8: {  	[sflag:s10] =	ssyncadd.s32 $0xFFFFE780  }
0x2a9: {  	[tilespmem:s6], [sflag:$0x2] =	stream.linear.gather [spmem:s7], $0x1880, $0x38;
	[tilespmem:$0x1F080] =	vst v63  }
0x2aa: {  	_ =	swait.ge [sflag:s10], $0x1880  }
0x2ab: {  	[sflag:s10] =	ssyncset.done $0x0  }
0x2ac: {  	s7 =	rddreg [dreg:$0x1d];
	[sflag:s10] =	ssyncadd.s32 $0xFFFFE780  }
0x2ad: {  	[hbm4b:s7+s2] =	stream.linear.scatter [tilespmem:s6], [sflag:$0x2], $0x1880, $0x38;
	[tilespmem:$0x1F080] =	vst v63  }
0x2ae: {  	_ =	swait.ge [sflag:s10], $0x1880  }
0x2af: {  	s7 =	sld [smem:$0x7F9]  }
0x2b0: {  	[sflag:s10] =	ssyncset.done $0x0  }
0x2b1: {  	[sflag:s10] =	ssyncadd.s32 $0xFFFFE780  }
0x2b2: {  	[tilespmem:s6], [sflag:$0x2] =	stream.linear.gather [spmem:s7], $0x1880, $0x38;
	[tilespmem:$0x1F080] =	vst v63  }
0x2b3: {  	_ =	swait.ge [sflag:s10], $0x1880  }
0x2b4: {  	[sflag:s10] =	ssyncset.done $0x0  }
0x2b5: {  	s7 =	rddreg [dreg:$0x1e];
	[sflag:s10] =	ssyncadd.s32 $0xFFFFE780  }
0x2b6: {  	[hbm4b:s7+s2] =	stream.linear.scatter [tilespmem:s6], [sflag:$0x2], $0x1880, $0x38;
	[tilespmem:$0x1F080] =	vst v63  }
0x2b7: {  	_ =	swait.ge [sflag:s10], $0x1880  }
0x2b8: {  	s7 =	sld [smem:$0x7FA]  }
0x2b9: {  	[sflag:s10] =	ssyncset.done $0x0  }
0x2ba: {  	[sflag:s10] =	ssyncadd.s32 $0xFFFFE780  }
0x2bb: {  	[tilespmem:s6], [sflag:$0x2] =	stream.linear.gather [spmem:s7], $0x1880, $0x38;
	[tilespmem:$0x1F080] =	vst v63  }
0x2bc: {  	_ =	swait.ge [sflag:s10], $0x1880  }
0x2bd: {  	[sflag:s10] =	ssyncset.done $0x0  }
0x2be: {  	s7 =	rddreg [dreg:$0x1f];
	[sflag:s10] =	ssyncadd.s32 $0xFFFFE780  }
0x2bf: {  	[hbm4b:s7+s2] =	stream.linear.scatter [tilespmem:s6], [sflag:$0x2], $0x1880, $0x38;
	[tilespmem:$0x1F080] =	vst v63  }
0x2c0: {  	_ =	swait.ge [sflag:s10], $0x1880  }
0x2c1: {  	s7 =	sld [smem:$0x7FB]  }
0x2c2: {  	[sflag:s10] =	ssyncset.done $0x0  }
0x2c3: {  	[sflag:s10] =	ssyncadd.s32 $0xFFFFE780  }
0x2c4: {  	[tilespmem:s6], [sflag:$0x2] =	stream.linear.gather [spmem:s7], $0x1880, $0x38;
	[tilespmem:$0x1F080] =	vst v63  }
0x2c5: {  	_ =	swait.ge [sflag:s10], $0x1880  }
0x2c6: {  	s7 =	sld [smem:$0x7EC]  }
0x2c7: {  	[sflag:s10] =	ssyncset.done $0x0  }
0x2c8: {  	[sflag:s10] =	ssyncadd.s32 $0xFFFFE780  }
0x2c9: {  	[hbm4b:s7+s2] =	stream.linear.scatter [tilespmem:s6], [sflag:$0x2], $0x1880, $0x38;
	[tilespmem:$0x1F080] =	vst v63  }
0x2ca: {  	_ =	swait.ge [sflag:s10], $0x1880  }
0x2cb: {  	s5 =	sld [smem:$0x7EB]  }
0x2cc: {  	s7 =	sld [smem:$0x7FC];
	_ =	sdelay $0x1  }
0x2cd: {  	s6 =	sadd.s32 $0x1, s5  }
0x2ce: {  	p0 =	sne.s32 s6, s7  }
.Ltmp2:
0x2cf: {  	_ = 	snop;
	(pc) =	sbr.rel @p0 .LBB2_1-.Ltmp2, $3  }
0x2d0: {  	_ =	sdelay $0x1  }
0x2d1: {  	[sflag:s10] =	ssyncset.done $0x0  }
0x2d2: {  	[sflag:s10] =	ssyncadd.s32 $0xFFFFE780  }
0x2d3: {  	_ =	sfence.sel $0x180000  }
0x2d4: {  	[bflag:$0x0] =	sbarrier.arrive $0xFFFF  }
0x2d5: {  	_ =	strace $0x9000004D  }
0x2d6: {  	s0 =	stileid.u32;
	[bflag:$0x2] =	sbarrier.arrive $0xFFFF  }
0x2d7: {  	p0 =	sne.s32 s0, $0x0;
	s0 =	rddreg [dreg:$0x2]  }
0x2d8: {  	s0 =	sadd.s32 @!p0 $0x100000, s0  }
0x2d9: {  	[sflag:s0] =	ssyncadd.tile.s32 @!p0 $0x1;
	_ =	shalt  }
.Lfunc_end2:
_tile_overlayer_lowered:
.L_overlay_start_2:
0x2da: {  	(tag) =	ssettag $0x2  }
0x2db: {  	s0 =	rddreg [dreg:$0x0];
	s2 =	stileid.u32  }
0x2dc: {  	s1 =	rddreg [dreg:$0x1];
	p0 =	sne.s32 s2, $0x0  }
0x2dd: {  	s3 =	rddreg [dreg:$0x2];
	[bflag:$0x3] =	sbarrier.arrive $0xFFFF;
	s2 =	simm.s32 @!p0 $0x1C02  }
0x2de: {  	[timem:s3], [sflag:s2] =	dma.local @!p0 [hbm:s0], s1  }
0x2df: {  	s0 =	simm.s32 @!p0 $0x2  }
0x2e0: {  	_ =	swait.ge @!p0 [sflag:s0], s1  }
0x2e1: {  	s1 =	ssub.s32 @!p0 $0x0, s1;
	[sflag:s0] =	ssyncset.done @!p0 $0x0  }
0x2e2: {  	[sflag:s0] =	ssyncadd.s32 @!p0 s1  }
0x2e3: {  	[bflag:$0x3] =	sbarrier.arrive $0xFFFF  }
0x2e4: {  	_ =	shalt  }

// kernel: kernel.8.cloned.1.call-start
scs
__scs_entry_jumppad:
0x0: {  	(pc) =	sbr.rel $0x88, $3  }
0x1: {  	(tag) =	ssettag $0x0;
	lr =	simm.s32 $0x1  }
0x2: {  	[smem:$0x3F8D] =	sst lr;
	_ =	strace $0xD0000000  }
0x3: {  	_ = 	snop  }
0x4: {  	_ = 	snop  }
0x5: {  	_ = 	snop  }
0x6: {  	_ = 	snop  }
0x7: {  	_ = 	snop  }
__scs_overlays_trampoline_lowered:
0x8: {  	[smem:$0x3F9C] =	sst s0  }
0x9: {  	[smem:$0x3F9D] =	sst s1  }
0xa: {  	[smem:$0x3F9E] =	sst s2  }
0xb: {  	[smem:$0x3F9F] =	sst s3  }
0xc: {  	[smem:$0x3FA0] =	sst s4  }
0xd: {  	[smem:$0x3FA1] =	sst s5  }
0xe: {  	[smem:$0x3FA2] =	sst s6  }
0xf: {  	[smem:$0x3FA3] =	sst s7  }
0x10: {  	[smem:$0x3FA4] =	sst s8  }
0x11: {  	[smem:$0x3FA5] =	sst s9;
	s0 =	simm.s32 @!p0 $0x0  }
0x12: {  	s1 =	sld [smem:$0x3F8B];
	s0 =	simm.s32 @p0 $0x1  }
0x13: {  	[smem:$0x3FA6] =	sst s0;
	s0 =	simm.s32 @!p1 $0x0  }
0x14: {  	s2 =	sld [smem:$0x3F8A];
	s0 =	simm.s32 @p1 $0x1  }
0x15: {  	[smem:$0x3FA7] =	sst s0;
	s0 =	simm.s32 @!p2 $0x0  }
0x16: {  	s3 =	sld [smem:$0x3FDB];
	s0 =	simm.s32 @p2 $0x1  }
0x17: {  	s4 =	simm.s32 $0x1BF5;
	[smem:$0x3FA9] =	sst s0  }
0x18: {  	s0 =	sld [smem:$0x3F8C];
	_ =	swait.ge [sflag:s4], $0x0  }
0x19: {  	s7 =	sld [smem:$0x3F8D]  }
0x1a: {  	s8 =	sadd.s32 $0xFFFFE003, lr  }
0x1b: {  	s9 =	sadd.s32 $0xFFFFFEF7, lr;
	s5 =	simm.s32 $0xFFFFFFFF;
	p2 =	slt.u32 s8, $0xFFFFF086  }
0x1c: {  	p1 =	slt.u32 s9, $0xF7A;
	s5 =	simm.s32 @!p2 $0x0  }
0x1d: {  	s5 =	simm.s32 @p1 $0x1;
	p0 =	seq.s32 s7, s2  }
0x1e: {  	s7 =	smul.u32 @!p0 $0xF7A, s2;
	p2 =	seq.s32 @!p0 s5, $0x0  }
0x1f: {  	s9 =	smul.u32 $0xF7A, s1;
	s8 =	simm.s32 @!p0 $0x1BF5;
	p2 =	por !p2, p0  }
0x20: {  	[sflag:s8] =	ssyncset.s32 @!p0 $0xFFFFF086;
	s6 =	sadd.s32 @!p0 s3, s7;
	s7 =	simm.s32 @!p0 $0x108  }
0x21: {  	s3 =	sadd.s32 s3, s9;
	s6 =	sadd.s32 @!p0 $0x88, s6;
	s7 =	simm.s32 @p2 $0x1082  }
0x22: {  	[simem:s7], [sflag:s8] =	dma.local @!p0 [hbm:s6], $0xF7A  }
0x23: {  	s9 =	sor.u32 $0xD0000000, s2;
	s6 =	simm.s32 $0x108;
	_ =	swait.ge @!p0 [sflag:s8], $0x0  }
0x24: {  	s3 =	sadd.s32 $0x88, s3;
	s6 =	simm.s32 @!p1 $0x1082;
	[sflag:s4] =	ssyncset.s32 $0xFFFFF086  }
0x25: {  	[simem:s6], [sflag:s4] =	dma.local [hbm:s3], $0xF7A  }
0x26: {  	[smem:$0x3F8D] =	sst s1;
	(tag) =	ssettag s2;
	_ =	strace s9  }
0x27: {  	s1 =	sld [smem:$0x3F9D]  }
0x28: {  	s2 =	sld [smem:$0x3F9E]  }
0x29: {  	s4 =	sld [smem:$0x3FA0]  }
0x2a: {  	p0 =	seq.s32 s5, $0x0;
	s5 =	sld [smem:$0x3FA1]  }
0x2b: {  	s6 =	sld [smem:$0x3FA2]  }
0x2c: {  	s7 =	sld [smem:$0x3FA3]  }
0x2d: {  	s3 =	simm.s32 $0x108;
	s8 =	sld [smem:$0x3FA4]  }
0x2e: {  	s3 =	simm.s32 @!p0 $0x1082;
	s9 =	sld [smem:$0x3FA5]  }
0x2f: {  	lr =	sadd.s32 s0, s3;
	s0 =	sld [smem:$0x3F9C]  }
0x30: {  	s3 =	sld [smem:$0x3F9F]  }
0x31: {  	[smem:$0x3FA8] =	sst s10  }
0x32: {  	s10 =	sld [smem:$0x3FA6];
	_ =	sdelay $0x3  }
0x33: {  	p0 =	seq.s32 s10, $0x1;
	s10 =	sld [smem:$0x3FA8];
	_ =	sdelay $0x3  }
0x34: {  	[smem:$0x3FA8] =	sst s10  }
0x35: {  	s10 =	sld [smem:$0x3FA7];
	_ =	sdelay $0x3  }
0x36: {  	p1 =	seq.s32 s10, $0x1;
	s10 =	sld [smem:$0x3FA8];
	_ =	sdelay $0x3  }
0x37: {  	[smem:$0x3FA8] =	sst s10  }
0x38: {  	s10 =	sld [smem:$0x3FA9]  }
0x39: {  	_ = 	snop;
	(pc) =	sbr.ind lr, $3  }
0x3a: {  	_ = 	snop  }
0x3b: {  	_ = 	snop  }
0x3c: {  	p2 =	seq.s32 s10, $0x1;
	s10 =	sld [smem:$0x3FA8]  }
0x3d: {  	_ =	shalt  }
0x3e: {  	_ =	shalt  }
0x3f: {  	_ =	shalt  }
0x40: {  	_ =	shalt  }
0x41: {  	_ =	shalt  }
0x42: {  	_ =	shalt  }
0x43: {  	_ =	shalt  }
0x44: {  	_ =	shalt  }
0x45: {  	_ =	shalt  }
0x46: {  	_ =	shalt  }
0x47: {  	_ =	shalt  }
0x48: {  	_ =	shalt  }
0x49: {  	_ =	shalt  }
0x4a: {  	_ =	shalt  }
0x4b: {  	_ =	shalt  }
0x4c: {  	_ =	shalt  }
0x4d: {  	_ =	shalt  }
0x4e: {  	_ =	shalt  }
0x4f: {  	_ =	shalt  }
0x50: {  	_ =	shalt  }
0x51: {  	_ =	shalt  }
0x52: {  	_ =	shalt  }
0x53: {  	_ =	shalt  }
0x54: {  	_ =	shalt  }
0x55: {  	_ =	shalt  }
0x56: {  	_ =	shalt  }
0x57: {  	_ =	shalt  }
0x58: {  	_ =	shalt  }
0x59: {  	_ =	shalt  }
0x5a: {  	_ =	shalt  }
0x5b: {  	_ =	shalt  }
0x5c: {  	_ =	shalt  }
0x5d: {  	_ =	shalt  }
0x5e: {  	_ =	shalt  }
0x5f: {  	_ =	shalt  }
0x60: {  	_ =	shalt  }
0x61: {  	_ =	shalt  }
0x62: {  	_ =	shalt  }
0x63: {  	_ =	shalt  }
0x64: {  	_ =	shalt  }
0x65: {  	_ =	shalt  }
0x66: {  	_ =	shalt  }
0x67: {  	_ =	shalt  }
0x68: {  	_ =	shalt  }
0x69: {  	_ =	shalt  }
0x6a: {  	_ =	shalt  }
0x6b: {  	_ =	shalt  }
0x6c: {  	_ =	shalt  }
0x6d: {  	_ =	shalt  }
0x6e: {  	_ =	shalt  }
0x6f: {  	_ =	shalt  }
0x70: {  	_ =	shalt  }
0x71: {  	_ =	shalt  }
0x72: {  	_ =	shalt  }
0x73: {  	_ =	shalt  }
0x74: {  	_ =	shalt  }
0x75: {  	_ =	shalt  }
0x76: {  	_ =	shalt  }
0x77: {  	_ =	shalt  }
0x78: {  	_ =	shalt  }
0x79: {  	_ =	shalt  }
0x7a: {  	_ =	shalt  }
0x7b: {  	_ =	shalt  }
0x7c: {  	_ =	shalt  }
0x7d: {  	_ =	shalt  }
0x7e: {  	_ =	shalt  }
0x7f: {  	_ =	shalt  }
0x80: {  	_ =	shalt  }
0x81: {  	_ =	shalt  }
0x82: {  	_ =	shalt  }
0x83: {  	_ =	shalt  }
0x84: {  	_ =	shalt  }
0x85: {  	_ =	shalt  }
0x86: {  	_ =	shalt  }
0x87: {  	_ =	shalt  }
.Lfunc_end0:
.L_simem_size_0:
called_computation_lowered:
.L_overlay_start_0:
0x88: {  	s2 =	sld [smem:$0x3FD9]  }
0x89: {  	s3 =	sld [smem:$0x3FFE];
	_ =	sdelay $0x1  }
0x8a: {  	s1 =	srdreg.scid  }
0x8b: {  	s0 =	sand.u32 $0x1, s1  }
0x8c: {  	s16 =	sshll.u32 s0, $0xA;
	s2 =	sadd.s32 s3, s2  }
0x8d: {  	s2 =	sadd.s32 s2, s16  }
0x8e: {  	[smem:$0x3FB4] =	sst s2  }
0x8f: {  	_ = 	snop  }
0x90: {  	(tm) =	ssettm $0x1  }
0x91: {  	s17 =	sld [smem:$0x3FFB];
	_ =	sdelay $0x3  }
0x92: {  	_ =	strace s17  }
0x93: {  	s2 =	sld [smem:$0x3FFC];
	_ =	sdelay $0x3  }
0x94: {  	_ =	strace s2  }
0x95: {  	s2 =	sld [smem:$0x3FFD];
	_ =	sdelay $0x3  }
0x96: {  	_ =	strace s2  }
0x97: {  	_ =	strace $0x8FFFFFFF  }
0x98: {  	s18 =	sld [smem:$0x3FDB];
	_ =	sdelay $0x1  }
0x99: {  	s19 =	simm.s32 $_scs_section_size  }
0x9a: {  	s4 =	simm.s32 $_size__tile_overlayer_lowered;
	s5 =	simm.s32 $_tile_overlayer_lowered  }
0x9b: {  	s22 =	simm.s32 $0x1BFF;
	s21 =	sshll.u32 s5, $0x1;
	s2 =	sadd.s32 s19, s18  }
0x9c: {  	s6 =	simm.s32 $0x0;
	s20 =	sshll.u32 s4, $0x1;
	s4 =	sadd.s32 s21, s2  }
0x9d: {  	[timem:s6], [sflag:s22] =	dma.local [hbm:s4], s20  }
0x9e: {  	_ =	swait.ge [sflag:s22], s20  }
0x9f: {  	s3 =	ssub.s32 $0x0, s20;
	[sflag:s22] =	ssyncset.done $0x0  }
0xa0: {  	[sflag:s22] =	ssyncadd.s32 s3;
	_ =	sdelay $0x1  }
0xa1: {  	s23 =	simm.s32 $0x1B8B  }
0xa2: {  	_ =	swait.ge [sflag:s23], $0x1  }
0xa3: {  	[sflag:s23] =	ssyncset.done $0x0  }
0xa4: {  	s25 =	simm.s32 $0x1B8E;
	s24 =	sld [smem:$0x3FFE];
	[sflag:s23] =	ssyncadd.s32 $0xFFFFFFFF  }
0xa5: {  	s26 =	simm.s32 $execute0_lowered;
	[smem:$0x3FD2] =	sst s25  }
0xa6: {  	s4 =	sshll.u32 s26, $0x1;
	_ =	strace $0x80000046;
	[dreg:$0x1] =	wrdreg $0xFFFFFFFF  }
0xa7: {  	s28 =	simm.s32 $_size_execute0_lowered;
	s2 =	sadd.s32 s2, s4;
	[dreg:$0x0] =	wrdreg $0x0  }
0xa8: {  	s4 =	sshll.u32 s28, $0x1;
	[dreg:$0x2] =	wrdreg s2  }
0xa9: {  	[dreg:$0x3] =	wrdreg s4  }
0xaa: {  	[dreg:$0x4] =	wrdreg $0xC0  }
0xab: {  	_ =	task [dreg:s6], $0x5FFFF  }
0xac: {  	[dreg:$0x1] =	wrdreg $0xFFFFFFFF  }
0xad: {  	[dreg:$0x0] =	wrdreg $0x60  }
0xae: {  	[dreg:$0x2] =	wrdreg s24  }
0xaf: {  	[dreg:$0x3] =	wrdreg $0x9  }
0xb0: {  	_ =	task.clear_ibuf [dreg:s6], $0x4FFFF;
	_ =	strace $0x90000046  }
0xb1: {  	s29 =	simm.s32 $0x9;
	_ =	strace $0x80000048  }
0xb2: {  	_ =	swait.ge [sflag:s29], $0x1  }
0xb3: {  	[sflag:s29] =	ssyncadd.s32 $0xFFFFFFFF  }
0xb4: {  	_ =	strace $0x90000048  }
0xb5: {  	_ =	sfence  }
0xb6: {  	s30 =	sld [smem:$0x0];
	_ =	sdelay $0x2  }
0xb7: {  	s31 =	sshll.u32 s1, $0xD;
	s1 =	sshrl.u32 s1, $0x2  }
0xb8: {  	s3 =	sand.u32 $0x4000, s31;
	s1 =	sadd.s32 s1, s30  }
0xb9: {  	s0 =	sor.u32 s3, s0;
	s1 =	sshll.u32 s1, $0x11  }
0xba: {  	s0 =	sor.u32 s1, s0  }
0xbb: {  	s0 =	sadd.s32 $0x8F2B, s0  }
0xbc: {  	[sflag:s0] =	ssyncadd.remote.s32 $0x1  }
0xbd: {  	_ =	sfence.sel $0xFFFF  }
0xbe: {  	[dreg:$0x0] =	wrdreg $0xFFFFFFFF;
	(pc) =	sbr.abs _section_cstart, $3  }
0xbf: {  	[dreg:$0x1] =	wrdreg $0xFFFFFFFF  }
0xc0: {  	_ =	task.clear_ibuf [dreg:s6], $0x2FFFF;
	_ =	strace $0x9FFFFFFF  }
0xc1: {  	(tm) =	ssettm $0x7FFFFFFF  }
tec
execute0_lowered:
.L_overlay_start_1:
0x0: {  	(tag) =	ssettag $0x1  }
0x1: {  	s5 =	rddreg [dreg:$0x0];
	s1 =	srdreg.scid  }
0x2: {  	s0 =	rddreg [dreg:$0x1];
	s2 =	simm.s32 $0x0;
	s10 =	simm.s32 $0x800  }
0x3: {  	s11 =	simm.s32 $0x1000;
	s12 =	simm.s32 $0xD400;
	s4 =	sand.u32 $0x1, s1  }
0x4: {  	s13 =	simm.s32 $0x0;
	s1 =	stileid.u32;
	s6 =	smul.u32 $0x188000, s4  }
0x5: {  	[smem:$0x7FF] =	sst s2;
	s3 =	sadd.s32 $0x4E00, s5;
	s7 =	smul.u32 $0x18800, s1  }
0x6: {  	_ =	strace $0x80000047;
	s31 =	ssub.s32 $0x2, s4;
	s4 =	sshll.u32 s4, $0x4  }
0x7: {  	s8 =	sshrl.u32 s31, $0x1;
	s4 =	sor.u32 s1, s4;
	s6 =	sadd.s32 s7, s6  }
0x8: {  	s8 =	ssub.s32 s31, s8;
	s4 =	smul.u32 $0x19, s4;
	s6 =	sshrl.u32 s6, $0x3  }
0x9: {  	s8 =	smax.u32 s8, $0x1;
	s9 =	sadd.s32 s6, s5;
	s5 =	sadd.s32 $0x36E00, s5  }
0xa: {  	v0 =	vimm.f32 $0.0e+00;
	v1 =	vimm.f32 $1.000000000e+00;
	s6 =	sadd.s32 $0x68E00, s9;
	s7 =	sadd.s32 $0x6A680, s9;
	s9 =	simm.s32 $0x1  }
.LBB2_1:
0xb: {  	s14 =	simm.s32 $0x40;
	s15 =	simm.s32 $0x0  }
.LBB2_2:
0xc: {  	p0 =	sne.s32 s14, $0x30FC0;
	[tilespmem:s15+$0x1000] =	vst v0;
	s16 =	smov.u32 s14;
	s14 =	sadd.s32 $0x40, s14  }
.Ltmp0:
0xd: {  	[tilespmem:s15+$0xD400] =	vst v0;
	(pc) =	sbr.rel @p0 .LBB2_2-.Ltmp0, $2  }
0xe: {  	_ =	sdelay $0x2  }
0xf: {  	s15 =	sshra.s32 s16, $0x2  }
0x10: {  	[tilespmem:s15+$0x1000] =	vst v0  }
0x11: {  	s14 =	simm.s32 $0x0;
	[tilespmem:s15+$0xD400] =	vst v0;
	s15 =	simm.s32 $0x0  }
.LBB2_4:
0x12: {  	s16 =	sadd.s32 s4, s15  }
0x13: {  	s16 =	sshll.u32 s16, $0x8  }
0x14: {  	s17 =	sadd.s32 s3, s16  }
0x15: {  	[tilespmem:s14], [sflag:$0x1] =	stream.linear.gather [hbm4b:s17+s14], $0x800, $0x38;
	[tilespmem:$0x19800] =	vst v63  }
0x16: {  	_ =	swait.ge [sflag:s9], $0x800  }
0x17: {  	[sflag:s9] =	ssyncset.done $0x0  }
0x18: {  	s16 =	sadd.s32 s16, s5;
	[sflag:s9] =	ssyncadd.s32 $0xFFFFF800  }
0x19: {  	[tilespmem:s10], [sflag:$0x1] =	stream.linear.gather [hbm4b:s16+s14], $0x800, $0x38;
	[tilespmem:$0x19800] =	vst v63  }
0x1a: {  	_ =	swait.ge [sflag:s9], $0x800  }
0x1b: {  	[sflag:s9] =	ssyncset.done $0x0  }
0x1c: {  	s17 =	simm.s32 $0x0;
	[sflag:s9] =	ssyncadd.s32 $0xFFFFF800  }
0x1d: {  	s16 =	simm.s32 $0x40;
	v2 =	vld [tilespmem:s17+$0x0]  }
.LBB2_5:
0x1e: {  	p0 =	sne.s32 s16, $0x1FC0;
	v3 =	vld [tilespmem:s17+$0x800];
	_ =	sdelay $0x4  }
.Ltmp1:
0x1f: {  	(pc) =	sbr.rel @p0 .LBB2_5-.Ltmp1, $4  }
0x20: {  	_ = 	snop  }
0x21: {  	[tilespmem:v2+s11+$0x0] =	vst.idx.add.f32.msk $0xffff, v1  }
0x22: {  	s17 =	sshra.s32 s16, $0x2;
	[tilespmem:v3+s12+$0x0] =	vst.idx.add.f32.msk $0xffff, v1  }
0x23: {  	s16 =	sadd.s32 $0x40, s16;
	v2 =	vld [tilespmem:s17+$0x0]  }
0x24: {  	_ = 	snop  }
0x25: {  	v3 =	vld [tilespmem:s17+$0x800];
	_ =	sdelay $0x1  }
0x26: {  	s15 =	sadd.s32 $0x1, s15  }
0x27: {  	p0 =	sne.s32 s15, $0x19  }
.Ltmp2:
0x28: {  	_ = 	snop;
	(pc) =	sbr.rel @p0 .LBB2_4-.Ltmp2, $3  }
0x29: {  	_ =	sdelay $0x1  }
0x2a: {  	[tilespmem:v2+s11+$0x0] =	vst.idx.add.f32.msk $0xffff, v1  }
0x2b: {  	[tilespmem:v3+s12+$0x0] =	vst.idx.add.f32.msk $0xffff, v1  }
0x2c: {  	[hbm4b:s6+s2] =	stream.linear.scatter [tilespmem:s11], [sflag:$0x1], $0xC400, $0x38;
	[tilespmem:$0x19800] =	vst v63  }
0x2d: {  	s13 =	sadd.s32 $0x1, s13;
	_ =	swait.ge [sflag:s9], $0xC400  }
0x2e: {  	p0 =	sne.s32 s13, s8;
	[sflag:s9] =	ssyncset.done $0x0  }
.Ltmp3:
0x2f: {  	[sflag:s9] =	ssyncadd.s32 $0xFFFF3C00;
	(pc) =	sbr.rel @p0 .LBB2_1-.Ltmp3, $4  }
0x30: {  	[hbm4b:s7+s2] =	stream.linear.scatter [tilespmem:s12], [sflag:$0x1], $0xC400, $0x38;
	[tilespmem:$0x19800] =	vst v63  }
0x31: {  	_ =	swait.ge [sflag:s9], $0xC400  }
0x32: {  	[sflag:s9] =	ssyncset.done $0x0  }
0x33: {  	[sflag:s9] =	ssyncadd.s32 $0xFFFF3C00  }
0x34: {  	_ =	sfence.sel $0x180000  }
0x35: {  	[bflag:$0x0] =	sbarrier.arrive $0xFFFF  }
0x36: {  	p0 =	sne.s32 s1, $0x0;
	_ =	strace $0x90000047  }
0x37: {  	s0 =	sadd.s32 @!p0 $0x100000, s0;
	[bflag:$0x2] =	sbarrier.arrive $0xFFFF  }
0x38: {  	[sflag:s0] =	ssyncadd.tile.s32 @!p0 $0x1;
	_ =	shalt  }
.Lfunc_end2:
_tile_overlayer_lowered:
.L_overlay_start_2:
0x39: {  	(tag) =	ssettag $0x2  }
0x3a: {  	s0 =	rddreg [dreg:$0x0];
	s2 =	stileid.u32  }
0x3b: {  	s1 =	rddreg [dreg:$0x1];
	p0 =	sne.s32 s2, $0x0  }
0x3c: {  	s3 =	rddreg [dreg:$0x2];
	[bflag:$0x3] =	sbarrier.arrive $0xFFFF;
	s2 =	simm.s32 @!p0 $0x1C01  }
0x3d: {  	[timem:s3], [sflag:s2] =	dma.local @!p0 [hbm:s0], s1  }
0x3e: {  	s0 =	simm.s32 @!p0 $0x1  }
0x3f: {  	_ =	swait.ge @!p0 [sflag:s0], s1  }
0x40: {  	s1 =	ssub.s32 @!p0 $0x0, s1;
	[sflag:s0] =	ssyncset.done @!p0 $0x0  }
0x41: {  	[sflag:s0] =	ssyncadd.s32 @!p0 s1  }
0x42: {  	[bflag:$0x3] =	sbarrier.arrive $0xFFFF  }
0x43: {  	_ =	shalt  }

</sc_bundles>
